<compile_context>
chip_gen: v7x
topology: tpu7x:2x2x1
jax: 0.10.2.dev20260603
libtpu: 0.0.44.dev20260713+nightly
codegen_flags: <defaults>
</compile_context>

<pallas_src>
import functools

import jax
import jax.numpy as jnp
from jax import lax
from jax.experimental import pallas as pl
from jax.experimental.pallas import tpu as pltpu
from jax.experimental.pallas import tpu_sc as plsc

N = 16384
E = 32768
B = 256

NUM_TILES = 16
ATOMS_PER_TILE = N // NUM_TILES
BONDS_PER_TILE = E // NUM_TILES
SUB = 128
AROWS = ATOMS_PER_TILE // SUB
BROWS = BONDS_PER_TILE // SUB


def _ce_rows(logits, labels):
    m = jnp.max(logits, axis=0, keepdims=True)
    lse = jnp.log(jnp.sum(jnp.exp(logits - m), axis=0, keepdims=True)) + m
    rows = lax.broadcasted_iota(jnp.int32, logits.shape, 0)
    picked = jnp.sum(jnp.where(rows == labels, logits, 0.0), axis=0, keepdims=True)
    return lse - picked


def _tc_body(ct, cp, ap, al, gp, gl, bp, bl, regr_o, ace_o, cce_o, bce_o):
    d = cp[...] - ct[...]
    regr_o[...] = jnp.sum(d * d, axis=0, keepdims=True) * (1.0 / 3.0)
    ace_o[...] = _ce_rows(ap[...], al[...])
    cce_o[...] = _ce_rows(gp[...], gl[...])
    bce_o[...] = _ce_rows(bp[...], bl[...])


def _tc_dense(ct, cp, ap, al, gp, gl, bp, bl):
    f = jnp.float32
    return pl.pallas_call(
        _tc_body,
        out_shape=(
            jax.ShapeDtypeStruct((1, N), f),
            jax.ShapeDtypeStruct((1, N), f),
            jax.ShapeDtypeStruct((1, N), f),
            jax.ShapeDtypeStruct((1, E), f),
        ),
    )(ct, cp, ap, al, gp, gl, bp, bl)


def _fill_1d(ref, n, value):
    v = jnp.full((16,), value, jnp.float32)

    def body(i, _):
        ref[pl.ds(i * 16, 16)] = v
        return 0

    lax.fori_loop(0, n // 16, body, 0)


def _fill_2d(ref, rows, value):
    v = jnp.full((16,), value, jnp.float32)

    def body(i, _):
        ref[i // 8, pl.ds((i % 8) * 16, 16)] = v
        return 0

    lax.fori_loop(0, rows * 8, body, 0)


def _sc_body(regr_h, ace_h, cce_h, bce_h, bidx_h, batch_h, w_h, out_h,
             bsum_s, bcnt_s, msum0_s, msum1_s, msum2_s, msum3_s, mcnt_s,
             outred_s,
             zeros_v, ones_v, ce_v, bidx_v, batch_v,
             regr_v, ace_v, cce_v, bav_v, bsum_v, bcnt_v,
             mred_v, w_v, acc64_v, qidx_v,
             sem_p1, sem_p2, sem_sc):
    wid = lax.axis_index("s")
    a0 = wid * ATOMS_PER_TILE

    _fill_1d(zeros_v, ATOMS_PER_TILE, 0.0)
    _fill_2d(ones_v, BROWS, 1.0)
    pltpu.sync_copy(zeros_v, bsum_s.at[pl.ds(a0, ATOMS_PER_TILE)])
    pltpu.sync_copy(zeros_v, bcnt_s.at[pl.ds(a0, ATOMS_PER_TILE)])

    @pl.when(wid == 0)
    def _():
        for ms in (msum0_s, msum1_s, msum2_s, msum3_s, mcnt_s):
            pltpu.sync_copy(zeros_v.at[pl.ds(0, B)], ms)
        pltpu.sync_copy(zeros_v.at[pl.ds(0, 16)], outred_s)

    plsc.subcore_barrier()

    h_ce = pltpu.async_copy(bce_h.at[pl.ds(wid * BROWS, BROWS)], ce_v, sem_p1)
    h_bi = pltpu.async_copy(bidx_h.at[pl.ds(wid * BROWS, BROWS)], bidx_v, sem_p1)
    h_r = pltpu.async_copy(regr_h.at[pl.ds(wid * AROWS, AROWS)], regr_v, sem_p2)
    h_a = pltpu.async_copy(ace_h.at[pl.ds(wid * AROWS, AROWS)], ace_v, sem_p2)
    h_c = pltpu.async_copy(cce_h.at[pl.ds(wid * AROWS, AROWS)], cce_v, sem_p2)
    h_b = pltpu.async_copy(batch_h.at[pl.ds(wid * AROWS, AROWS)], batch_v, sem_p2)

    h_ce.wait()
    h_bi.wait()
    hs = []
    for j in range(BROWS):
        idx = bidx_v.at[j]
        hs.append(pltpu.async_copy(ce_v.at[j], bsum_s.at[idx], sem_sc, add=True))
        hs.append(pltpu.async_copy(ones_v.at[j], bcnt_s.at[idx], sem_sc, add=True))
    for h in hs:
        h.wait()
    plsc.subcore_barrier()

    pltpu.sync_copy(bsum_s.at[pl.ds(a0, ATOMS_PER_TILE)], bsum_v)
    pltpu.sync_copy(bcnt_s.at[pl.ds(a0, ATOMS_PER_TILE)], bcnt_v)

    def bond_mean(i, _):
        s = bsum_v[pl.ds(i * 16, 16)]
        c = bcnt_v[pl.ds(i * 16, 16)]
        bav_v[i // 8, pl.ds((i % 8) * 16, 16)] = jnp.where(
            c > 0.0, (0.5 * s) / jnp.maximum(c, 1.0), 0.0)
        return 0

    lax.fori_loop(0, ATOMS_PER_TILE // 16, bond_mean, 0)

    h_r.wait()
    h_a.wait()
    h_c.wait()
    h_b.wait()
    hs = []
    for j in range(AROWS):
        idx = batch_v.at[j]
        hs.append(pltpu.async_copy(regr_v.at[j], msum0_s.at[idx], sem_sc, add=True))
        hs.append(pltpu.async_copy(ace_v.at[j], msum1_s.at[idx], sem_sc, add=True))
        hs.append(pltpu.async_copy(cce_v.at[j], msum2_s.at[idx], sem_sc, add=True))
        hs.append(pltpu.async_copy(bav_v.at[j], msum3_s.at[idx], sem_sc, add=True))
        hs.append(pltpu.async_copy(ones_v.at[j], mcnt_s.at[idx], sem_sc, add=True))
    for h in hs:
        h.wait()
    plsc.subcore_barrier()

    @pl.when(wid == 0)
    def _():
        pltpu.sync_copy(w_h, w_v)
        for q, ms in enumerate((msum0_s, msum1_s, msum2_s, msum3_s, mcnt_s)):
            pltpu.sync_copy(ms, mred_v.at[pl.ds(q * B, B)])

        for q in range(4):
            def body(i, acc):
                s = mred_v[pl.ds(q * B + i * 16, 16)]
                c = mred_v[pl.ds(4 * B + i * 16, 16)]
                w = w_v[pl.ds(i * 16, 16)]
                return acc + jnp.where(c > 0.0, s / jnp.maximum(c, 1.0), 0.0) * w

            acc64_v[pl.ds(q * 16, 16)] = lax.fori_loop(
                0, B // 16, body, jnp.zeros((16,), jnp.float32))
            qidx_v[pl.ds(q * 16, 16)] = jnp.full((16,), q, jnp.int32)

        pltpu.sync_copy(acc64_v, outred_s.at[qidx_v], add=True)
        pltpu.sync_copy(outred_s, out_h)


@functools.partial(jax.jit, static_argnums=())
def _sc_scatter(regr, ace, cce, bce, bidx2d, batch2d, weights):
    f = jnp.float32
    kern = pl.kernel(
        _sc_body,
        out_type=jax.ShapeDtypeStruct((16,), f),
        mesh=plsc.VectorSubcoreMesh(core_axis_name="c", subcore_axis_name="s",
                                    num_cores=1),
        scratch_types=[
            pltpu.VMEM_SHARED((N,), f),
            pltpu.VMEM_SHARED((N,), f),
            pltpu.VMEM_SHARED((B,), f),
            pltpu.VMEM_SHARED((B,), f),
            pltpu.VMEM_SHARED((B,), f),
            pltpu.VMEM_SHARED((B,), f),
            pltpu.VMEM_SHARED((B,), f),
            pltpu.VMEM_SHARED((16,), f),
            pltpu.VMEM((ATOMS_PER_TILE,), f),
            pltpu.VMEM((BROWS, SUB), f),
            pltpu.VMEM((BROWS, SUB), f),
            pltpu.VMEM((BROWS, SUB), jnp.int32),
            pltpu.VMEM((AROWS, SUB), jnp.int32),
            pltpu.VMEM((AROWS, SUB), f),
            pltpu.VMEM((AROWS, SUB), f),
            pltpu.VMEM((AROWS, SUB), f),
            pltpu.VMEM((AROWS, SUB), f),
            pltpu.VMEM((ATOMS_PER_TILE,), f),
            pltpu.VMEM((ATOMS_PER_TILE,), f),
            pltpu.VMEM((5 * B,), f),
            pltpu.VMEM((B,), f),
            pltpu.VMEM((64,), f),
            pltpu.VMEM((64,), jnp.int32),
            pltpu.SemaphoreType.DMA,
            pltpu.SemaphoreType.DMA,
            pltpu.SemaphoreType.DMA,
        ],
    )
    return kern(regr, ace, cce, bce, bidx2d, batch2d, weights)


def kernel(coords_true, coords_pred, atoms_pred, atoms_true, charges_pred,
           charges_true, bonds_pred, bonds_true, batch,
           bond_aggregation_index, weights):
    i32 = jnp.int32
    regr, ace, cce, bce = _tc_dense(
        coords_true.T, coords_pred.T,
        atoms_pred.T, atoms_true.astype(i32).reshape(1, N),
        charges_pred.T, charges_true.astype(i32).reshape(1, N),
        bonds_pred.T, bonds_true.astype(i32).reshape(1, E),
    )
    out = _sc_scatter(
        regr.reshape(N // SUB, SUB), ace.reshape(N // SUB, SUB),
        cce.reshape(N // SUB, SUB), bce.reshape(E // SUB, SUB),
        bond_aggregation_index.astype(i32).reshape(E // SUB, SUB),
        batch.astype(i32).reshape(N // SUB, SUB),
        weights,
    )
    return (out[0], out[1], out[2], out[3])

# --- scband reference (transcript-rebuilt; emitter-appended) ---
"""Pipeline reference for scband-diffusion-loss-13142599925888 (READ-ONLY COPY).

The authoritative reference and input builder live on the scoring server;
editing this copy changes nothing except your own understanding.
"""

import jax, jax.numpy as jnp
import numpy as np

N = 16384
E = 32768
B = 256

def scatter_mean(x, idx, num_segments):
    s = jax.ops.segment_sum(x, idx, num_segments=num_segments)
    c = jax.ops.segment_sum(jnp.ones(idx.shape, x.dtype), idx, num_segments=num_segments)
    return jnp.where(c > 0, s / jnp.maximum(c, 1.0), 0.0)

def cross_entropy(logits, labels):
    lse = jax.nn.logsumexp(logits, axis=-1)
    picked = jnp.take_along_axis(logits, labels[:, None], axis=-1)[:, 0]
    return lse - picked

def setup_inputs(seed: int = 0):
    key = jax.random.key(seed)
    ks = jax.random.split(key, 12)
    return {
        "coords_true": jax.random.normal(ks[0], (N, 3), jnp.float32),
        "coords_pred": jax.random.normal(ks[1], (N, 3), jnp.float32),
        "atoms_pred": jax.random.normal(ks[2], (N, 16), jnp.float32),
        "atoms_true": jax.random.randint(ks[3], (N,), 0, 16),
        "charges_pred": jax.random.normal(ks[4], (N, 6), jnp.float32),
        "charges_true": jax.random.randint(ks[5], (N,), 0, 6),
        "bonds_pred": jax.random.normal(ks[6], (E, 5), jnp.float32),
        "bonds_true": jax.random.randint(ks[7], (E,), 0, 5),
        "batch": jnp.sort(jax.random.randint(ks[8], (N,), 0, B)),
        "bond_aggregation_index": jax.random.randint(ks[9], (E,), 0, N),
        "weights": jax.random.uniform(ks[10], (B,), jnp.float32),
    }

def reference(coords_true, coords_pred, atoms_pred, atoms_true, charges_pred, charges_true, bonds_pred, bonds_true, batch, bond_aggregation_index, weights):
    # coords regression loss (MSE per atom -> per-molecule mean -> weighted sum)
    regr = jnp.mean((coords_pred - coords_true) ** 2, axis=-1)
    regr = scatter_mean(regr, batch, B)
    regr_loss = jnp.sum(regr * weights)
    # atoms cross-entropy
    atoms = cross_entropy(atoms_pred, atoms_true)
    atoms = scatter_mean(atoms, batch, B)
    atoms_loss = jnp.sum(atoms * weights)
    # charges cross-entropy
    charges = cross_entropy(charges_pred, charges_true)
    charges = scatter_mean(charges, batch, B)
    charges_loss = jnp.sum(charges * weights)
    # bonds cross-entropy: aggregate bonds -> atoms (0.5x), then atoms -> molecules
    bonds = cross_entropy(bonds_pred, bonds_true)
    bonds = 0.5 * scatter_mean(bonds, bond_aggregation_index, N)
    bonds = scatter_mean(bonds, batch, B)
    bonds_loss = jnp.sum(bonds * weights)
    return (regr_loss, atoms_loss, charges_loss, bonds_loss)

if __name__ == "__main__":
    import jax
    _d = setup_inputs()
    print(jax.jit(kernel)(*tuple(_d.values())))

</pallas_src>

<mosaic_0001>
#map = affine_map<(d0, d1) -> (0, 0)>
#map1 = affine_map<(d0, d1) -> (0)>
module attributes {stable_mosaic.version = 14 : i64} {
  func.func @_sc_body(%arg0: i32, %arg1: i32, %arg2: memref<128x128xf32, #tpu.memory_space<hbm>>, %arg3: memref<128x128xf32, #tpu.memory_space<hbm>>, %arg4: memref<128x128xf32, #tpu.memory_space<hbm>>, %arg5: memref<256x128xf32, #tpu.memory_space<hbm>>, %arg6: memref<256x128xi32, #tpu.memory_space<hbm>>, %arg7: memref<128x128xi32, #tpu.memory_space<hbm>>, %arg8: memref<256xf32, #tpu.memory_space<hbm>>, %arg9: memref<16xf32, #tpu.memory_space<hbm>>, %arg10: memref<16384xf32, #tpu.memory_space<vmem_shared>>, %arg11: memref<16384xf32, #tpu.memory_space<vmem_shared>>, %arg12: memref<256xf32, #tpu.memory_space<vmem_shared>>, %arg13: memref<256xf32, #tpu.memory_space<vmem_shared>>, %arg14: memref<256xf32, #tpu.memory_space<vmem_shared>>, %arg15: memref<256xf32, #tpu.memory_space<vmem_shared>>, %arg16: memref<256xf32, #tpu.memory_space<vmem_shared>>, %arg17: memref<16xf32, #tpu.memory_space<vmem_shared>>, %arg18: memref<1024xf32, #tpu.memory_space<vmem>>, %arg19: memref<16x128xf32, #tpu.memory_space<vmem>>, %arg20: memref<16x128xf32, #tpu.memory_space<vmem>>, %arg21: memref<16x128xi32, #tpu.memory_space<vmem>>, %arg22: memref<8x128xi32, #tpu.memory_space<vmem>>, %arg23: memref<8x128xf32, #tpu.memory_space<vmem>>, %arg24: memref<8x128xf32, #tpu.memory_space<vmem>>, %arg25: memref<8x128xf32, #tpu.memory_space<vmem>>, %arg26: memref<8x128xf32, #tpu.memory_space<vmem>>, %arg27: memref<1024xf32, #tpu.memory_space<vmem>>, %arg28: memref<1024xf32, #tpu.memory_space<vmem>>, %arg29: memref<1280xf32, #tpu.memory_space<vmem>>, %arg30: memref<256xf32, #tpu.memory_space<vmem>>, %arg31: memref<64xf32, #tpu.memory_space<vmem>>, %arg32: memref<64xi32, #tpu.memory_space<vmem>>, %arg33: memref<!tpu.dma_semaphore, #tpu.memory_space<semaphore_mem>>, %arg34: memref<!tpu.dma_semaphore, #tpu.memory_space<semaphore_mem>>, %arg35: memref<!tpu.dma_semaphore, #tpu.memory_space<semaphore_mem>>) attributes {dimension_semantics = [#tpu.dimension_semantics<core_parallel>, #tpu.dimension_semantics<subcore_parallel>], iteration_bounds = array<i64: 1, 16>, scalar_prefetch = 0 : i64, scratch_operands = 26 : i64, tpu.core_type = #tpu.core_type<sc_vector_subcore>, window_params = [{transform_indices = #map}, {transform_indices = #map}, {transform_indices = #map}, {transform_indices = #map}, {transform_indices = #map}, {transform_indices = #map}, {transform_indices = #map1}, {transform_indices = #map1}]} {
    %mul3A = arith.constant 1024 : i32
    %mul3A_0 = arith.muli %arg1, %mul3A : i32
    %broadcast_in_dim3A = arith.constant 0.000000e+00 : f32
    %broadcast_in_dim3A_1 = vector.broadcast %broadcast_in_dim3A : f32 to vector<16xf32>
    %scan3A = arith.constant 0 : i32
    %scan3A_2 = arith.constant 0 : i32
    %scan3A_3 = arith.constant 64 : i32
    %scan3A_4 = arith.addi %scan3A_2, %scan3A_3 : i32
    %scan3A_5 = arith.constant 1 : i32
    %scan3A_6 = scf.for %scan3A_1531 = %scan3A_2 to %scan3A_4 step %scan3A_5 iter_args(%scan3A_1532 = %scan3A) -> (i32)  : i32 {
      %mul3A_1533 = arith.constant 16 : i32
      %mul3A_1534 = arith.muli %scan3A_1531, %mul3A_1533 : i32
      %swap3A = arith.index_cast %mul3A_1534 : i32 to index
      %swap3A_1535 = tpu.vector_load %arg18[%swap3A] {strides = array<i32>} : memref<1024xf32, #tpu.memory_space<vmem>>, vector<16xf32>,
      %swap3A_1536 = vector.shape_cast %swap3A_1535 : vector<16xf32> to vector<16xf32>
      %swap3A_1537 = vector.shape_cast %broadcast_in_dim3A_1 : vector<16xf32> to vector<16xf32>
      tpu.vector_store %arg18[%swap3A], %swap3A_1537 {strides = array<i32>} : memref<1024xf32, #tpu.memory_space<vmem>>, vector<16xf32>,
      %scan3A_1538 = arith.constant 0 : i32
      scf.yield %scan3A_1538 : i32
    }
    %scan3A_7 = arith.constant 64 : i32
    %broadcast_in_dim3A_8 = arith.constant 1.000000e+00 : f32
    %broadcast_in_dim3A_9 = vector.broadcast %broadcast_in_dim3A_8 : f32 to vector<16xf32>
    %scan3A_10 = arith.constant 0 : i32
    %scan3A_11 = arith.constant 0 : i32
    %scan3A_12 = arith.constant 128 : i32
    %scan3A_13 = arith.addi %scan3A_11, %scan3A_12 : i32
    %scan3A_14 = arith.constant 1 : i32
    %scan3A_15 = scf.for %scan3A_1531 = %scan3A_11 to %scan3A_13 step %scan3A_14 iter_args(%scan3A_1532 = %scan3A_10) -> (i32)  : i32 {
      %jit3A = arith.constant 8 : i32
      %div3A = arith.divsi %scan3A_1531, %jit3A : i32
      %sign3A = arith.constant 0 : i32
      %sign3A_1533 = arith.cmpi sgt, %scan3A_1531, %sign3A : i32
      %sign3A_1534 = arith.extui %sign3A_1533 : i1 to i32
      %sign3A_1535 = arith.constant 0 : i32
      %sign3A_1536 = arith.cmpi slt, %scan3A_1531, %sign3A_1535 : i32
      %sign3A_1537 = arith.extui %sign3A_1536 : i1 to i32
      %sign3A_1538 = arith.subi %sign3A_1534, %sign3A_1537 : i32
      %sign3A_1539 = arith.constant 0 : i32
      %sign3A_1540 = arith.cmpi sgt, %jit3A, %sign3A_1539 : i32
      %sign3A_1541 = arith.extui %sign3A_1540 : i1 to i32
      %sign3A_1542 = arith.constant 0 : i32
      %sign3A_1543 = arith.cmpi slt, %jit3A, %sign3A_1542 : i32
      %sign3A_1544 = arith.extui %sign3A_1543 : i1 to i32
      %sign3A_1545 = arith.subi %sign3A_1541, %sign3A_1544 : i32
      %ne3A = arith.cmpi ne, %sign3A_1538, %sign3A_1545 : i32
      %rem3A = arith.remsi %scan3A_1531, %jit3A : i32
      %ne3A_1546 = arith.constant 0 : i32
      %ne3A_1547 = arith.cmpi ne, %rem3A, %ne3A_1546 : i32
      %and3A = arith.andi %ne3A, %ne3A_1547 : i1
      %sub3A = arith.constant 1 : i32
      %sub3A_1548 = arith.subi %div3A, %sub3A : i32
      %select_n3A = arith.select %and3A, %sub3A_1548, %div3A : i32
      %jit3A_1549 = arith.constant 8 : i32
      %eq3A_1550 = arith.constant 0 : i32
      %eq3A_1551 = arith.cmpi eq, %jit3A_1549, %eq3A_1550 : i32
      %jit3A_1552 = arith.constant 1 : i32
      %select_n3A_1553 = arith.select %eq3A_1551, %jit3A_1552, %jit3A_1549 : i32
      %rem3A_1554 = arith.remsi %scan3A_1531, %select_n3A_1553 : i32
      %ne3A_1555 = arith.constant 0 : i32
      %ne3A_1556 = arith.cmpi ne, %rem3A_1554, %ne3A_1555 : i32
      %lt3A = arith.constant 0 : i32
      %lt3A_1557 = arith.cmpi slt, %rem3A_1554, %lt3A : i32
      %lt3A_1558 = arith.constant 0 : i32
      %lt3A_1559 = arith.cmpi slt, %select_n3A_1553, %lt3A_1558 : i32
      %ne3A_1560 = arith.xori %lt3A_1557, %lt3A_1559 : i1
      %and3A_1561 = arith.andi %ne3A_1560, %ne3A_1556 : i1
      %add3A = arith.addi %rem3A_1554, %select_n3A_1553 : i32
      %select_n3A_1562 = arith.select %and3A_1561, %add3A, %rem3A_1554 : i32
      %mul3A_1563 = arith.constant 16 : i32
      %mul3A_1564 = arith.muli %select_n3A_1562, %mul3A_1563 : i32
      %swap3A = arith.index_cast %select_n3A : i32 to index
      %swap3A_1565 = arith.index_cast %mul3A_1564 : i32 to index
      %swap3A_1566 = tpu.vector_load %arg19[%swap3A, %swap3A_1565] {strides = array<i32>} : memref<16x128xf32, #tpu.memory_space<vmem>>, vector<1x16xf32>,
      %swap3A_1567 = vector.shape_cast %swap3A_1566 : vector<1x16xf32> to vector<16xf32>
      %swap3A_1568 = vector.shape_cast %broadcast_in_dim3A_9 : vector<16xf32> to vector<1x16xf32>
      tpu.vector_store %arg19[%swap3A, %swap3A_1565], %swap3A_1568 {strides = array<i32>} : memref<16x128xf32, #tpu.memory_space<vmem>>, vector<1x16xf32>,
      %scan3A_1569 = arith.constant 0 : i32
      scf.yield %scan3A_1569 : i32
    }
    %scan3A_16 = arith.constant 128 : i32
    "tpu.region"() ({
      %run_scoped3A = tpu.sem_alloc : memref<!tpu.dma_semaphore, #tpu.memory_space<semaphore_mem>>
      %dma_start3A_1531 = tpu.memref_slice %arg10[%mul3A_0] : memref<16384xf32, #tpu.memory_space<vmem_shared>> -> memref<1024xf32, #tpu.memory_space<vmem_shared>>
      %dma_start3A_1532 = tpu.memref_slice %arg10[%mul3A_0] : memref<16384xf32, #tpu.memory_space<vmem_shared>> -> memref<1024xf32, #tpu.memory_space<vmem_shared>>
      tpu.enqueue_dma source(%arg18 : memref<1024xf32, #tpu.memory_space<vmem>>) target(%dma_start3A_1532 : memref<1024xf32, #tpu.memory_space<vmem_shared>>) target_semaphore(%run_scoped3A : memref<!tpu.dma_semaphore, #tpu.memory_space<semaphore_mem>>)
      %dma_wait3A_1533 = tpu.memref_slice %arg10[%mul3A_0] : memref<16384xf32, #tpu.memory_space<vmem_shared>> -> memref<1024xf32, #tpu.memory_space<vmem_shared>>
      %dma_wait3A_1534 = tpu.memref_slice %arg10[%mul3A_0] : memref<16384xf32, #tpu.memory_space<vmem_shared>> -> memref<1024xf32, #tpu.memory_space<vmem_shared>>
      tpu.wait_dma2 semaphore(%run_scoped3A : memref<!tpu.dma_semaphore, #tpu.memory_space<semaphore_mem>>) src(%arg18 : memref<1024xf32, #tpu.memory_space<vmem>>) dst(%dma_wait3A_1534 : memref<1024xf32, #tpu.memory_space<vmem_shared>>)
      tpu.yield
    }) : () -> ()
    "tpu.region"() ({
      %run_scoped3A = tpu.sem_alloc : memref<!tpu.dma_semaphore, #tpu.memory_space<semaphore_mem>>
      %dma_start3A_1531 = tpu.memref_slice %arg11[%mul3A_0] : memref<16384xf32, #tpu.memory_space<vmem_shared>> -> memref<1024xf32, #tpu.memory_space<vmem_shared>>
      %dma_start3A_1532 = tpu.memref_slice %arg11[%mul3A_0] : memref<16384xf32, #tpu.memory_space<vmem_shared>> -> memref<1024xf32, #tpu.memory_space<vmem_shared>>
      tpu.enqueue_dma source(%arg18 : memref<1024xf32, #tpu.memory_space<vmem>>) target(%dma_start3A_1532 : memref<1024xf32, #tpu.memory_space<vmem_shared>>) target_semaphore(%run_scoped3A : memref<!tpu.dma_semaphore, #tpu.memory_space<semaphore_mem>>)
      %dma_wait3A_1533 = tpu.memref_slice %arg11[%mul3A_0] : memref<16384xf32, #tpu.memory_space<vmem_shared>> -> memref<1024xf32, #tpu.memory_space<vmem_shared>>
      %dma_wait3A_1534 = tpu.memref_slice %arg11[%mul3A_0] : memref<16384xf32, #tpu.memory_space<vmem_shared>> -> memref<1024xf32, #tpu.memory_space<vmem_shared>>
      tpu.wait_dma2 semaphore(%run_scoped3A : memref<!tpu.dma_semaphore, #tpu.memory_space<semaphore_mem>>) src(%arg18 : memref<1024xf32, #tpu.memory_space<vmem>>) dst(%dma_wait3A_1534 : memref<1024xf32, #tpu.memory_space<vmem_shared>>)
      tpu.yield
    }) : () -> ()
    %eq3A = arith.constant 0 : i32
    %eq3A_17 = arith.cmpi eq, %arg1, %eq3A : i32
    %convert_element_type3A = arith.extui %eq3A_17 : i1 to i32
    %cond3A = arith.constant 0 : i32
    %cond3A_18 = arith.cmpi ne, %convert_element_type3A, %cond3A : i32
    scf.if %cond3A_18 {
      "tpu.region"() ({
        %run_scoped3A = tpu.sem_alloc : memref<!tpu.dma_semaphore, #tpu.memory_space<semaphore_mem>>
        %dma_start3A_1531 = arith.constant 0 : i32
        %dma_start3A_1532 = tpu.memref_slice %arg18[%dma_start3A_1531] : memref<1024xf32, #tpu.memory_space<vmem>> -> memref<256xf32, #tpu.memory_space<vmem>>
        %dma_start3A_1533 = arith.constant 0 : i32
        %dma_start3A_1534 = tpu.memref_slice %arg18[%dma_start3A_1533] : memref<1024xf32, #tpu.memory_space<vmem>> -> memref<256xf32, #tpu.memory_space<vmem>>
        tpu.enqueue_dma source(%dma_start3A_1534 : memref<256xf32, #tpu.memory_space<vmem>>) target(%arg12 : memref<256xf32, #tpu.memory_space<vmem_shared>>) target_semaphore(%run_scoped3A : memref<!tpu.dma_semaphore, #tpu.memory_space<semaphore_mem>>)
        %dma_wait3A_1535 = arith.constant 0 : i32
        %dma_wait3A_1536 = tpu.memref_slice %arg18[%dma_wait3A_1535] : memref<1024xf32, #tpu.memory_space<vmem>> -> memref<256xf32, #tpu.memory_space<vmem>>
        %dma_wait3A_1537 = arith.constant 0 : i32
        %dma_wait3A_1538 = tpu.memref_slice %arg18[%dma_wait3A_1537] : memref<1024xf32, #tpu.memory_space<vmem>> -> memref<256xf32, #tpu.memory_space<vmem>>
        tpu.wait_dma2 semaphore(%run_scoped3A : memref<!tpu.dma_semaphore, #tpu.memory_space<semaphore_mem>>) src(%dma_wait3A_1538 : memref<256xf32, #tpu.memory_space<vmem>>) dst(%arg12 : memref<256xf32, #tpu.memory_space<vmem_shared>>)
        tpu.yield
      }) : () -> ()
      "tpu.region"() ({
        %run_scoped3A = tpu.sem_alloc : memref<!tpu.dma_semaphore, #tpu.memory_space<semaphore_mem>>
        %dma_start3A_1531 = arith.constant 0 : i32
        %dma_start3A_1532 = tpu.memref_slice %arg18[%dma_start3A_1531] : memref<1024xf32, #tpu.memory_space<vmem>> -> memref<256xf32, #tpu.memory_space<vmem>>
        %dma_start3A_1533 = arith.constant 0 : i32
        %dma_start3A_1534 = tpu.memref_slice %arg18[%dma_start3A_1533] : memref<1024xf32, #tpu.memory_space<vmem>> -> memref<256xf32, #tpu.memory_space<vmem>>
        tpu.enqueue_dma source(%dma_start3A_1534 : memref<256xf32, #tpu.memory_space<vmem>>) target(%arg13 : memref<256xf32, #tpu.memory_space<vmem_shared>>) target_semaphore(%run_scoped3A : memref<!tpu.dma_semaphore, #tpu.memory_space<semaphore_mem>>)
        %dma_wait3A_1535 = arith.constant 0 : i32
        %dma_wait3A_1536 = tpu.memref_slice %arg18[%dma_wait3A_1535] : memref<1024xf32, #tpu.memory_space<vmem>> -> memref<256xf32, #tpu.memory_space<vmem>>
        %dma_wait3A_1537 = arith.constant 0 : i32
        %dma_wait3A_1538 = tpu.memref_slice %arg18[%dma_wait3A_1537] : memref<1024xf32, #tpu.memory_space<vmem>> -> memref<256xf32, #tpu.memory_space<vmem>>
        tpu.wait_dma2 semaphore(%run_scoped3A : memref<!tpu.dma_semaphore, #tpu.memory_space<semaphore_mem>>) src(%dma_wait3A_1538 : memref<256xf32, #tpu.memory_space<vmem>>) dst(%arg13 : memref<256xf32, #tpu.memory_space<vmem_shared>>)
        tpu.yield
      }) : () -> ()
      "tpu.region"() ({
        %run_scoped3A = tpu.sem_alloc : memref<!tpu.dma_semaphore, #tpu.memory_space<semaphore_mem>>
        %dma_start3A_1531 = arith.constant 0 : i32
        %dma_start3A_1532 = tpu.memref_slice %arg18[%dma_start3A_1531] : memref<1024xf32, #tpu.memory_space<vmem>> -> memref<256xf32, #tpu.memory_space<vmem>>
        %dma_start3A_1533 = arith.constant 0 : i32
        %dma_start3A_1534 = tpu.memref_slice %arg18[%dma_start3A_1533] : memref<1024xf32, #tpu.memory_space<vmem>> -> memref<256xf32, #tpu.memory_space<vmem>>
        tpu.enqueue_dma source(%dma_start3A_1534 : memref<256xf32, #tpu.memory_space<vmem>>) target(%arg14 : memref<256xf32, #tpu.memory_space<vmem_shared>>) target_semaphore(%run_scoped3A : memref<!tpu.dma_semaphore, #tpu.memory_space<semaphore_mem>>)
        %dma_wait3A_1535 = arith.constant 0 : i32
        %dma_wait3A_1536 = tpu.memref_slice %arg18[%dma_wait3A_1535] : memref<1024xf32, #tpu.memory_space<vmem>> -> memref<256xf32, #tpu.memory_space<vmem>>
        %dma_wait3A_1537 = arith.constant 0 : i32
        %dma_wait3A_1538 = tpu.memref_slice %arg18[%dma_wait3A_1537] : memref<1024xf32, #tpu.memory_space<vmem>> -> memref<256xf32, #tpu.memory_space<vmem>>
        tpu.wait_dma2 semaphore(%run_scoped3A : memref<!tpu.dma_semaphore, #tpu.memory_space<semaphore_mem>>) src(%dma_wait3A_1538 : memref<256xf32, #tpu.memory_space<vmem>>) dst(%arg14 : memref<256xf32, #tpu.memory_space<vmem_shared>>)
        tpu.yield
      }) : () -> ()
      "tpu.region"() ({
        %run_scoped3A = tpu.sem_alloc : memref<!tpu.dma_semaphore, #tpu.memory_space<semaphore_mem>>
        %dma_start3A_1531 = arith.constant 0 : i32
        %dma_start3A_1532 = tpu.memref_slice %arg18[%dma_start3A_1531] : memref<1024xf32, #tpu.memory_space<vmem>> -> memref<256xf32, #tpu.memory_space<vmem>>
        %dma_start3A_1533 = arith.constant 0 : i32
        %dma_start3A_1534 = tpu.memref_slice %arg18[%dma_start3A_1533] : memref<1024xf32, #tpu.memory_space<vmem>> -> memref<256xf32, #tpu.memory_space<vmem>>
        tpu.enqueue_dma source(%dma_start3A_1534 : memref<256xf32, #tpu.memory_space<vmem>>) target(%arg15 : memref<256xf32, #tpu.memory_space<vmem_shared>>) target_semaphore(%run_scoped3A : memref<!tpu.dma_semaphore, #tpu.memory_space<semaphore_mem>>)
        %dma_wait3A_1535 = arith.constant 0 : i32
        %dma_wait3A_1536 = tpu.memref_slice %arg18[%dma_wait3A_1535] : memref<1024xf32, #tpu.memory_space<vmem>> -> memref<256xf32, #tpu.memory_space<vmem>>
        %dma_wait3A_1537 = arith.constant 0 : i32
        %dma_wait3A_1538 = tpu.memref_slice %arg18[%dma_wait3A_1537] : memref<1024xf32, #tpu.memory_space<vmem>> -> memref<256xf32, #tpu.memory_space<vmem>>
        tpu.wait_dma2 semaphore(%run_scoped3A : memref<!tpu.dma_semaphore, #tpu.memory_space<semaphore_mem>>) src(%dma_wait3A_1538 : memref<256xf32, #tpu.memory_space<vmem>>) dst(%arg15 : memref<256xf32, #tpu.memory_space<vmem_shared>>)
        tpu.yield
      }) : () -> ()
      "tpu.region"() ({
        %run_scoped3A = tpu.sem_alloc : memref<!tpu.dma_semaphore, #tpu.memory_space<semaphore_mem>>
        %dma_start3A_1531 = arith.constant 0 : i32
        %dma_start3A_1532 = tpu.memref_slice %arg18[%dma_start3A_1531] : memref<1024xf32, #tpu.memory_space<vmem>> -> memref<256xf32, #tpu.memory_space<vmem>>
        %dma_start3A_1533 = arith.constant 0 : i32
        %dma_start3A_1534 = tpu.memref_slice %arg18[%dma_start3A_1533] : memref<1024xf32, #tpu.memory_space<vmem>> -> memref<256xf32, #tpu.memory_space<vmem>>
        tpu.enqueue_dma source(%dma_start3A_1534 : memref<256xf32, #tpu.memory_space<vmem>>) target(%arg16 : memref<256xf32, #tpu.memory_space<vmem_shared>>) target_semaphore(%run_scoped3A : memref<!tpu.dma_semaphore, #tpu.memory_space<semaphore_mem>>)
        %dma_wait3A_1535 = arith.constant 0 : i32
        %dma_wait3A_1536 = tpu.memref_slice %arg18[%dma_wait3A_1535] : memref<1024xf32, #tpu.memory_space<vmem>> -> memref<256xf32, #tpu.memory_space<vmem>>
        %dma_wait3A_1537 = arith.constant 0 : i32
        %dma_wait3A_1538 = tpu.memref_slice %arg18[%dma_wait3A_1537] : memref<1024xf32, #tpu.memory_space<vmem>> -> memref<256xf32, #tpu.memory_space<vmem>>
        tpu.wait_dma2 semaphore(%run_scoped3A : memref<!tpu.dma_semaphore, #tpu.memory_space<semaphore_mem>>) src(%dma_wait3A_1538 : memref<256xf32, #tpu.memory_space<vmem>>) dst(%arg16 : memref<256xf32, #tpu.memory_space<vmem_shared>>)
        tpu.yield
      }) : () -> ()
      "tpu.region"() ({
        %run_scoped3A = tpu.sem_alloc : memref<!tpu.dma_semaphore, #tpu.memory_space<semaphore_mem>>
        %dma_start3A_1531 = arith.constant 0 : i32
        %dma_start3A_1532 = tpu.memref_slice %arg18[%dma_start3A_1531] : memref<1024xf32, #tpu.memory_space<vmem>> -> memref<16xf32, #tpu.memory_space<vmem>>
        %dma_start3A_1533 = arith.constant 0 : i32
        %dma_start3A_1534 = tpu.memref_slice %arg18[%dma_start3A_1533] : memref<1024xf32, #tpu.memory_space<vmem>> -> memref<16xf32, #tpu.memory_space<vmem>>
        tpu.enqueue_dma source(%dma_start3A_1534 : memref<16xf32, #tpu.memory_space<vmem>>) target(%arg17 : memref<16xf32, #tpu.memory_space<vmem_shared>>) target_semaphore(%run_scoped3A : memref<!tpu.dma_semaphore, #tpu.memory_space<semaphore_mem>>)
        %dma_wait3A_1535 = arith.constant 0 : i32
        %dma_wait3A_1536 = tpu.memref_slice %arg18[%dma_wait3A_1535] : memref<1024xf32, #tpu.memory_space<vmem>> -> memref<16xf32, #tpu.memory_space<vmem>>
        %dma_wait3A_1537 = arith.constant 0 : i32
        %dma_wait3A_1538 = tpu.memref_slice %arg18[%dma_wait3A_1537] : memref<1024xf32, #tpu.memory_space<vmem>> -> memref<16xf32, #tpu.memory_space<vmem>>
        tpu.wait_dma2 semaphore(%run_scoped3A : memref<!tpu.dma_semaphore, #tpu.memory_space<semaphore_mem>>) src(%dma_wait3A_1538 : memref<16xf32, #tpu.memory_space<vmem>>) dst(%arg17 : memref<16xf32, #tpu.memory_space<vmem_shared>>)
        tpu.yield
      }) : () -> ()
    } else {
    }
    %barrier3A = arith.constant 0 : index
    tpu.barrier barrier_id(%barrier3A)
    %mul3A_19 = arith.constant 16 : i32
    %mul3A_20 = arith.muli %arg1, %mul3A_19 : i32
    %dma_start3A = arith.constant 0 : i32
    %dma_start3A_21 = tpu.memref_slice %arg5[%mul3A_20, %dma_start3A] : memref<256x128xf32, #tpu.memory_space<hbm>> -> memref<16x128xf32, #tpu.memory_space<hbm>>
    %dma_start3A_22 = arith.constant 0 : i32
    %dma_start3A_23 = tpu.memref_slice %arg5[%mul3A_20, %dma_start3A_22] : memref<256x128xf32, #tpu.memory_space<hbm>> -> memref<16x128xf32, #tpu.memory_space<hbm>>
    tpu.enqueue_dma source(%dma_start3A_23 : memref<16x128xf32, #tpu.memory_space<hbm>>) target(%arg20 : memref<16x128xf32, #tpu.memory_space<vmem>>) target_semaphore(%arg33 : memref<!tpu.dma_semaphore, #tpu.memory_space<semaphore_mem>>)
    %mul3A_24 = arith.constant 16 : i32
    %mul3A_25 = arith.muli %arg1, %mul3A_24 : i32
    %dma_start3A_26 = arith.constant 0 : i32
    %dma_start3A_27 = tpu.memref_slice %arg6[%mul3A_25, %dma_start3A_26] : memref<256x128xi32, #tpu.memory_space<hbm>> -> memref<16x128xi32, #tpu.memory_space<hbm>>
    %dma_start3A_28 = arith.constant 0 : i32
    %dma_start3A_29 = tpu.memref_slice %arg6[%mul3A_25, %dma_start3A_28] : memref<256x128xi32, #tpu.memory_space<hbm>> -> memref<16x128xi32, #tpu.memory_space<hbm>>
    tpu.enqueue_dma source(%dma_start3A_29 : memref<16x128xi32, #tpu.memory_space<hbm>>) target(%arg21 : memref<16x128xi32, #tpu.memory_space<vmem>>) target_semaphore(%arg33 : memref<!tpu.dma_semaphore, #tpu.memory_space<semaphore_mem>>)
    %mul3A_30 = arith.constant 8 : i32
    %mul3A_31 = arith.muli %arg1, %mul3A_30 : i32
    %dma_start3A_32 = arith.constant 0 : i32
    %dma_start3A_33 = tpu.memref_slice %arg2[%mul3A_31, %dma_start3A_32] : memref<128x128xf32, #tpu.memory_space<hbm>> -> memref<8x128xf32, #tpu.memory_space<hbm>>
    %dma_start3A_34 = arith.constant 0 : i32
    %dma_start3A_35 = tpu.memref_slice %arg2[%mul3A_31, %dma_start3A_34] : memref<128x128xf32, #tpu.memory_space<hbm>> -> memref<8x128xf32, #tpu.memory_space<hbm>>
    tpu.enqueue_dma source(%dma_start3A_35 : memref<8x128xf32, #tpu.memory_space<hbm>>) target(%arg23 : memref<8x128xf32, #tpu.memory_space<vmem>>) target_semaphore(%arg34 : memref<!tpu.dma_semaphore, #tpu.memory_space<semaphore_mem>>)
    %mul3A_36 = arith.constant 8 : i32
    %mul3A_37 = arith.muli %arg1, %mul3A_36 : i32
    %dma_start3A_38 = arith.constant 0 : i32
    %dma_start3A_39 = tpu.memref_slice %arg3[%mul3A_37, %dma_start3A_38] : memref<128x128xf32, #tpu.memory_space<hbm>> -> memref<8x128xf32, #tpu.memory_space<hbm>>
    %dma_start3A_40 = arith.constant 0 : i32
    %dma_start3A_41 = tpu.memref_slice %arg3[%mul3A_37, %dma_start3A_40] : memref<128x128xf32, #tpu.memory_space<hbm>> -> memref<8x128xf32, #tpu.memory_space<hbm>>
    tpu.enqueue_dma source(%dma_start3A_41 : memref<8x128xf32, #tpu.memory_space<hbm>>) target(%arg24 : memref<8x128xf32, #tpu.memory_space<vmem>>) target_semaphore(%arg34 : memref<!tpu.dma_semaphore, #tpu.memory_space<semaphore_mem>>)
    %mul3A_42 = arith.constant 8 : i32
    %mul3A_43 = arith.muli %arg1, %mul3A_42 : i32
    %dma_start3A_44 = arith.constant 0 : i32
    %dma_start3A_45 = tpu.memref_slice %arg4[%mul3A_43, %dma_start3A_44] : memref<128x128xf32, #tpu.memory_space<hbm>> -> memref<8x128xf32, #tpu.memory_space<hbm>>
    %dma_start3A_46 = arith.constant 0 : i32
    %dma_start3A_47 = tpu.memref_slice %arg4[%mul3A_43, %dma_start3A_46] : memref<128x128xf32, #tpu.memory_space<hbm>> -> memref<8x128xf32, #tpu.memory_space<hbm>>
    tpu.enqueue_dma source(%dma_start3A_47 : memref<8x128xf32, #tpu.memory_space<hbm>>) target(%arg25 : memref<8x128xf32, #tpu.memory_space<vmem>>) target_semaphore(%arg34 : memref<!tpu.dma_semaphore, #tpu.memory_space<semaphore_mem>>)
    %mul3A_48 = arith.constant 8 : i32
    %mul3A_49 = arith.muli %arg1, %mul3A_48 : i32
    %dma_start3A_50 = arith.constant 0 : i32
    %dma_start3A_51 = tpu.memref_slice %arg7[%mul3A_49, %dma_start3A_50] : memref<128x128xi32, #tpu.memory_space<hbm>> -> memref<8x128xi32, #tpu.memory_space<hbm>>
    %dma_start3A_52 = arith.constant 0 : i32
    %dma_start3A_53 = tpu.memref_slice %arg7[%mul3A_49, %dma_start3A_52] : memref<128x128xi32, #tpu.memory_space<hbm>> -> memref<8x128xi32, #tpu.memory_space<hbm>>
    tpu.enqueue_dma source(%dma_start3A_53 : memref<8x128xi32, #tpu.memory_space<hbm>>) target(%arg22 : memref<8x128xi32, #tpu.memory_space<vmem>>) target_semaphore(%arg34 : memref<!tpu.dma_semaphore, #tpu.memory_space<semaphore_mem>>)
    %dma_wait3A = arith.constant 0 : i32
    %dma_wait3A_54 = tpu.memref_slice %arg5[%mul3A_20, %dma_wait3A] : memref<256x128xf32, #tpu.memory_space<hbm>> -> memref<16x128xf32, #tpu.memory_space<hbm>>
    %dma_wait3A_55 = arith.constant 0 : i32
    %dma_wait3A_56 = tpu.memref_slice %arg5[%mul3A_20, %dma_wait3A_55] : memref<256x128xf32, #tpu.memory_space<hbm>> -> memref<16x128xf32, #tpu.memory_space<hbm>>
    tpu.wait_dma2 semaphore(%arg33 : memref<!tpu.dma_semaphore, #tpu.memory_space<semaphore_mem>>) src(%dma_wait3A_56 : memref<16x128xf32, #tpu.memory_space<hbm>>) dst(%arg20 : memref<16x128xf32, #tpu.memory_space<vmem>>)
    %dma_wait3A_57 = arith.constant 0 : i32
    %dma_wait3A_58 = tpu.memref_slice %arg6[%mul3A_25, %dma_wait3A_57] : memref<256x128xi32, #tpu.memory_space<hbm>> -> memref<16x128xi32, #tpu.memory_space<hbm>>
    %dma_wait3A_59 = arith.constant 0 : i32
    %dma_wait3A_60 = tpu.memref_slice %arg6[%mul3A_25, %dma_wait3A_59] : memref<256x128xi32, #tpu.memory_space<hbm>> -> memref<16x128xi32, #tpu.memory_space<hbm>>
    tpu.wait_dma2 semaphore(%arg33 : memref<!tpu.dma_semaphore, #tpu.memory_space<semaphore_mem>>) src(%dma_wait3A_60 : memref<16x128xi32, #tpu.memory_space<hbm>>) dst(%arg21 : memref<16x128xi32, #tpu.memory_space<vmem>>)
    %dma_start3A_61 = arith.constant 0 : i32
    %dma_start3A_62 = arith.constant 0 : i32
    %dma_start3A_63 = arith.constant 0 : i32
    %dma_start3A_64 = tpu.memref_slice %arg20[%dma_start3A_61, %dma_start3A_63] : memref<16x128xf32, #tpu.memory_space<vmem>> -> memref<1x128xf32, #tpu.memory_space<vmem>>
    %dma_start3A_65 = tpu.memref_squeeze %dma_start3A_64 : memref<1x128xf32, #tpu.memory_space<vmem>> -> memref<128xf32, #tpu.memory_space<vmem>>
    %dma_start3A_66 = arith.constant 0 : i32
    %dma_start3A_67 = tpu.memref_slice %arg21[%dma_start3A_62, %dma_start3A_66] : memref<16x128xi32, #tpu.memory_space<vmem>> -> memref<1x128xi32, #tpu.memory_space<vmem>>
    %dma_start3A_68 = tpu.memref_squeeze %dma_start3A_67 : memref<1x128xi32, #tpu.memory_space<vmem>> -> memref<128xi32, #tpu.memory_space<vmem>>
    %dma_start3A_69 = arith.constant 0 : i32
    %dma_start3A_70 = tpu.memref_slice %arg10[%dma_start3A_69] : memref<16384xf32, #tpu.memory_space<vmem_shared>> -> memref<16384xf32, #tpu.memory_space<vmem_shared>>
    tpu.enqueue_indirect_dma source(%dma_start3A_65 : memref<128xf32, #tpu.memory_space<vmem>>) target(%dma_start3A_70 : memref<16384xf32, #tpu.memory_space<vmem_shared>>) offsets(%dma_start3A_68 : memref<128xi32, #tpu.memory_space<vmem>>) semaphore(%arg35 : memref<!tpu.dma_semaphore, #tpu.memory_space<semaphore_mem>>) {add = true}
    %dma_start3A_71 = arith.constant 0 : i32
    %dma_start3A_72 = arith.constant 0 : i32
    %dma_start3A_73 = arith.constant 0 : i32
    %dma_start3A_74 = tpu.memref_slice %arg19[%dma_start3A_71, %dma_start3A_73] : memref<16x128xf32, #tpu.memory_space<vmem>> -> memref<1x128xf32, #tpu.memory_space<vmem>>
    %dma_start3A_75 = tpu.memref_squeeze %dma_start3A_74 : memref<1x128xf32, #tpu.memory_space<vmem>> -> memref<128xf32, #tpu.memory_space<vmem>>
    %dma_start3A_76 = arith.constant 0 : i32
    %dma_start3A_77 = tpu.memref_slice %arg21[%dma_start3A_72, %dma_start3A_76] : memref<16x128xi32, #tpu.memory_space<vmem>> -> memref<1x128xi32, #tpu.memory_space<vmem>>
    %dma_start3A_78 = tpu.memref_squeeze %dma_start3A_77 : memref<1x128xi32, #tpu.memory_space<vmem>> -> memref<128xi32, #tpu.memory_space<vmem>>
    %dma_start3A_79 = arith.constant 0 : i32
    %dma_start3A_80 = tpu.memref_slice %arg11[%dma_start3A_79] : memref<16384xf32, #tpu.memory_space<vmem_shared>> -> memref<16384xf32, #tpu.memory_space<vmem_shared>>
    tpu.enqueue_indirect_dma source(%dma_start3A_75 : memref<128xf32, #tpu.memory_space<vmem>>) target(%dma_start3A_80 : memref<16384xf32, #tpu.memory_space<vmem_shared>>) offsets(%dma_start3A_78 : memref<128xi32, #tpu.memory_space<vmem>>) semaphore(%arg35 : memref<!tpu.dma_semaphore, #tpu.memory_space<semaphore_mem>>) {add = true}
    %dma_start3A_81 = arith.constant 1 : i32
    %dma_start3A_82 = arith.constant 1 : i32
    %dma_start3A_83 = arith.constant 0 : i32
    %dma_start3A_84 = tpu.memref_slice %arg20[%dma_start3A_81, %dma_start3A_83] : memref<16x128xf32, #tpu.memory_space<vmem>> -> memref<1x128xf32, #tpu.memory_space<vmem>>
    %dma_start3A_85 = tpu.memref_squeeze %dma_start3A_84 : memref<1x128xf32, #tpu.memory_space<vmem>> -> memref<128xf32, #tpu.memory_space<vmem>>
    %dma_start3A_86 = arith.constant 0 : i32
    %dma_start3A_87 = tpu.memref_slice %arg21[%dma_start3A_82, %dma_start3A_86] : memref<16x128xi32, #tpu.memory_space<vmem>> -> memref<1x128xi32, #tpu.memory_space<vmem>>
    %dma_start3A_88 = tpu.memref_squeeze %dma_start3A_87 : memref<1x128xi32, #tpu.memory_space<vmem>> -> memref<128xi32, #tpu.memory_space<vmem>>
    %dma_start3A_89 = arith.constant 0 : i32
    %dma_start3A_90 = tpu.memref_slice %arg10[%dma_start3A_89] : memref<16384xf32, #tpu.memory_space<vmem_shared>> -> memref<16384xf32, #tpu.memory_space<vmem_shared>>
    tpu.enqueue_indirect_dma source(%dma_start3A_85 : memref<128xf32, #tpu.memory_space<vmem>>) target(%dma_start3A_90 : memref<16384xf32, #tpu.memory_space<vmem_shared>>) offsets(%dma_start3A_88 : memref<128xi32, #tpu.memory_space<vmem>>) semaphore(%arg35 : memref<!tpu.dma_semaphore, #tpu.memory_space<semaphore_mem>>) {add = true}
    %dma_start3A_91 = arith.constant 1 : i32
    %dma_start3A_92 = arith.constant 1 : i32
    %dma_start3A_93 = arith.constant 0 : i32
    %dma_start3A_94 = tpu.memref_slice %arg19[%dma_start3A_91, %dma_start3A_93] : memref<16x128xf32, #tpu.memory_space<vmem>> -> memref<1x128xf32, #tpu.memory_space<vmem>>
    %dma_start3A_95 = tpu.memref_squeeze %dma_start3A_94 : memref<1x128xf32, #tpu.memory_space<vmem>> -> memref<128xf32, #tpu.memory_space<vmem>>
    %dma_start3A_96 = arith.constant 0 : i32
    %dma_start3A_97 = tpu.memref_slice %arg21[%dma_start3A_92, %dma_start3A_96] : memref<16x128xi32, #tpu.memory_space<vmem>> -> memref<1x128xi32, #tpu.memory_space<vmem>>
    %dma_start3A_98 = tpu.memref_squeeze %dma_start3A_97 : memref<1x128xi32, #tpu.memory_space<vmem>> -> memref<128xi32, #tpu.memory_space<vmem>>
    %dma_start3A_99 = arith.constant 0 : i32
    %dma_start3A_100 = tpu.memref_slice %arg11[%dma_start3A_99] : memref<16384xf32, #tpu.memory_space<vmem_shared>> -> memref<16384xf32, #tpu.memory_space<vmem_shared>>
    tpu.enqueue_indirect_dma source(%dma_start3A_95 : memref<128xf32, #tpu.memory_space<vmem>>) target(%dma_start3A_100 : memref<16384xf32, #tpu.memory_space<vmem_shared>>) offsets(%dma_start3A_98 : memref<128xi32, #tpu.memory_space<vmem>>) semaphore(%arg35 : memref<!tpu.dma_semaphore, #tpu.memory_space<semaphore_mem>>) {add = true}
    %dma_start3A_101 = arith.constant 2 : i32
    %dma_start3A_102 = arith.constant 2 : i32
    %dma_start3A_103 = arith.constant 0 : i32
    %dma_start3A_104 = tpu.memref_slice %arg20[%dma_start3A_101, %dma_start3A_103] : memref<16x128xf32, #tpu.memory_space<vmem>> -> memref<1x128xf32, #tpu.memory_space<vmem>>
    %dma_start3A_105 = tpu.memref_squeeze %dma_start3A_104 : memref<1x128xf32, #tpu.memory_space<vmem>> -> memref<128xf32, #tpu.memory_space<vmem>>
    %dma_start3A_106 = arith.constant 0 : i32
    %dma_start3A_107 = tpu.memref_slice %arg21[%dma_start3A_102, %dma_start3A_106] : memref<16x128xi32, #tpu.memory_space<vmem>> -> memref<1x128xi32, #tpu.memory_space<vmem>>
    %dma_start3A_108 = tpu.memref_squeeze %dma_start3A_107 : memref<1x128xi32, #tpu.memory_space<vmem>> -> memref<128xi32, #tpu.memory_space<vmem>>
    %dma_start3A_109 = arith.constant 0 : i32
    %dma_start3A_110 = tpu.memref_slice %arg10[%dma_start3A_109] : memref<16384xf32, #tpu.memory_space<vmem_shared>> -> memref<16384xf32, #tpu.memory_space<vmem_shared>>
    tpu.enqueue_indirect_dma source(%dma_start3A_105 : memref<128xf32, #tpu.memory_space<vmem>>) target(%dma_start3A_110 : memref<16384xf32, #tpu.memory_space<vmem_shared>>) offsets(%dma_start3A_108 : memref<128xi32, #tpu.memory_space<vmem>>) semaphore(%arg35 : memref<!tpu.dma_semaphore, #tpu.memory_space<semaphore_mem>>) {add = true}
    %dma_start3A_111 = arith.constant 2 : i32
    %dma_start3A_112 = arith.constant 2 : i32
    %dma_start3A_113 = arith.constant 0 : i32
    %dma_start3A_114 = tpu.memref_slice %arg19[%dma_start3A_111, %dma_start3A_113] : memref<16x128xf32, #tpu.memory_space<vmem>> -> memref<1x128xf32, #tpu.memory_space<vmem>>
    %dma_start3A_115 = tpu.memref_squeeze %dma_start3A_114 : memref<1x128xf32, #tpu.memory_space<vmem>> -> memref<128xf32, #tpu.memory_space<vmem>>
    %dma_start3A_116 = arith.constant 0 : i32
    %dma_start3A_117 = tpu.memref_slice %arg21[%dma_start3A_112, %dma_start3A_116] : memref<16x128xi32, #tpu.memory_space<vmem>> -> memref<1x128xi32, #tpu.memory_space<vmem>>
    %dma_start3A_118 = tpu.memref_squeeze %dma_start3A_117 : memref<1x128xi32, #tpu.memory_space<vmem>> -> memref<128xi32, #tpu.memory_space<vmem>>
    %dma_start3A_119 = arith.constant 0 : i32
    %dma_start3A_120 = tpu.memref_slice %arg11[%dma_start3A_119] : memref<16384xf32, #tpu.memory_space<vmem_shared>> -> memref<16384xf32, #tpu.memory_space<vmem_shared>>
    tpu.enqueue_indirect_dma source(%dma_start3A_115 : memref<128xf32, #tpu.memory_space<vmem>>) target(%dma_start3A_120 : memref<16384xf32, #tpu.memory_space<vmem_shared>>) offsets(%dma_start3A_118 : memref<128xi32, #tpu.memory_space<vmem>>) semaphore(%arg35 : memref<!tpu.dma_semaphore, #tpu.memory_space<semaphore_mem>>) {add = true}
    %dma_start3A_121 = arith.constant 3 : i32
    %dma_start3A_122 = arith.constant 3 : i32
    %dma_start3A_123 = arith.constant 0 : i32
    %dma_start3A_124 = tpu.memref_slice %arg20[%dma_start3A_121, %dma_start3A_123] : memref<16x128xf32, #tpu.memory_space<vmem>> -> memref<1x128xf32, #tpu.memory_space<vmem>>
    %dma_start3A_125 = tpu.memref_squeeze %dma_start3A_124 : memref<1x128xf32, #tpu.memory_space<vmem>> -> memref<128xf32, #tpu.memory_space<vmem>>
    %dma_start3A_126 = arith.constant 0 : i32
    %dma_start3A_127 = tpu.memref_slice %arg21[%dma_start3A_122, %dma_start3A_126] : memref<16x128xi32, #tpu.memory_space<vmem>> -> memref<1x128xi32, #tpu.memory_space<vmem>>
    %dma_start3A_128 = tpu.memref_squeeze %dma_start3A_127 : memref<1x128xi32, #tpu.memory_space<vmem>> -> memref<128xi32, #tpu.memory_space<vmem>>
    %dma_start3A_129 = arith.constant 0 : i32
    %dma_start3A_130 = tpu.memref_slice %arg10[%dma_start3A_129] : memref<16384xf32, #tpu.memory_space<vmem_shared>> -> memref<16384xf32, #tpu.memory_space<vmem_shared>>
    tpu.enqueue_indirect_dma source(%dma_start3A_125 : memref<128xf32, #tpu.memory_space<vmem>>) target(%dma_start3A_130 : memref<16384xf32, #tpu.memory_space<vmem_shared>>) offsets(%dma_start3A_128 : memref<128xi32, #tpu.memory_space<vmem>>) semaphore(%arg35 : memref<!tpu.dma_semaphore, #tpu.memory_space<semaphore_mem>>) {add = true}
    %dma_start3A_131 = arith.constant 3 : i32
    %dma_start3A_132 = arith.constant 3 : i32
    %dma_start3A_133 = arith.constant 0 : i32
    %dma_start3A_134 = tpu.memref_slice %arg19[%dma_start3A_131, %dma_start3A_133] : memref<16x128xf32, #tpu.memory_space<vmem>> -> memref<1x128xf32, #tpu.memory_space<vmem>>
    %dma_start3A_135 = tpu.memref_squeeze %dma_start3A_134 : memref<1x128xf32, #tpu.memory_space<vmem>> -> memref<128xf32, #tpu.memory_space<vmem>>
    %dma_start3A_136 = arith.constant 0 : i32
    %dma_start3A_137 = tpu.memref_slice %arg21[%dma_start3A_132, %dma_start3A_136] : memref<16x128xi32, #tpu.memory_space<vmem>> -> memref<1x128xi32, #tpu.memory_space<vmem>>
    %dma_start3A_138 = tpu.memref_squeeze %dma_start3A_137 : memref<1x128xi32, #tpu.memory_space<vmem>> -> memref<128xi32, #tpu.memory_space<vmem>>
    %dma_start3A_139 = arith.constant 0 : i32
    %dma_start3A_140 = tpu.memref_slice %arg11[%dma_start3A_139] : memref<16384xf32, #tpu.memory_space<vmem_shared>> -> memref<16384xf32, #tpu.memory_space<vmem_shared>>
    tpu.enqueue_indirect_dma source(%dma_start3A_135 : memref<128xf32, #tpu.memory_space<vmem>>) target(%dma_start3A_140 : memref<16384xf32, #tpu.memory_space<vmem_shared>>) offsets(%dma_start3A_138 : memref<128xi32, #tpu.memory_space<vmem>>) semaphore(%arg35 : memref<!tpu.dma_semaphore, #tpu.memory_space<semaphore_mem>>) {add = true}
    %dma_start3A_141 = arith.constant 4 : i32
    %dma_start3A_142 = arith.constant 4 : i32
    %dma_start3A_143 = arith.constant 0 : i32
    %dma_start3A_144 = tpu.memref_slice %arg20[%dma_start3A_141, %dma_start3A_143] : memref<16x128xf32, #tpu.memory_space<vmem>> -> memref<1x128xf32, #tpu.memory_space<vmem>>
    %dma_start3A_145 = tpu.memref_squeeze %dma_start3A_144 : memref<1x128xf32, #tpu.memory_space<vmem>> -> memref<128xf32, #tpu.memory_space<vmem>>
    %dma_start3A_146 = arith.constant 0 : i32
    %dma_start3A_147 = tpu.memref_slice %arg21[%dma_start3A_142, %dma_start3A_146] : memref<16x128xi32, #tpu.memory_space<vmem>> -> memref<1x128xi32, #tpu.memory_space<vmem>>
    %dma_start3A_148 = tpu.memref_squeeze %dma_start3A_147 : memref<1x128xi32, #tpu.memory_space<vmem>> -> memref<128xi32, #tpu.memory_space<vmem>>
    %dma_start3A_149 = arith.constant 0 : i32
    %dma_start3A_150 = tpu.memref_slice %arg10[%dma_start3A_149] : memref<16384xf32, #tpu.memory_space<vmem_shared>> -> memref<16384xf32, #tpu.memory_space<vmem_shared>>
    tpu.enqueue_indirect_dma source(%dma_start3A_145 : memref<128xf32, #tpu.memory_space<vmem>>) target(%dma_start3A_150 : memref<16384xf32, #tpu.memory_space<vmem_shared>>) offsets(%dma_start3A_148 : memref<128xi32, #tpu.memory_space<vmem>>) semaphore(%arg35 : memref<!tpu.dma_semaphore, #tpu.memory_space<semaphore_mem>>) {add = true}
    %dma_start3A_151 = arith.constant 4 : i32
    %dma_start3A_152 = arith.constant 4 : i32
    %dma_start3A_153 = arith.constant 0 : i32
    %dma_start3A_154 = tpu.memref_slice %arg19[%dma_start3A_151, %dma_start3A_153] : memref<16x128xf32, #tpu.memory_space<vmem>> -> memref<1x128xf32, #tpu.memory_space<vmem>>
    %dma_start3A_155 = tpu.memref_squeeze %dma_start3A_154 : memref<1x128xf32, #tpu.memory_space<vmem>> -> memref<128xf32, #tpu.memory_space<vmem>>
    %dma_start3A_156 = arith.constant 0 : i32
    %dma_start3A_157 = tpu.memref_slice %arg21[%dma_start3A_152, %dma_start3A_156] : memref<16x128xi32, #tpu.memory_space<vmem>> -> memref<1x128xi32, #tpu.memory_space<vmem>>
    %dma_start3A_158 = tpu.memref_squeeze %dma_start3A_157 : memref<1x128xi32, #tpu.memory_space<vmem>> -> memref<128xi32, #tpu.memory_space<vmem>>
    %dma_start3A_159 = arith.constant 0 : i32
    %dma_start3A_160 = tpu.memref_slice %arg11[%dma_start3A_159] : memref<16384xf32, #tpu.memory_space<vmem_shared>> -> memref<16384xf32, #tpu.memory_space<vmem_shared>>
    tpu.enqueue_indirect_dma source(%dma_start3A_155 : memref<128xf32, #tpu.memory_space<vmem>>) target(%dma_start3A_160 : memref<16384xf32, #tpu.memory_space<vmem_shared>>) offsets(%dma_start3A_158 : memref<128xi32, #tpu.memory_space<vmem>>) semaphore(%arg35 : memref<!tpu.dma_semaphore, #tpu.memory_space<semaphore_mem>>) {add = true}
    %dma_start3A_161 = arith.constant 5 : i32
    %dma_start3A_162 = arith.constant 5 : i32
    %dma_start3A_163 = arith.constant 0 : i32
    %dma_start3A_164 = tpu.memref_slice %arg20[%dma_start3A_161, %dma_start3A_163] : memref<16x128xf32, #tpu.memory_space<vmem>> -> memref<1x128xf32, #tpu.memory_space<vmem>>
    %dma_start3A_165 = tpu.memref_squeeze %dma_start3A_164 : memref<1x128xf32, #tpu.memory_space<vmem>> -> memref<128xf32, #tpu.memory_space<vmem>>
    %dma_start3A_166 = arith.constant 0 : i32
    %dma_start3A_167 = tpu.memref_slice %arg21[%dma_start3A_162, %dma_start3A_166] : memref<16x128xi32, #tpu.memory_space<vmem>> -> memref<1x128xi32, #tpu.memory_space<vmem>>
    %dma_start3A_168 = tpu.memref_squeeze %dma_start3A_167 : memref<1x128xi32, #tpu.memory_space<vmem>> -> memref<128xi32, #tpu.memory_space<vmem>>
    %dma_start3A_169 = arith.constant 0 : i32
    %dma_start3A_170 = tpu.memref_slice %arg10[%dma_start3A_169] : memref<16384xf32, #tpu.memory_space<vmem_shared>> -> memref<16384xf32, #tpu.memory_space<vmem_shared>>
    tpu.enqueue_indirect_dma source(%dma_start3A_165 : memref<128xf32, #tpu.memory_space<vmem>>) target(%dma_start3A_170 : memref<16384xf32, #tpu.memory_space<vmem_shared>>) offsets(%dma_start3A_168 : memref<128xi32, #tpu.memory_space<vmem>>) semaphore(%arg35 : memref<!tpu.dma_semaphore, #tpu.memory_space<semaphore_mem>>) {add = true}
    %dma_start3A_171 = arith.constant 5 : i32
    %dma_start3A_172 = arith.constant 5 : i32
    %dma_start3A_173 = arith.constant 0 : i32
    %dma_start3A_174 = tpu.memref_slice %arg19[%dma_start3A_171, %dma_start3A_173] : memref<16x128xf32, #tpu.memory_space<vmem>> -> memref<1x128xf32, #tpu.memory_space<vmem>>
    %dma_start3A_175 = tpu.memref_squeeze %dma_start3A_174 : memref<1x128xf32, #tpu.memory_space<vmem>> -> memref<128xf32, #tpu.memory_space<vmem>>
    %dma_start3A_176 = arith.constant 0 : i32
    %dma_start3A_177 = tpu.memref_slice %arg21[%dma_start3A_172, %dma_start3A_176] : memref<16x128xi32, #tpu.memory_space<vmem>> -> memref<1x128xi32, #tpu.memory_space<vmem>>
    %dma_start3A_178 = tpu.memref_squeeze %dma_start3A_177 : memref<1x128xi32, #tpu.memory_space<vmem>> -> memref<128xi32, #tpu.memory_space<vmem>>
    %dma_start3A_179 = arith.constant 0 : i32
    %dma_start3A_180 = tpu.memref_slice %arg11[%dma_start3A_179] : memref<16384xf32, #tpu.memory_space<vmem_shared>> -> memref<16384xf32, #tpu.memory_space<vmem_shared>>
    tpu.enqueue_indirect_dma source(%dma_start3A_175 : memref<128xf32, #tpu.memory_space<vmem>>) target(%dma_start3A_180 : memref<16384xf32, #tpu.memory_space<vmem_shared>>) offsets(%dma_start3A_178 : memref<128xi32, #tpu.memory_space<vmem>>) semaphore(%arg35 : memref<!tpu.dma_semaphore, #tpu.memory_space<semaphore_mem>>) {add = true}
    %dma_start3A_181 = arith.constant 6 : i32
    %dma_start3A_182 = arith.constant 6 : i32
    %dma_start3A_183 = arith.constant 0 : i32
    %dma_start3A_184 = tpu.memref_slice %arg20[%dma_start3A_181, %dma_start3A_183] : memref<16x128xf32, #tpu.memory_space<vmem>> -> memref<1x128xf32, #tpu.memory_space<vmem>>
    %dma_start3A_185 = tpu.memref_squeeze %dma_start3A_184 : memref<1x128xf32, #tpu.memory_space<vmem>> -> memref<128xf32, #tpu.memory_space<vmem>>
    %dma_start3A_186 = arith.constant 0 : i32
    %dma_start3A_187 = tpu.memref_slice %arg21[%dma_start3A_182, %dma_start3A_186] : memref<16x128xi32, #tpu.memory_space<vmem>> -> memref<1x128xi32, #tpu.memory_space<vmem>>
    %dma_start3A_188 = tpu.memref_squeeze %dma_start3A_187 : memref<1x128xi32, #tpu.memory_space<vmem>> -> memref<128xi32, #tpu.memory_space<vmem>>
    %dma_start3A_189 = arith.constant 0 : i32
    %dma_start3A_190 = tpu.memref_slice %arg10[%dma_start3A_189] : memref<16384xf32, #tpu.memory_space<vmem_shared>> -> memref<16384xf32, #tpu.memory_space<vmem_shared>>
    tpu.enqueue_indirect_dma source(%dma_start3A_185 : memref<128xf32, #tpu.memory_space<vmem>>) target(%dma_start3A_190 : memref<16384xf32, #tpu.memory_space<vmem_shared>>) offsets(%dma_start3A_188 : memref<128xi32, #tpu.memory_space<vmem>>) semaphore(%arg35 : memref<!tpu.dma_semaphore, #tpu.memory_space<semaphore_mem>>) {add = true}
    %dma_start3A_191 = arith.constant 6 : i32
    %dma_start3A_192 = arith.constant 6 : i32
    %dma_start3A_193 = arith.constant 0 : i32
    %dma_start3A_194 = tpu.memref_slice %arg19[%dma_start3A_191, %dma_start3A_193] : memref<16x128xf32, #tpu.memory_space<vmem>> -> memref<1x128xf32, #tpu.memory_space<vmem>>
    %dma_start3A_195 = tpu.memref_squeeze %dma_start3A_194 : memref<1x128xf32, #tpu.memory_space<vmem>> -> memref<128xf32, #tpu.memory_space<vmem>>
    %dma_start3A_196 = arith.constant 0 : i32
    %dma_start3A_197 = tpu.memref_slice %arg21[%dma_start3A_192, %dma_start3A_196] : memref<16x128xi32, #tpu.memory_space<vmem>> -> memref<1x128xi32, #tpu.memory_space<vmem>>
    %dma_start3A_198 = tpu.memref_squeeze %dma_start3A_197 : memref<1x128xi32, #tpu.memory_space<vmem>> -> memref<128xi32, #tpu.memory_space<vmem>>
    %dma_start3A_199 = arith.constant 0 : i32
    %dma_start3A_200 = tpu.memref_slice %arg11[%dma_start3A_199] : memref<16384xf32, #tpu.memory_space<vmem_shared>> -> memref<16384xf32, #tpu.memory_space<vmem_shared>>
    tpu.enqueue_indirect_dma source(%dma_start3A_195 : memref<128xf32, #tpu.memory_space<vmem>>) target(%dma_start3A_200 : memref<16384xf32, #tpu.memory_space<vmem_shared>>) offsets(%dma_start3A_198 : memref<128xi32, #tpu.memory_space<vmem>>) semaphore(%arg35 : memref<!tpu.dma_semaphore, #tpu.memory_space<semaphore_mem>>) {add = true}
    %dma_start3A_201 = arith.constant 7 : i32
    %dma_start3A_202 = arith.constant 7 : i32
    %dma_start3A_203 = arith.constant 0 : i32
    %dma_start3A_204 = tpu.memref_slice %arg20[%dma_start3A_201, %dma_start3A_203] : memref<16x128xf32, #tpu.memory_space<vmem>> -> memref<1x128xf32, #tpu.memory_space<vmem>>
    %dma_start3A_205 = tpu.memref_squeeze %dma_start3A_204 : memref<1x128xf32, #tpu.memory_space<vmem>> -> memref<128xf32, #tpu.memory_space<vmem>>
    %dma_start3A_206 = arith.constant 0 : i32
    %dma_start3A_207 = tpu.memref_slice %arg21[%dma_start3A_202, %dma_start3A_206] : memref<16x128xi32, #tpu.memory_space<vmem>> -> memref<1x128xi32, #tpu.memory_space<vmem>>
    %dma_start3A_208 = tpu.memref_squeeze %dma_start3A_207 : memref<1x128xi32, #tpu.memory_space<vmem>> -> memref<128xi32, #tpu.memory_space<vmem>>
    %dma_start3A_209 = arith.constant 0 : i32
    %dma_start3A_210 = tpu.memref_slice %arg10[%dma_start3A_209] : memref<16384xf32, #tpu.memory_space<vmem_shared>> -> memref<16384xf32, #tpu.memory_space<vmem_shared>>
    tpu.enqueue_indirect_dma source(%dma_start3A_205 : memref<128xf32, #tpu.memory_space<vmem>>) target(%dma_start3A_210 : memref<16384xf32, #tpu.memory_space<vmem_shared>>) offsets(%dma_start3A_208 : memref<128xi32, #tpu.memory_space<vmem>>) semaphore(%arg35 : memref<!tpu.dma_semaphore, #tpu.memory_space<semaphore_mem>>) {add = true}
    %dma_start3A_211 = arith.constant 7 : i32
    %dma_start3A_212 = arith.constant 7 : i32
    %dma_start3A_213 = arith.constant 0 : i32
    %dma_start3A_214 = tpu.memref_slice %arg19[%dma_start3A_211, %dma_start3A_213] : memref<16x128xf32, #tpu.memory_space<vmem>> -> memref<1x128xf32, #tpu.memory_space<vmem>>
    %dma_start3A_215 = tpu.memref_squeeze %dma_start3A_214 : memref<1x128xf32, #tpu.memory_space<vmem>> -> memref<128xf32, #tpu.memory_space<vmem>>
    %dma_start3A_216 = arith.constant 0 : i32
    %dma_start3A_217 = tpu.memref_slice %arg21[%dma_start3A_212, %dma_start3A_216] : memref<16x128xi32, #tpu.memory_space<vmem>> -> memref<1x128xi32, #tpu.memory_space<vmem>>
    %dma_start3A_218 = tpu.memref_squeeze %dma_start3A_217 : memref<1x128xi32, #tpu.memory_space<vmem>> -> memref<128xi32, #tpu.memory_space<vmem>>
    %dma_start3A_219 = arith.constant 0 : i32
    %dma_start3A_220 = tpu.memref_slice %arg11[%dma_start3A_219] : memref<16384xf32, #tpu.memory_space<vmem_shared>> -> memref<16384xf32, #tpu.memory_space<vmem_shared>>
    tpu.enqueue_indirect_dma source(%dma_start3A_215 : memref<128xf32, #tpu.memory_space<vmem>>) target(%dma_start3A_220 : memref<16384xf32, #tpu.memory_space<vmem_shared>>) offsets(%dma_start3A_218 : memref<128xi32, #tpu.memory_space<vmem>>) semaphore(%arg35 : memref<!tpu.dma_semaphore, #tpu.memory_space<semaphore_mem>>) {add = true}
    %dma_start3A_221 = arith.constant 8 : i32
    %dma_start3A_222 = arith.constant 8 : i32
    %dma_start3A_223 = arith.constant 0 : i32
    %dma_start3A_224 = tpu.memref_slice %arg20[%dma_start3A_221, %dma_start3A_223] : memref<16x128xf32, #tpu.memory_space<vmem>> -> memref<1x128xf32, #tpu.memory_space<vmem>>
    %dma_start3A_225 = tpu.memref_squeeze %dma_start3A_224 : memref<1x128xf32, #tpu.memory_space<vmem>> -> memref<128xf32, #tpu.memory_space<vmem>>
    %dma_start3A_226 = arith.constant 0 : i32
    %dma_start3A_227 = tpu.memref_slice %arg21[%dma_start3A_222, %dma_start3A_226] : memref<16x128xi32, #tpu.memory_space<vmem>> -> memref<1x128xi32, #tpu.memory_space<vmem>>
    %dma_start3A_228 = tpu.memref_squeeze %dma_start3A_227 : memref<1x128xi32, #tpu.memory_space<vmem>> -> memref<128xi32, #tpu.memory_space<vmem>>
    %dma_start3A_229 = arith.constant 0 : i32
    %dma_start3A_230 = tpu.memref_slice %arg10[%dma_start3A_229] : memref<16384xf32, #tpu.memory_space<vmem_shared>> -> memref<16384xf32, #tpu.memory_space<vmem_shared>>
    tpu.enqueue_indirect_dma source(%dma_start3A_225 : memref<128xf32, #tpu.memory_space<vmem>>) target(%dma_start3A_230 : memref<16384xf32, #tpu.memory_space<vmem_shared>>) offsets(%dma_start3A_228 : memref<128xi32, #tpu.memory_space<vmem>>) semaphore(%arg35 : memref<!tpu.dma_semaphore, #tpu.memory_space<semaphore_mem>>) {add = true}
    %dma_start3A_231 = arith.constant 8 : i32
    %dma_start3A_232 = arith.constant 8 : i32
    %dma_start3A_233 = arith.constant 0 : i32
    %dma_start3A_234 = tpu.memref_slice %arg19[%dma_start3A_231, %dma_start3A_233] : memref<16x128xf32, #tpu.memory_space<vmem>> -> memref<1x128xf32, #tpu.memory_space<vmem>>
    %dma_start3A_235 = tpu.memref_squeeze %dma_start3A_234 : memref<1x128xf32, #tpu.memory_space<vmem>> -> memref<128xf32, #tpu.memory_space<vmem>>
    %dma_start3A_236 = arith.constant 0 : i32
    %dma_start3A_237 = tpu.memref_slice %arg21[%dma_start3A_232, %dma_start3A_236] : memref<16x128xi32, #tpu.memory_space<vmem>> -> memref<1x128xi32, #tpu.memory_space<vmem>>
    %dma_start3A_238 = tpu.memref_squeeze %dma_start3A_237 : memref<1x128xi32, #tpu.memory_space<vmem>> -> memref<128xi32, #tpu.memory_space<vmem>>
    %dma_start3A_239 = arith.constant 0 : i32
    %dma_start3A_240 = tpu.memref_slice %arg11[%dma_start3A_239] : memref<16384xf32, #tpu.memory_space<vmem_shared>> -> memref<16384xf32, #tpu.memory_space<vmem_shared>>
    tpu.enqueue_indirect_dma source(%dma_start3A_235 : memref<128xf32, #tpu.memory_space<vmem>>) target(%dma_start3A_240 : memref<16384xf32, #tpu.memory_space<vmem_shared>>) offsets(%dma_start3A_238 : memref<128xi32, #tpu.memory_space<vmem>>) semaphore(%arg35 : memref<!tpu.dma_semaphore, #tpu.memory_space<semaphore_mem>>) {add = true}
    %dma_start3A_241 = arith.constant 9 : i32
    %dma_start3A_242 = arith.constant 9 : i32
    %dma_start3A_243 = arith.constant 0 : i32
    %dma_start3A_244 = tpu.memref_slice %arg20[%dma_start3A_241, %dma_start3A_243] : memref<16x128xf32, #tpu.memory_space<vmem>> -> memref<1x128xf32, #tpu.memory_space<vmem>>
    %dma_start3A_245 = tpu.memref_squeeze %dma_start3A_244 : memref<1x128xf32, #tpu.memory_space<vmem>> -> memref<128xf32, #tpu.memory_space<vmem>>
    %dma_start3A_246 = arith.constant 0 : i32
    %dma_start3A_247 = tpu.memref_slice %arg21[%dma_start3A_242, %dma_start3A_246] : memref<16x128xi32, #tpu.memory_space<vmem>> -> memref<1x128xi32, #tpu.memory_space<vmem>>
    %dma_start3A_248 = tpu.memref_squeeze %dma_start3A_247 : memref<1x128xi32, #tpu.memory_space<vmem>> -> memref<128xi32, #tpu.memory_space<vmem>>
    %dma_start3A_249 = arith.constant 0 : i32
    %dma_start3A_250 = tpu.memref_slice %arg10[%dma_start3A_249] : memref<16384xf32, #tpu.memory_space<vmem_shared>> -> memref<16384xf32, #tpu.memory_space<vmem_shared>>
    tpu.enqueue_indirect_dma source(%dma_start3A_245 : memref<128xf32, #tpu.memory_space<vmem>>) target(%dma_start3A_250 : memref<16384xf32, #tpu.memory_space<vmem_shared>>) offsets(%dma_start3A_248 : memref<128xi32, #tpu.memory_space<vmem>>) semaphore(%arg35 : memref<!tpu.dma_semaphore, #tpu.memory_space<semaphore_mem>>) {add = true}
    %dma_start3A_251 = arith.constant 9 : i32
    %dma_start3A_252 = arith.constant 9 : i32
    %dma_start3A_253 = arith.constant 0 : i32
    %dma_start3A_254 = tpu.memref_slice %arg19[%dma_start3A_251, %dma_start3A_253] : memref<16x128xf32, #tpu.memory_space<vmem>> -> memref<1x128xf32, #tpu.memory_space<vmem>>
    %dma_start3A_255 = tpu.memref_squeeze %dma_start3A_254 : memref<1x128xf32, #tpu.memory_space<vmem>> -> memref<128xf32, #tpu.memory_space<vmem>>
    %dma_start3A_256 = arith.constant 0 : i32
    %dma_start3A_257 = tpu.memref_slice %arg21[%dma_start3A_252, %dma_start3A_256] : memref<16x128xi32, #tpu.memory_space<vmem>> -> memref<1x128xi32, #tpu.memory_space<vmem>>
    %dma_start3A_258 = tpu.memref_squeeze %dma_start3A_257 : memref<1x128xi32, #tpu.memory_space<vmem>> -> memref<128xi32, #tpu.memory_space<vmem>>
    %dma_start3A_259 = arith.constant 0 : i32
    %dma_start3A_260 = tpu.memref_slice %arg11[%dma_start3A_259] : memref<16384xf32, #tpu.memory_space<vmem_shared>> -> memref<16384xf32, #tpu.memory_space<vmem_shared>>
    tpu.enqueue_indirect_dma source(%dma_start3A_255 : memref<128xf32, #tpu.memory_space<vmem>>) target(%dma_start3A_260 : memref<16384xf32, #tpu.memory_space<vmem_shared>>) offsets(%dma_start3A_258 : memref<128xi32, #tpu.memory_space<vmem>>) semaphore(%arg35 : memref<!tpu.dma_semaphore, #tpu.memory_space<semaphore_mem>>) {add = true}
    %dma_start3A_261 = arith.constant 10 : i32
    %dma_start3A_262 = arith.constant 10 : i32
    %dma_start3A_263 = arith.constant 0 : i32
    %dma_start3A_264 = tpu.memref_slice %arg20[%dma_start3A_261, %dma_start3A_263] : memref<16x128xf32, #tpu.memory_space<vmem>> -> memref<1x128xf32, #tpu.memory_space<vmem>>
    %dma_start3A_265 = tpu.memref_squeeze %dma_start3A_264 : memref<1x128xf32, #tpu.memory_space<vmem>> -> memref<128xf32, #tpu.memory_space<vmem>>
    %dma_start3A_266 = arith.constant 0 : i32
    %dma_start3A_267 = tpu.memref_slice %arg21[%dma_start3A_262, %dma_start3A_266] : memref<16x128xi32, #tpu.memory_space<vmem>> -> memref<1x128xi32, #tpu.memory_space<vmem>>
    %dma_start3A_268 = tpu.memref_squeeze %dma_start3A_267 : memref<1x128xi32, #tpu.memory_space<vmem>> -> memref<128xi32, #tpu.memory_space<vmem>>
    %dma_start3A_269 = arith.constant 0 : i32
    %dma_start3A_270 = tpu.memref_slice %arg10[%dma_start3A_269] : memref<16384xf32, #tpu.memory_space<vmem_shared>> -> memref<16384xf32, #tpu.memory_space<vmem_shared>>
    tpu.enqueue_indirect_dma source(%dma_start3A_265 : memref<128xf32, #tpu.memory_space<vmem>>) target(%dma_start3A_270 : memref<16384xf32, #tpu.memory_space<vmem_shared>>) offsets(%dma_start3A_268 : memref<128xi32, #tpu.memory_space<vmem>>) semaphore(%arg35 : memref<!tpu.dma_semaphore, #tpu.memory_space<semaphore_mem>>) {add = true}
    %dma_start3A_271 = arith.constant 10 : i32
    %dma_start3A_272 = arith.constant 10 : i32
    %dma_start3A_273 = arith.constant 0 : i32
    %dma_start3A_274 = tpu.memref_slice %arg19[%dma_start3A_271, %dma_start3A_273] : memref<16x128xf32, #tpu.memory_space<vmem>> -> memref<1x128xf32, #tpu.memory_space<vmem>>
    %dma_start3A_275 = tpu.memref_squeeze %dma_start3A_274 : memref<1x128xf32, #tpu.memory_space<vmem>> -> memref<128xf32, #tpu.memory_space<vmem>>
    %dma_start3A_276 = arith.constant 0 : i32
    %dma_start3A_277 = tpu.memref_slice %arg21[%dma_start3A_272, %dma_start3A_276] : memref<16x128xi32, #tpu.memory_space<vmem>> -> memref<1x128xi32, #tpu.memory_space<vmem>>
    %dma_start3A_278 = tpu.memref_squeeze %dma_start3A_277 : memref<1x128xi32, #tpu.memory_space<vmem>> -> memref<128xi32, #tpu.memory_space<vmem>>
    %dma_start3A_279 = arith.constant 0 : i32
    %dma_start3A_280 = tpu.memref_slice %arg11[%dma_start3A_279] : memref<16384xf32, #tpu.memory_space<vmem_shared>> -> memref<16384xf32, #tpu.memory_space<vmem_shared>>
    tpu.enqueue_indirect_dma source(%dma_start3A_275 : memref<128xf32, #tpu.memory_space<vmem>>) target(%dma_start3A_280 : memref<16384xf32, #tpu.memory_space<vmem_shared>>) offsets(%dma_start3A_278 : memref<128xi32, #tpu.memory_space<vmem>>) semaphore(%arg35 : memref<!tpu.dma_semaphore, #tpu.memory_space<semaphore_mem>>) {add = true}
    %dma_start3A_281 = arith.constant 11 : i32
    %dma_start3A_282 = arith.constant 11 : i32
    %dma_start3A_283 = arith.constant 0 : i32
    %dma_start3A_284 = tpu.memref_slice %arg20[%dma_start3A_281, %dma_start3A_283] : memref<16x128xf32, #tpu.memory_space<vmem>> -> memref<1x128xf32, #tpu.memory_space<vmem>>
    %dma_start3A_285 = tpu.memref_squeeze %dma_start3A_284 : memref<1x128xf32, #tpu.memory_space<vmem>> -> memref<128xf32, #tpu.memory_space<vmem>>
    %dma_start3A_286 = arith.constant 0 : i32
    %dma_start3A_287 = tpu.memref_slice %arg21[%dma_start3A_282, %dma_start3A_286] : memref<16x128xi32, #tpu.memory_space<vmem>> -> memref<1x128xi32, #tpu.memory_space<vmem>>
    %dma_start3A_288 = tpu.memref_squeeze %dma_start3A_287 : memref<1x128xi32, #tpu.memory_space<vmem>> -> memref<128xi32, #tpu.memory_space<vmem>>
    %dma_start3A_289 = arith.constant 0 : i32
    %dma_start3A_290 = tpu.memref_slice %arg10[%dma_start3A_289] : memref<16384xf32, #tpu.memory_space<vmem_shared>> -> memref<16384xf32, #tpu.memory_space<vmem_shared>>
    tpu.enqueue_indirect_dma source(%dma_start3A_285 : memref<128xf32, #tpu.memory_space<vmem>>) target(%dma_start3A_290 : memref<16384xf32, #tpu.memory_space<vmem_shared>>) offsets(%dma_start3A_288 : memref<128xi32, #tpu.memory_space<vmem>>) semaphore(%arg35 : memref<!tpu.dma_semaphore, #tpu.memory_space<semaphore_mem>>) {add = true}
    %dma_start3A_291 = arith.constant 11 : i32
    %dma_start3A_292 = arith.constant 11 : i32
    %dma_start3A_293 = arith.constant 0 : i32
    %dma_start3A_294 = tpu.memref_slice %arg19[%dma_start3A_291, %dma_start3A_293] : memref<16x128xf32, #tpu.memory_space<vmem>> -> memref<1x128xf32, #tpu.memory_space<vmem>>
    %dma_start3A_295 = tpu.memref_squeeze %dma_start3A_294 : memref<1x128xf32, #tpu.memory_space<vmem>> -> memref<128xf32, #tpu.memory_space<vmem>>
    %dma_start3A_296 = arith.constant 0 : i32
    %dma_start3A_297 = tpu.memref_slice %arg21[%dma_start3A_292, %dma_start3A_296] : memref<16x128xi32, #tpu.memory_space<vmem>> -> memref<1x128xi32, #tpu.memory_space<vmem>>
    %dma_start3A_298 = tpu.memref_squeeze %dma_start3A_297 : memref<1x128xi32, #tpu.memory_space<vmem>> -> memref<128xi32, #tpu.memory_space<vmem>>
    %dma_start3A_299 = arith.constant 0 : i32
    %dma_start3A_300 = tpu.memref_slice %arg11[%dma_start3A_299] : memref<16384xf32, #tpu.memory_space<vmem_shared>> -> memref<16384xf32, #tpu.memory_space<vmem_shared>>
    tpu.enqueue_indirect_dma source(%dma_start3A_295 : memref<128xf32, #tpu.memory_space<vmem>>) target(%dma_start3A_300 : memref<16384xf32, #tpu.memory_space<vmem_shared>>) offsets(%dma_start3A_298 : memref<128xi32, #tpu.memory_space<vmem>>) semaphore(%arg35 : memref<!tpu.dma_semaphore, #tpu.memory_space<semaphore_mem>>) {add = true}
    %dma_start3A_301 = arith.constant 12 : i32
    %dma_start3A_302 = arith.constant 12 : i32
    %dma_start3A_303 = arith.constant 0 : i32
    %dma_start3A_304 = tpu.memref_slice %arg20[%dma_start3A_301, %dma_start3A_303] : memref<16x128xf32, #tpu.memory_space<vmem>> -> memref<1x128xf32, #tpu.memory_space<vmem>>
    %dma_start3A_305 = tpu.memref_squeeze %dma_start3A_304 : memref<1x128xf32, #tpu.memory_space<vmem>> -> memref<128xf32, #tpu.memory_space<vmem>>
    %dma_start3A_306 = arith.constant 0 : i32
    %dma_start3A_307 = tpu.memref_slice %arg21[%dma_start3A_302, %dma_start3A_306] : memref<16x128xi32, #tpu.memory_space<vmem>> -> memref<1x128xi32, #tpu.memory_space<vmem>>
    %dma_start3A_308 = tpu.memref_squeeze %dma_start3A_307 : memref<1x128xi32, #tpu.memory_space<vmem>> -> memref<128xi32, #tpu.memory_space<vmem>>
    %dma_start3A_309 = arith.constant 0 : i32
    %dma_start3A_310 = tpu.memref_slice %arg10[%dma_start3A_309] : memref<16384xf32, #tpu.memory_space<vmem_shared>> -> memref<16384xf32, #tpu.memory_space<vmem_shared>>
    tpu.enqueue_indirect_dma source(%dma_start3A_305 : memref<128xf32, #tpu.memory_space<vmem>>) target(%dma_start3A_310 : memref<16384xf32, #tpu.memory_space<vmem_shared>>) offsets(%dma_start3A_308 : memref<128xi32, #tpu.memory_space<vmem>>) semaphore(%arg35 : memref<!tpu.dma_semaphore, #tpu.memory_space<semaphore_mem>>) {add = true}
    %dma_start3A_311 = arith.constant 12 : i32
    %dma_start3A_312 = arith.constant 12 : i32
    %dma_start3A_313 = arith.constant 0 : i32
    %dma_start3A_314 = tpu.memref_slice %arg19[%dma_start3A_311, %dma_start3A_313] : memref<16x128xf32, #tpu.memory_space<vmem>> -> memref<1x128xf32, #tpu.memory_space<vmem>>
    %dma_start3A_315 = tpu.memref_squeeze %dma_start3A_314 : memref<1x128xf32, #tpu.memory_space<vmem>> -> memref<128xf32, #tpu.memory_space<vmem>>
    %dma_start3A_316 = arith.constant 0 : i32
    %dma_start3A_317 = tpu.memref_slice %arg21[%dma_start3A_312, %dma_start3A_316] : memref<16x128xi32, #tpu.memory_space<vmem>> -> memref<1x128xi32, #tpu.memory_space<vmem>>
    %dma_start3A_318 = tpu.memref_squeeze %dma_start3A_317 : memref<1x128xi32, #tpu.memory_space<vmem>> -> memref<128xi32, #tpu.memory_space<vmem>>
    %dma_start3A_319 = arith.constant 0 : i32
    %dma_start3A_320 = tpu.memref_slice %arg11[%dma_start3A_319] : memref<16384xf32, #tpu.memory_space<vmem_shared>> -> memref<16384xf32, #tpu.memory_space<vmem_shared>>
    tpu.enqueue_indirect_dma source(%dma_start3A_315 : memref<128xf32, #tpu.memory_space<vmem>>) target(%dma_start3A_320 : memref<16384xf32, #tpu.memory_space<vmem_shared>>) offsets(%dma_start3A_318 : memref<128xi32, #tpu.memory_space<vmem>>) semaphore(%arg35 : memref<!tpu.dma_semaphore, #tpu.memory_space<semaphore_mem>>) {add = true}
    %dma_start3A_321 = arith.constant 13 : i32
    %dma_start3A_322 = arith.constant 13 : i32
    %dma_start3A_323 = arith.constant 0 : i32
    %dma_start3A_324 = tpu.memref_slice %arg20[%dma_start3A_321, %dma_start3A_323] : memref<16x128xf32, #tpu.memory_space<vmem>> -> memref<1x128xf32, #tpu.memory_space<vmem>>
    %dma_start3A_325 = tpu.memref_squeeze %dma_start3A_324 : memref<1x128xf32, #tpu.memory_space<vmem>> -> memref<128xf32, #tpu.memory_space<vmem>>
    %dma_start3A_326 = arith.constant 0 : i32
    %dma_start3A_327 = tpu.memref_slice %arg21[%dma_start3A_322, %dma_start3A_326] : memref<16x128xi32, #tpu.memory_space<vmem>> -> memref<1x128xi32, #tpu.memory_space<vmem>>
    %dma_start3A_328 = tpu.memref_squeeze %dma_start3A_327 : memref<1x128xi32, #tpu.memory_space<vmem>> -> memref<128xi32, #tpu.memory_space<vmem>>
    %dma_start3A_329 = arith.constant 0 : i32
    %dma_start3A_330 = tpu.memref_slice %arg10[%dma_start3A_329] : memref<16384xf32, #tpu.memory_space<vmem_shared>> -> memref<16384xf32, #tpu.memory_space<vmem_shared>>
    tpu.enqueue_indirect_dma source(%dma_start3A_325 : memref<128xf32, #tpu.memory_space<vmem>>) target(%dma_start3A_330 : memref<16384xf32, #tpu.memory_space<vmem_shared>>) offsets(%dma_start3A_328 : memref<128xi32, #tpu.memory_space<vmem>>) semaphore(%arg35 : memref<!tpu.dma_semaphore, #tpu.memory_space<semaphore_mem>>) {add = true}
    %dma_start3A_331 = arith.constant 13 : i32
    %dma_start3A_332 = arith.constant 13 : i32
    %dma_start3A_333 = arith.constant 0 : i32
    %dma_start3A_334 = tpu.memref_slice %arg19[%dma_start3A_331, %dma_start3A_333] : memref<16x128xf32, #tpu.memory_space<vmem>> -> memref<1x128xf32, #tpu.memory_space<vmem>>
    %dma_start3A_335 = tpu.memref_squeeze %dma_start3A_334 : memref<1x128xf32, #tpu.memory_space<vmem>> -> memref<128xf32, #tpu.memory_space<vmem>>
    %dma_start3A_336 = arith.constant 0 : i32
    %dma_start3A_337 = tpu.memref_slice %arg21[%dma_start3A_332, %dma_start3A_336] : memref<16x128xi32, #tpu.memory_space<vmem>> -> memref<1x128xi32, #tpu.memory_space<vmem>>
    %dma_start3A_338 = tpu.memref_squeeze %dma_start3A_337 : memref<1x128xi32, #tpu.memory_space<vmem>> -> memref<128xi32, #tpu.memory_space<vmem>>
    %dma_start3A_339 = arith.constant 0 : i32
    %dma_start3A_340 = tpu.memref_slice %arg11[%dma_start3A_339] : memref<16384xf32, #tpu.memory_space<vmem_shared>> -> memref<16384xf32, #tpu.memory_space<vmem_shared>>
    tpu.enqueue_indirect_dma source(%dma_start3A_335 : memref<128xf32, #tpu.memory_space<vmem>>) target(%dma_start3A_340 : memref<16384xf32, #tpu.memory_space<vmem_shared>>) offsets(%dma_start3A_338 : memref<128xi32, #tpu.memory_space<vmem>>) semaphore(%arg35 : memref<!tpu.dma_semaphore, #tpu.memory_space<semaphore_mem>>) {add = true}
    %dma_start3A_341 = arith.constant 14 : i32
    %dma_start3A_342 = arith.constant 14 : i32
    %dma_start3A_343 = arith.constant 0 : i32
    %dma_start3A_344 = tpu.memref_slice %arg20[%dma_start3A_341, %dma_start3A_343] : memref<16x128xf32, #tpu.memory_space<vmem>> -> memref<1x128xf32, #tpu.memory_space<vmem>>
    %dma_start3A_345 = tpu.memref_squeeze %dma_start3A_344 : memref<1x128xf32, #tpu.memory_space<vmem>> -> memref<128xf32, #tpu.memory_space<vmem>>
    %dma_start3A_346 = arith.constant 0 : i32
    %dma_start3A_347 = tpu.memref_slice %arg21[%dma_start3A_342, %dma_start3A_346] : memref<16x128xi32, #tpu.memory_space<vmem>> -> memref<1x128xi32, #tpu.memory_space<vmem>>
    %dma_start3A_348 = tpu.memref_squeeze %dma_start3A_347 : memref<1x128xi32, #tpu.memory_space<vmem>> -> memref<128xi32, #tpu.memory_space<vmem>>
    %dma_start3A_349 = arith.constant 0 : i32
    %dma_start3A_350 = tpu.memref_slice %arg10[%dma_start3A_349] : memref<16384xf32, #tpu.memory_space<vmem_shared>> -> memref<16384xf32, #tpu.memory_space<vmem_shared>>
    tpu.enqueue_indirect_dma source(%dma_start3A_345 : memref<128xf32, #tpu.memory_space<vmem>>) target(%dma_start3A_350 : memref<16384xf32, #tpu.memory_space<vmem_shared>>) offsets(%dma_start3A_348 : memref<128xi32, #tpu.memory_space<vmem>>) semaphore(%arg35 : memref<!tpu.dma_semaphore, #tpu.memory_space<semaphore_mem>>) {add = true}
    %dma_start3A_351 = arith.constant 14 : i32
    %dma_start3A_352 = arith.constant 14 : i32
    %dma_start3A_353 = arith.constant 0 : i32
    %dma_start3A_354 = tpu.memref_slice %arg19[%dma_start3A_351, %dma_start3A_353] : memref<16x128xf32, #tpu.memory_space<vmem>> -> memref<1x128xf32, #tpu.memory_space<vmem>>
    %dma_start3A_355 = tpu.memref_squeeze %dma_start3A_354 : memref<1x128xf32, #tpu.memory_space<vmem>> -> memref<128xf32, #tpu.memory_space<vmem>>
    %dma_start3A_356 = arith.constant 0 : i32
    %dma_start3A_357 = tpu.memref_slice %arg21[%dma_start3A_352, %dma_start3A_356] : memref<16x128xi32, #tpu.memory_space<vmem>> -> memref<1x128xi32, #tpu.memory_space<vmem>>
    %dma_start3A_358 = tpu.memref_squeeze %dma_start3A_357 : memref<1x128xi32, #tpu.memory_space<vmem>> -> memref<128xi32, #tpu.memory_space<vmem>>
    %dma_start3A_359 = arith.constant 0 : i32
    %dma_start3A_360 = tpu.memref_slice %arg11[%dma_start3A_359] : memref<16384xf32, #tpu.memory_space<vmem_shared>> -> memref<16384xf32, #tpu.memory_space<vmem_shared>>
    tpu.enqueue_indirect_dma source(%dma_start3A_355 : memref<128xf32, #tpu.memory_space<vmem>>) target(%dma_start3A_360 : memref<16384xf32, #tpu.memory_space<vmem_shared>>) offsets(%dma_start3A_358 : memref<128xi32, #tpu.memory_space<vmem>>) semaphore(%arg35 : memref<!tpu.dma_semaphore, #tpu.memory_space<semaphore_mem>>) {add = true}
    %dma_start3A_361 = arith.constant 15 : i32
    %dma_start3A_362 = arith.constant 15 : i32
    %dma_start3A_363 = arith.constant 0 : i32
    %dma_start3A_364 = tpu.memref_slice %arg20[%dma_start3A_361, %dma_start3A_363] : memref<16x128xf32, #tpu.memory_space<vmem>> -> memref<1x128xf32, #tpu.memory_space<vmem>>
    %dma_start3A_365 = tpu.memref_squeeze %dma_start3A_364 : memref<1x128xf32, #tpu.memory_space<vmem>> -> memref<128xf32, #tpu.memory_space<vmem>>
    %dma_start3A_366 = arith.constant 0 : i32
    %dma_start3A_367 = tpu.memref_slice %arg21[%dma_start3A_362, %dma_start3A_366] : memref<16x128xi32, #tpu.memory_space<vmem>> -> memref<1x128xi32, #tpu.memory_space<vmem>>
    %dma_start3A_368 = tpu.memref_squeeze %dma_start3A_367 : memref<1x128xi32, #tpu.memory_space<vmem>> -> memref<128xi32, #tpu.memory_space<vmem>>
    %dma_start3A_369 = arith.constant 0 : i32
    %dma_start3A_370 = tpu.memref_slice %arg10[%dma_start3A_369] : memref<16384xf32, #tpu.memory_space<vmem_shared>> -> memref<16384xf32, #tpu.memory_space<vmem_shared>>
    tpu.enqueue_indirect_dma source(%dma_start3A_365 : memref<128xf32, #tpu.memory_space<vmem>>) target(%dma_start3A_370 : memref<16384xf32, #tpu.memory_space<vmem_shared>>) offsets(%dma_start3A_368 : memref<128xi32, #tpu.memory_space<vmem>>) semaphore(%arg35 : memref<!tpu.dma_semaphore, #tpu.memory_space<semaphore_mem>>) {add = true}
    %dma_start3A_371 = arith.constant 15 : i32
    %dma_start3A_372 = arith.constant 15 : i32
    %dma_start3A_373 = arith.constant 0 : i32
    %dma_start3A_374 = tpu.memref_slice %arg19[%dma_start3A_371, %dma_start3A_373] : memref<16x128xf32, #tpu.memory_space<vmem>> -> memref<1x128xf32, #tpu.memory_space<vmem>>
    %dma_start3A_375 = tpu.memref_squeeze %dma_start3A_374 : memref<1x128xf32, #tpu.memory_space<vmem>> -> memref<128xf32, #tpu.memory_space<vmem>>
    %dma_start3A_376 = arith.constant 0 : i32
    %dma_start3A_377 = tpu.memref_slice %arg21[%dma_start3A_372, %dma_start3A_376] : memref<16x128xi32, #tpu.memory_space<vmem>> -> memref<1x128xi32, #tpu.memory_space<vmem>>
    %dma_start3A_378 = tpu.memref_squeeze %dma_start3A_377 : memref<1x128xi32, #tpu.memory_space<vmem>> -> memref<128xi32, #tpu.memory_space<vmem>>
    %dma_start3A_379 = arith.constant 0 : i32
    %dma_start3A_380 = tpu.memref_slice %arg11[%dma_start3A_379] : memref<16384xf32, #tpu.memory_space<vmem_shared>> -> memref<16384xf32, #tpu.memory_space<vmem_shared>>
    tpu.enqueue_indirect_dma source(%dma_start3A_375 : memref<128xf32, #tpu.memory_space<vmem>>) target(%dma_start3A_380 : memref<16384xf32, #tpu.memory_space<vmem_shared>>) offsets(%dma_start3A_378 : memref<128xi32, #tpu.memory_space<vmem>>) semaphore(%arg35 : memref<!tpu.dma_semaphore, #tpu.memory_space<semaphore_mem>>) {add = true}
    %dma_wait3A_381 = arith.constant 0 : i32
    %dma_wait3A_382 = arith.constant 0 : i32
    %dma_wait3A_383 = arith.constant 0 : i32
    %dma_wait3A_384 = tpu.memref_slice %arg20[%dma_wait3A_381, %dma_wait3A_383] : memref<16x128xf32, #tpu.memory_space<vmem>> -> memref<1x128xf32, #tpu.memory_space<vmem>>
    %dma_wait3A_385 = tpu.memref_squeeze %dma_wait3A_384 : memref<1x128xf32, #tpu.memory_space<vmem>> -> memref<128xf32, #tpu.memory_space<vmem>>
    %dma_wait3A_386 = arith.constant 0 : i32
    %dma_wait3A_387 = tpu.memref_slice %arg21[%dma_wait3A_382, %dma_wait3A_386] : memref<16x128xi32, #tpu.memory_space<vmem>> -> memref<1x128xi32, #tpu.memory_space<vmem>>
    %dma_wait3A_388 = tpu.memref_squeeze %dma_wait3A_387 : memref<1x128xi32, #tpu.memory_space<vmem>> -> memref<128xi32, #tpu.memory_space<vmem>>
    %dma_wait3A_389 = arith.constant 0 : i32
    %dma_wait3A_390 = tpu.memref_slice %arg10[%dma_wait3A_389] : memref<16384xf32, #tpu.memory_space<vmem_shared>> -> memref<16384xf32, #tpu.memory_space<vmem_shared>>
    tpu.wait_indirect_dma semaphore(%arg35 : memref<!tpu.dma_semaphore, #tpu.memory_space<semaphore_mem>>) src(%dma_wait3A_385 : memref<128xf32, #tpu.memory_space<vmem>>) dst(%dma_wait3A_390 : memref<16384xf32, #tpu.memory_space<vmem_shared>>)
    %dma_wait3A_391 = arith.constant 0 : i32
    %dma_wait3A_392 = arith.constant 0 : i32
    %dma_wait3A_393 = arith.constant 0 : i32
    %dma_wait3A_394 = tpu.memref_slice %arg19[%dma_wait3A_391, %dma_wait3A_393] : memref<16x128xf32, #tpu.memory_space<vmem>> -> memref<1x128xf32, #tpu.memory_space<vmem>>
    %dma_wait3A_395 = tpu.memref_squeeze %dma_wait3A_394 : memref<1x128xf32, #tpu.memory_space<vmem>> -> memref<128xf32, #tpu.memory_space<vmem>>
    %dma_wait3A_396 = arith.constant 0 : i32
    %dma_wait3A_397 = tpu.memref_slice %arg21[%dma_wait3A_392, %dma_wait3A_396] : memref<16x128xi32, #tpu.memory_space<vmem>> -> memref<1x128xi32, #tpu.memory_space<vmem>>
    %dma_wait3A_398 = tpu.memref_squeeze %dma_wait3A_397 : memref<1x128xi32, #tpu.memory_space<vmem>> -> memref<128xi32, #tpu.memory_space<vmem>>
    %dma_wait3A_399 = arith.constant 0 : i32
    %dma_wait3A_400 = tpu.memref_slice %arg11[%dma_wait3A_399] : memref<16384xf32, #tpu.memory_space<vmem_shared>> -> memref<16384xf32, #tpu.memory_space<vmem_shared>>
    tpu.wait_indirect_dma semaphore(%arg35 : memref<!tpu.dma_semaphore, #tpu.memory_space<semaphore_mem>>) src(%dma_wait3A_395 : memref<128xf32, #tpu.memory_space<vmem>>) dst(%dma_wait3A_400 : memref<16384xf32, #tpu.memory_space<vmem_shared>>)
    %dma_wait3A_401 = arith.constant 1 : i32
    %dma_wait3A_402 = arith.constant 1 : i32
    %dma_wait3A_403 = arith.constant 0 : i32
    %dma_wait3A_404 = tpu.memref_slice %arg20[%dma_wait3A_401, %dma_wait3A_403] : memref<16x128xf32, #tpu.memory_space<vmem>> -> memref<1x128xf32, #tpu.memory_space<vmem>>
    %dma_wait3A_405 = tpu.memref_squeeze %dma_wait3A_404 : memref<1x128xf32, #tpu.memory_space<vmem>> -> memref<128xf32, #tpu.memory_space<vmem>>
    %dma_wait3A_406 = arith.constant 0 : i32
    %dma_wait3A_407 = tpu.memref_slice %arg21[%dma_wait3A_402, %dma_wait3A_406] : memref<16x128xi32, #tpu.memory_space<vmem>> -> memref<1x128xi32, #tpu.memory_space<vmem>>
    %dma_wait3A_408 = tpu.memref_squeeze %dma_wait3A_407 : memref<1x128xi32, #tpu.memory_space<vmem>> -> memref<128xi32, #tpu.memory_space<vmem>>
    %dma_wait3A_409 = arith.constant 0 : i32
    %dma_wait3A_410 = tpu.memref_slice %arg10[%dma_wait3A_409] : memref<16384xf32, #tpu.memory_space<vmem_shared>> -> memref<16384xf32, #tpu.memory_space<vmem_shared>>
    tpu.wait_indirect_dma semaphore(%arg35 : memref<!tpu.dma_semaphore, #tpu.memory_space<semaphore_mem>>) src(%dma_wait3A_405 : memref<128xf32, #tpu.memory_space<vmem>>) dst(%dma_wait3A_410 : memref<16384xf32, #tpu.memory_space<vmem_shared>>)
    %dma_wait3A_411 = arith.constant 1 : i32
    %dma_wait3A_412 = arith.constant 1 : i32
    %dma_wait3A_413 = arith.constant 0 : i32
    %dma_wait3A_414 = tpu.memref_slice %arg19[%dma_wait3A_411, %dma_wait3A_413] : memref<16x128xf32, #tpu.memory_space<vmem>> -> memref<1x128xf32, #tpu.memory_space<vmem>>
    %dma_wait3A_415 = tpu.memref_squeeze %dma_wait3A_414 : memref<1x128xf32, #tpu.memory_space<vmem>> -> memref<128xf32, #tpu.memory_space<vmem>>
    %dma_wait3A_416 = arith.constant 0 : i32
    %dma_wait3A_417 = tpu.memref_slice %arg21[%dma_wait3A_412, %dma_wait3A_416] : memref<16x128xi32, #tpu.memory_space<vmem>> -> memref<1x128xi32, #tpu.memory_space<vmem>>
    %dma_wait3A_418 = tpu.memref_squeeze %dma_wait3A_417 : memref<1x128xi32, #tpu.memory_space<vmem>> -> memref<128xi32, #tpu.memory_space<vmem>>
    %dma_wait3A_419 = arith.constant 0 : i32
    %dma_wait3A_420 = tpu.memref_slice %arg11[%dma_wait3A_419] : memref<16384xf32, #tpu.memory_space<vmem_shared>> -> memref<16384xf32, #tpu.memory_space<vmem_shared>>
    tpu.wait_indirect_dma semaphore(%arg35 : memref<!tpu.dma_semaphore, #tpu.memory_space<semaphore_mem>>) src(%dma_wait3A_415 : memref<128xf32, #tpu.memory_space<vmem>>) dst(%dma_wait3A_420 : memref<16384xf32, #tpu.memory_space<vmem_shared>>)
    %dma_wait3A_421 = arith.constant 2 : i32
    %dma_wait3A_422 = arith.constant 2 : i32
    %dma_wait3A_423 = arith.constant 0 : i32
    %dma_wait3A_424 = tpu.memref_slice %arg20[%dma_wait3A_421, %dma_wait3A_423] : memref<16x128xf32, #tpu.memory_space<vmem>> -> memref<1x128xf32, #tpu.memory_space<vmem>>
    %dma_wait3A_425 = tpu.memref_squeeze %dma_wait3A_424 : memref<1x128xf32, #tpu.memory_space<vmem>> -> memref<128xf32, #tpu.memory_space<vmem>>
    %dma_wait3A_426 = arith.constant 0 : i32
    %dma_wait3A_427 = tpu.memref_slice %arg21[%dma_wait3A_422, %dma_wait3A_426] : memref<16x128xi32, #tpu.memory_space<vmem>> -> memref<1x128xi32, #tpu.memory_space<vmem>>
    %dma_wait3A_428 = tpu.memref_squeeze %dma_wait3A_427 : memref<1x128xi32, #tpu.memory_space<vmem>> -> memref<128xi32, #tpu.memory_space<vmem>>
    %dma_wait3A_429 = arith.constant 0 : i32
    %dma_wait3A_430 = tpu.memref_slice %arg10[%dma_wait3A_429] : memref<16384xf32, #tpu.memory_space<vmem_shared>> -> memref<16384xf32, #tpu.memory_space<vmem_shared>>
    tpu.wait_indirect_dma semaphore(%arg35 : memref<!tpu.dma_semaphore, #tpu.memory_space<semaphore_mem>>) src(%dma_wait3A_425 : memref<128xf32, #tpu.memory_space<vmem>>) dst(%dma_wait3A_430 : memref<16384xf32, #tpu.memory_space<vmem_shared>>)
    %dma_wait3A_431 = arith.constant 2 : i32
    %dma_wait3A_432 = arith.constant 2 : i32
    %dma_wait3A_433 = arith.constant 0 : i32
    %dma_wait3A_434 = tpu.memref_slice %arg19[%dma_wait3A_431, %dma_wait3A_433] : memref<16x128xf32, #tpu.memory_space<vmem>> -> memref<1x128xf32, #tpu.memory_space<vmem>>
    %dma_wait3A_435 = tpu.memref_squeeze %dma_wait3A_434 : memref<1x128xf32, #tpu.memory_space<vmem>> -> memref<128xf32, #tpu.memory_space<vmem>>
    %dma_wait3A_436 = arith.constant 0 : i32
    %dma_wait3A_437 = tpu.memref_slice %arg21[%dma_wait3A_432, %dma_wait3A_436] : memref<16x128xi32, #tpu.memory_space<vmem>> -> memref<1x128xi32, #tpu.memory_space<vmem>>
    %dma_wait3A_438 = tpu.memref_squeeze %dma_wait3A_437 : memref<1x128xi32, #tpu.memory_space<vmem>> -> memref<128xi32, #tpu.memory_space<vmem>>
    %dma_wait3A_439 = arith.constant 0 : i32
    %dma_wait3A_440 = tpu.memref_slice %arg11[%dma_wait3A_439] : memref<16384xf32, #tpu.memory_space<vmem_shared>> -> memref<16384xf32, #tpu.memory_space<vmem_shared>>
    tpu.wait_indirect_dma semaphore(%arg35 : memref<!tpu.dma_semaphore, #tpu.memory_space<semaphore_mem>>) src(%dma_wait3A_435 : memref<128xf32, #tpu.memory_space<vmem>>) dst(%dma_wait3A_440 : memref<16384xf32, #tpu.memory_space<vmem_shared>>)
    %dma_wait3A_441 = arith.constant 3 : i32
    %dma_wait3A_442 = arith.constant 3 : i32
    %dma_wait3A_443 = arith.constant 0 : i32
    %dma_wait3A_444 = tpu.memref_slice %arg20[%dma_wait3A_441, %dma_wait3A_443] : memref<16x128xf32, #tpu.memory_space<vmem>> -> memref<1x128xf32, #tpu.memory_space<vmem>>
    %dma_wait3A_445 = tpu.memref_squeeze %dma_wait3A_444 : memref<1x128xf32, #tpu.memory_space<vmem>> -> memref<128xf32, #tpu.memory_space<vmem>>
    %dma_wait3A_446 = arith.constant 0 : i32
    %dma_wait3A_447 = tpu.memref_slice %arg21[%dma_wait3A_442, %dma_wait3A_446] : memref<16x128xi32, #tpu.memory_space<vmem>> -> memref<1x128xi32, #tpu.memory_space<vmem>>
    %dma_wait3A_448 = tpu.memref_squeeze %dma_wait3A_447 : memref<1x128xi32, #tpu.memory_space<vmem>> -> memref<128xi32, #tpu.memory_space<vmem>>
    %dma_wait3A_449 = arith.constant 0 : i32
    %dma_wait3A_450 = tpu.memref_slice %arg10[%dma_wait3A_449] : memref<16384xf32, #tpu.memory_space<vmem_shared>> -> memref<16384xf32, #tpu.memory_space<vmem_shared>>
    tpu.wait_indirect_dma semaphore(%arg35 : memref<!tpu.dma_semaphore, #tpu.memory_space<semaphore_mem>>) src(%dma_wait3A_445 : memref<128xf32, #tpu.memory_space<vmem>>) dst(%dma_wait3A_450 : memref<16384xf32, #tpu.memory_space<vmem_shared>>)
    %dma_wait3A_451 = arith.constant 3 : i32
    %dma_wait3A_452 = arith.constant 3 : i32
    %dma_wait3A_453 = arith.constant 0 : i32
    %dma_wait3A_454 = tpu.memref_slice %arg19[%dma_wait3A_451, %dma_wait3A_453] : memref<16x128xf32, #tpu.memory_space<vmem>> -> memref<1x128xf32, #tpu.memory_space<vmem>>
    %dma_wait3A_455 = tpu.memref_squeeze %dma_wait3A_454 : memref<1x128xf32, #tpu.memory_space<vmem>> -> memref<128xf32, #tpu.memory_space<vmem>>
    %dma_wait3A_456 = arith.constant 0 : i32
    %dma_wait3A_457 = tpu.memref_slice %arg21[%dma_wait3A_452, %dma_wait3A_456] : memref<16x128xi32, #tpu.memory_space<vmem>> -> memref<1x128xi32, #tpu.memory_space<vmem>>
    %dma_wait3A_458 = tpu.memref_squeeze %dma_wait3A_457 : memref<1x128xi32, #tpu.memory_space<vmem>> -> memref<128xi32, #tpu.memory_space<vmem>>
    %dma_wait3A_459 = arith.constant 0 : i32
    %dma_wait3A_460 = tpu.memref_slice %arg11[%dma_wait3A_459] : memref<16384xf32, #tpu.memory_space<vmem_shared>> -> memref<16384xf32, #tpu.memory_space<vmem_shared>>
    tpu.wait_indirect_dma semaphore(%arg35 : memref<!tpu.dma_semaphore, #tpu.memory_space<semaphore_mem>>) src(%dma_wait3A_455 : memref<128xf32, #tpu.memory_space<vmem>>) dst(%dma_wait3A_460 : memref<16384xf32, #tpu.memory_space<vmem_shared>>)
    %dma_wait3A_461 = arith.constant 4 : i32
    %dma_wait3A_462 = arith.constant 4 : i32
    %dma_wait3A_463 = arith.constant 0 : i32
    %dma_wait3A_464 = tpu.memref_slice %arg20[%dma_wait3A_461, %dma_wait3A_463] : memref<16x128xf32, #tpu.memory_space<vmem>> -> memref<1x128xf32, #tpu.memory_space<vmem>>
    %dma_wait3A_465 = tpu.memref_squeeze %dma_wait3A_464 : memref<1x128xf32, #tpu.memory_space<vmem>> -> memref<128xf32, #tpu.memory_space<vmem>>
    %dma_wait3A_466 = arith.constant 0 : i32
    %dma_wait3A_467 = tpu.memref_slice %arg21[%dma_wait3A_462, %dma_wait3A_466] : memref<16x128xi32, #tpu.memory_space<vmem>> -> memref<1x128xi32, #tpu.memory_space<vmem>>
    %dma_wait3A_468 = tpu.memref_squeeze %dma_wait3A_467 : memref<1x128xi32, #tpu.memory_space<vmem>> -> memref<128xi32, #tpu.memory_space<vmem>>
    %dma_wait3A_469 = arith.constant 0 : i32
    %dma_wait3A_470 = tpu.memref_slice %arg10[%dma_wait3A_469] : memref<16384xf32, #tpu.memory_space<vmem_shared>> -> memref<16384xf32, #tpu.memory_space<vmem_shared>>
    tpu.wait_indirect_dma semaphore(%arg35 : memref<!tpu.dma_semaphore, #tpu.memory_space<semaphore_mem>>) src(%dma_wait3A_465 : memref<128xf32, #tpu.memory_space<vmem>>) dst(%dma_wait3A_470 : memref<16384xf32, #tpu.memory_space<vmem_shared>>)
    %dma_wait3A_471 = arith.constant 4 : i32
    %dma_wait3A_472 = arith.constant 4 : i32
    %dma_wait3A_473 = arith.constant 0 : i32
    %dma_wait3A_474 = tpu.memref_slice %arg19[%dma_wait3A_471, %dma_wait3A_473] : memref<16x128xf32, #tpu.memory_space<vmem>> -> memref<1x128xf32, #tpu.memory_space<vmem>>
    %dma_wait3A_475 = tpu.memref_squeeze %dma_wait3A_474 : memref<1x128xf32, #tpu.memory_space<vmem>> -> memref<128xf32, #tpu.memory_space<vmem>>
    %dma_wait3A_476 = arith.constant 0 : i32
    %dma_wait3A_477 = tpu.memref_slice %arg21[%dma_wait3A_472, %dma_wait3A_476] : memref<16x128xi32, #tpu.memory_space<vmem>> -> memref<1x128xi32, #tpu.memory_space<vmem>>
    %dma_wait3A_478 = tpu.memref_squeeze %dma_wait3A_477 : memref<1x128xi32, #tpu.memory_space<vmem>> -> memref<128xi32, #tpu.memory_space<vmem>>
    %dma_wait3A_479 = arith.constant 0 : i32
    %dma_wait3A_480 = tpu.memref_slice %arg11[%dma_wait3A_479] : memref<16384xf32, #tpu.memory_space<vmem_shared>> -> memref<16384xf32, #tpu.memory_space<vmem_shared>>
    tpu.wait_indirect_dma semaphore(%arg35 : memref<!tpu.dma_semaphore, #tpu.memory_space<semaphore_mem>>) src(%dma_wait3A_475 : memref<128xf32, #tpu.memory_space<vmem>>) dst(%dma_wait3A_480 : memref<16384xf32, #tpu.memory_space<vmem_shared>>)
    %dma_wait3A_481 = arith.constant 5 : i32
    %dma_wait3A_482 = arith.constant 5 : i32
    %dma_wait3A_483 = arith.constant 0 : i32
    %dma_wait3A_484 = tpu.memref_slice %arg20[%dma_wait3A_481, %dma_wait3A_483] : memref<16x128xf32, #tpu.memory_space<vmem>> -> memref<1x128xf32, #tpu.memory_space<vmem>>
    %dma_wait3A_485 = tpu.memref_squeeze %dma_wait3A_484 : memref<1x128xf32, #tpu.memory_space<vmem>> -> memref<128xf32, #tpu.memory_space<vmem>>
    %dma_wait3A_486 = arith.constant 0 : i32
    %dma_wait3A_487 = tpu.memref_slice %arg21[%dma_wait3A_482, %dma_wait3A_486] : memref<16x128xi32, #tpu.memory_space<vmem>> -> memref<1x128xi32, #tpu.memory_space<vmem>>
    %dma_wait3A_488 = tpu.memref_squeeze %dma_wait3A_487 : memref<1x128xi32, #tpu.memory_space<vmem>> -> memref<128xi32, #tpu.memory_space<vmem>>
    %dma_wait3A_489 = arith.constant 0 : i32
    %dma_wait3A_490 = tpu.memref_slice %arg10[%dma_wait3A_489] : memref<16384xf32, #tpu.memory_space<vmem_shared>> -> memref<16384xf32, #tpu.memory_space<vmem_shared>>
    tpu.wait_indirect_dma semaphore(%arg35 : memref<!tpu.dma_semaphore, #tpu.memory_space<semaphore_mem>>) src(%dma_wait3A_485 : memref<128xf32, #tpu.memory_space<vmem>>) dst(%dma_wait3A_490 : memref<16384xf32, #tpu.memory_space<vmem_shared>>)
    %dma_wait3A_491 = arith.constant 5 : i32
    %dma_wait3A_492 = arith.constant 5 : i32
    %dma_wait3A_493 = arith.constant 0 : i32
    %dma_wait3A_494 = tpu.memref_slice %arg19[%dma_wait3A_491, %dma_wait3A_493] : memref<16x128xf32, #tpu.memory_space<vmem>> -> memref<1x128xf32, #tpu.memory_space<vmem>>
    %dma_wait3A_495 = tpu.memref_squeeze %dma_wait3A_494 : memref<1x128xf32, #tpu.memory_space<vmem>> -> memref<128xf32, #tpu.memory_space<vmem>>
    %dma_wait3A_496 = arith.constant 0 : i32
    %dma_wait3A_497 = tpu.memref_slice %arg21[%dma_wait3A_492, %dma_wait3A_496] : memref<16x128xi32, #tpu.memory_space<vmem>> -> memref<1x128xi32, #tpu.memory_space<vmem>>
    %dma_wait3A_498 = tpu.memref_squeeze %dma_wait3A_497 : memref<1x128xi32, #tpu.memory_space<vmem>> -> memref<128xi32, #tpu.memory_space<vmem>>
    %dma_wait3A_499 = arith.constant 0 : i32
    %dma_wait3A_500 = tpu.memref_slice %arg11[%dma_wait3A_499] : memref<16384xf32, #tpu.memory_space<vmem_shared>> -> memref<16384xf32, #tpu.memory_space<vmem_shared>>
    tpu.wait_indirect_dma semaphore(%arg35 : memref<!tpu.dma_semaphore, #tpu.memory_space<semaphore_mem>>) src(%dma_wait3A_495 : memref<128xf32, #tpu.memory_space<vmem>>) dst(%dma_wait3A_500 : memref<16384xf32, #tpu.memory_space<vmem_shared>>)
    %dma_wait3A_501 = arith.constant 6 : i32
    %dma_wait3A_502 = arith.constant 6 : i32
    %dma_wait3A_503 = arith.constant 0 : i32
    %dma_wait3A_504 = tpu.memref_slice %arg20[%dma_wait3A_501, %dma_wait3A_503] : memref<16x128xf32, #tpu.memory_space<vmem>> -> memref<1x128xf32, #tpu.memory_space<vmem>>
    %dma_wait3A_505 = tpu.memref_squeeze %dma_wait3A_504 : memref<1x128xf32, #tpu.memory_space<vmem>> -> memref<128xf32, #tpu.memory_space<vmem>>
    %dma_wait3A_506 = arith.constant 0 : i32
    %dma_wait3A_507 = tpu.memref_slice %arg21[%dma_wait3A_502, %dma_wait3A_506] : memref<16x128xi32, #tpu.memory_space<vmem>> -> memref<1x128xi32, #tpu.memory_space<vmem>>
    %dma_wait3A_508 = tpu.memref_squeeze %dma_wait3A_507 : memref<1x128xi32, #tpu.memory_space<vmem>> -> memref<128xi32, #tpu.memory_space<vmem>>
    %dma_wait3A_509 = arith.constant 0 : i32
    %dma_wait3A_510 = tpu.memref_slice %arg10[%dma_wait3A_509] : memref<16384xf32, #tpu.memory_space<vmem_shared>> -> memref<16384xf32, #tpu.memory_space<vmem_shared>>
    tpu.wait_indirect_dma semaphore(%arg35 : memref<!tpu.dma_semaphore, #tpu.memory_space<semaphore_mem>>) src(%dma_wait3A_505 : memref<128xf32, #tpu.memory_space<vmem>>) dst(%dma_wait3A_510 : memref<16384xf32, #tpu.memory_space<vmem_shared>>)
    %dma_wait3A_511 = arith.constant 6 : i32
    %dma_wait3A_512 = arith.constant 6 : i32
    %dma_wait3A_513 = arith.constant 0 : i32
    %dma_wait3A_514 = tpu.memref_slice %arg19[%dma_wait3A_511, %dma_wait3A_513] : memref<16x128xf32, #tpu.memory_space<vmem>> -> memref<1x128xf32, #tpu.memory_space<vmem>>
    %dma_wait3A_515 = tpu.memref_squeeze %dma_wait3A_514 : memref<1x128xf32, #tpu.memory_space<vmem>> -> memref<128xf32, #tpu.memory_space<vmem>>
    %dma_wait3A_516 = arith.constant 0 : i32
    %dma_wait3A_517 = tpu.memref_slice %arg21[%dma_wait3A_512, %dma_wait3A_516] : memref<16x128xi32, #tpu.memory_space<vmem>> -> memref<1x128xi32, #tpu.memory_space<vmem>>
    %dma_wait3A_518 = tpu.memref_squeeze %dma_wait3A_517 : memref<1x128xi32, #tpu.memory_space<vmem>> -> memref<128xi32, #tpu.memory_space<vmem>>
    %dma_wait3A_519 = arith.constant 0 : i32
    %dma_wait3A_520 = tpu.memref_slice %arg11[%dma_wait3A_519] : memref<16384xf32, #tpu.memory_space<vmem_shared>> -> memref<16384xf32, #tpu.memory_space<vmem_shared>>
    tpu.wait_indirect_dma semaphore(%arg35 : memref<!tpu.dma_semaphore, #tpu.memory_space<semaphore_mem>>) src(%dma_wait3A_515 : memref<128xf32, #tpu.memory_space<vmem>>) dst(%dma_wait3A_520 : memref<16384xf32, #tpu.memory_space<vmem_shared>>)
    %dma_wait3A_521 = arith.constant 7 : i32
    %dma_wait3A_522 = arith.constant 7 : i32
    %dma_wait3A_523 = arith.constant 0 : i32
    %dma_wait3A_524 = tpu.memref_slice %arg20[%dma_wait3A_521, %dma_wait3A_523] : memref<16x128xf32, #tpu.memory_space<vmem>> -> memref<1x128xf32, #tpu.memory_space<vmem>>
    %dma_wait3A_525 = tpu.memref_squeeze %dma_wait3A_524 : memref<1x128xf32, #tpu.memory_space<vmem>> -> memref<128xf32, #tpu.memory_space<vmem>>
    %dma_wait3A_526 = arith.constant 0 : i32
    %dma_wait3A_527 = tpu.memref_slice %arg21[%dma_wait3A_522, %dma_wait3A_526] : memref<16x128xi32, #tpu.memory_space<vmem>> -> memref<1x128xi32, #tpu.memory_space<vmem>>
    %dma_wait3A_528 = tpu.memref_squeeze %dma_wait3A_527 : memref<1x128xi32, #tpu.memory_space<vmem>> -> memref<128xi32, #tpu.memory_space<vmem>>
    %dma_wait3A_529 = arith.constant 0 : i32
    %dma_wait3A_530 = tpu.memref_slice %arg10[%dma_wait3A_529] : memref<16384xf32, #tpu.memory_space<vmem_shared>> -> memref<16384xf32, #tpu.memory_space<vmem_shared>>
    tpu.wait_indirect_dma semaphore(%arg35 : memref<!tpu.dma_semaphore, #tpu.memory_space<semaphore_mem>>) src(%dma_wait3A_525 : memref<128xf32, #tpu.memory_space<vmem>>) dst(%dma_wait3A_530 : memref<16384xf32, #tpu.memory_space<vmem_shared>>)
    %dma_wait3A_531 = arith.constant 7 : i32
    %dma_wait3A_532 = arith.constant 7 : i32
    %dma_wait3A_533 = arith.constant 0 : i32
    %dma_wait3A_534 = tpu.memref_slice %arg19[%dma_wait3A_531, %dma_wait3A_533] : memref<16x128xf32, #tpu.memory_space<vmem>> -> memref<1x128xf32, #tpu.memory_space<vmem>>
    %dma_wait3A_535 = tpu.memref_squeeze %dma_wait3A_534 : memref<1x128xf32, #tpu.memory_space<vmem>> -> memref<128xf32, #tpu.memory_space<vmem>>
    %dma_wait3A_536 = arith.constant 0 : i32
    %dma_wait3A_537 = tpu.memref_slice %arg21[%dma_wait3A_532, %dma_wait3A_536] : memref<16x128xi32, #tpu.memory_space<vmem>> -> memref<1x128xi32, #tpu.memory_space<vmem>>
    %dma_wait3A_538 = tpu.memref_squeeze %dma_wait3A_537 : memref<1x128xi32, #tpu.memory_space<vmem>> -> memref<128xi32, #tpu.memory_space<vmem>>
    %dma_wait3A_539 = arith.constant 0 : i32
    %dma_wait3A_540 = tpu.memref_slice %arg11[%dma_wait3A_539] : memref<16384xf32, #tpu.memory_space<vmem_shared>> -> memref<16384xf32, #tpu.memory_space<vmem_shared>>
    tpu.wait_indirect_dma semaphore(%arg35 : memref<!tpu.dma_semaphore, #tpu.memory_space<semaphore_mem>>) src(%dma_wait3A_535 : memref<128xf32, #tpu.memory_space<vmem>>) dst(%dma_wait3A_540 : memref<16384xf32, #tpu.memory_space<vmem_shared>>)
    %dma_wait3A_541 = arith.constant 8 : i32
    %dma_wait3A_542 = arith.constant 8 : i32
    %dma_wait3A_543 = arith.constant 0 : i32
    %dma_wait3A_544 = tpu.memref_slice %arg20[%dma_wait3A_541, %dma_wait3A_543] : memref<16x128xf32, #tpu.memory_space<vmem>> -> memref<1x128xf32, #tpu.memory_space<vmem>>
    %dma_wait3A_545 = tpu.memref_squeeze %dma_wait3A_544 : memref<1x128xf32, #tpu.memory_space<vmem>> -> memref<128xf32, #tpu.memory_space<vmem>>
    %dma_wait3A_546 = arith.constant 0 : i32
    %dma_wait3A_547 = tpu.memref_slice %arg21[%dma_wait3A_542, %dma_wait3A_546] : memref<16x128xi32, #tpu.memory_space<vmem>> -> memref<1x128xi32, #tpu.memory_space<vmem>>
    %dma_wait3A_548 = tpu.memref_squeeze %dma_wait3A_547 : memref<1x128xi32, #tpu.memory_space<vmem>> -> memref<128xi32, #tpu.memory_space<vmem>>
    %dma_wait3A_549 = arith.constant 0 : i32
    %dma_wait3A_550 = tpu.memref_slice %arg10[%dma_wait3A_549] : memref<16384xf32, #tpu.memory_space<vmem_shared>> -> memref<16384xf32, #tpu.memory_space<vmem_shared>>
    tpu.wait_indirect_dma semaphore(%arg35 : memref<!tpu.dma_semaphore, #tpu.memory_space<semaphore_mem>>) src(%dma_wait3A_545 : memref<128xf32, #tpu.memory_space<vmem>>) dst(%dma_wait3A_550 : memref<16384xf32, #tpu.memory_space<vmem_shared>>)
    %dma_wait3A_551 = arith.constant 8 : i32
    %dma_wait3A_552 = arith.constant 8 : i32
    %dma_wait3A_553 = arith.constant 0 : i32
    %dma_wait3A_554 = tpu.memref_slice %arg19[%dma_wait3A_551, %dma_wait3A_553] : memref<16x128xf32, #tpu.memory_space<vmem>> -> memref<1x128xf32, #tpu.memory_space<vmem>>
    %dma_wait3A_555 = tpu.memref_squeeze %dma_wait3A_554 : memref<1x128xf32, #tpu.memory_space<vmem>> -> memref<128xf32, #tpu.memory_space<vmem>>
    %dma_wait3A_556 = arith.constant 0 : i32
    %dma_wait3A_557 = tpu.memref_slice %arg21[%dma_wait3A_552, %dma_wait3A_556] : memref<16x128xi32, #tpu.memory_space<vmem>> -> memref<1x128xi32, #tpu.memory_space<vmem>>
    %dma_wait3A_558 = tpu.memref_squeeze %dma_wait3A_557 : memref<1x128xi32, #tpu.memory_space<vmem>> -> memref<128xi32, #tpu.memory_space<vmem>>
    %dma_wait3A_559 = arith.constant 0 : i32
    %dma_wait3A_560 = tpu.memref_slice %arg11[%dma_wait3A_559] : memref<16384xf32, #tpu.memory_space<vmem_shared>> -> memref<16384xf32, #tpu.memory_space<vmem_shared>>
    tpu.wait_indirect_dma semaphore(%arg35 : memref<!tpu.dma_semaphore, #tpu.memory_space<semaphore_mem>>) src(%dma_wait3A_555 : memref<128xf32, #tpu.memory_space<vmem>>) dst(%dma_wait3A_560 : memref<16384xf32, #tpu.memory_space<vmem_shared>>)
    %dma_wait3A_561 = arith.constant 9 : i32
    %dma_wait3A_562 = arith.constant 9 : i32
    %dma_wait3A_563 = arith.constant 0 : i32
    %dma_wait3A_564 = tpu.memref_slice %arg20[%dma_wait3A_561, %dma_wait3A_563] : memref<16x128xf32, #tpu.memory_space<vmem>> -> memref<1x128xf32, #tpu.memory_space<vmem>>
    %dma_wait3A_565 = tpu.memref_squeeze %dma_wait3A_564 : memref<1x128xf32, #tpu.memory_space<vmem>> -> memref<128xf32, #tpu.memory_space<vmem>>
    %dma_wait3A_566 = arith.constant 0 : i32
    %dma_wait3A_567 = tpu.memref_slice %arg21[%dma_wait3A_562, %dma_wait3A_566] : memref<16x128xi32, #tpu.memory_space<vmem>> -> memref<1x128xi32, #tpu.memory_space<vmem>>
    %dma_wait3A_568 = tpu.memref_squeeze %dma_wait3A_567 : memref<1x128xi32, #tpu.memory_space<vmem>> -> memref<128xi32, #tpu.memory_space<vmem>>
    %dma_wait3A_569 = arith.constant 0 : i32
    %dma_wait3A_570 = tpu.memref_slice %arg10[%dma_wait3A_569] : memref<16384xf32, #tpu.memory_space<vmem_shared>> -> memref<16384xf32, #tpu.memory_space<vmem_shared>>
    tpu.wait_indirect_dma semaphore(%arg35 : memref<!tpu.dma_semaphore, #tpu.memory_space<semaphore_mem>>) src(%dma_wait3A_565 : memref<128xf32, #tpu.memory_space<vmem>>) dst(%dma_wait3A_570 : memref<16384xf32, #tpu.memory_space<vmem_shared>>)
    %dma_wait3A_571 = arith.constant 9 : i32
    %dma_wait3A_572 = arith.constant 9 : i32
    %dma_wait3A_573 = arith.constant 0 : i32
    %dma_wait3A_574 = tpu.memref_slice %arg19[%dma_wait3A_571, %dma_wait3A_573] : memref<16x128xf32, #tpu.memory_space<vmem>> -> memref<1x128xf32, #tpu.memory_space<vmem>>
    %dma_wait3A_575 = tpu.memref_squeeze %dma_wait3A_574 : memref<1x128xf32, #tpu.memory_space<vmem>> -> memref<128xf32, #tpu.memory_space<vmem>>
    %dma_wait3A_576 = arith.constant 0 : i32
    %dma_wait3A_577 = tpu.memref_slice %arg21[%dma_wait3A_572, %dma_wait3A_576] : memref<16x128xi32, #tpu.memory_space<vmem>> -> memref<1x128xi32, #tpu.memory_space<vmem>>
    %dma_wait3A_578 = tpu.memref_squeeze %dma_wait3A_577 : memref<1x128xi32, #tpu.memory_space<vmem>> -> memref<128xi32, #tpu.memory_space<vmem>>
    %dma_wait3A_579 = arith.constant 0 : i32
    %dma_wait3A_580 = tpu.memref_slice %arg11[%dma_wait3A_579] : memref<16384xf32, #tpu.memory_space<vmem_shared>> -> memref<16384xf32, #tpu.memory_space<vmem_shared>>
    tpu.wait_indirect_dma semaphore(%arg35 : memref<!tpu.dma_semaphore, #tpu.memory_space<semaphore_mem>>) src(%dma_wait3A_575 : memref<128xf32, #tpu.memory_space<vmem>>) dst(%dma_wait3A_580 : memref<16384xf32, #tpu.memory_space<vmem_shared>>)
    %dma_wait3A_581 = arith.constant 10 : i32
    %dma_wait3A_582 = arith.constant 10 : i32
    %dma_wait3A_583 = arith.constant 0 : i32
    %dma_wait3A_584 = tpu.memref_slice %arg20[%dma_wait3A_581, %dma_wait3A_583] : memref<16x128xf32, #tpu.memory_space<vmem>> -> memref<1x128xf32, #tpu.memory_space<vmem>>
    %dma_wait3A_585 = tpu.memref_squeeze %dma_wait3A_584 : memref<1x128xf32, #tpu.memory_space<vmem>> -> memref<128xf32, #tpu.memory_space<vmem>>
    %dma_wait3A_586 = arith.constant 0 : i32
    %dma_wait3A_587 = tpu.memref_slice %arg21[%dma_wait3A_582, %dma_wait3A_586] : memref<16x128xi32, #tpu.memory_space<vmem>> -> memref<1x128xi32, #tpu.memory_space<vmem>>
    %dma_wait3A_588 = tpu.memref_squeeze %dma_wait3A_587 : memref<1x128xi32, #tpu.memory_space<vmem>> -> memref<128xi32, #tpu.memory_space<vmem>>
    %dma_wait3A_589 = arith.constant 0 : i32
    %dma_wait3A_590 = tpu.memref_slice %arg10[%dma_wait3A_589] : memref<16384xf32, #tpu.memory_space<vmem_shared>> -> memref<16384xf32, #tpu.memory_space<vmem_shared>>
    tpu.wait_indirect_dma semaphore(%arg35 : memref<!tpu.dma_semaphore, #tpu.memory_space<semaphore_mem>>) src(%dma_wait3A_585 : memref<128xf32, #tpu.memory_space<vmem>>) dst(%dma_wait3A_590 : memref<16384xf32, #tpu.memory_space<vmem_shared>>)
    %dma_wait3A_591 = arith.constant 10 : i32
    %dma_wait3A_592 = arith.constant 10 : i32
    %dma_wait3A_593 = arith.constant 0 : i32
    %dma_wait3A_594 = tpu.memref_slice %arg19[%dma_wait3A_591, %dma_wait3A_593] : memref<16x128xf32, #tpu.memory_space<vmem>> -> memref<1x128xf32, #tpu.memory_space<vmem>>
    %dma_wait3A_595 = tpu.memref_squeeze %dma_wait3A_594 : memref<1x128xf32, #tpu.memory_space<vmem>> -> memref<128xf32, #tpu.memory_space<vmem>>
    %dma_wait3A_596 = arith.constant 0 : i32
    %dma_wait3A_597 = tpu.memref_slice %arg21[%dma_wait3A_592, %dma_wait3A_596] : memref<16x128xi32, #tpu.memory_space<vmem>> -> memref<1x128xi32, #tpu.memory_space<vmem>>
    %dma_wait3A_598 = tpu.memref_squeeze %dma_wait3A_597 : memref<1x128xi32, #tpu.memory_space<vmem>> -> memref<128xi32, #tpu.memory_space<vmem>>
    %dma_wait3A_599 = arith.constant 0 : i32
    %dma_wait3A_600 = tpu.memref_slice %arg11[%dma_wait3A_599] : memref<16384xf32, #tpu.memory_space<vmem_shared>> -> memref<16384xf32, #tpu.memory_space<vmem_shared>>
    tpu.wait_indirect_dma semaphore(%arg35 : memref<!tpu.dma_semaphore, #tpu.memory_space<semaphore_mem>>) src(%dma_wait3A_595 : memref<128xf32, #tpu.memory_space<vmem>>) dst(%dma_wait3A_600 : memref<16384xf32, #tpu.memory_space<vmem_shared>>)
    %dma_wait3A_601 = arith.constant 11 : i32
    %dma_wait3A_602 = arith.constant 11 : i32
    %dma_wait3A_603 = arith.constant 0 : i32
    %dma_wait3A_604 = tpu.memref_slice %arg20[%dma_wait3A_601, %dma_wait3A_603] : memref<16x128xf32, #tpu.memory_space<vmem>> -> memref<1x128xf32, #tpu.memory_space<vmem>>
    %dma_wait3A_605 = tpu.memref_squeeze %dma_wait3A_604 : memref<1x128xf32, #tpu.memory_space<vmem>> -> memref<128xf32, #tpu.memory_space<vmem>>
    %dma_wait3A_606 = arith.constant 0 : i32
    %dma_wait3A_607 = tpu.memref_slice %arg21[%dma_wait3A_602, %dma_wait3A_606] : memref<16x128xi32, #tpu.memory_space<vmem>> -> memref<1x128xi32, #tpu.memory_space<vmem>>
    %dma_wait3A_608 = tpu.memref_squeeze %dma_wait3A_607 : memref<1x128xi32, #tpu.memory_space<vmem>> -> memref<128xi32, #tpu.memory_space<vmem>>
    %dma_wait3A_609 = arith.constant 0 : i32
    %dma_wait3A_610 = tpu.memref_slice %arg10[%dma_wait3A_609] : memref<16384xf32, #tpu.memory_space<vmem_shared>> -> memref<16384xf32, #tpu.memory_space<vmem_shared>>
    tpu.wait_indirect_dma semaphore(%arg35 : memref<!tpu.dma_semaphore, #tpu.memory_space<semaphore_mem>>) src(%dma_wait3A_605 : memref<128xf32, #tpu.memory_space<vmem>>) dst(%dma_wait3A_610 : memref<16384xf32, #tpu.memory_space<vmem_shared>>)
    %dma_wait3A_611 = arith.constant 11 : i32
    %dma_wait3A_612 = arith.constant 11 : i32
    %dma_wait3A_613 = arith.constant 0 : i32
    %dma_wait3A_614 = tpu.memref_slice %arg19[%dma_wait3A_611, %dma_wait3A_613] : memref<16x128xf32, #tpu.memory_space<vmem>> -> memref<1x128xf32, #tpu.memory_space<vmem>>
    %dma_wait3A_615 = tpu.memref_squeeze %dma_wait3A_614 : memref<1x128xf32, #tpu.memory_space<vmem>> -> memref<128xf32, #tpu.memory_space<vmem>>
    %dma_wait3A_616 = arith.constant 0 : i32
    %dma_wait3A_617 = tpu.memref_slice %arg21[%dma_wait3A_612, %dma_wait3A_616] : memref<16x128xi32, #tpu.memory_space<vmem>> -> memref<1x128xi32, #tpu.memory_space<vmem>>
    %dma_wait3A_618 = tpu.memref_squeeze %dma_wait3A_617 : memref<1x128xi32, #tpu.memory_space<vmem>> -> memref<128xi32, #tpu.memory_space<vmem>>
    %dma_wait3A_619 = arith.constant 0 : i32
    %dma_wait3A_620 = tpu.memref_slice %arg11[%dma_wait3A_619] : memref<16384xf32, #tpu.memory_space<vmem_shared>> -> memref<16384xf32, #tpu.memory_space<vmem_shared>>
    tpu.wait_indirect_dma semaphore(%arg35 : memref<!tpu.dma_semaphore, #tpu.memory_space<semaphore_mem>>) src(%dma_wait3A_615 : memref<128xf32, #tpu.memory_space<vmem>>) dst(%dma_wait3A_620 : memref<16384xf32, #tpu.memory_space<vmem_shared>>)
    %dma_wait3A_621 = arith.constant 12 : i32
    %dma_wait3A_622 = arith.constant 12 : i32
    %dma_wait3A_623 = arith.constant 0 : i32
    %dma_wait3A_624 = tpu.memref_slice %arg20[%dma_wait3A_621, %dma_wait3A_623] : memref<16x128xf32, #tpu.memory_space<vmem>> -> memref<1x128xf32, #tpu.memory_space<vmem>>
    %dma_wait3A_625 = tpu.memref_squeeze %dma_wait3A_624 : memref<1x128xf32, #tpu.memory_space<vmem>> -> memref<128xf32, #tpu.memory_space<vmem>>
    %dma_wait3A_626 = arith.constant 0 : i32
    %dma_wait3A_627 = tpu.memref_slice %arg21[%dma_wait3A_622, %dma_wait3A_626] : memref<16x128xi32, #tpu.memory_space<vmem>> -> memref<1x128xi32, #tpu.memory_space<vmem>>
    %dma_wait3A_628 = tpu.memref_squeeze %dma_wait3A_627 : memref<1x128xi32, #tpu.memory_space<vmem>> -> memref<128xi32, #tpu.memory_space<vmem>>
    %dma_wait3A_629 = arith.constant 0 : i32
    %dma_wait3A_630 = tpu.memref_slice %arg10[%dma_wait3A_629] : memref<16384xf32, #tpu.memory_space<vmem_shared>> -> memref<16384xf32, #tpu.memory_space<vmem_shared>>
    tpu.wait_indirect_dma semaphore(%arg35 : memref<!tpu.dma_semaphore, #tpu.memory_space<semaphore_mem>>) src(%dma_wait3A_625 : memref<128xf32, #tpu.memory_space<vmem>>) dst(%dma_wait3A_630 : memref<16384xf32, #tpu.memory_space<vmem_shared>>)
    %dma_wait3A_631 = arith.constant 12 : i32
    %dma_wait3A_632 = arith.constant 12 : i32
    %dma_wait3A_633 = arith.constant 0 : i32
    %dma_wait3A_634 = tpu.memref_slice %arg19[%dma_wait3A_631, %dma_wait3A_633] : memref<16x128xf32, #tpu.memory_space<vmem>> -> memref<1x128xf32, #tpu.memory_space<vmem>>
    %dma_wait3A_635 = tpu.memref_squeeze %dma_wait3A_634 : memref<1x128xf32, #tpu.memory_space<vmem>> -> memref<128xf32, #tpu.memory_space<vmem>>
    %dma_wait3A_636 = arith.constant 0 : i32
    %dma_wait3A_637 = tpu.memref_slice %arg21[%dma_wait3A_632, %dma_wait3A_636] : memref<16x128xi32, #tpu.memory_space<vmem>> -> memref<1x128xi32, #tpu.memory_space<vmem>>
    %dma_wait3A_638 = tpu.memref_squeeze %dma_wait3A_637 : memref<1x128xi32, #tpu.memory_space<vmem>> -> memref<128xi32, #tpu.memory_space<vmem>>
    %dma_wait3A_639 = arith.constant 0 : i32
    %dma_wait3A_640 = tpu.memref_slice %arg11[%dma_wait3A_639] : memref<16384xf32, #tpu.memory_space<vmem_shared>> -> memref<16384xf32, #tpu.memory_space<vmem_shared>>
    tpu.wait_indirect_dma semaphore(%arg35 : memref<!tpu.dma_semaphore, #tpu.memory_space<semaphore_mem>>) src(%dma_wait3A_635 : memref<128xf32, #tpu.memory_space<vmem>>) dst(%dma_wait3A_640 : memref<16384xf32, #tpu.memory_space<vmem_shared>>)
    %dma_wait3A_641 = arith.constant 13 : i32
    %dma_wait3A_642 = arith.constant 13 : i32
    %dma_wait3A_643 = arith.constant 0 : i32
    %dma_wait3A_644 = tpu.memref_slice %arg20[%dma_wait3A_641, %dma_wait3A_643] : memref<16x128xf32, #tpu.memory_space<vmem>> -> memref<1x128xf32, #tpu.memory_space<vmem>>
    %dma_wait3A_645 = tpu.memref_squeeze %dma_wait3A_644 : memref<1x128xf32, #tpu.memory_space<vmem>> -> memref<128xf32, #tpu.memory_space<vmem>>
    %dma_wait3A_646 = arith.constant 0 : i32
    %dma_wait3A_647 = tpu.memref_slice %arg21[%dma_wait3A_642, %dma_wait3A_646] : memref<16x128xi32, #tpu.memory_space<vmem>> -> memref<1x128xi32, #tpu.memory_space<vmem>>
    %dma_wait3A_648 = tpu.memref_squeeze %dma_wait3A_647 : memref<1x128xi32, #tpu.memory_space<vmem>> -> memref<128xi32, #tpu.memory_space<vmem>>
    %dma_wait3A_649 = arith.constant 0 : i32
    %dma_wait3A_650 = tpu.memref_slice %arg10[%dma_wait3A_649] : memref<16384xf32, #tpu.memory_space<vmem_shared>> -> memref<16384xf32, #tpu.memory_space<vmem_shared>>
    tpu.wait_indirect_dma semaphore(%arg35 : memref<!tpu.dma_semaphore, #tpu.memory_space<semaphore_mem>>) src(%dma_wait3A_645 : memref<128xf32, #tpu.memory_space<vmem>>) dst(%dma_wait3A_650 : memref<16384xf32, #tpu.memory_space<vmem_shared>>)
    %dma_wait3A_651 = arith.constant 13 : i32
    %dma_wait3A_652 = arith.constant 13 : i32
    %dma_wait3A_653 = arith.constant 0 : i32
    %dma_wait3A_654 = tpu.memref_slice %arg19[%dma_wait3A_651, %dma_wait3A_653] : memref<16x128xf32, #tpu.memory_space<vmem>> -> memref<1x128xf32, #tpu.memory_space<vmem>>
    %dma_wait3A_655 = tpu.memref_squeeze %dma_wait3A_654 : memref<1x128xf32, #tpu.memory_space<vmem>> -> memref<128xf32, #tpu.memory_space<vmem>>
    %dma_wait3A_656 = arith.constant 0 : i32
    %dma_wait3A_657 = tpu.memref_slice %arg21[%dma_wait3A_652, %dma_wait3A_656] : memref<16x128xi32, #tpu.memory_space<vmem>> -> memref<1x128xi32, #tpu.memory_space<vmem>>
    %dma_wait3A_658 = tpu.memref_squeeze %dma_wait3A_657 : memref<1x128xi32, #tpu.memory_space<vmem>> -> memref<128xi32, #tpu.memory_space<vmem>>
    %dma_wait3A_659 = arith.constant 0 : i32
    %dma_wait3A_660 = tpu.memref_slice %arg11[%dma_wait3A_659] : memref<16384xf32, #tpu.memory_space<vmem_shared>> -> memref<16384xf32, #tpu.memory_space<vmem_shared>>
    tpu.wait_indirect_dma semaphore(%arg35 : memref<!tpu.dma_semaphore, #tpu.memory_space<semaphore_mem>>) src(%dma_wait3A_655 : memref<128xf32, #tpu.memory_space<vmem>>) dst(%dma_wait3A_660 : memref<16384xf32, #tpu.memory_space<vmem_shared>>)
    %dma_wait3A_661 = arith.constant 14 : i32
    %dma_wait3A_662 = arith.constant 14 : i32
    %dma_wait3A_663 = arith.constant 0 : i32
    %dma_wait3A_664 = tpu.memref_slice %arg20[%dma_wait3A_661, %dma_wait3A_663] : memref<16x128xf32, #tpu.memory_space<vmem>> -> memref<1x128xf32, #tpu.memory_space<vmem>>
    %dma_wait3A_665 = tpu.memref_squeeze %dma_wait3A_664 : memref<1x128xf32, #tpu.memory_space<vmem>> -> memref<128xf32, #tpu.memory_space<vmem>>
    %dma_wait3A_666 = arith.constant 0 : i32
    %dma_wait3A_667 = tpu.memref_slice %arg21[%dma_wait3A_662, %dma_wait3A_666] : memref<16x128xi32, #tpu.memory_space<vmem>> -> memref<1x128xi32, #tpu.memory_space<vmem>>
    %dma_wait3A_668 = tpu.memref_squeeze %dma_wait3A_667 : memref<1x128xi32, #tpu.memory_space<vmem>> -> memref<128xi32, #tpu.memory_space<vmem>>
    %dma_wait3A_669 = arith.constant 0 : i32
    %dma_wait3A_670 = tpu.memref_slice %arg10[%dma_wait3A_669] : memref<16384xf32, #tpu.memory_space<vmem_shared>> -> memref<16384xf32, #tpu.memory_space<vmem_shared>>
    tpu.wait_indirect_dma semaphore(%arg35 : memref<!tpu.dma_semaphore, #tpu.memory_space<semaphore_mem>>) src(%dma_wait3A_665 : memref<128xf32, #tpu.memory_space<vmem>>) dst(%dma_wait3A_670 : memref<16384xf32, #tpu.memory_space<vmem_shared>>)
    %dma_wait3A_671 = arith.constant 14 : i32
    %dma_wait3A_672 = arith.constant 14 : i32
    %dma_wait3A_673 = arith.constant 0 : i32
    %dma_wait3A_674 = tpu.memref_slice %arg19[%dma_wait3A_671, %dma_wait3A_673] : memref<16x128xf32, #tpu.memory_space<vmem>> -> memref<1x128xf32, #tpu.memory_space<vmem>>
    %dma_wait3A_675 = tpu.memref_squeeze %dma_wait3A_674 : memref<1x128xf32, #tpu.memory_space<vmem>> -> memref<128xf32, #tpu.memory_space<vmem>>
    %dma_wait3A_676 = arith.constant 0 : i32
    %dma_wait3A_677 = tpu.memref_slice %arg21[%dma_wait3A_672, %dma_wait3A_676] : memref<16x128xi32, #tpu.memory_space<vmem>> -> memref<1x128xi32, #tpu.memory_space<vmem>>
    %dma_wait3A_678 = tpu.memref_squeeze %dma_wait3A_677 : memref<1x128xi32, #tpu.memory_space<vmem>> -> memref<128xi32, #tpu.memory_space<vmem>>
    %dma_wait3A_679 = arith.constant 0 : i32
    %dma_wait3A_680 = tpu.memref_slice %arg11[%dma_wait3A_679] : memref<16384xf32, #tpu.memory_space<vmem_shared>> -> memref<16384xf32, #tpu.memory_space<vmem_shared>>
    tpu.wait_indirect_dma semaphore(%arg35 : memref<!tpu.dma_semaphore, #tpu.memory_space<semaphore_mem>>) src(%dma_wait3A_675 : memref<128xf32, #tpu.memory_space<vmem>>) dst(%dma_wait3A_680 : memref<16384xf32, #tpu.memory_space<vmem_shared>>)
    %dma_wait3A_681 = arith.constant 15 : i32
    %dma_wait3A_682 = arith.constant 15 : i32
    %dma_wait3A_683 = arith.constant 0 : i32
    %dma_wait3A_684 = tpu.memref_slice %arg20[%dma_wait3A_681, %dma_wait3A_683] : memref<16x128xf32, #tpu.memory_space<vmem>> -> memref<1x128xf32, #tpu.memory_space<vmem>>
    %dma_wait3A_685 = tpu.memref_squeeze %dma_wait3A_684 : memref<1x128xf32, #tpu.memory_space<vmem>> -> memref<128xf32, #tpu.memory_space<vmem>>
    %dma_wait3A_686 = arith.constant 0 : i32
    %dma_wait3A_687 = tpu.memref_slice %arg21[%dma_wait3A_682, %dma_wait3A_686] : memref<16x128xi32, #tpu.memory_space<vmem>> -> memref<1x128xi32, #tpu.memory_space<vmem>>
    %dma_wait3A_688 = tpu.memref_squeeze %dma_wait3A_687 : memref<1x128xi32, #tpu.memory_space<vmem>> -> memref<128xi32, #tpu.memory_space<vmem>>
    %dma_wait3A_689 = arith.constant 0 : i32
    %dma_wait3A_690 = tpu.memref_slice %arg10[%dma_wait3A_689] : memref<16384xf32, #tpu.memory_space<vmem_shared>> -> memref<16384xf32, #tpu.memory_space<vmem_shared>>
    tpu.wait_indirect_dma semaphore(%arg35 : memref<!tpu.dma_semaphore, #tpu.memory_space<semaphore_mem>>) src(%dma_wait3A_685 : memref<128xf32, #tpu.memory_space<vmem>>) dst(%dma_wait3A_690 : memref<16384xf32, #tpu.memory_space<vmem_shared>>)
    %dma_wait3A_691 = arith.constant 15 : i32
    %dma_wait3A_692 = arith.constant 15 : i32
    %dma_wait3A_693 = arith.constant 0 : i32
    %dma_wait3A_694 = tpu.memref_slice %arg19[%dma_wait3A_691, %dma_wait3A_693] : memref<16x128xf32, #tpu.memory_space<vmem>> -> memref<1x128xf32, #tpu.memory_space<vmem>>
    %dma_wait3A_695 = tpu.memref_squeeze %dma_wait3A_694 : memref<1x128xf32, #tpu.memory_space<vmem>> -> memref<128xf32, #tpu.memory_space<vmem>>
    %dma_wait3A_696 = arith.constant 0 : i32
    %dma_wait3A_697 = tpu.memref_slice %arg21[%dma_wait3A_692, %dma_wait3A_696] : memref<16x128xi32, #tpu.memory_space<vmem>> -> memref<1x128xi32, #tpu.memory_space<vmem>>
    %dma_wait3A_698 = tpu.memref_squeeze %dma_wait3A_697 : memref<1x128xi32, #tpu.memory_space<vmem>> -> memref<128xi32, #tpu.memory_space<vmem>>
    %dma_wait3A_699 = arith.constant 0 : i32
    %dma_wait3A_700 = tpu.memref_slice %arg11[%dma_wait3A_699] : memref<16384xf32, #tpu.memory_space<vmem_shared>> -> memref<16384xf32, #tpu.memory_space<vmem_shared>>
    tpu.wait_indirect_dma semaphore(%arg35 : memref<!tpu.dma_semaphore, #tpu.memory_space<semaphore_mem>>) src(%dma_wait3A_695 : memref<128xf32, #tpu.memory_space<vmem>>) dst(%dma_wait3A_700 : memref<16384xf32, #tpu.memory_space<vmem_shared>>)
    %barrier3A_701 = arith.constant 0 : index
    tpu.barrier barrier_id(%barrier3A_701)
    "tpu.region"() ({
      %run_scoped3A = tpu.sem_alloc : memref<!tpu.dma_semaphore, #tpu.memory_space<semaphore_mem>>
      %dma_start3A_1531 = tpu.memref_slice %arg10[%mul3A_0] : memref<16384xf32, #tpu.memory_space<vmem_shared>> -> memref<1024xf32, #tpu.memory_space<vmem_shared>>
      %dma_start3A_1532 = tpu.memref_slice %arg10[%mul3A_0] : memref<16384xf32, #tpu.memory_space<vmem_shared>> -> memref<1024xf32, #tpu.memory_space<vmem_shared>>
      tpu.enqueue_dma source(%dma_start3A_1532 : memref<1024xf32, #tpu.memory_space<vmem_shared>>) target(%arg27 : memref<1024xf32, #tpu.memory_space<vmem>>) target_semaphore(%run_scoped3A : memref<!tpu.dma_semaphore, #tpu.memory_space<semaphore_mem>>)
      %dma_wait3A_1533 = tpu.memref_slice %arg10[%mul3A_0] : memref<16384xf32, #tpu.memory_space<vmem_shared>> -> memref<1024xf32, #tpu.memory_space<vmem_shared>>
      %dma_wait3A_1534 = tpu.memref_slice %arg10[%mul3A_0] : memref<16384xf32, #tpu.memory_space<vmem_shared>> -> memref<1024xf32, #tpu.memory_space<vmem_shared>>
      tpu.wait_dma2 semaphore(%run_scoped3A : memref<!tpu.dma_semaphore, #tpu.memory_space<semaphore_mem>>) src(%dma_wait3A_1534 : memref<1024xf32, #tpu.memory_space<vmem_shared>>) dst(%arg27 : memref<1024xf32, #tpu.memory_space<vmem>>)
      tpu.yield
    }) : () -> ()
    "tpu.region"() ({
      %run_scoped3A = tpu.sem_alloc : memref<!tpu.dma_semaphore, #tpu.memory_space<semaphore_mem>>
      %dma_start3A_1531 = tpu.memref_slice %arg11[%mul3A_0] : memref<16384xf32, #tpu.memory_space<vmem_shared>> -> memref<1024xf32, #tpu.memory_space<vmem_shared>>
      %dma_start3A_1532 = tpu.memref_slice %arg11[%mul3A_0] : memref<16384xf32, #tpu.memory_space<vmem_shared>> -> memref<1024xf32, #tpu.memory_space<vmem_shared>>
      tpu.enqueue_dma source(%dma_start3A_1532 : memref<1024xf32, #tpu.memory_space<vmem_shared>>) target(%arg28 : memref<1024xf32, #tpu.memory_space<vmem>>) target_semaphore(%run_scoped3A : memref<!tpu.dma_semaphore, #tpu.memory_space<semaphore_mem>>)
      %dma_wait3A_1533 = tpu.memref_slice %arg11[%mul3A_0] : memref<16384xf32, #tpu.memory_space<vmem_shared>> -> memref<1024xf32, #tpu.memory_space<vmem_shared>>
      %dma_wait3A_1534 = tpu.memref_slice %arg11[%mul3A_0] : memref<16384xf32, #tpu.memory_space<vmem_shared>> -> memref<1024xf32, #tpu.memory_space<vmem_shared>>
      tpu.wait_dma2 semaphore(%run_scoped3A : memref<!tpu.dma_semaphore, #tpu.memory_space<semaphore_mem>>) src(%dma_wait3A_1534 : memref<1024xf32, #tpu.memory_space<vmem_shared>>) dst(%arg28 : memref<1024xf32, #tpu.memory_space<vmem>>)
      tpu.yield
    }) : () -> ()
    %scan3A_702 = arith.constant 0 : i32
    %scan3A_703 = arith.constant 0 : i32
    %scan3A_704 = arith.constant 64 : i32
    %scan3A_705 = arith.addi %scan3A_703, %scan3A_704 : i32
    %scan3A_706 = arith.constant 1 : i32
    %scan3A_707 = scf.for %scan3A_1531 = %scan3A_703 to %scan3A_705 step %scan3A_706 iter_args(%scan3A_1532 = %scan3A_702) -> (i32)  : i32 {
      %mul3A_1533 = arith.constant 16 : i32
      %mul3A_1534 = arith.muli %scan3A_1531, %mul3A_1533 : i32
      %get3A = arith.index_cast %mul3A_1534 : i32 to index
      %get3A_1535 = tpu.vector_load %arg27[%get3A] {strides = array<i32>} : memref<1024xf32, #tpu.memory_space<vmem>>, vector<16xf32>,
      %get3A_1536 = vector.shape_cast %get3A_1535 : vector<16xf32> to vector<16xf32>
      %mul3A_1537 = arith.constant 16 : i32
      %mul3A_1538 = arith.muli %scan3A_1531, %mul3A_1537 : i32
      %get3A_1539 = arith.index_cast %mul3A_1538 : i32 to index
      %get3A_1540 = tpu.vector_load %arg28[%get3A_1539] {strides = array<i32>} : memref<1024xf32, #tpu.memory_space<vmem>>, vector<16xf32>,
      %get3A_1541 = vector.shape_cast %get3A_1540 : vector<16xf32> to vector<16xf32>
      %gt3A = arith.constant 0.000000e+00 : f32
      %gt3A_1542 = vector.broadcast %gt3A : f32 to vector<16xf32>
      %gt3A_1543 = arith.cmpf ogt, %get3A_1541, %gt3A_1542 : vector<16xf32>
      %mul3A_1544 = arith.constant 5.000000e-01 : f32
      %mul3A_1545 = vector.broadcast %mul3A_1544 : f32 to vector<16xf32>
      %mul3A_1546 = arith.mulf %mul3A_1545, %get3A_1536 : vector<16xf32>
      %max3A = arith.constant 1.000000e+00 : f32
      %max3A_1547 = vector.broadcast %max3A : f32 to vector<16xf32>
      %max3A_1548 = arith.maximumf %get3A_1541, %max3A_1547 : vector<16xf32>
      %div3A = arith.divf %mul3A_1546, %max3A_1548 : vector<16xf32>
      %jit3A = arith.constant 0.000000e+00 : f32
      %broadcast_in_dim3A_1549 = vector.broadcast %jit3A : f32 to vector<16xf32>
      %select_n3A = arith.select %gt3A_1543, %div3A, %broadcast_in_dim3A_1549 : vector<16xi1>, vector<16xf32>
      %jit3A_1550 = arith.constant 8 : i32
      %div3A_1551 = arith.divsi %scan3A_1531, %jit3A_1550 : i32
      %sign3A = arith.constant 0 : i32
      %sign3A_1552 = arith.cmpi sgt, %scan3A_1531, %sign3A : i32
      %sign3A_1553 = arith.extui %sign3A_1552 : i1 to i32
      %sign3A_1554 = arith.constant 0 : i32
      %sign3A_1555 = arith.cmpi slt, %scan3A_1531, %sign3A_1554 : i32
      %sign3A_1556 = arith.extui %sign3A_1555 : i1 to i32
      %sign3A_1557 = arith.subi %sign3A_1553, %sign3A_1556 : i32
      %sign3A_1558 = arith.constant 0 : i32
      %sign3A_1559 = arith.cmpi sgt, %jit3A_1550, %sign3A_1558 : i32
      %sign3A_1560 = arith.extui %sign3A_1559 : i1 to i32
      %sign3A_1561 = arith.constant 0 : i32
      %sign3A_1562 = arith.cmpi slt, %jit3A_1550, %sign3A_1561 : i32
      %sign3A_1563 = arith.extui %sign3A_1562 : i1 to i32
      %sign3A_1564 = arith.subi %sign3A_1560, %sign3A_1563 : i32
      %ne3A = arith.cmpi ne, %sign3A_1557, %sign3A_1564 : i32
      %rem3A = arith.remsi %scan3A_1531, %jit3A_1550 : i32
      %ne3A_1565 = arith.constant 0 : i32
      %ne3A_1566 = arith.cmpi ne, %rem3A, %ne3A_1565 : i32
      %and3A = arith.andi %ne3A, %ne3A_1566 : i1
      %sub3A = arith.constant 1 : i32
      %sub3A_1567 = arith.subi %div3A_1551, %sub3A : i32
      %select_n3A_1568 = arith.select %and3A, %sub3A_1567, %div3A_1551 : i32
      %jit3A_1569 = arith.constant 8 : i32
      %eq3A_1570 = arith.constant 0 : i32
      %eq3A_1571 = arith.cmpi eq, %jit3A_1569, %eq3A_1570 : i32
      %jit3A_1572 = arith.constant 1 : i32
      %select_n3A_1573 = arith.select %eq3A_1571, %jit3A_1572, %jit3A_1569 : i32
      %rem3A_1574 = arith.remsi %scan3A_1531, %select_n3A_1573 : i32
      %ne3A_1575 = arith.constant 0 : i32
      %ne3A_1576 = arith.cmpi ne, %rem3A_1574, %ne3A_1575 : i32
      %lt3A = arith.constant 0 : i32
      %lt3A_1577 = arith.cmpi slt, %rem3A_1574, %lt3A : i32
      %lt3A_1578 = arith.constant 0 : i32
      %lt3A_1579 = arith.cmpi slt, %select_n3A_1573, %lt3A_1578 : i32
      %ne3A_1580 = arith.xori %lt3A_1577, %lt3A_1579 : i1
      %and3A_1581 = arith.andi %ne3A_1580, %ne3A_1576 : i1
      %add3A = arith.addi %rem3A_1574, %select_n3A_1573 : i32
      %select_n3A_1582 = arith.select %and3A_1581, %add3A, %rem3A_1574 : i32
      %mul3A_1583 = arith.constant 16 : i32
      %mul3A_1584 = arith.muli %select_n3A_1582, %mul3A_1583 : i32
      %swap3A = arith.index_cast %select_n3A_1568 : i32 to index
      %swap3A_1585 = arith.index_cast %mul3A_1584 : i32 to index
      %swap3A_1586 = tpu.vector_load %arg26[%swap3A, %swap3A_1585] {strides = array<i32>} : memref<8x128xf32, #tpu.memory_space<vmem>>, vector<1x16xf32>,
      %swap3A_1587 = vector.shape_cast %swap3A_1586 : vector<1x16xf32> to vector<16xf32>
      %swap3A_1588 = vector.shape_cast %select_n3A : vector<16xf32> to vector<1x16xf32>
      tpu.vector_store %arg26[%swap3A, %swap3A_1585], %swap3A_1588 {strides = array<i32>} : memref<8x128xf32, #tpu.memory_space<vmem>>, vector<1x16xf32>,
      %scan3A_1589 = arith.constant 0 : i32
      scf.yield %scan3A_1589 : i32
    }
    %scan3A_708 = arith.constant 64 : i32
    %dma_wait3A_709 = arith.constant 0 : i32
    %dma_wait3A_710 = tpu.memref_slice %arg2[%mul3A_31, %dma_wait3A_709] : memref<128x128xf32, #tpu.memory_space<hbm>> -> memref<8x128xf32, #tpu.memory_space<hbm>>
    %dma_wait3A_711 = arith.constant 0 : i32
    %dma_wait3A_712 = tpu.memref_slice %arg2[%mul3A_31, %dma_wait3A_711] : memref<128x128xf32, #tpu.memory_space<hbm>> -> memref<8x128xf32, #tpu.memory_space<hbm>>
    tpu.wait_dma2 semaphore(%arg34 : memref<!tpu.dma_semaphore, #tpu.memory_space<semaphore_mem>>) src(%dma_wait3A_712 : memref<8x128xf32, #tpu.memory_space<hbm>>) dst(%arg23 : memref<8x128xf32, #tpu.memory_space<vmem>>)
    %dma_wait3A_713 = arith.constant 0 : i32
    %dma_wait3A_714 = tpu.memref_slice %arg3[%mul3A_37, %dma_wait3A_713] : memref<128x128xf32, #tpu.memory_space<hbm>> -> memref<8x128xf32, #tpu.memory_space<hbm>>
    %dma_wait3A_715 = arith.constant 0 : i32
    %dma_wait3A_716 = tpu.memref_slice %arg3[%mul3A_37, %dma_wait3A_715] : memref<128x128xf32, #tpu.memory_space<hbm>> -> memref<8x128xf32, #tpu.memory_space<hbm>>
    tpu.wait_dma2 semaphore(%arg34 : memref<!tpu.dma_semaphore, #tpu.memory_space<semaphore_mem>>) src(%dma_wait3A_716 : memref<8x128xf32, #tpu.memory_space<hbm>>) dst(%arg24 : memref<8x128xf32, #tpu.memory_space<vmem>>)
    %dma_wait3A_717 = arith.constant 0 : i32
    %dma_wait3A_718 = tpu.memref_slice %arg4[%mul3A_43, %dma_wait3A_717] : memref<128x128xf32, #tpu.memory_space<hbm>> -> memref<8x128xf32, #tpu.memory_space<hbm>>
    %dma_wait3A_719 = arith.constant 0 : i32
    %dma_wait3A_720 = tpu.memref_slice %arg4[%mul3A_43, %dma_wait3A_719] : memref<128x128xf32, #tpu.memory_space<hbm>> -> memref<8x128xf32, #tpu.memory_space<hbm>>
    tpu.wait_dma2 semaphore(%arg34 : memref<!tpu.dma_semaphore, #tpu.memory_space<semaphore_mem>>) src(%dma_wait3A_720 : memref<8x128xf32, #tpu.memory_space<hbm>>) dst(%arg25 : memref<8x128xf32, #tpu.memory_space<vmem>>)
    %dma_wait3A_721 = arith.constant 0 : i32
    %dma_wait3A_722 = tpu.memref_slice %arg7[%mul3A_49, %dma_wait3A_721] : memref<128x128xi32, #tpu.memory_space<hbm>> -> memref<8x128xi32, #tpu.memory_space<hbm>>
    %dma_wait3A_723 = arith.constant 0 : i32
    %dma_wait3A_724 = tpu.memref_slice %arg7[%mul3A_49, %dma_wait3A_723] : memref<128x128xi32, #tpu.memory_space<hbm>> -> memref<8x128xi32, #tpu.memory_space<hbm>>
    tpu.wait_dma2 semaphore(%arg34 : memref<!tpu.dma_semaphore, #tpu.memory_space<semaphore_mem>>) src(%dma_wait3A_724 : memref<8x128xi32, #tpu.memory_space<hbm>>) dst(%arg22 : memref<8x128xi32, #tpu.memory_space<vmem>>)
    %dma_start3A_725 = arith.constant 0 : i32
    %dma_start3A_726 = arith.constant 0 : i32
    %dma_start3A_727 = arith.constant 0 : i32
    %dma_start3A_728 = tpu.memref_slice %arg23[%dma_start3A_725, %dma_start3A_727] : memref<8x128xf32, #tpu.memory_space<vmem>> -> memref<1x128xf32, #tpu.memory_space<vmem>>
    %dma_start3A_729 = tpu.memref_squeeze %dma_start3A_728 : memref<1x128xf32, #tpu.memory_space<vmem>> -> memref<128xf32, #tpu.memory_space<vmem>>
    %dma_start3A_730 = arith.constant 0 : i32
    %dma_start3A_731 = tpu.memref_slice %arg22[%dma_start3A_726, %dma_start3A_730] : memref<8x128xi32, #tpu.memory_space<vmem>> -> memref<1x128xi32, #tpu.memory_space<vmem>>
    %dma_start3A_732 = tpu.memref_squeeze %dma_start3A_731 : memref<1x128xi32, #tpu.memory_space<vmem>> -> memref<128xi32, #tpu.memory_space<vmem>>
    %dma_start3A_733 = arith.constant 0 : i32
    %dma_start3A_734 = tpu.memref_slice %arg12[%dma_start3A_733] : memref<256xf32, #tpu.memory_space<vmem_shared>> -> memref<256xf32, #tpu.memory_space<vmem_shared>>
    tpu.enqueue_indirect_dma source(%dma_start3A_729 : memref<128xf32, #tpu.memory_space<vmem>>) target(%dma_start3A_734 : memref<256xf32, #tpu.memory_space<vmem_shared>>) offsets(%dma_start3A_732 : memref<128xi32, #tpu.memory_space<vmem>>) semaphore(%arg35 : memref<!tpu.dma_semaphore, #tpu.memory_space<semaphore_mem>>) {add = true}
    %dma_start3A_735 = arith.constant 0 : i32
    %dma_start3A_736 = arith.constant 0 : i32
    %dma_start3A_737 = arith.constant 0 : i32
    %dma_start3A_738 = tpu.memref_slice %arg24[%dma_start3A_735, %dma_start3A_737] : memref<8x128xf32, #tpu.memory_space<vmem>> -> memref<1x128xf32, #tpu.memory_space<vmem>>
    %dma_start3A_739 = tpu.memref_squeeze %dma_start3A_738 : memref<1x128xf32, #tpu.memory_space<vmem>> -> memref<128xf32, #tpu.memory_space<vmem>>
    %dma_start3A_740 = arith.constant 0 : i32
    %dma_start3A_741 = tpu.memref_slice %arg22[%dma_start3A_736, %dma_start3A_740] : memref<8x128xi32, #tpu.memory_space<vmem>> -> memref<1x128xi32, #tpu.memory_space<vmem>>
    %dma_start3A_742 = tpu.memref_squeeze %dma_start3A_741 : memref<1x128xi32, #tpu.memory_space<vmem>> -> memref<128xi32, #tpu.memory_space<vmem>>
    %dma_start3A_743 = arith.constant 0 : i32
    %dma_start3A_744 = tpu.memref_slice %arg13[%dma_start3A_743] : memref<256xf32, #tpu.memory_space<vmem_shared>> -> memref<256xf32, #tpu.memory_space<vmem_shared>>
    tpu.enqueue_indirect_dma source(%dma_start3A_739 : memref<128xf32, #tpu.memory_space<vmem>>) target(%dma_start3A_744 : memref<256xf32, #tpu.memory_space<vmem_shared>>) offsets(%dma_start3A_742 : memref<128xi32, #tpu.memory_space<vmem>>) semaphore(%arg35 : memref<!tpu.dma_semaphore, #tpu.memory_space<semaphore_mem>>) {add = true}
    %dma_start3A_745 = arith.constant 0 : i32
    %dma_start3A_746 = arith.constant 0 : i32
    %dma_start3A_747 = arith.constant 0 : i32
    %dma_start3A_748 = tpu.memref_slice %arg25[%dma_start3A_745, %dma_start3A_747] : memref<8x128xf32, #tpu.memory_space<vmem>> -> memref<1x128xf32, #tpu.memory_space<vmem>>
    %dma_start3A_749 = tpu.memref_squeeze %dma_start3A_748 : memref<1x128xf32, #tpu.memory_space<vmem>> -> memref<128xf32, #tpu.memory_space<vmem>>
    %dma_start3A_750 = arith.constant 0 : i32
    %dma_start3A_751 = tpu.memref_slice %arg22[%dma_start3A_746, %dma_start3A_750] : memref<8x128xi32, #tpu.memory_space<vmem>> -> memref<1x128xi32, #tpu.memory_space<vmem>>
    %dma_start3A_752 = tpu.memref_squeeze %dma_start3A_751 : memref<1x128xi32, #tpu.memory_space<vmem>> -> memref<128xi32, #tpu.memory_space<vmem>>
    %dma_start3A_753 = arith.constant 0 : i32
    %dma_start3A_754 = tpu.memref_slice %arg14[%dma_start3A_753] : memref<256xf32, #tpu.memory_space<vmem_shared>> -> memref<256xf32, #tpu.memory_space<vmem_shared>>
    tpu.enqueue_indirect_dma source(%dma_start3A_749 : memref<128xf32, #tpu.memory_space<vmem>>) target(%dma_start3A_754 : memref<256xf32, #tpu.memory_space<vmem_shared>>) offsets(%dma_start3A_752 : memref<128xi32, #tpu.memory_space<vmem>>) semaphore(%arg35 : memref<!tpu.dma_semaphore, #tpu.memory_space<semaphore_mem>>) {add = true}
    %dma_start3A_755 = arith.constant 0 : i32
    %dma_start3A_756 = arith.constant 0 : i32
    %dma_start3A_757 = arith.constant 0 : i32
    %dma_start3A_758 = tpu.memref_slice %arg26[%dma_start3A_755, %dma_start3A_757] : memref<8x128xf32, #tpu.memory_space<vmem>> -> memref<1x128xf32, #tpu.memory_space<vmem>>
    %dma_start3A_759 = tpu.memref_squeeze %dma_start3A_758 : memref<1x128xf32, #tpu.memory_space<vmem>> -> memref<128xf32, #tpu.memory_space<vmem>>
    %dma_start3A_760 = arith.constant 0 : i32
    %dma_start3A_761 = tpu.memref_slice %arg22[%dma_start3A_756, %dma_start3A_760] : memref<8x128xi32, #tpu.memory_space<vmem>> -> memref<1x128xi32, #tpu.memory_space<vmem>>
    %dma_start3A_762 = tpu.memref_squeeze %dma_start3A_761 : memref<1x128xi32, #tpu.memory_space<vmem>> -> memref<128xi32, #tpu.memory_space<vmem>>
    %dma_start3A_763 = arith.constant 0 : i32
    %dma_start3A_764 = tpu.memref_slice %arg15[%dma_start3A_763] : memref<256xf32, #tpu.memory_space<vmem_shared>> -> memref<256xf32, #tpu.memory_space<vmem_shared>>
    tpu.enqueue_indirect_dma source(%dma_start3A_759 : memref<128xf32, #tpu.memory_space<vmem>>) target(%dma_start3A_764 : memref<256xf32, #tpu.memory_space<vmem_shared>>) offsets(%dma_start3A_762 : memref<128xi32, #tpu.memory_space<vmem>>) semaphore(%arg35 : memref<!tpu.dma_semaphore, #tpu.memory_space<semaphore_mem>>) {add = true}
    %dma_start3A_765 = arith.constant 0 : i32
    %dma_start3A_766 = arith.constant 0 : i32
    %dma_start3A_767 = arith.constant 0 : i32
    %dma_start3A_768 = tpu.memref_slice %arg19[%dma_start3A_765, %dma_start3A_767] : memref<16x128xf32, #tpu.memory_space<vmem>> -> memref<1x128xf32, #tpu.memory_space<vmem>>
    %dma_start3A_769 = tpu.memref_squeeze %dma_start3A_768 : memref<1x128xf32, #tpu.memory_space<vmem>> -> memref<128xf32, #tpu.memory_space<vmem>>
    %dma_start3A_770 = arith.constant 0 : i32
    %dma_start3A_771 = tpu.memref_slice %arg22[%dma_start3A_766, %dma_start3A_770] : memref<8x128xi32, #tpu.memory_space<vmem>> -> memref<1x128xi32, #tpu.memory_space<vmem>>
    %dma_start3A_772 = tpu.memref_squeeze %dma_start3A_771 : memref<1x128xi32, #tpu.memory_space<vmem>> -> memref<128xi32, #tpu.memory_space<vmem>>
    %dma_start3A_773 = arith.constant 0 : i32
    %dma_start3A_774 = tpu.memref_slice %arg16[%dma_start3A_773] : memref<256xf32, #tpu.memory_space<vmem_shared>> -> memref<256xf32, #tpu.memory_space<vmem_shared>>
    tpu.enqueue_indirect_dma source(%dma_start3A_769 : memref<128xf32, #tpu.memory_space<vmem>>) target(%dma_start3A_774 : memref<256xf32, #tpu.memory_space<vmem_shared>>) offsets(%dma_start3A_772 : memref<128xi32, #tpu.memory_space<vmem>>) semaphore(%arg35 : memref<!tpu.dma_semaphore, #tpu.memory_space<semaphore_mem>>) {add = true}
    %dma_start3A_775 = arith.constant 1 : i32
    %dma_start3A_776 = arith.constant 1 : i32
    %dma_start3A_777 = arith.constant 0 : i32
    %dma_start3A_778 = tpu.memref_slice %arg23[%dma_start3A_775, %dma_start3A_777] : memref<8x128xf32, #tpu.memory_space<vmem>> -> memref<1x128xf32, #tpu.memory_space<vmem>>
    %dma_start3A_779 = tpu.memref_squeeze %dma_start3A_778 : memref<1x128xf32, #tpu.memory_space<vmem>> -> memref<128xf32, #tpu.memory_space<vmem>>
    %dma_start3A_780 = arith.constant 0 : i32
    %dma_start3A_781 = tpu.memref_slice %arg22[%dma_start3A_776, %dma_start3A_780] : memref<8x128xi32, #tpu.memory_space<vmem>> -> memref<1x128xi32, #tpu.memory_space<vmem>>
    %dma_start3A_782 = tpu.memref_squeeze %dma_start3A_781 : memref<1x128xi32, #tpu.memory_space<vmem>> -> memref<128xi32, #tpu.memory_space<vmem>>
    %dma_start3A_783 = arith.constant 0 : i32
    %dma_start3A_784 = tpu.memref_slice %arg12[%dma_start3A_783] : memref<256xf32, #tpu.memory_space<vmem_shared>> -> memref<256xf32, #tpu.memory_space<vmem_shared>>
    tpu.enqueue_indirect_dma source(%dma_start3A_779 : memref<128xf32, #tpu.memory_space<vmem>>) target(%dma_start3A_784 : memref<256xf32, #tpu.memory_space<vmem_shared>>) offsets(%dma_start3A_782 : memref<128xi32, #tpu.memory_space<vmem>>) semaphore(%arg35 : memref<!tpu.dma_semaphore, #tpu.memory_space<semaphore_mem>>) {add = true}
    %dma_start3A_785 = arith.constant 1 : i32
    %dma_start3A_786 = arith.constant 1 : i32
    %dma_start3A_787 = arith.constant 0 : i32
    %dma_start3A_788 = tpu.memref_slice %arg24[%dma_start3A_785, %dma_start3A_787] : memref<8x128xf32, #tpu.memory_space<vmem>> -> memref<1x128xf32, #tpu.memory_space<vmem>>
    %dma_start3A_789 = tpu.memref_squeeze %dma_start3A_788 : memref<1x128xf32, #tpu.memory_space<vmem>> -> memref<128xf32, #tpu.memory_space<vmem>>
    %dma_start3A_790 = arith.constant 0 : i32
    %dma_start3A_791 = tpu.memref_slice %arg22[%dma_start3A_786, %dma_start3A_790] : memref<8x128xi32, #tpu.memory_space<vmem>> -> memref<1x128xi32, #tpu.memory_space<vmem>>
    %dma_start3A_792 = tpu.memref_squeeze %dma_start3A_791 : memref<1x128xi32, #tpu.memory_space<vmem>> -> memref<128xi32, #tpu.memory_space<vmem>>
    %dma_start3A_793 = arith.constant 0 : i32
    %dma_start3A_794 = tpu.memref_slice %arg13[%dma_start3A_793] : memref<256xf32, #tpu.memory_space<vmem_shared>> -> memref<256xf32, #tpu.memory_space<vmem_shared>>
    tpu.enqueue_indirect_dma source(%dma_start3A_789 : memref<128xf32, #tpu.memory_space<vmem>>) target(%dma_start3A_794 : memref<256xf32, #tpu.memory_space<vmem_shared>>) offsets(%dma_start3A_792 : memref<128xi32, #tpu.memory_space<vmem>>) semaphore(%arg35 : memref<!tpu.dma_semaphore, #tpu.memory_space<semaphore_mem>>) {add = true}
    %dma_start3A_795 = arith.constant 1 : i32
    %dma_start3A_796 = arith.constant 1 : i32
    %dma_start3A_797 = arith.constant 0 : i32
    %dma_start3A_798 = tpu.memref_slice %arg25[%dma_start3A_795, %dma_start3A_797] : memref<8x128xf32, #tpu.memory_space<vmem>> -> memref<1x128xf32, #tpu.memory_space<vmem>>
    %dma_start3A_799 = tpu.memref_squeeze %dma_start3A_798 : memref<1x128xf32, #tpu.memory_space<vmem>> -> memref<128xf32, #tpu.memory_space<vmem>>
    %dma_start3A_800 = arith.constant 0 : i32
    %dma_start3A_801 = tpu.memref_slice %arg22[%dma_start3A_796, %dma_start3A_800] : memref<8x128xi32, #tpu.memory_space<vmem>> -> memref<1x128xi32, #tpu.memory_space<vmem>>
    %dma_start3A_802 = tpu.memref_squeeze %dma_start3A_801 : memref<1x128xi32, #tpu.memory_space<vmem>> -> memref<128xi32, #tpu.memory_space<vmem>>
    %dma_start3A_803 = arith.constant 0 : i32
    %dma_start3A_804 = tpu.memref_slice %arg14[%dma_start3A_803] : memref<256xf32, #tpu.memory_space<vmem_shared>> -> memref<256xf32, #tpu.memory_space<vmem_shared>>
    tpu.enqueue_indirect_dma source(%dma_start3A_799 : memref<128xf32, #tpu.memory_space<vmem>>) target(%dma_start3A_804 : memref<256xf32, #tpu.memory_space<vmem_shared>>) offsets(%dma_start3A_802 : memref<128xi32, #tpu.memory_space<vmem>>) semaphore(%arg35 : memref<!tpu.dma_semaphore, #tpu.memory_space<semaphore_mem>>) {add = true}
    %dma_start3A_805 = arith.constant 1 : i32
    %dma_start3A_806 = arith.constant 1 : i32
    %dma_start3A_807 = arith.constant 0 : i32
    %dma_start3A_808 = tpu.memref_slice %arg26[%dma_start3A_805, %dma_start3A_807] : memref<8x128xf32, #tpu.memory_space<vmem>> -> memref<1x128xf32, #tpu.memory_space<vmem>>
    %dma_start3A_809 = tpu.memref_squeeze %dma_start3A_808 : memref<1x128xf32, #tpu.memory_space<vmem>> -> memref<128xf32, #tpu.memory_space<vmem>>
    %dma_start3A_810 = arith.constant 0 : i32
    %dma_start3A_811 = tpu.memref_slice %arg22[%dma_start3A_806, %dma_start3A_810] : memref<8x128xi32, #tpu.memory_space<vmem>> -> memref<1x128xi32, #tpu.memory_space<vmem>>
    %dma_start3A_812 = tpu.memref_squeeze %dma_start3A_811 : memref<1x128xi32, #tpu.memory_space<vmem>> -> memref<128xi32, #tpu.memory_space<vmem>>
    %dma_start3A_813 = arith.constant 0 : i32
    %dma_start3A_814 = tpu.memref_slice %arg15[%dma_start3A_813] : memref<256xf32, #tpu.memory_space<vmem_shared>> -> memref<256xf32, #tpu.memory_space<vmem_shared>>
    tpu.enqueue_indirect_dma source(%dma_start3A_809 : memref<128xf32, #tpu.memory_space<vmem>>) target(%dma_start3A_814 : memref<256xf32, #tpu.memory_space<vmem_shared>>) offsets(%dma_start3A_812 : memref<128xi32, #tpu.memory_space<vmem>>) semaphore(%arg35 : memref<!tpu.dma_semaphore, #tpu.memory_space<semaphore_mem>>) {add = true}
    %dma_start3A_815 = arith.constant 1 : i32
    %dma_start3A_816 = arith.constant 1 : i32
    %dma_start3A_817 = arith.constant 0 : i32
    %dma_start3A_818 = tpu.memref_slice %arg19[%dma_start3A_815, %dma_start3A_817] : memref<16x128xf32, #tpu.memory_space<vmem>> -> memref<1x128xf32, #tpu.memory_space<vmem>>
    %dma_start3A_819 = tpu.memref_squeeze %dma_start3A_818 : memref<1x128xf32, #tpu.memory_space<vmem>> -> memref<128xf32, #tpu.memory_space<vmem>>
    %dma_start3A_820 = arith.constant 0 : i32
    %dma_start3A_821 = tpu.memref_slice %arg22[%dma_start3A_816, %dma_start3A_820] : memref<8x128xi32, #tpu.memory_space<vmem>> -> memref<1x128xi32, #tpu.memory_space<vmem>>
    %dma_start3A_822 = tpu.memref_squeeze %dma_start3A_821 : memref<1x128xi32, #tpu.memory_space<vmem>> -> memref<128xi32, #tpu.memory_space<vmem>>
    %dma_start3A_823 = arith.constant 0 : i32
    %dma_start3A_824 = tpu.memref_slice %arg16[%dma_start3A_823] : memref<256xf32, #tpu.memory_space<vmem_shared>> -> memref<256xf32, #tpu.memory_space<vmem_shared>>
    tpu.enqueue_indirect_dma source(%dma_start3A_819 : memref<128xf32, #tpu.memory_space<vmem>>) target(%dma_start3A_824 : memref<256xf32, #tpu.memory_space<vmem_shared>>) offsets(%dma_start3A_822 : memref<128xi32, #tpu.memory_space<vmem>>) semaphore(%arg35 : memref<!tpu.dma_semaphore, #tpu.memory_space<semaphore_mem>>) {add = true}
    %dma_start3A_825 = arith.constant 2 : i32
    %dma_start3A_826 = arith.constant 2 : i32
    %dma_start3A_827 = arith.constant 0 : i32
    %dma_start3A_828 = tpu.memref_slice %arg23[%dma_start3A_825, %dma_start3A_827] : memref<8x128xf32, #tpu.memory_space<vmem>> -> memref<1x128xf32, #tpu.memory_space<vmem>>
    %dma_start3A_829 = tpu.memref_squeeze %dma_start3A_828 : memref<1x128xf32, #tpu.memory_space<vmem>> -> memref<128xf32, #tpu.memory_space<vmem>>
    %dma_start3A_830 = arith.constant 0 : i32
    %dma_start3A_831 = tpu.memref_slice %arg22[%dma_start3A_826, %dma_start3A_830] : memref<8x128xi32, #tpu.memory_space<vmem>> -> memref<1x128xi32, #tpu.memory_space<vmem>>
    %dma_start3A_832 = tpu.memref_squeeze %dma_start3A_831 : memref<1x128xi32, #tpu.memory_space<vmem>> -> memref<128xi32, #tpu.memory_space<vmem>>
    %dma_start3A_833 = arith.constant 0 : i32
    %dma_start3A_834 = tpu.memref_slice %arg12[%dma_start3A_833] : memref<256xf32, #tpu.memory_space<vmem_shared>> -> memref<256xf32, #tpu.memory_space<vmem_shared>>
    tpu.enqueue_indirect_dma source(%dma_start3A_829 : memref<128xf32, #tpu.memory_space<vmem>>) target(%dma_start3A_834 : memref<256xf32, #tpu.memory_space<vmem_shared>>) offsets(%dma_start3A_832 : memref<128xi32, #tpu.memory_space<vmem>>) semaphore(%arg35 : memref<!tpu.dma_semaphore, #tpu.memory_space<semaphore_mem>>) {add = true}
    %dma_start3A_835 = arith.constant 2 : i32
    %dma_start3A_836 = arith.constant 2 : i32
    %dma_start3A_837 = arith.constant 0 : i32
    %dma_start3A_838 = tpu.memref_slice %arg24[%dma_start3A_835, %dma_start3A_837] : memref<8x128xf32, #tpu.memory_space<vmem>> -> memref<1x128xf32, #tpu.memory_space<vmem>>
    %dma_start3A_839 = tpu.memref_squeeze %dma_start3A_838 : memref<1x128xf32, #tpu.memory_space<vmem>> -> memref<128xf32, #tpu.memory_space<vmem>>
    %dma_start3A_840 = arith.constant 0 : i32
    %dma_start3A_841 = tpu.memref_slice %arg22[%dma_start3A_836, %dma_start3A_840] : memref<8x128xi32, #tpu.memory_space<vmem>> -> memref<1x128xi32, #tpu.memory_space<vmem>>
    %dma_start3A_842 = tpu.memref_squeeze %dma_start3A_841 : memref<1x128xi32, #tpu.memory_space<vmem>> -> memref<128xi32, #tpu.memory_space<vmem>>
    %dma_start3A_843 = arith.constant 0 : i32
    %dma_start3A_844 = tpu.memref_slice %arg13[%dma_start3A_843] : memref<256xf32, #tpu.memory_space<vmem_shared>> -> memref<256xf32, #tpu.memory_space<vmem_shared>>
    tpu.enqueue_indirect_dma source(%dma_start3A_839 : memref<128xf32, #tpu.memory_space<vmem>>) target(%dma_start3A_844 : memref<256xf32, #tpu.memory_space<vmem_shared>>) offsets(%dma_start3A_842 : memref<128xi32, #tpu.memory_space<vmem>>) semaphore(%arg35 : memref<!tpu.dma_semaphore, #tpu.memory_space<semaphore_mem>>) {add = true}
    %dma_start3A_845 = arith.constant 2 : i32
    %dma_start3A_846 = arith.constant 2 : i32
    %dma_start3A_847 = arith.constant 0 : i32
    %dma_start3A_848 = tpu.memref_slice %arg25[%dma_start3A_845, %dma_start3A_847] : memref<8x128xf32, #tpu.memory_space<vmem>> -> memref<1x128xf32, #tpu.memory_space<vmem>>
    %dma_start3A_849 = tpu.memref_squeeze %dma_start3A_848 : memref<1x128xf32, #tpu.memory_space<vmem>> -> memref<128xf32, #tpu.memory_space<vmem>>
    %dma_start3A_850 = arith.constant 0 : i32
    %dma_start3A_851 = tpu.memref_slice %arg22[%dma_start3A_846, %dma_start3A_850] : memref<8x128xi32, #tpu.memory_space<vmem>> -> memref<1x128xi32, #tpu.memory_space<vmem>>
    %dma_start3A_852 = tpu.memref_squeeze %dma_start3A_851 : memref<1x128xi32, #tpu.memory_space<vmem>> -> memref<128xi32, #tpu.memory_space<vmem>>
    %dma_start3A_853 = arith.constant 0 : i32
    %dma_start3A_854 = tpu.memref_slice %arg14[%dma_start3A_853] : memref<256xf32, #tpu.memory_space<vmem_shared>> -> memref<256xf32, #tpu.memory_space<vmem_shared>>
    tpu.enqueue_indirect_dma source(%dma_start3A_849 : memref<128xf32, #tpu.memory_space<vmem>>) target(%dma_start3A_854 : memref<256xf32, #tpu.memory_space<vmem_shared>>) offsets(%dma_start3A_852 : memref<128xi32, #tpu.memory_space<vmem>>) semaphore(%arg35 : memref<!tpu.dma_semaphore, #tpu.memory_space<semaphore_mem>>) {add = true}
    %dma_start3A_855 = arith.constant 2 : i32
    %dma_start3A_856 = arith.constant 2 : i32
    %dma_start3A_857 = arith.constant 0 : i32
    %dma_start3A_858 = tpu.memref_slice %arg26[%dma_start3A_855, %dma_start3A_857] : memref<8x128xf32, #tpu.memory_space<vmem>> -> memref<1x128xf32, #tpu.memory_space<vmem>>
    %dma_start3A_859 = tpu.memref_squeeze %dma_start3A_858 : memref<1x128xf32, #tpu.memory_space<vmem>> -> memref<128xf32, #tpu.memory_space<vmem>>
    %dma_start3A_860 = arith.constant 0 : i32
    %dma_start3A_861 = tpu.memref_slice %arg22[%dma_start3A_856, %dma_start3A_860] : memref<8x128xi32, #tpu.memory_space<vmem>> -> memref<1x128xi32, #tpu.memory_space<vmem>>
    %dma_start3A_862 = tpu.memref_squeeze %dma_start3A_861 : memref<1x128xi32, #tpu.memory_space<vmem>> -> memref<128xi32, #tpu.memory_space<vmem>>
    %dma_start3A_863 = arith.constant 0 : i32
    %dma_start3A_864 = tpu.memref_slice %arg15[%dma_start3A_863] : memref<256xf32, #tpu.memory_space<vmem_shared>> -> memref<256xf32, #tpu.memory_space<vmem_shared>>
    tpu.enqueue_indirect_dma source(%dma_start3A_859 : memref<128xf32, #tpu.memory_space<vmem>>) target(%dma_start3A_864 : memref<256xf32, #tpu.memory_space<vmem_shared>>) offsets(%dma_start3A_862 : memref<128xi32, #tpu.memory_space<vmem>>) semaphore(%arg35 : memref<!tpu.dma_semaphore, #tpu.memory_space<semaphore_mem>>) {add = true}
    %dma_start3A_865 = arith.constant 2 : i32
    %dma_start3A_866 = arith.constant 2 : i32
    %dma_start3A_867 = arith.constant 0 : i32
    %dma_start3A_868 = tpu.memref_slice %arg19[%dma_start3A_865, %dma_start3A_867] : memref<16x128xf32, #tpu.memory_space<vmem>> -> memref<1x128xf32, #tpu.memory_space<vmem>>
    %dma_start3A_869 = tpu.memref_squeeze %dma_start3A_868 : memref<1x128xf32, #tpu.memory_space<vmem>> -> memref<128xf32, #tpu.memory_space<vmem>>
    %dma_start3A_870 = arith.constant 0 : i32
    %dma_start3A_871 = tpu.memref_slice %arg22[%dma_start3A_866, %dma_start3A_870] : memref<8x128xi32, #tpu.memory_space<vmem>> -> memref<1x128xi32, #tpu.memory_space<vmem>>
    %dma_start3A_872 = tpu.memref_squeeze %dma_start3A_871 : memref<1x128xi32, #tpu.memory_space<vmem>> -> memref<128xi32, #tpu.memory_space<vmem>>
    %dma_start3A_873 = arith.constant 0 : i32
    %dma_start3A_874 = tpu.memref_slice %arg16[%dma_start3A_873] : memref<256xf32, #tpu.memory_space<vmem_shared>> -> memref<256xf32, #tpu.memory_space<vmem_shared>>
    tpu.enqueue_indirect_dma source(%dma_start3A_869 : memref<128xf32, #tpu.memory_space<vmem>>) target(%dma_start3A_874 : memref<256xf32, #tpu.memory_space<vmem_shared>>) offsets(%dma_start3A_872 : memref<128xi32, #tpu.memory_space<vmem>>) semaphore(%arg35 : memref<!tpu.dma_semaphore, #tpu.memory_space<semaphore_mem>>) {add = true}
    %dma_start3A_875 = arith.constant 3 : i32
    %dma_start3A_876 = arith.constant 3 : i32
    %dma_start3A_877 = arith.constant 0 : i32
    %dma_start3A_878 = tpu.memref_slice %arg23[%dma_start3A_875, %dma_start3A_877] : memref<8x128xf32, #tpu.memory_space<vmem>> -> memref<1x128xf32, #tpu.memory_space<vmem>>
    %dma_start3A_879 = tpu.memref_squeeze %dma_start3A_878 : memref<1x128xf32, #tpu.memory_space<vmem>> -> memref<128xf32, #tpu.memory_space<vmem>>
    %dma_start3A_880 = arith.constant 0 : i32
    %dma_start3A_881 = tpu.memref_slice %arg22[%dma_start3A_876, %dma_start3A_880] : memref<8x128xi32, #tpu.memory_space<vmem>> -> memref<1x128xi32, #tpu.memory_space<vmem>>
    %dma_start3A_882 = tpu.memref_squeeze %dma_start3A_881 : memref<1x128xi32, #tpu.memory_space<vmem>> -> memref<128xi32, #tpu.memory_space<vmem>>
    %dma_start3A_883 = arith.constant 0 : i32
    %dma_start3A_884 = tpu.memref_slice %arg12[%dma_start3A_883] : memref<256xf32, #tpu.memory_space<vmem_shared>> -> memref<256xf32, #tpu.memory_space<vmem_shared>>
    tpu.enqueue_indirect_dma source(%dma_start3A_879 : memref<128xf32, #tpu.memory_space<vmem>>) target(%dma_start3A_884 : memref<256xf32, #tpu.memory_space<vmem_shared>>) offsets(%dma_start3A_882 : memref<128xi32, #tpu.memory_space<vmem>>) semaphore(%arg35 : memref<!tpu.dma_semaphore, #tpu.memory_space<semaphore_mem>>) {add = true}
    %dma_start3A_885 = arith.constant 3 : i32
    %dma_start3A_886 = arith.constant 3 : i32
    %dma_start3A_887 = arith.constant 0 : i32
    %dma_start3A_888 = tpu.memref_slice %arg24[%dma_start3A_885, %dma_start3A_887] : memref<8x128xf32, #tpu.memory_space<vmem>> -> memref<1x128xf32, #tpu.memory_space<vmem>>
    %dma_start3A_889 = tpu.memref_squeeze %dma_start3A_888 : memref<1x128xf32, #tpu.memory_space<vmem>> -> memref<128xf32, #tpu.memory_space<vmem>>
    %dma_start3A_890 = arith.constant 0 : i32
    %dma_start3A_891 = tpu.memref_slice %arg22[%dma_start3A_886, %dma_start3A_890] : memref<8x128xi32, #tpu.memory_space<vmem>> -> memref<1x128xi32, #tpu.memory_space<vmem>>
    %dma_start3A_892 = tpu.memref_squeeze %dma_start3A_891 : memref<1x128xi32, #tpu.memory_space<vmem>> -> memref<128xi32, #tpu.memory_space<vmem>>
    %dma_start3A_893 = arith.constant 0 : i32
    %dma_start3A_894 = tpu.memref_slice %arg13[%dma_start3A_893] : memref<256xf32, #tpu.memory_space<vmem_shared>> -> memref<256xf32, #tpu.memory_space<vmem_shared>>
    tpu.enqueue_indirect_dma source(%dma_start3A_889 : memref<128xf32, #tpu.memory_space<vmem>>) target(%dma_start3A_894 : memref<256xf32, #tpu.memory_space<vmem_shared>>) offsets(%dma_start3A_892 : memref<128xi32, #tpu.memory_space<vmem>>) semaphore(%arg35 : memref<!tpu.dma_semaphore, #tpu.memory_space<semaphore_mem>>) {add = true}
    %dma_start3A_895 = arith.constant 3 : i32
    %dma_start3A_896 = arith.constant 3 : i32
    %dma_start3A_897 = arith.constant 0 : i32
    %dma_start3A_898 = tpu.memref_slice %arg25[%dma_start3A_895, %dma_start3A_897] : memref<8x128xf32, #tpu.memory_space<vmem>> -> memref<1x128xf32, #tpu.memory_space<vmem>>
    %dma_start3A_899 = tpu.memref_squeeze %dma_start3A_898 : memref<1x128xf32, #tpu.memory_space<vmem>> -> memref<128xf32, #tpu.memory_space<vmem>>
    %dma_start3A_900 = arith.constant 0 : i32
    %dma_start3A_901 = tpu.memref_slice %arg22[%dma_start3A_896, %dma_start3A_900] : memref<8x128xi32, #tpu.memory_space<vmem>> -> memref<1x128xi32, #tpu.memory_space<vmem>>
    %dma_start3A_902 = tpu.memref_squeeze %dma_start3A_901 : memref<1x128xi32, #tpu.memory_space<vmem>> -> memref<128xi32, #tpu.memory_space<vmem>>
    %dma_start3A_903 = arith.constant 0 : i32
    %dma_start3A_904 = tpu.memref_slice %arg14[%dma_start3A_903] : memref<256xf32, #tpu.memory_space<vmem_shared>> -> memref<256xf32, #tpu.memory_space<vmem_shared>>
    tpu.enqueue_indirect_dma source(%dma_start3A_899 : memref<128xf32, #tpu.memory_space<vmem>>) target(%dma_start3A_904 : memref<256xf32, #tpu.memory_space<vmem_shared>>) offsets(%dma_start3A_902 : memref<128xi32, #tpu.memory_space<vmem>>) semaphore(%arg35 : memref<!tpu.dma_semaphore, #tpu.memory_space<semaphore_mem>>) {add = true}
    %dma_start3A_905 = arith.constant 3 : i32
    %dma_start3A_906 = arith.constant 3 : i32
    %dma_start3A_907 = arith.constant 0 : i32
    %dma_start3A_908 = tpu.memref_slice %arg26[%dma_start3A_905, %dma_start3A_907] : memref<8x128xf32, #tpu.memory_space<vmem>> -> memref<1x128xf32, #tpu.memory_space<vmem>>
    %dma_start3A_909 = tpu.memref_squeeze %dma_start3A_908 : memref<1x128xf32, #tpu.memory_space<vmem>> -> memref<128xf32, #tpu.memory_space<vmem>>
    %dma_start3A_910 = arith.constant 0 : i32
    %dma_start3A_911 = tpu.memref_slice %arg22[%dma_start3A_906, %dma_start3A_910] : memref<8x128xi32, #tpu.memory_space<vmem>> -> memref<1x128xi32, #tpu.memory_space<vmem>>
    %dma_start3A_912 = tpu.memref_squeeze %dma_start3A_911 : memref<1x128xi32, #tpu.memory_space<vmem>> -> memref<128xi32, #tpu.memory_space<vmem>>
    %dma_start3A_913 = arith.constant 0 : i32
    %dma_start3A_914 = tpu.memref_slice %arg15[%dma_start3A_913] : memref<256xf32, #tpu.memory_space<vmem_shared>> -> memref<256xf32, #tpu.memory_space<vmem_shared>>
    tpu.enqueue_indirect_dma source(%dma_start3A_909 : memref<128xf32, #tpu.memory_space<vmem>>) target(%dma_start3A_914 : memref<256xf32, #tpu.memory_space<vmem_shared>>) offsets(%dma_start3A_912 : memref<128xi32, #tpu.memory_space<vmem>>) semaphore(%arg35 : memref<!tpu.dma_semaphore, #tpu.memory_space<semaphore_mem>>) {add = true}
    %dma_start3A_915 = arith.constant 3 : i32
    %dma_start3A_916 = arith.constant 3 : i32
    %dma_start3A_917 = arith.constant 0 : i32
    %dma_start3A_918 = tpu.memref_slice %arg19[%dma_start3A_915, %dma_start3A_917] : memref<16x128xf32, #tpu.memory_space<vmem>> -> memref<1x128xf32, #tpu.memory_space<vmem>>
    %dma_start3A_919 = tpu.memref_squeeze %dma_start3A_918 : memref<1x128xf32, #tpu.memory_space<vmem>> -> memref<128xf32, #tpu.memory_space<vmem>>
    %dma_start3A_920 = arith.constant 0 : i32
    %dma_start3A_921 = tpu.memref_slice %arg22[%dma_start3A_916, %dma_start3A_920] : memref<8x128xi32, #tpu.memory_space<vmem>> -> memref<1x128xi32, #tpu.memory_space<vmem>>
    %dma_start3A_922 = tpu.memref_squeeze %dma_start3A_921 : memref<1x128xi32, #tpu.memory_space<vmem>> -> memref<128xi32, #tpu.memory_space<vmem>>
    %dma_start3A_923 = arith.constant 0 : i32
    %dma_start3A_924 = tpu.memref_slice %arg16[%dma_start3A_923] : memref<256xf32, #tpu.memory_space<vmem_shared>> -> memref<256xf32, #tpu.memory_space<vmem_shared>>
    tpu.enqueue_indirect_dma source(%dma_start3A_919 : memref<128xf32, #tpu.memory_space<vmem>>) target(%dma_start3A_924 : memref<256xf32, #tpu.memory_space<vmem_shared>>) offsets(%dma_start3A_922 : memref<128xi32, #tpu.memory_space<vmem>>) semaphore(%arg35 : memref<!tpu.dma_semaphore, #tpu.memory_space<semaphore_mem>>) {add = true}
    %dma_start3A_925 = arith.constant 4 : i32
    %dma_start3A_926 = arith.constant 4 : i32
    %dma_start3A_927 = arith.constant 0 : i32
    %dma_start3A_928 = tpu.memref_slice %arg23[%dma_start3A_925, %dma_start3A_927] : memref<8x128xf32, #tpu.memory_space<vmem>> -> memref<1x128xf32, #tpu.memory_space<vmem>>
    %dma_start3A_929 = tpu.memref_squeeze %dma_start3A_928 : memref<1x128xf32, #tpu.memory_space<vmem>> -> memref<128xf32, #tpu.memory_space<vmem>>
    %dma_start3A_930 = arith.constant 0 : i32
    %dma_start3A_931 = tpu.memref_slice %arg22[%dma_start3A_926, %dma_start3A_930] : memref<8x128xi32, #tpu.memory_space<vmem>> -> memref<1x128xi32, #tpu.memory_space<vmem>>
    %dma_start3A_932 = tpu.memref_squeeze %dma_start3A_931 : memref<1x128xi32, #tpu.memory_space<vmem>> -> memref<128xi32, #tpu.memory_space<vmem>>
    %dma_start3A_933 = arith.constant 0 : i32
    %dma_start3A_934 = tpu.memref_slice %arg12[%dma_start3A_933] : memref<256xf32, #tpu.memory_space<vmem_shared>> -> memref<256xf32, #tpu.memory_space<vmem_shared>>
    tpu.enqueue_indirect_dma source(%dma_start3A_929 : memref<128xf32, #tpu.memory_space<vmem>>) target(%dma_start3A_934 : memref<256xf32, #tpu.memory_space<vmem_shared>>) offsets(%dma_start3A_932 : memref<128xi32, #tpu.memory_space<vmem>>) semaphore(%arg35 : memref<!tpu.dma_semaphore, #tpu.memory_space<semaphore_mem>>) {add = true}
    %dma_start3A_935 = arith.constant 4 : i32
    %dma_start3A_936 = arith.constant 4 : i32
    %dma_start3A_937 = arith.constant 0 : i32
    %dma_start3A_938 = tpu.memref_slice %arg24[%dma_start3A_935, %dma_start3A_937] : memref<8x128xf32, #tpu.memory_space<vmem>> -> memref<1x128xf32, #tpu.memory_space<vmem>>
    %dma_start3A_939 = tpu.memref_squeeze %dma_start3A_938 : memref<1x128xf32, #tpu.memory_space<vmem>> -> memref<128xf32, #tpu.memory_space<vmem>>
    %dma_start3A_940 = arith.constant 0 : i32
    %dma_start3A_941 = tpu.memref_slice %arg22[%dma_start3A_936, %dma_start3A_940] : memref<8x128xi32, #tpu.memory_space<vmem>> -> memref<1x128xi32, #tpu.memory_space<vmem>>
    %dma_start3A_942 = tpu.memref_squeeze %dma_start3A_941 : memref<1x128xi32, #tpu.memory_space<vmem>> -> memref<128xi32, #tpu.memory_space<vmem>>
    %dma_start3A_943 = arith.constant 0 : i32
    %dma_start3A_944 = tpu.memref_slice %arg13[%dma_start3A_943] : memref<256xf32, #tpu.memory_space<vmem_shared>> -> memref<256xf32, #tpu.memory_space<vmem_shared>>
    tpu.enqueue_indirect_dma source(%dma_start3A_939 : memref<128xf32, #tpu.memory_space<vmem>>) target(%dma_start3A_944 : memref<256xf32, #tpu.memory_space<vmem_shared>>) offsets(%dma_start3A_942 : memref<128xi32, #tpu.memory_space<vmem>>) semaphore(%arg35 : memref<!tpu.dma_semaphore, #tpu.memory_space<semaphore_mem>>) {add = true}
    %dma_start3A_945 = arith.constant 4 : i32
    %dma_start3A_946 = arith.constant 4 : i32
    %dma_start3A_947 = arith.constant 0 : i32
    %dma_start3A_948 = tpu.memref_slice %arg25[%dma_start3A_945, %dma_start3A_947] : memref<8x128xf32, #tpu.memory_space<vmem>> -> memref<1x128xf32, #tpu.memory_space<vmem>>
    %dma_start3A_949 = tpu.memref_squeeze %dma_start3A_948 : memref<1x128xf32, #tpu.memory_space<vmem>> -> memref<128xf32, #tpu.memory_space<vmem>>
    %dma_start3A_950 = arith.constant 0 : i32
    %dma_start3A_951 = tpu.memref_slice %arg22[%dma_start3A_946, %dma_start3A_950] : memref<8x128xi32, #tpu.memory_space<vmem>> -> memref<1x128xi32, #tpu.memory_space<vmem>>
    %dma_start3A_952 = tpu.memref_squeeze %dma_start3A_951 : memref<1x128xi32, #tpu.memory_space<vmem>> -> memref<128xi32, #tpu.memory_space<vmem>>
    %dma_start3A_953 = arith.constant 0 : i32
    %dma_start3A_954 = tpu.memref_slice %arg14[%dma_start3A_953] : memref<256xf32, #tpu.memory_space<vmem_shared>> -> memref<256xf32, #tpu.memory_space<vmem_shared>>
    tpu.enqueue_indirect_dma source(%dma_start3A_949 : memref<128xf32, #tpu.memory_space<vmem>>) target(%dma_start3A_954 : memref<256xf32, #tpu.memory_space<vmem_shared>>) offsets(%dma_start3A_952 : memref<128xi32, #tpu.memory_space<vmem>>) semaphore(%arg35 : memref<!tpu.dma_semaphore, #tpu.memory_space<semaphore_mem>>) {add = true}
    %dma_start3A_955 = arith.constant 4 : i32
    %dma_start3A_956 = arith.constant 4 : i32
    %dma_start3A_957 = arith.constant 0 : i32
    %dma_start3A_958 = tpu.memref_slice %arg26[%dma_start3A_955, %dma_start3A_957] : memref<8x128xf32, #tpu.memory_space<vmem>> -> memref<1x128xf32, #tpu.memory_space<vmem>>
    %dma_start3A_959 = tpu.memref_squeeze %dma_start3A_958 : memref<1x128xf32, #tpu.memory_space<vmem>> -> memref<128xf32, #tpu.memory_space<vmem>>
    %dma_start3A_960 = arith.constant 0 : i32
    %dma_start3A_961 = tpu.memref_slice %arg22[%dma_start3A_956, %dma_start3A_960] : memref<8x128xi32, #tpu.memory_space<vmem>> -> memref<1x128xi32, #tpu.memory_space<vmem>>
    %dma_start3A_962 = tpu.memref_squeeze %dma_start3A_961 : memref<1x128xi32, #tpu.memory_space<vmem>> -> memref<128xi32, #tpu.memory_space<vmem>>
    %dma_start3A_963 = arith.constant 0 : i32
    %dma_start3A_964 = tpu.memref_slice %arg15[%dma_start3A_963] : memref<256xf32, #tpu.memory_space<vmem_shared>> -> memref<256xf32, #tpu.memory_space<vmem_shared>>
    tpu.enqueue_indirect_dma source(%dma_start3A_959 : memref<128xf32, #tpu.memory_space<vmem>>) target(%dma_start3A_964 : memref<256xf32, #tpu.memory_space<vmem_shared>>) offsets(%dma_start3A_962 : memref<128xi32, #tpu.memory_space<vmem>>) semaphore(%arg35 : memref<!tpu.dma_semaphore, #tpu.memory_space<semaphore_mem>>) {add = true}
    %dma_start3A_965 = arith.constant 4 : i32
    %dma_start3A_966 = arith.constant 4 : i32
    %dma_start3A_967 = arith.constant 0 : i32
    %dma_start3A_968 = tpu.memref_slice %arg19[%dma_start3A_965, %dma_start3A_967] : memref<16x128xf32, #tpu.memory_space<vmem>> -> memref<1x128xf32, #tpu.memory_space<vmem>>
    %dma_start3A_969 = tpu.memref_squeeze %dma_start3A_968 : memref<1x128xf32, #tpu.memory_space<vmem>> -> memref<128xf32, #tpu.memory_space<vmem>>
    %dma_start3A_970 = arith.constant 0 : i32
    %dma_start3A_971 = tpu.memref_slice %arg22[%dma_start3A_966, %dma_start3A_970] : memref<8x128xi32, #tpu.memory_space<vmem>> -> memref<1x128xi32, #tpu.memory_space<vmem>>
    %dma_start3A_972 = tpu.memref_squeeze %dma_start3A_971 : memref<1x128xi32, #tpu.memory_space<vmem>> -> memref<128xi32, #tpu.memory_space<vmem>>
    %dma_start3A_973 = arith.constant 0 : i32
    %dma_start3A_974 = tpu.memref_slice %arg16[%dma_start3A_973] : memref<256xf32, #tpu.memory_space<vmem_shared>> -> memref<256xf32, #tpu.memory_space<vmem_shared>>
    tpu.enqueue_indirect_dma source(%dma_start3A_969 : memref<128xf32, #tpu.memory_space<vmem>>) target(%dma_start3A_974 : memref<256xf32, #tpu.memory_space<vmem_shared>>) offsets(%dma_start3A_972 : memref<128xi32, #tpu.memory_space<vmem>>) semaphore(%arg35 : memref<!tpu.dma_semaphore, #tpu.memory_space<semaphore_mem>>) {add = true}
    %dma_start3A_975 = arith.constant 5 : i32
    %dma_start3A_976 = arith.constant 5 : i32
    %dma_start3A_977 = arith.constant 0 : i32
    %dma_start3A_978 = tpu.memref_slice %arg23[%dma_start3A_975, %dma_start3A_977] : memref<8x128xf32, #tpu.memory_space<vmem>> -> memref<1x128xf32, #tpu.memory_space<vmem>>
    %dma_start3A_979 = tpu.memref_squeeze %dma_start3A_978 : memref<1x128xf32, #tpu.memory_space<vmem>> -> memref<128xf32, #tpu.memory_space<vmem>>
    %dma_start3A_980 = arith.constant 0 : i32
    %dma_start3A_981 = tpu.memref_slice %arg22[%dma_start3A_976, %dma_start3A_980] : memref<8x128xi32, #tpu.memory_space<vmem>> -> memref<1x128xi32, #tpu.memory_space<vmem>>
    %dma_start3A_982 = tpu.memref_squeeze %dma_start3A_981 : memref<1x128xi32, #tpu.memory_space<vmem>> -> memref<128xi32, #tpu.memory_space<vmem>>
    %dma_start3A_983 = arith.constant 0 : i32
    %dma_start3A_984 = tpu.memref_slice %arg12[%dma_start3A_983] : memref<256xf32, #tpu.memory_space<vmem_shared>> -> memref<256xf32, #tpu.memory_space<vmem_shared>>
    tpu.enqueue_indirect_dma source(%dma_start3A_979 : memref<128xf32, #tpu.memory_space<vmem>>) target(%dma_start3A_984 : memref<256xf32, #tpu.memory_space<vmem_shared>>) offsets(%dma_start3A_982 : memref<128xi32, #tpu.memory_space<vmem>>) semaphore(%arg35 : memref<!tpu.dma_semaphore, #tpu.memory_space<semaphore_mem>>) {add = true}
    %dma_start3A_985 = arith.constant 5 : i32
    %dma_start3A_986 = arith.constant 5 : i32
    %dma_start3A_987 = arith.constant 0 : i32
    %dma_start3A_988 = tpu.memref_slice %arg24[%dma_start3A_985, %dma_start3A_987] : memref<8x128xf32, #tpu.memory_space<vmem>> -> memref<1x128xf32, #tpu.memory_space<vmem>>
    %dma_start3A_989 = tpu.memref_squeeze %dma_start3A_988 : memref<1x128xf32, #tpu.memory_space<vmem>> -> memref<128xf32, #tpu.memory_space<vmem>>
    %dma_start3A_990 = arith.constant 0 : i32
    %dma_start3A_991 = tpu.memref_slice %arg22[%dma_start3A_986, %dma_start3A_990] : memref<8x128xi32, #tpu.memory_space<vmem>> -> memref<1x128xi32, #tpu.memory_space<vmem>>
    %dma_start3A_992 = tpu.memref_squeeze %dma_start3A_991 : memref<1x128xi32, #tpu.memory_space<vmem>> -> memref<128xi32, #tpu.memory_space<vmem>>
    %dma_start3A_993 = arith.constant 0 : i32
    %dma_start3A_994 = tpu.memref_slice %arg13[%dma_start3A_993] : memref<256xf32, #tpu.memory_space<vmem_shared>> -> memref<256xf32, #tpu.memory_space<vmem_shared>>
    tpu.enqueue_indirect_dma source(%dma_start3A_989 : memref<128xf32, #tpu.memory_space<vmem>>) target(%dma_start3A_994 : memref<256xf32, #tpu.memory_space<vmem_shared>>) offsets(%dma_start3A_992 : memref<128xi32, #tpu.memory_space<vmem>>) semaphore(%arg35 : memref<!tpu.dma_semaphore, #tpu.memory_space<semaphore_mem>>) {add = true}
    %dma_start3A_995 = arith.constant 5 : i32
    %dma_start3A_996 = arith.constant 5 : i32
    %dma_start3A_997 = arith.constant 0 : i32
    %dma_start3A_998 = tpu.memref_slice %arg25[%dma_start3A_995, %dma_start3A_997] : memref<8x128xf32, #tpu.memory_space<vmem>> -> memref<1x128xf32, #tpu.memory_space<vmem>>
    %dma_start3A_999 = tpu.memref_squeeze %dma_start3A_998 : memref<1x128xf32, #tpu.memory_space<vmem>> -> memref<128xf32, #tpu.memory_space<vmem>>
    %dma_start3A_1000 = arith.constant 0 : i32
    %dma_start3A_1001 = tpu.memref_slice %arg22[%dma_start3A_996, %dma_start3A_1000] : memref<8x128xi32, #tpu.memory_space<vmem>> -> memref<1x128xi32, #tpu.memory_space<vmem>>
    %dma_start3A_1002 = tpu.memref_squeeze %dma_start3A_1001 : memref<1x128xi32, #tpu.memory_space<vmem>> -> memref<128xi32, #tpu.memory_space<vmem>>
    %dma_start3A_1003 = arith.constant 0 : i32
    %dma_start3A_1004 = tpu.memref_slice %arg14[%dma_start3A_1003] : memref<256xf32, #tpu.memory_space<vmem_shared>> -> memref<256xf32, #tpu.memory_space<vmem_shared>>
    tpu.enqueue_indirect_dma source(%dma_start3A_999 : memref<128xf32, #tpu.memory_space<vmem>>) target(%dma_start3A_1004 : memref<256xf32, #tpu.memory_space<vmem_shared>>) offsets(%dma_start3A_1002 : memref<128xi32, #tpu.memory_space<vmem>>) semaphore(%arg35 : memref<!tpu.dma_semaphore, #tpu.memory_space<semaphore_mem>>) {add = true}
    %dma_start3A_1005 = arith.constant 5 : i32
    %dma_start3A_1006 = arith.constant 5 : i32
    %dma_start3A_1007 = arith.constant 0 : i32
    %dma_start3A_1008 = tpu.memref_slice %arg26[%dma_start3A_1005, %dma_start3A_1007] : memref<8x128xf32, #tpu.memory_space<vmem>> -> memref<1x128xf32, #tpu.memory_space<vmem>>
    %dma_start3A_1009 = tpu.memref_squeeze %dma_start3A_1008 : memref<1x128xf32, #tpu.memory_space<vmem>> -> memref<128xf32, #tpu.memory_space<vmem>>
    %dma_start3A_1010 = arith.constant 0 : i32
    %dma_start3A_1011 = tpu.memref_slice %arg22[%dma_start3A_1006, %dma_start3A_1010] : memref<8x128xi32, #tpu.memory_space<vmem>> -> memref<1x128xi32, #tpu.memory_space<vmem>>
    %dma_start3A_1012 = tpu.memref_squeeze %dma_start3A_1011 : memref<1x128xi32, #tpu.memory_space<vmem>> -> memref<128xi32, #tpu.memory_space<vmem>>
    %dma_start3A_1013 = arith.constant 0 : i32
    %dma_start3A_1014 = tpu.memref_slice %arg15[%dma_start3A_1013] : memref<256xf32, #tpu.memory_space<vmem_shared>> -> memref<256xf32, #tpu.memory_space<vmem_shared>>
    tpu.enqueue_indirect_dma source(%dma_start3A_1009 : memref<128xf32, #tpu.memory_space<vmem>>) target(%dma_start3A_1014 : memref<256xf32, #tpu.memory_space<vmem_shared>>) offsets(%dma_start3A_1012 : memref<128xi32, #tpu.memory_space<vmem>>) semaphore(%arg35 : memref<!tpu.dma_semaphore, #tpu.memory_space<semaphore_mem>>) {add = true}
    %dma_start3A_1015 = arith.constant 5 : i32
    %dma_start3A_1016 = arith.constant 5 : i32
    %dma_start3A_1017 = arith.constant 0 : i32
    %dma_start3A_1018 = tpu.memref_slice %arg19[%dma_start3A_1015, %dma_start3A_1017] : memref<16x128xf32, #tpu.memory_space<vmem>> -> memref<1x128xf32, #tpu.memory_space<vmem>>
    %dma_start3A_1019 = tpu.memref_squeeze %dma_start3A_1018 : memref<1x128xf32, #tpu.memory_space<vmem>> -> memref<128xf32, #tpu.memory_space<vmem>>
    %dma_start3A_1020 = arith.constant 0 : i32
    %dma_start3A_1021 = tpu.memref_slice %arg22[%dma_start3A_1016, %dma_start3A_1020] : memref<8x128xi32, #tpu.memory_space<vmem>> -> memref<1x128xi32, #tpu.memory_space<vmem>>
    %dma_start3A_1022 = tpu.memref_squeeze %dma_start3A_1021 : memref<1x128xi32, #tpu.memory_space<vmem>> -> memref<128xi32, #tpu.memory_space<vmem>>
    %dma_start3A_1023 = arith.constant 0 : i32
    %dma_start3A_1024 = tpu.memref_slice %arg16[%dma_start3A_1023] : memref<256xf32, #tpu.memory_space<vmem_shared>> -> memref<256xf32, #tpu.memory_space<vmem_shared>>
    tpu.enqueue_indirect_dma source(%dma_start3A_1019 : memref<128xf32, #tpu.memory_space<vmem>>) target(%dma_start3A_1024 : memref<256xf32, #tpu.memory_space<vmem_shared>>) offsets(%dma_start3A_1022 : memref<128xi32, #tpu.memory_space<vmem>>) semaphore(%arg35 : memref<!tpu.dma_semaphore, #tpu.memory_space<semaphore_mem>>) {add = true}
    %dma_start3A_1025 = arith.constant 6 : i32
    %dma_start3A_1026 = arith.constant 6 : i32
    %dma_start3A_1027 = arith.constant 0 : i32
    %dma_start3A_1028 = tpu.memref_slice %arg23[%dma_start3A_1025, %dma_start3A_1027] : memref<8x128xf32, #tpu.memory_space<vmem>> -> memref<1x128xf32, #tpu.memory_space<vmem>>
    %dma_start3A_1029 = tpu.memref_squeeze %dma_start3A_1028 : memref<1x128xf32, #tpu.memory_space<vmem>> -> memref<128xf32, #tpu.memory_space<vmem>>
    %dma_start3A_1030 = arith.constant 0 : i32
    %dma_start3A_1031 = tpu.memref_slice %arg22[%dma_start3A_1026, %dma_start3A_1030] : memref<8x128xi32, #tpu.memory_space<vmem>> -> memref<1x128xi32, #tpu.memory_space<vmem>>
    %dma_start3A_1032 = tpu.memref_squeeze %dma_start3A_1031 : memref<1x128xi32, #tpu.memory_space<vmem>> -> memref<128xi32, #tpu.memory_space<vmem>>
    %dma_start3A_1033 = arith.constant 0 : i32
    %dma_start3A_1034 = tpu.memref_slice %arg12[%dma_start3A_1033] : memref<256xf32, #tpu.memory_space<vmem_shared>> -> memref<256xf32, #tpu.memory_space<vmem_shared>>
    tpu.enqueue_indirect_dma source(%dma_start3A_1029 : memref<128xf32, #tpu.memory_space<vmem>>) target(%dma_start3A_1034 : memref<256xf32, #tpu.memory_space<vmem_shared>>) offsets(%dma_start3A_1032 : memref<128xi32, #tpu.memory_space<vmem>>) semaphore(%arg35 : memref<!tpu.dma_semaphore, #tpu.memory_space<semaphore_mem>>) {add = true}
    %dma_start3A_1035 = arith.constant 6 : i32
    %dma_start3A_1036 = arith.constant 6 : i32
    %dma_start3A_1037 = arith.constant 0 : i32
    %dma_start3A_1038 = tpu.memref_slice %arg24[%dma_start3A_1035, %dma_start3A_1037] : memref<8x128xf32, #tpu.memory_space<vmem>> -> memref<1x128xf32, #tpu.memory_space<vmem>>
    %dma_start3A_1039 = tpu.memref_squeeze %dma_start3A_1038 : memref<1x128xf32, #tpu.memory_space<vmem>> -> memref<128xf32, #tpu.memory_space<vmem>>
    %dma_start3A_1040 = arith.constant 0 : i32
    %dma_start3A_1041 = tpu.memref_slice %arg22[%dma_start3A_1036, %dma_start3A_1040] : memref<8x128xi32, #tpu.memory_space<vmem>> -> memref<1x128xi32, #tpu.memory_space<vmem>>
    %dma_start3A_1042 = tpu.memref_squeeze %dma_start3A_1041 : memref<1x128xi32, #tpu.memory_space<vmem>> -> memref<128xi32, #tpu.memory_space<vmem>>
    %dma_start3A_1043 = arith.constant 0 : i32
    %dma_start3A_1044 = tpu.memref_slice %arg13[%dma_start3A_1043] : memref<256xf32, #tpu.memory_space<vmem_shared>> -> memref<256xf32, #tpu.memory_space<vmem_shared>>
    tpu.enqueue_indirect_dma source(%dma_start3A_1039 : memref<128xf32, #tpu.memory_space<vmem>>) target(%dma_start3A_1044 : memref<256xf32, #tpu.memory_space<vmem_shared>>) offsets(%dma_start3A_1042 : memref<128xi32, #tpu.memory_space<vmem>>) semaphore(%arg35 : memref<!tpu.dma_semaphore, #tpu.memory_space<semaphore_mem>>) {add = true}
    %dma_start3A_1045 = arith.constant 6 : i32
    %dma_start3A_1046 = arith.constant 6 : i32
    %dma_start3A_1047 = arith.constant 0 : i32
    %dma_start3A_1048 = tpu.memref_slice %arg25[%dma_start3A_1045, %dma_start3A_1047] : memref<8x128xf32, #tpu.memory_space<vmem>> -> memref<1x128xf32, #tpu.memory_space<vmem>>
    %dma_start3A_1049 = tpu.memref_squeeze %dma_start3A_1048 : memref<1x128xf32, #tpu.memory_space<vmem>> -> memref<128xf32, #tpu.memory_space<vmem>>
    %dma_start3A_1050 = arith.constant 0 : i32
    %dma_start3A_1051 = tpu.memref_slice %arg22[%dma_start3A_1046, %dma_start3A_1050] : memref<8x128xi32, #tpu.memory_space<vmem>> -> memref<1x128xi32, #tpu.memory_space<vmem>>
    %dma_start3A_1052 = tpu.memref_squeeze %dma_start3A_1051 : memref<1x128xi32, #tpu.memory_space<vmem>> -> memref<128xi32, #tpu.memory_space<vmem>>
    %dma_start3A_1053 = arith.constant 0 : i32
    %dma_start3A_1054 = tpu.memref_slice %arg14[%dma_start3A_1053] : memref<256xf32, #tpu.memory_space<vmem_shared>> -> memref<256xf32, #tpu.memory_space<vmem_shared>>
    tpu.enqueue_indirect_dma source(%dma_start3A_1049 : memref<128xf32, #tpu.memory_space<vmem>>) target(%dma_start3A_1054 : memref<256xf32, #tpu.memory_space<vmem_shared>>) offsets(%dma_start3A_1052 : memref<128xi32, #tpu.memory_space<vmem>>) semaphore(%arg35 : memref<!tpu.dma_semaphore, #tpu.memory_space<semaphore_mem>>) {add = true}
    %dma_start3A_1055 = arith.constant 6 : i32
    %dma_start3A_1056 = arith.constant 6 : i32
    %dma_start3A_1057 = arith.constant 0 : i32
    %dma_start3A_1058 = tpu.memref_slice %arg26[%dma_start3A_1055, %dma_start3A_1057] : memref<8x128xf32, #tpu.memory_space<vmem>> -> memref<1x128xf32, #tpu.memory_space<vmem>>
    %dma_start3A_1059 = tpu.memref_squeeze %dma_start3A_1058 : memref<1x128xf32, #tpu.memory_space<vmem>> -> memref<128xf32, #tpu.memory_space<vmem>>
    %dma_start3A_1060 = arith.constant 0 : i32
    %dma_start3A_1061 = tpu.memref_slice %arg22[%dma_start3A_1056, %dma_start3A_1060] : memref<8x128xi32, #tpu.memory_space<vmem>> -> memref<1x128xi32, #tpu.memory_space<vmem>>
    %dma_start3A_1062 = tpu.memref_squeeze %dma_start3A_1061 : memref<1x128xi32, #tpu.memory_space<vmem>> -> memref<128xi32, #tpu.memory_space<vmem>>
    %dma_start3A_1063 = arith.constant 0 : i32
    %dma_start3A_1064 = tpu.memref_slice %arg15[%dma_start3A_1063] : memref<256xf32, #tpu.memory_space<vmem_shared>> -> memref<256xf32, #tpu.memory_space<vmem_shared>>
    tpu.enqueue_indirect_dma source(%dma_start3A_1059 : memref<128xf32, #tpu.memory_space<vmem>>) target(%dma_start3A_1064 : memref<256xf32, #tpu.memory_space<vmem_shared>>) offsets(%dma_start3A_1062 : memref<128xi32, #tpu.memory_space<vmem>>) semaphore(%arg35 : memref<!tpu.dma_semaphore, #tpu.memory_space<semaphore_mem>>) {add = true}
    %dma_start3A_1065 = arith.constant 6 : i32
    %dma_start3A_1066 = arith.constant 6 : i32
    %dma_start3A_1067 = arith.constant 0 : i32
    %dma_start3A_1068 = tpu.memref_slice %arg19[%dma_start3A_1065, %dma_start3A_1067] : memref<16x128xf32, #tpu.memory_space<vmem>> -> memref<1x128xf32, #tpu.memory_space<vmem>>
    %dma_start3A_1069 = tpu.memref_squeeze %dma_start3A_1068 : memref<1x128xf32, #tpu.memory_space<vmem>> -> memref<128xf32, #tpu.memory_space<vmem>>
    %dma_start3A_1070 = arith.constant 0 : i32
    %dma_start3A_1071 = tpu.memref_slice %arg22[%dma_start3A_1066, %dma_start3A_1070] : memref<8x128xi32, #tpu.memory_space<vmem>> -> memref<1x128xi32, #tpu.memory_space<vmem>>
    %dma_start3A_1072 = tpu.memref_squeeze %dma_start3A_1071 : memref<1x128xi32, #tpu.memory_space<vmem>> -> memref<128xi32, #tpu.memory_space<vmem>>
    %dma_start3A_1073 = arith.constant 0 : i32
    %dma_start3A_1074 = tpu.memref_slice %arg16[%dma_start3A_1073] : memref<256xf32, #tpu.memory_space<vmem_shared>> -> memref<256xf32, #tpu.memory_space<vmem_shared>>
    tpu.enqueue_indirect_dma source(%dma_start3A_1069 : memref<128xf32, #tpu.memory_space<vmem>>) target(%dma_start3A_1074 : memref<256xf32, #tpu.memory_space<vmem_shared>>) offsets(%dma_start3A_1072 : memref<128xi32, #tpu.memory_space<vmem>>) semaphore(%arg35 : memref<!tpu.dma_semaphore, #tpu.memory_space<semaphore_mem>>) {add = true}
    %dma_start3A_1075 = arith.constant 7 : i32
    %dma_start3A_1076 = arith.constant 7 : i32
    %dma_start3A_1077 = arith.constant 0 : i32
    %dma_start3A_1078 = tpu.memref_slice %arg23[%dma_start3A_1075, %dma_start3A_1077] : memref<8x128xf32, #tpu.memory_space<vmem>> -> memref<1x128xf32, #tpu.memory_space<vmem>>
    %dma_start3A_1079 = tpu.memref_squeeze %dma_start3A_1078 : memref<1x128xf32, #tpu.memory_space<vmem>> -> memref<128xf32, #tpu.memory_space<vmem>>
    %dma_start3A_1080 = arith.constant 0 : i32
    %dma_start3A_1081 = tpu.memref_slice %arg22[%dma_start3A_1076, %dma_start3A_1080] : memref<8x128xi32, #tpu.memory_space<vmem>> -> memref<1x128xi32, #tpu.memory_space<vmem>>
    %dma_start3A_1082 = tpu.memref_squeeze %dma_start3A_1081 : memref<1x128xi32, #tpu.memory_space<vmem>> -> memref<128xi32, #tpu.memory_space<vmem>>
    %dma_start3A_1083 = arith.constant 0 : i32
    %dma_start3A_1084 = tpu.memref_slice %arg12[%dma_start3A_1083] : memref<256xf32, #tpu.memory_space<vmem_shared>> -> memref<256xf32, #tpu.memory_space<vmem_shared>>
    tpu.enqueue_indirect_dma source(%dma_start3A_1079 : memref<128xf32, #tpu.memory_space<vmem>>) target(%dma_start3A_1084 : memref<256xf32, #tpu.memory_space<vmem_shared>>) offsets(%dma_start3A_1082 : memref<128xi32, #tpu.memory_space<vmem>>) semaphore(%arg35 : memref<!tpu.dma_semaphore, #tpu.memory_space<semaphore_mem>>) {add = true}
    %dma_start3A_1085 = arith.constant 7 : i32
    %dma_start3A_1086 = arith.constant 7 : i32
    %dma_start3A_1087 = arith.constant 0 : i32
    %dma_start3A_1088 = tpu.memref_slice %arg24[%dma_start3A_1085, %dma_start3A_1087] : memref<8x128xf32, #tpu.memory_space<vmem>> -> memref<1x128xf32, #tpu.memory_space<vmem>>
    %dma_start3A_1089 = tpu.memref_squeeze %dma_start3A_1088 : memref<1x128xf32, #tpu.memory_space<vmem>> -> memref<128xf32, #tpu.memory_space<vmem>>
    %dma_start3A_1090 = arith.constant 0 : i32
    %dma_start3A_1091 = tpu.memref_slice %arg22[%dma_start3A_1086, %dma_start3A_1090] : memref<8x128xi32, #tpu.memory_space<vmem>> -> memref<1x128xi32, #tpu.memory_space<vmem>>
    %dma_start3A_1092 = tpu.memref_squeeze %dma_start3A_1091 : memref<1x128xi32, #tpu.memory_space<vmem>> -> memref<128xi32, #tpu.memory_space<vmem>>
    %dma_start3A_1093 = arith.constant 0 : i32
    %dma_start3A_1094 = tpu.memref_slice %arg13[%dma_start3A_1093] : memref<256xf32, #tpu.memory_space<vmem_shared>> -> memref<256xf32, #tpu.memory_space<vmem_shared>>
    tpu.enqueue_indirect_dma source(%dma_start3A_1089 : memref<128xf32, #tpu.memory_space<vmem>>) target(%dma_start3A_1094 : memref<256xf32, #tpu.memory_space<vmem_shared>>) offsets(%dma_start3A_1092 : memref<128xi32, #tpu.memory_space<vmem>>) semaphore(%arg35 : memref<!tpu.dma_semaphore, #tpu.memory_space<semaphore_mem>>) {add = true}
    %dma_start3A_1095 = arith.constant 7 : i32
    %dma_start3A_1096 = arith.constant 7 : i32
    %dma_start3A_1097 = arith.constant 0 : i32
    %dma_start3A_1098 = tpu.memref_slice %arg25[%dma_start3A_1095, %dma_start3A_1097] : memref<8x128xf32, #tpu.memory_space<vmem>> -> memref<1x128xf32, #tpu.memory_space<vmem>>
    %dma_start3A_1099 = tpu.memref_squeeze %dma_start3A_1098 : memref<1x128xf32, #tpu.memory_space<vmem>> -> memref<128xf32, #tpu.memory_space<vmem>>
    %dma_start3A_1100 = arith.constant 0 : i32
    %dma_start3A_1101 = tpu.memref_slice %arg22[%dma_start3A_1096, %dma_start3A_1100] : memref<8x128xi32, #tpu.memory_space<vmem>> -> memref<1x128xi32, #tpu.memory_space<vmem>>
    %dma_start3A_1102 = tpu.memref_squeeze %dma_start3A_1101 : memref<1x128xi32, #tpu.memory_space<vmem>> -> memref<128xi32, #tpu.memory_space<vmem>>
    %dma_start3A_1103 = arith.constant 0 : i32
    %dma_start3A_1104 = tpu.memref_slice %arg14[%dma_start3A_1103] : memref<256xf32, #tpu.memory_space<vmem_shared>> -> memref<256xf32, #tpu.memory_space<vmem_shared>>
    tpu.enqueue_indirect_dma source(%dma_start3A_1099 : memref<128xf32, #tpu.memory_space<vmem>>) target(%dma_start3A_1104 : memref<256xf32, #tpu.memory_space<vmem_shared>>) offsets(%dma_start3A_1102 : memref<128xi32, #tpu.memory_space<vmem>>) semaphore(%arg35 : memref<!tpu.dma_semaphore, #tpu.memory_space<semaphore_mem>>) {add = true}
    %dma_start3A_1105 = arith.constant 7 : i32
    %dma_start3A_1106 = arith.constant 7 : i32
    %dma_start3A_1107 = arith.constant 0 : i32
    %dma_start3A_1108 = tpu.memref_slice %arg26[%dma_start3A_1105, %dma_start3A_1107] : memref<8x128xf32, #tpu.memory_space<vmem>> -> memref<1x128xf32, #tpu.memory_space<vmem>>
    %dma_start3A_1109 = tpu.memref_squeeze %dma_start3A_1108 : memref<1x128xf32, #tpu.memory_space<vmem>> -> memref<128xf32, #tpu.memory_space<vmem>>
    %dma_start3A_1110 = arith.constant 0 : i32
    %dma_start3A_1111 = tpu.memref_slice %arg22[%dma_start3A_1106, %dma_start3A_1110] : memref<8x128xi32, #tpu.memory_space<vmem>> -> memref<1x128xi32, #tpu.memory_space<vmem>>
    %dma_start3A_1112 = tpu.memref_squeeze %dma_start3A_1111 : memref<1x128xi32, #tpu.memory_space<vmem>> -> memref<128xi32, #tpu.memory_space<vmem>>
    %dma_start3A_1113 = arith.constant 0 : i32
    %dma_start3A_1114 = tpu.memref_slice %arg15[%dma_start3A_1113] : memref<256xf32, #tpu.memory_space<vmem_shared>> -> memref<256xf32, #tpu.memory_space<vmem_shared>>
    tpu.enqueue_indirect_dma source(%dma_start3A_1109 : memref<128xf32, #tpu.memory_space<vmem>>) target(%dma_start3A_1114 : memref<256xf32, #tpu.memory_space<vmem_shared>>) offsets(%dma_start3A_1112 : memref<128xi32, #tpu.memory_space<vmem>>) semaphore(%arg35 : memref<!tpu.dma_semaphore, #tpu.memory_space<semaphore_mem>>) {add = true}
    %dma_start3A_1115 = arith.constant 7 : i32
    %dma_start3A_1116 = arith.constant 7 : i32
    %dma_start3A_1117 = arith.constant 0 : i32
    %dma_start3A_1118 = tpu.memref_slice %arg19[%dma_start3A_1115, %dma_start3A_1117] : memref<16x128xf32, #tpu.memory_space<vmem>> -> memref<1x128xf32, #tpu.memory_space<vmem>>
    %dma_start3A_1119 = tpu.memref_squeeze %dma_start3A_1118 : memref<1x128xf32, #tpu.memory_space<vmem>> -> memref<128xf32, #tpu.memory_space<vmem>>
    %dma_start3A_1120 = arith.constant 0 : i32
    %dma_start3A_1121 = tpu.memref_slice %arg22[%dma_start3A_1116, %dma_start3A_1120] : memref<8x128xi32, #tpu.memory_space<vmem>> -> memref<1x128xi32, #tpu.memory_space<vmem>>
    %dma_start3A_1122 = tpu.memref_squeeze %dma_start3A_1121 : memref<1x128xi32, #tpu.memory_space<vmem>> -> memref<128xi32, #tpu.memory_space<vmem>>
    %dma_start3A_1123 = arith.constant 0 : i32
    %dma_start3A_1124 = tpu.memref_slice %arg16[%dma_start3A_1123] : memref<256xf32, #tpu.memory_space<vmem_shared>> -> memref<256xf32, #tpu.memory_space<vmem_shared>>
    tpu.enqueue_indirect_dma source(%dma_start3A_1119 : memref<128xf32, #tpu.memory_space<vmem>>) target(%dma_start3A_1124 : memref<256xf32, #tpu.memory_space<vmem_shared>>) offsets(%dma_start3A_1122 : memref<128xi32, #tpu.memory_space<vmem>>) semaphore(%arg35 : memref<!tpu.dma_semaphore, #tpu.memory_space<semaphore_mem>>) {add = true}
    %dma_wait3A_1125 = arith.constant 0 : i32
    %dma_wait3A_1126 = arith.constant 0 : i32
    %dma_wait3A_1127 = arith.constant 0 : i32
    %dma_wait3A_1128 = tpu.memref_slice %arg23[%dma_wait3A_1125, %dma_wait3A_1127] : memref<8x128xf32, #tpu.memory_space<vmem>> -> memref<1x128xf32, #tpu.memory_space<vmem>>
    %dma_wait3A_1129 = tpu.memref_squeeze %dma_wait3A_1128 : memref<1x128xf32, #tpu.memory_space<vmem>> -> memref<128xf32, #tpu.memory_space<vmem>>
    %dma_wait3A_1130 = arith.constant 0 : i32
    %dma_wait3A_1131 = tpu.memref_slice %arg22[%dma_wait3A_1126, %dma_wait3A_1130] : memref<8x128xi32, #tpu.memory_space<vmem>> -> memref<1x128xi32, #tpu.memory_space<vmem>>
    %dma_wait3A_1132 = tpu.memref_squeeze %dma_wait3A_1131 : memref<1x128xi32, #tpu.memory_space<vmem>> -> memref<128xi32, #tpu.memory_space<vmem>>
    %dma_wait3A_1133 = arith.constant 0 : i32
    %dma_wait3A_1134 = tpu.memref_slice %arg12[%dma_wait3A_1133] : memref<256xf32, #tpu.memory_space<vmem_shared>> -> memref<256xf32, #tpu.memory_space<vmem_shared>>
    tpu.wait_indirect_dma semaphore(%arg35 : memref<!tpu.dma_semaphore, #tpu.memory_space<semaphore_mem>>) src(%dma_wait3A_1129 : memref<128xf32, #tpu.memory_space<vmem>>) dst(%dma_wait3A_1134 : memref<256xf32, #tpu.memory_space<vmem_shared>>)
    %dma_wait3A_1135 = arith.constant 0 : i32
    %dma_wait3A_1136 = arith.constant 0 : i32
    %dma_wait3A_1137 = arith.constant 0 : i32
    %dma_wait3A_1138 = tpu.memref_slice %arg24[%dma_wait3A_1135, %dma_wait3A_1137] : memref<8x128xf32, #tpu.memory_space<vmem>> -> memref<1x128xf32, #tpu.memory_space<vmem>>
    %dma_wait3A_1139 = tpu.memref_squeeze %dma_wait3A_1138 : memref<1x128xf32, #tpu.memory_space<vmem>> -> memref<128xf32, #tpu.memory_space<vmem>>
    %dma_wait3A_1140 = arith.constant 0 : i32
    %dma_wait3A_1141 = tpu.memref_slice %arg22[%dma_wait3A_1136, %dma_wait3A_1140] : memref<8x128xi32, #tpu.memory_space<vmem>> -> memref<1x128xi32, #tpu.memory_space<vmem>>
    %dma_wait3A_1142 = tpu.memref_squeeze %dma_wait3A_1141 : memref<1x128xi32, #tpu.memory_space<vmem>> -> memref<128xi32, #tpu.memory_space<vmem>>
    %dma_wait3A_1143 = arith.constant 0 : i32
    %dma_wait3A_1144 = tpu.memref_slice %arg13[%dma_wait3A_1143] : memref<256xf32, #tpu.memory_space<vmem_shared>> -> memref<256xf32, #tpu.memory_space<vmem_shared>>
    tpu.wait_indirect_dma semaphore(%arg35 : memref<!tpu.dma_semaphore, #tpu.memory_space<semaphore_mem>>) src(%dma_wait3A_1139 : memref<128xf32, #tpu.memory_space<vmem>>) dst(%dma_wait3A_1144 : memref<256xf32, #tpu.memory_space<vmem_shared>>)
    %dma_wait3A_1145 = arith.constant 0 : i32
    %dma_wait3A_1146 = arith.constant 0 : i32
    %dma_wait3A_1147 = arith.constant 0 : i32
    %dma_wait3A_1148 = tpu.memref_slice %arg25[%dma_wait3A_1145, %dma_wait3A_1147] : memref<8x128xf32, #tpu.memory_space<vmem>> -> memref<1x128xf32, #tpu.memory_space<vmem>>
    %dma_wait3A_1149 = tpu.memref_squeeze %dma_wait3A_1148 : memref<1x128xf32, #tpu.memory_space<vmem>> -> memref<128xf32, #tpu.memory_space<vmem>>
    %dma_wait3A_1150 = arith.constant 0 : i32
    %dma_wait3A_1151 = tpu.memref_slice %arg22[%dma_wait3A_1146, %dma_wait3A_1150] : memref<8x128xi32, #tpu.memory_space<vmem>> -> memref<1x128xi32, #tpu.memory_space<vmem>>
    %dma_wait3A_1152 = tpu.memref_squeeze %dma_wait3A_1151 : memref<1x128xi32, #tpu.memory_space<vmem>> -> memref<128xi32, #tpu.memory_space<vmem>>
    %dma_wait3A_1153 = arith.constant 0 : i32
    %dma_wait3A_1154 = tpu.memref_slice %arg14[%dma_wait3A_1153] : memref<256xf32, #tpu.memory_space<vmem_shared>> -> memref<256xf32, #tpu.memory_space<vmem_shared>>
    tpu.wait_indirect_dma semaphore(%arg35 : memref<!tpu.dma_semaphore, #tpu.memory_space<semaphore_mem>>) src(%dma_wait3A_1149 : memref<128xf32, #tpu.memory_space<vmem>>) dst(%dma_wait3A_1154 : memref<256xf32, #tpu.memory_space<vmem_shared>>)
    %dma_wait3A_1155 = arith.constant 0 : i32
    %dma_wait3A_1156 = arith.constant 0 : i32
    %dma_wait3A_1157 = arith.constant 0 : i32
    %dma_wait3A_1158 = tpu.memref_slice %arg26[%dma_wait3A_1155, %dma_wait3A_1157] : memref<8x128xf32, #tpu.memory_space<vmem>> -> memref<1x128xf32, #tpu.memory_space<vmem>>
    %dma_wait3A_1159 = tpu.memref_squeeze %dma_wait3A_1158 : memref<1x128xf32, #tpu.memory_space<vmem>> -> memref<128xf32, #tpu.memory_space<vmem>>
    %dma_wait3A_1160 = arith.constant 0 : i32
    %dma_wait3A_1161 = tpu.memref_slice %arg22[%dma_wait3A_1156, %dma_wait3A_1160] : memref<8x128xi32, #tpu.memory_space<vmem>> -> memref<1x128xi32, #tpu.memory_space<vmem>>
    %dma_wait3A_1162 = tpu.memref_squeeze %dma_wait3A_1161 : memref<1x128xi32, #tpu.memory_space<vmem>> -> memref<128xi32, #tpu.memory_space<vmem>>
    %dma_wait3A_1163 = arith.constant 0 : i32
    %dma_wait3A_1164 = tpu.memref_slice %arg15[%dma_wait3A_1163] : memref<256xf32, #tpu.memory_space<vmem_shared>> -> memref<256xf32, #tpu.memory_space<vmem_shared>>
    tpu.wait_indirect_dma semaphore(%arg35 : memref<!tpu.dma_semaphore, #tpu.memory_space<semaphore_mem>>) src(%dma_wait3A_1159 : memref<128xf32, #tpu.memory_space<vmem>>) dst(%dma_wait3A_1164 : memref<256xf32, #tpu.memory_space<vmem_shared>>)
    %dma_wait3A_1165 = arith.constant 0 : i32
    %dma_wait3A_1166 = arith.constant 0 : i32
    %dma_wait3A_1167 = arith.constant 0 : i32
    %dma_wait3A_1168 = tpu.memref_slice %arg19[%dma_wait3A_1165, %dma_wait3A_1167] : memref<16x128xf32, #tpu.memory_space<vmem>> -> memref<1x128xf32, #tpu.memory_space<vmem>>
    %dma_wait3A_1169 = tpu.memref_squeeze %dma_wait3A_1168 : memref<1x128xf32, #tpu.memory_space<vmem>> -> memref<128xf32, #tpu.memory_space<vmem>>
    %dma_wait3A_1170 = arith.constant 0 : i32
    %dma_wait3A_1171 = tpu.memref_slice %arg22[%dma_wait3A_1166, %dma_wait3A_1170] : memref<8x128xi32, #tpu.memory_space<vmem>> -> memref<1x128xi32, #tpu.memory_space<vmem>>
    %dma_wait3A_1172 = tpu.memref_squeeze %dma_wait3A_1171 : memref<1x128xi32, #tpu.memory_space<vmem>> -> memref<128xi32, #tpu.memory_space<vmem>>
    %dma_wait3A_1173 = arith.constant 0 : i32
    %dma_wait3A_1174 = tpu.memref_slice %arg16[%dma_wait3A_1173] : memref<256xf32, #tpu.memory_space<vmem_shared>> -> memref<256xf32, #tpu.memory_space<vmem_shared>>
    tpu.wait_indirect_dma semaphore(%arg35 : memref<!tpu.dma_semaphore, #tpu.memory_space<semaphore_mem>>) src(%dma_wait3A_1169 : memref<128xf32, #tpu.memory_space<vmem>>) dst(%dma_wait3A_1174 : memref<256xf32, #tpu.memory_space<vmem_shared>>)
    %dma_wait3A_1175 = arith.constant 1 : i32
    %dma_wait3A_1176 = arith.constant 1 : i32
    %dma_wait3A_1177 = arith.constant 0 : i32
    %dma_wait3A_1178 = tpu.memref_slice %arg23[%dma_wait3A_1175, %dma_wait3A_1177] : memref<8x128xf32, #tpu.memory_space<vmem>> -> memref<1x128xf32, #tpu.memory_space<vmem>>
    %dma_wait3A_1179 = tpu.memref_squeeze %dma_wait3A_1178 : memref<1x128xf32, #tpu.memory_space<vmem>> -> memref<128xf32, #tpu.memory_space<vmem>>
    %dma_wait3A_1180 = arith.constant 0 : i32
    %dma_wait3A_1181 = tpu.memref_slice %arg22[%dma_wait3A_1176, %dma_wait3A_1180] : memref<8x128xi32, #tpu.memory_space<vmem>> -> memref<1x128xi32, #tpu.memory_space<vmem>>
    %dma_wait3A_1182 = tpu.memref_squeeze %dma_wait3A_1181 : memref<1x128xi32, #tpu.memory_space<vmem>> -> memref<128xi32, #tpu.memory_space<vmem>>
    %dma_wait3A_1183 = arith.constant 0 : i32
    %dma_wait3A_1184 = tpu.memref_slice %arg12[%dma_wait3A_1183] : memref<256xf32, #tpu.memory_space<vmem_shared>> -> memref<256xf32, #tpu.memory_space<vmem_shared>>
    tpu.wait_indirect_dma semaphore(%arg35 : memref<!tpu.dma_semaphore, #tpu.memory_space<semaphore_mem>>) src(%dma_wait3A_1179 : memref<128xf32, #tpu.memory_space<vmem>>) dst(%dma_wait3A_1184 : memref<256xf32, #tpu.memory_space<vmem_shared>>)
    %dma_wait3A_1185 = arith.constant 1 : i32
    %dma_wait3A_1186 = arith.constant 1 : i32
    %dma_wait3A_1187 = arith.constant 0 : i32
    %dma_wait3A_1188 = tpu.memref_slice %arg24[%dma_wait3A_1185, %dma_wait3A_1187] : memref<8x128xf32, #tpu.memory_space<vmem>> -> memref<1x128xf32, #tpu.memory_space<vmem>>
    %dma_wait3A_1189 = tpu.memref_squeeze %dma_wait3A_1188 : memref<1x128xf32, #tpu.memory_space<vmem>> -> memref<128xf32, #tpu.memory_space<vmem>>
    %dma_wait3A_1190 = arith.constant 0 : i32
    %dma_wait3A_1191 = tpu.memref_slice %arg22[%dma_wait3A_1186, %dma_wait3A_1190] : memref<8x128xi32, #tpu.memory_space<vmem>> -> memref<1x128xi32, #tpu.memory_space<vmem>>
    %dma_wait3A_1192 = tpu.memref_squeeze %dma_wait3A_1191 : memref<1x128xi32, #tpu.memory_space<vmem>> -> memref<128xi32, #tpu.memory_space<vmem>>
    %dma_wait3A_1193 = arith.constant 0 : i32
    %dma_wait3A_1194 = tpu.memref_slice %arg13[%dma_wait3A_1193] : memref<256xf32, #tpu.memory_space<vmem_shared>> -> memref<256xf32, #tpu.memory_space<vmem_shared>>
    tpu.wait_indirect_dma semaphore(%arg35 : memref<!tpu.dma_semaphore, #tpu.memory_space<semaphore_mem>>) src(%dma_wait3A_1189 : memref<128xf32, #tpu.memory_space<vmem>>) dst(%dma_wait3A_1194 : memref<256xf32, #tpu.memory_space<vmem_shared>>)
    %dma_wait3A_1195 = arith.constant 1 : i32
    %dma_wait3A_1196 = arith.constant 1 : i32
    %dma_wait3A_1197 = arith.constant 0 : i32
    %dma_wait3A_1198 = tpu.memref_slice %arg25[%dma_wait3A_1195, %dma_wait3A_1197] : memref<8x128xf32, #tpu.memory_space<vmem>> -> memref<1x128xf32, #tpu.memory_space<vmem>>
    %dma_wait3A_1199 = tpu.memref_squeeze %dma_wait3A_1198 : memref<1x128xf32, #tpu.memory_space<vmem>> -> memref<128xf32, #tpu.memory_space<vmem>>
    %dma_wait3A_1200 = arith.constant 0 : i32
    %dma_wait3A_1201 = tpu.memref_slice %arg22[%dma_wait3A_1196, %dma_wait3A_1200] : memref<8x128xi32, #tpu.memory_space<vmem>> -> memref<1x128xi32, #tpu.memory_space<vmem>>
    %dma_wait3A_1202 = tpu.memref_squeeze %dma_wait3A_1201 : memref<1x128xi32, #tpu.memory_space<vmem>> -> memref<128xi32, #tpu.memory_space<vmem>>
    %dma_wait3A_1203 = arith.constant 0 : i32
    %dma_wait3A_1204 = tpu.memref_slice %arg14[%dma_wait3A_1203] : memref<256xf32, #tpu.memory_space<vmem_shared>> -> memref<256xf32, #tpu.memory_space<vmem_shared>>
    tpu.wait_indirect_dma semaphore(%arg35 : memref<!tpu.dma_semaphore, #tpu.memory_space<semaphore_mem>>) src(%dma_wait3A_1199 : memref<128xf32, #tpu.memory_space<vmem>>) dst(%dma_wait3A_1204 : memref<256xf32, #tpu.memory_space<vmem_shared>>)
    %dma_wait3A_1205 = arith.constant 1 : i32
    %dma_wait3A_1206 = arith.constant 1 : i32
    %dma_wait3A_1207 = arith.constant 0 : i32
    %dma_wait3A_1208 = tpu.memref_slice %arg26[%dma_wait3A_1205, %dma_wait3A_1207] : memref<8x128xf32, #tpu.memory_space<vmem>> -> memref<1x128xf32, #tpu.memory_space<vmem>>
    %dma_wait3A_1209 = tpu.memref_squeeze %dma_wait3A_1208 : memref<1x128xf32, #tpu.memory_space<vmem>> -> memref<128xf32, #tpu.memory_space<vmem>>
    %dma_wait3A_1210 = arith.constant 0 : i32
    %dma_wait3A_1211 = tpu.memref_slice %arg22[%dma_wait3A_1206, %dma_wait3A_1210] : memref<8x128xi32, #tpu.memory_space<vmem>> -> memref<1x128xi32, #tpu.memory_space<vmem>>
    %dma_wait3A_1212 = tpu.memref_squeeze %dma_wait3A_1211 : memref<1x128xi32, #tpu.memory_space<vmem>> -> memref<128xi32, #tpu.memory_space<vmem>>
    %dma_wait3A_1213 = arith.constant 0 : i32
    %dma_wait3A_1214 = tpu.memref_slice %arg15[%dma_wait3A_1213] : memref<256xf32, #tpu.memory_space<vmem_shared>> -> memref<256xf32, #tpu.memory_space<vmem_shared>>
    tpu.wait_indirect_dma semaphore(%arg35 : memref<!tpu.dma_semaphore, #tpu.memory_space<semaphore_mem>>) src(%dma_wait3A_1209 : memref<128xf32, #tpu.memory_space<vmem>>) dst(%dma_wait3A_1214 : memref<256xf32, #tpu.memory_space<vmem_shared>>)
    %dma_wait3A_1215 = arith.constant 1 : i32
    %dma_wait3A_1216 = arith.constant 1 : i32
    %dma_wait3A_1217 = arith.constant 0 : i32
    %dma_wait3A_1218 = tpu.memref_slice %arg19[%dma_wait3A_1215, %dma_wait3A_1217] : memref<16x128xf32, #tpu.memory_space<vmem>> -> memref<1x128xf32, #tpu.memory_space<vmem>>
    %dma_wait3A_1219 = tpu.memref_squeeze %dma_wait3A_1218 : memref<1x128xf32, #tpu.memory_space<vmem>> -> memref<128xf32, #tpu.memory_space<vmem>>
    %dma_wait3A_1220 = arith.constant 0 : i32
    %dma_wait3A_1221 = tpu.memref_slice %arg22[%dma_wait3A_1216, %dma_wait3A_1220] : memref<8x128xi32, #tpu.memory_space<vmem>> -> memref<1x128xi32, #tpu.memory_space<vmem>>
    %dma_wait3A_1222 = tpu.memref_squeeze %dma_wait3A_1221 : memref<1x128xi32, #tpu.memory_space<vmem>> -> memref<128xi32, #tpu.memory_space<vmem>>
    %dma_wait3A_1223 = arith.constant 0 : i32
    %dma_wait3A_1224 = tpu.memref_slice %arg16[%dma_wait3A_1223] : memref<256xf32, #tpu.memory_space<vmem_shared>> -> memref<256xf32, #tpu.memory_space<vmem_shared>>
    tpu.wait_indirect_dma semaphore(%arg35 : memref<!tpu.dma_semaphore, #tpu.memory_space<semaphore_mem>>) src(%dma_wait3A_1219 : memref<128xf32, #tpu.memory_space<vmem>>) dst(%dma_wait3A_1224 : memref<256xf32, #tpu.memory_space<vmem_shared>>)
    %dma_wait3A_1225 = arith.constant 2 : i32
    %dma_wait3A_1226 = arith.constant 2 : i32
    %dma_wait3A_1227 = arith.constant 0 : i32
    %dma_wait3A_1228 = tpu.memref_slice %arg23[%dma_wait3A_1225, %dma_wait3A_1227] : memref<8x128xf32, #tpu.memory_space<vmem>> -> memref<1x128xf32, #tpu.memory_space<vmem>>
    %dma_wait3A_1229 = tpu.memref_squeeze %dma_wait3A_1228 : memref<1x128xf32, #tpu.memory_space<vmem>> -> memref<128xf32, #tpu.memory_space<vmem>>
    %dma_wait3A_1230 = arith.constant 0 : i32
    %dma_wait3A_1231 = tpu.memref_slice %arg22[%dma_wait3A_1226, %dma_wait3A_1230] : memref<8x128xi32, #tpu.memory_space<vmem>> -> memref<1x128xi32, #tpu.memory_space<vmem>>
    %dma_wait3A_1232 = tpu.memref_squeeze %dma_wait3A_1231 : memref<1x128xi32, #tpu.memory_space<vmem>> -> memref<128xi32, #tpu.memory_space<vmem>>
    %dma_wait3A_1233 = arith.constant 0 : i32
    %dma_wait3A_1234 = tpu.memref_slice %arg12[%dma_wait3A_1233] : memref<256xf32, #tpu.memory_space<vmem_shared>> -> memref<256xf32, #tpu.memory_space<vmem_shared>>
    tpu.wait_indirect_dma semaphore(%arg35 : memref<!tpu.dma_semaphore, #tpu.memory_space<semaphore_mem>>) src(%dma_wait3A_1229 : memref<128xf32, #tpu.memory_space<vmem>>) dst(%dma_wait3A_1234 : memref<256xf32, #tpu.memory_space<vmem_shared>>)
    %dma_wait3A_1235 = arith.constant 2 : i32
    %dma_wait3A_1236 = arith.constant 2 : i32
    %dma_wait3A_1237 = arith.constant 0 : i32
    %dma_wait3A_1238 = tpu.memref_slice %arg24[%dma_wait3A_1235, %dma_wait3A_1237] : memref<8x128xf32, #tpu.memory_space<vmem>> -> memref<1x128xf32, #tpu.memory_space<vmem>>
    %dma_wait3A_1239 = tpu.memref_squeeze %dma_wait3A_1238 : memref<1x128xf32, #tpu.memory_space<vmem>> -> memref<128xf32, #tpu.memory_space<vmem>>
    %dma_wait3A_1240 = arith.constant 0 : i32
    %dma_wait3A_1241 = tpu.memref_slice %arg22[%dma_wait3A_1236, %dma_wait3A_1240] : memref<8x128xi32, #tpu.memory_space<vmem>> -> memref<1x128xi32, #tpu.memory_space<vmem>>
    %dma_wait3A_1242 = tpu.memref_squeeze %dma_wait3A_1241 : memref<1x128xi32, #tpu.memory_space<vmem>> -> memref<128xi32, #tpu.memory_space<vmem>>
    %dma_wait3A_1243 = arith.constant 0 : i32
    %dma_wait3A_1244 = tpu.memref_slice %arg13[%dma_wait3A_1243] : memref<256xf32, #tpu.memory_space<vmem_shared>> -> memref<256xf32, #tpu.memory_space<vmem_shared>>
    tpu.wait_indirect_dma semaphore(%arg35 : memref<!tpu.dma_semaphore, #tpu.memory_space<semaphore_mem>>) src(%dma_wait3A_1239 : memref<128xf32, #tpu.memory_space<vmem>>) dst(%dma_wait3A_1244 : memref<256xf32, #tpu.memory_space<vmem_shared>>)
    %dma_wait3A_1245 = arith.constant 2 : i32
    %dma_wait3A_1246 = arith.constant 2 : i32
    %dma_wait3A_1247 = arith.constant 0 : i32
    %dma_wait3A_1248 = tpu.memref_slice %arg25[%dma_wait3A_1245, %dma_wait3A_1247] : memref<8x128xf32, #tpu.memory_space<vmem>> -> memref<1x128xf32, #tpu.memory_space<vmem>>
    %dma_wait3A_1249 = tpu.memref_squeeze %dma_wait3A_1248 : memref<1x128xf32, #tpu.memory_space<vmem>> -> memref<128xf32, #tpu.memory_space<vmem>>
    %dma_wait3A_1250 = arith.constant 0 : i32
    %dma_wait3A_1251 = tpu.memref_slice %arg22[%dma_wait3A_1246, %dma_wait3A_1250] : memref<8x128xi32, #tpu.memory_space<vmem>> -> memref<1x128xi32, #tpu.memory_space<vmem>>
    %dma_wait3A_1252 = tpu.memref_squeeze %dma_wait3A_1251 : memref<1x128xi32, #tpu.memory_space<vmem>> -> memref<128xi32, #tpu.memory_space<vmem>>
    %dma_wait3A_1253 = arith.constant 0 : i32
    %dma_wait3A_1254 = tpu.memref_slice %arg14[%dma_wait3A_1253] : memref<256xf32, #tpu.memory_space<vmem_shared>> -> memref<256xf32, #tpu.memory_space<vmem_shared>>
    tpu.wait_indirect_dma semaphore(%arg35 : memref<!tpu.dma_semaphore, #tpu.memory_space<semaphore_mem>>) src(%dma_wait3A_1249 : memref<128xf32, #tpu.memory_space<vmem>>) dst(%dma_wait3A_1254 : memref<256xf32, #tpu.memory_space<vmem_shared>>)
    %dma_wait3A_1255 = arith.constant 2 : i32
    %dma_wait3A_1256 = arith.constant 2 : i32
    %dma_wait3A_1257 = arith.constant 0 : i32
    %dma_wait3A_1258 = tpu.memref_slice %arg26[%dma_wait3A_1255, %dma_wait3A_1257] : memref<8x128xf32, #tpu.memory_space<vmem>> -> memref<1x128xf32, #tpu.memory_space<vmem>>
    %dma_wait3A_1259 = tpu.memref_squeeze %dma_wait3A_1258 : memref<1x128xf32, #tpu.memory_space<vmem>> -> memref<128xf32, #tpu.memory_space<vmem>>
    %dma_wait3A_1260 = arith.constant 0 : i32
    %dma_wait3A_1261 = tpu.memref_slice %arg22[%dma_wait3A_1256, %dma_wait3A_1260] : memref<8x128xi32, #tpu.memory_space<vmem>> -> memref<1x128xi32, #tpu.memory_space<vmem>>
    %dma_wait3A_1262 = tpu.memref_squeeze %dma_wait3A_1261 : memref<1x128xi32, #tpu.memory_space<vmem>> -> memref<128xi32, #tpu.memory_space<vmem>>
    %dma_wait3A_1263 = arith.constant 0 : i32
    %dma_wait3A_1264 = tpu.memref_slice %arg15[%dma_wait3A_1263] : memref<256xf32, #tpu.memory_space<vmem_shared>> -> memref<256xf32, #tpu.memory_space<vmem_shared>>
    tpu.wait_indirect_dma semaphore(%arg35 : memref<!tpu.dma_semaphore, #tpu.memory_space<semaphore_mem>>) src(%dma_wait3A_1259 : memref<128xf32, #tpu.memory_space<vmem>>) dst(%dma_wait3A_1264 : memref<256xf32, #tpu.memory_space<vmem_shared>>)
    %dma_wait3A_1265 = arith.constant 2 : i32
    %dma_wait3A_1266 = arith.constant 2 : i32
    %dma_wait3A_1267 = arith.constant 0 : i32
    %dma_wait3A_1268 = tpu.memref_slice %arg19[%dma_wait3A_1265, %dma_wait3A_1267] : memref<16x128xf32, #tpu.memory_space<vmem>> -> memref<1x128xf32, #tpu.memory_space<vmem>>
    %dma_wait3A_1269 = tpu.memref_squeeze %dma_wait3A_1268 : memref<1x128xf32, #tpu.memory_space<vmem>> -> memref<128xf32, #tpu.memory_space<vmem>>
    %dma_wait3A_1270 = arith.constant 0 : i32
    %dma_wait3A_1271 = tpu.memref_slice %arg22[%dma_wait3A_1266, %dma_wait3A_1270] : memref<8x128xi32, #tpu.memory_space<vmem>> -> memref<1x128xi32, #tpu.memory_space<vmem>>
    %dma_wait3A_1272 = tpu.memref_squeeze %dma_wait3A_1271 : memref<1x128xi32, #tpu.memory_space<vmem>> -> memref<128xi32, #tpu.memory_space<vmem>>
    %dma_wait3A_1273 = arith.constant 0 : i32
    %dma_wait3A_1274 = tpu.memref_slice %arg16[%dma_wait3A_1273] : memref<256xf32, #tpu.memory_space<vmem_shared>> -> memref<256xf32, #tpu.memory_space<vmem_shared>>
    tpu.wait_indirect_dma semaphore(%arg35 : memref<!tpu.dma_semaphore, #tpu.memory_space<semaphore_mem>>) src(%dma_wait3A_1269 : memref<128xf32, #tpu.memory_space<vmem>>) dst(%dma_wait3A_1274 : memref<256xf32, #tpu.memory_space<vmem_shared>>)
    %dma_wait3A_1275 = arith.constant 3 : i32
    %dma_wait3A_1276 = arith.constant 3 : i32
    %dma_wait3A_1277 = arith.constant 0 : i32
    %dma_wait3A_1278 = tpu.memref_slice %arg23[%dma_wait3A_1275, %dma_wait3A_1277] : memref<8x128xf32, #tpu.memory_space<vmem>> -> memref<1x128xf32, #tpu.memory_space<vmem>>
    %dma_wait3A_1279 = tpu.memref_squeeze %dma_wait3A_1278 : memref<1x128xf32, #tpu.memory_space<vmem>> -> memref<128xf32, #tpu.memory_space<vmem>>
    %dma_wait3A_1280 = arith.constant 0 : i32
    %dma_wait3A_1281 = tpu.memref_slice %arg22[%dma_wait3A_1276, %dma_wait3A_1280] : memref<8x128xi32, #tpu.memory_space<vmem>> -> memref<1x128xi32, #tpu.memory_space<vmem>>
    %dma_wait3A_1282 = tpu.memref_squeeze %dma_wait3A_1281 : memref<1x128xi32, #tpu.memory_space<vmem>> -> memref<128xi32, #tpu.memory_space<vmem>>
    %dma_wait3A_1283 = arith.constant 0 : i32
    %dma_wait3A_1284 = tpu.memref_slice %arg12[%dma_wait3A_1283] : memref<256xf32, #tpu.memory_space<vmem_shared>> -> memref<256xf32, #tpu.memory_space<vmem_shared>>
    tpu.wait_indirect_dma semaphore(%arg35 : memref<!tpu.dma_semaphore, #tpu.memory_space<semaphore_mem>>) src(%dma_wait3A_1279 : memref<128xf32, #tpu.memory_space<vmem>>) dst(%dma_wait3A_1284 : memref<256xf32, #tpu.memory_space<vmem_shared>>)
    %dma_wait3A_1285 = arith.constant 3 : i32
    %dma_wait3A_1286 = arith.constant 3 : i32
    %dma_wait3A_1287 = arith.constant 0 : i32
    %dma_wait3A_1288 = tpu.memref_slice %arg24[%dma_wait3A_1285, %dma_wait3A_1287] : memref<8x128xf32, #tpu.memory_space<vmem>> -> memref<1x128xf32, #tpu.memory_space<vmem>>
    %dma_wait3A_1289 = tpu.memref_squeeze %dma_wait3A_1288 : memref<1x128xf32, #tpu.memory_space<vmem>> -> memref<128xf32, #tpu.memory_space<vmem>>
    %dma_wait3A_1290 = arith.constant 0 : i32
    %dma_wait3A_1291 = tpu.memref_slice %arg22[%dma_wait3A_1286, %dma_wait3A_1290] : memref<8x128xi32, #tpu.memory_space<vmem>> -> memref<1x128xi32, #tpu.memory_space<vmem>>
    %dma_wait3A_1292 = tpu.memref_squeeze %dma_wait3A_1291 : memref<1x128xi32, #tpu.memory_space<vmem>> -> memref<128xi32, #tpu.memory_space<vmem>>
    %dma_wait3A_1293 = arith.constant 0 : i32
    %dma_wait3A_1294 = tpu.memref_slice %arg13[%dma_wait3A_1293] : memref<256xf32, #tpu.memory_space<vmem_shared>> -> memref<256xf32, #tpu.memory_space<vmem_shared>>
    tpu.wait_indirect_dma semaphore(%arg35 : memref<!tpu.dma_semaphore, #tpu.memory_space<semaphore_mem>>) src(%dma_wait3A_1289 : memref<128xf32, #tpu.memory_space<vmem>>) dst(%dma_wait3A_1294 : memref<256xf32, #tpu.memory_space<vmem_shared>>)
    %dma_wait3A_1295 = arith.constant 3 : i32
    %dma_wait3A_1296 = arith.constant 3 : i32
    %dma_wait3A_1297 = arith.constant 0 : i32
    %dma_wait3A_1298 = tpu.memref_slice %arg25[%dma_wait3A_1295, %dma_wait3A_1297] : memref<8x128xf32, #tpu.memory_space<vmem>> -> memref<1x128xf32, #tpu.memory_space<vmem>>
    %dma_wait3A_1299 = tpu.memref_squeeze %dma_wait3A_1298 : memref<1x128xf32, #tpu.memory_space<vmem>> -> memref<128xf32, #tpu.memory_space<vmem>>
    %dma_wait3A_1300 = arith.constant 0 : i32
    %dma_wait3A_1301 = tpu.memref_slice %arg22[%dma_wait3A_1296, %dma_wait3A_1300] : memref<8x128xi32, #tpu.memory_space<vmem>> -> memref<1x128xi32, #tpu.memory_space<vmem>>
    %dma_wait3A_1302 = tpu.memref_squeeze %dma_wait3A_1301 : memref<1x128xi32, #tpu.memory_space<vmem>> -> memref<128xi32, #tpu.memory_space<vmem>>
    %dma_wait3A_1303 = arith.constant 0 : i32
    %dma_wait3A_1304 = tpu.memref_slice %arg14[%dma_wait3A_1303] : memref<256xf32, #tpu.memory_space<vmem_shared>> -> memref<256xf32, #tpu.memory_space<vmem_shared>>
    tpu.wait_indirect_dma semaphore(%arg35 : memref<!tpu.dma_semaphore, #tpu.memory_space<semaphore_mem>>) src(%dma_wait3A_1299 : memref<128xf32, #tpu.memory_space<vmem>>) dst(%dma_wait3A_1304 : memref<256xf32, #tpu.memory_space<vmem_shared>>)
    %dma_wait3A_1305 = arith.constant 3 : i32
    %dma_wait3A_1306 = arith.constant 3 : i32
    %dma_wait3A_1307 = arith.constant 0 : i32
    %dma_wait3A_1308 = tpu.memref_slice %arg26[%dma_wait3A_1305, %dma_wait3A_1307] : memref<8x128xf32, #tpu.memory_space<vmem>> -> memref<1x128xf32, #tpu.memory_space<vmem>>
    %dma_wait3A_1309 = tpu.memref_squeeze %dma_wait3A_1308 : memref<1x128xf32, #tpu.memory_space<vmem>> -> memref<128xf32, #tpu.memory_space<vmem>>
    %dma_wait3A_1310 = arith.constant 0 : i32
    %dma_wait3A_1311 = tpu.memref_slice %arg22[%dma_wait3A_1306, %dma_wait3A_1310] : memref<8x128xi32, #tpu.memory_space<vmem>> -> memref<1x128xi32, #tpu.memory_space<vmem>>
    %dma_wait3A_1312 = tpu.memref_squeeze %dma_wait3A_1311 : memref<1x128xi32, #tpu.memory_space<vmem>> -> memref<128xi32, #tpu.memory_space<vmem>>
    %dma_wait3A_1313 = arith.constant 0 : i32
    %dma_wait3A_1314 = tpu.memref_slice %arg15[%dma_wait3A_1313] : memref<256xf32, #tpu.memory_space<vmem_shared>> -> memref<256xf32, #tpu.memory_space<vmem_shared>>
    tpu.wait_indirect_dma semaphore(%arg35 : memref<!tpu.dma_semaphore, #tpu.memory_space<semaphore_mem>>) src(%dma_wait3A_1309 : memref<128xf32, #tpu.memory_space<vmem>>) dst(%dma_wait3A_1314 : memref<256xf32, #tpu.memory_space<vmem_shared>>)
    %dma_wait3A_1315 = arith.constant 3 : i32
    %dma_wait3A_1316 = arith.constant 3 : i32
    %dma_wait3A_1317 = arith.constant 0 : i32
    %dma_wait3A_1318 = tpu.memref_slice %arg19[%dma_wait3A_1315, %dma_wait3A_1317] : memref<16x128xf32, #tpu.memory_space<vmem>> -> memref<1x128xf32, #tpu.memory_space<vmem>>
    %dma_wait3A_1319 = tpu.memref_squeeze %dma_wait3A_1318 : memref<1x128xf32, #tpu.memory_space<vmem>> -> memref<128xf32, #tpu.memory_space<vmem>>
    %dma_wait3A_1320 = arith.constant 0 : i32
    %dma_wait3A_1321 = tpu.memref_slice %arg22[%dma_wait3A_1316, %dma_wait3A_1320] : memref<8x128xi32, #tpu.memory_space<vmem>> -> memref<1x128xi32, #tpu.memory_space<vmem>>
    %dma_wait3A_1322 = tpu.memref_squeeze %dma_wait3A_1321 : memref<1x128xi32, #tpu.memory_space<vmem>> -> memref<128xi32, #tpu.memory_space<vmem>>
    %dma_wait3A_1323 = arith.constant 0 : i32
    %dma_wait3A_1324 = tpu.memref_slice %arg16[%dma_wait3A_1323] : memref<256xf32, #tpu.memory_space<vmem_shared>> -> memref<256xf32, #tpu.memory_space<vmem_shared>>
    tpu.wait_indirect_dma semaphore(%arg35 : memref<!tpu.dma_semaphore, #tpu.memory_space<semaphore_mem>>) src(%dma_wait3A_1319 : memref<128xf32, #tpu.memory_space<vmem>>) dst(%dma_wait3A_1324 : memref<256xf32, #tpu.memory_space<vmem_shared>>)
    %dma_wait3A_1325 = arith.constant 4 : i32
    %dma_wait3A_1326 = arith.constant 4 : i32
    %dma_wait3A_1327 = arith.constant 0 : i32
    %dma_wait3A_1328 = tpu.memref_slice %arg23[%dma_wait3A_1325, %dma_wait3A_1327] : memref<8x128xf32, #tpu.memory_space<vmem>> -> memref<1x128xf32, #tpu.memory_space<vmem>>
    %dma_wait3A_1329 = tpu.memref_squeeze %dma_wait3A_1328 : memref<1x128xf32, #tpu.memory_space<vmem>> -> memref<128xf32, #tpu.memory_space<vmem>>
    %dma_wait3A_1330 = arith.constant 0 : i32
    %dma_wait3A_1331 = tpu.memref_slice %arg22[%dma_wait3A_1326, %dma_wait3A_1330] : memref<8x128xi32, #tpu.memory_space<vmem>> -> memref<1x128xi32, #tpu.memory_space<vmem>>
    %dma_wait3A_1332 = tpu.memref_squeeze %dma_wait3A_1331 : memref<1x128xi32, #tpu.memory_space<vmem>> -> memref<128xi32, #tpu.memory_space<vmem>>
    %dma_wait3A_1333 = arith.constant 0 : i32
    %dma_wait3A_1334 = tpu.memref_slice %arg12[%dma_wait3A_1333] : memref<256xf32, #tpu.memory_space<vmem_shared>> -> memref<256xf32, #tpu.memory_space<vmem_shared>>
    tpu.wait_indirect_dma semaphore(%arg35 : memref<!tpu.dma_semaphore, #tpu.memory_space<semaphore_mem>>) src(%dma_wait3A_1329 : memref<128xf32, #tpu.memory_space<vmem>>) dst(%dma_wait3A_1334 : memref<256xf32, #tpu.memory_space<vmem_shared>>)
    %dma_wait3A_1335 = arith.constant 4 : i32
    %dma_wait3A_1336 = arith.constant 4 : i32
    %dma_wait3A_1337 = arith.constant 0 : i32
    %dma_wait3A_1338 = tpu.memref_slice %arg24[%dma_wait3A_1335, %dma_wait3A_1337] : memref<8x128xf32, #tpu.memory_space<vmem>> -> memref<1x128xf32, #tpu.memory_space<vmem>>
    %dma_wait3A_1339 = tpu.memref_squeeze %dma_wait3A_1338 : memref<1x128xf32, #tpu.memory_space<vmem>> -> memref<128xf32, #tpu.memory_space<vmem>>
    %dma_wait3A_1340 = arith.constant 0 : i32
    %dma_wait3A_1341 = tpu.memref_slice %arg22[%dma_wait3A_1336, %dma_wait3A_1340] : memref<8x128xi32, #tpu.memory_space<vmem>> -> memref<1x128xi32, #tpu.memory_space<vmem>>
    %dma_wait3A_1342 = tpu.memref_squeeze %dma_wait3A_1341 : memref<1x128xi32, #tpu.memory_space<vmem>> -> memref<128xi32, #tpu.memory_space<vmem>>
    %dma_wait3A_1343 = arith.constant 0 : i32
    %dma_wait3A_1344 = tpu.memref_slice %arg13[%dma_wait3A_1343] : memref<256xf32, #tpu.memory_space<vmem_shared>> -> memref<256xf32, #tpu.memory_space<vmem_shared>>
    tpu.wait_indirect_dma semaphore(%arg35 : memref<!tpu.dma_semaphore, #tpu.memory_space<semaphore_mem>>) src(%dma_wait3A_1339 : memref<128xf32, #tpu.memory_space<vmem>>) dst(%dma_wait3A_1344 : memref<256xf32, #tpu.memory_space<vmem_shared>>)
    %dma_wait3A_1345 = arith.constant 4 : i32
    %dma_wait3A_1346 = arith.constant 4 : i32
    %dma_wait3A_1347 = arith.constant 0 : i32
    %dma_wait3A_1348 = tpu.memref_slice %arg25[%dma_wait3A_1345, %dma_wait3A_1347] : memref<8x128xf32, #tpu.memory_space<vmem>> -> memref<1x128xf32, #tpu.memory_space<vmem>>
    %dma_wait3A_1349 = tpu.memref_squeeze %dma_wait3A_1348 : memref<1x128xf32, #tpu.memory_space<vmem>> -> memref<128xf32, #tpu.memory_space<vmem>>
    %dma_wait3A_1350 = arith.constant 0 : i32
    %dma_wait3A_1351 = tpu.memref_slice %arg22[%dma_wait3A_1346, %dma_wait3A_1350] : memref<8x128xi32, #tpu.memory_space<vmem>> -> memref<1x128xi32, #tpu.memory_space<vmem>>
    %dma_wait3A_1352 = tpu.memref_squeeze %dma_wait3A_1351 : memref<1x128xi32, #tpu.memory_space<vmem>> -> memref<128xi32, #tpu.memory_space<vmem>>
    %dma_wait3A_1353 = arith.constant 0 : i32
    %dma_wait3A_1354 = tpu.memref_slice %arg14[%dma_wait3A_1353] : memref<256xf32, #tpu.memory_space<vmem_shared>> -> memref<256xf32, #tpu.memory_space<vmem_shared>>
    tpu.wait_indirect_dma semaphore(%arg35 : memref<!tpu.dma_semaphore, #tpu.memory_space<semaphore_mem>>) src(%dma_wait3A_1349 : memref<128xf32, #tpu.memory_space<vmem>>) dst(%dma_wait3A_1354 : memref<256xf32, #tpu.memory_space<vmem_shared>>)
    %dma_wait3A_1355 = arith.constant 4 : i32
    %dma_wait3A_1356 = arith.constant 4 : i32
    %dma_wait3A_1357 = arith.constant 0 : i32
    %dma_wait3A_1358 = tpu.memref_slice %arg26[%dma_wait3A_1355, %dma_wait3A_1357] : memref<8x128xf32, #tpu.memory_space<vmem>> -> memref<1x128xf32, #tpu.memory_space<vmem>>
    %dma_wait3A_1359 = tpu.memref_squeeze %dma_wait3A_1358 : memref<1x128xf32, #tpu.memory_space<vmem>> -> memref<128xf32, #tpu.memory_space<vmem>>
    %dma_wait3A_1360 = arith.constant 0 : i32
    %dma_wait3A_1361 = tpu.memref_slice %arg22[%dma_wait3A_1356, %dma_wait3A_1360] : memref<8x128xi32, #tpu.memory_space<vmem>> -> memref<1x128xi32, #tpu.memory_space<vmem>>
    %dma_wait3A_1362 = tpu.memref_squeeze %dma_wait3A_1361 : memref<1x128xi32, #tpu.memory_space<vmem>> -> memref<128xi32, #tpu.memory_space<vmem>>
    %dma_wait3A_1363 = arith.constant 0 : i32
    %dma_wait3A_1364 = tpu.memref_slice %arg15[%dma_wait3A_1363] : memref<256xf32, #tpu.memory_space<vmem_shared>> -> memref<256xf32, #tpu.memory_space<vmem_shared>>
    tpu.wait_indirect_dma semaphore(%arg35 : memref<!tpu.dma_semaphore, #tpu.memory_space<semaphore_mem>>) src(%dma_wait3A_1359 : memref<128xf32, #tpu.memory_space<vmem>>) dst(%dma_wait3A_1364 : memref<256xf32, #tpu.memory_space<vmem_shared>>)
    %dma_wait3A_1365 = arith.constant 4 : i32
    %dma_wait3A_1366 = arith.constant 4 : i32
    %dma_wait3A_1367 = arith.constant 0 : i32
    %dma_wait3A_1368 = tpu.memref_slice %arg19[%dma_wait3A_1365, %dma_wait3A_1367] : memref<16x128xf32, #tpu.memory_space<vmem>> -> memref<1x128xf32, #tpu.memory_space<vmem>>
    %dma_wait3A_1369 = tpu.memref_squeeze %dma_wait3A_1368 : memref<1x128xf32, #tpu.memory_space<vmem>> -> memref<128xf32, #tpu.memory_space<vmem>>
    %dma_wait3A_1370 = arith.constant 0 : i32
    %dma_wait3A_1371 = tpu.memref_slice %arg22[%dma_wait3A_1366, %dma_wait3A_1370] : memref<8x128xi32, #tpu.memory_space<vmem>> -> memref<1x128xi32, #tpu.memory_space<vmem>>
    %dma_wait3A_1372 = tpu.memref_squeeze %dma_wait3A_1371 : memref<1x128xi32, #tpu.memory_space<vmem>> -> memref<128xi32, #tpu.memory_space<vmem>>
    %dma_wait3A_1373 = arith.constant 0 : i32
    %dma_wait3A_1374 = tpu.memref_slice %arg16[%dma_wait3A_1373] : memref<256xf32, #tpu.memory_space<vmem_shared>> -> memref<256xf32, #tpu.memory_space<vmem_shared>>
    tpu.wait_indirect_dma semaphore(%arg35 : memref<!tpu.dma_semaphore, #tpu.memory_space<semaphore_mem>>) src(%dma_wait3A_1369 : memref<128xf32, #tpu.memory_space<vmem>>) dst(%dma_wait3A_1374 : memref<256xf32, #tpu.memory_space<vmem_shared>>)
    %dma_wait3A_1375 = arith.constant 5 : i32
    %dma_wait3A_1376 = arith.constant 5 : i32
    %dma_wait3A_1377 = arith.constant 0 : i32
    %dma_wait3A_1378 = tpu.memref_slice %arg23[%dma_wait3A_1375, %dma_wait3A_1377] : memref<8x128xf32, #tpu.memory_space<vmem>> -> memref<1x128xf32, #tpu.memory_space<vmem>>
    %dma_wait3A_1379 = tpu.memref_squeeze %dma_wait3A_1378 : memref<1x128xf32, #tpu.memory_space<vmem>> -> memref<128xf32, #tpu.memory_space<vmem>>
    %dma_wait3A_1380 = arith.constant 0 : i32
    %dma_wait3A_1381 = tpu.memref_slice %arg22[%dma_wait3A_1376, %dma_wait3A_1380] : memref<8x128xi32, #tpu.memory_space<vmem>> -> memref<1x128xi32, #tpu.memory_space<vmem>>
    %dma_wait3A_1382 = tpu.memref_squeeze %dma_wait3A_1381 : memref<1x128xi32, #tpu.memory_space<vmem>> -> memref<128xi32, #tpu.memory_space<vmem>>
    %dma_wait3A_1383 = arith.constant 0 : i32
    %dma_wait3A_1384 = tpu.memref_slice %arg12[%dma_wait3A_1383] : memref<256xf32, #tpu.memory_space<vmem_shared>> -> memref<256xf32, #tpu.memory_space<vmem_shared>>
    tpu.wait_indirect_dma semaphore(%arg35 : memref<!tpu.dma_semaphore, #tpu.memory_space<semaphore_mem>>) src(%dma_wait3A_1379 : memref<128xf32, #tpu.memory_space<vmem>>) dst(%dma_wait3A_1384 : memref<256xf32, #tpu.memory_space<vmem_shared>>)
    %dma_wait3A_1385 = arith.constant 5 : i32
    %dma_wait3A_1386 = arith.constant 5 : i32
    %dma_wait3A_1387 = arith.constant 0 : i32
    %dma_wait3A_1388 = tpu.memref_slice %arg24[%dma_wait3A_1385, %dma_wait3A_1387] : memref<8x128xf32, #tpu.memory_space<vmem>> -> memref<1x128xf32, #tpu.memory_space<vmem>>
    %dma_wait3A_1389 = tpu.memref_squeeze %dma_wait3A_1388 : memref<1x128xf32, #tpu.memory_space<vmem>> -> memref<128xf32, #tpu.memory_space<vmem>>
    %dma_wait3A_1390 = arith.constant 0 : i32
    %dma_wait3A_1391 = tpu.memref_slice %arg22[%dma_wait3A_1386, %dma_wait3A_1390] : memref<8x128xi32, #tpu.memory_space<vmem>> -> memref<1x128xi32, #tpu.memory_space<vmem>>
    %dma_wait3A_1392 = tpu.memref_squeeze %dma_wait3A_1391 : memref<1x128xi32, #tpu.memory_space<vmem>> -> memref<128xi32, #tpu.memory_space<vmem>>
    %dma_wait3A_1393 = arith.constant 0 : i32
    %dma_wait3A_1394 = tpu.memref_slice %arg13[%dma_wait3A_1393] : memref<256xf32, #tpu.memory_space<vmem_shared>> -> memref<256xf32, #tpu.memory_space<vmem_shared>>
    tpu.wait_indirect_dma semaphore(%arg35 : memref<!tpu.dma_semaphore, #tpu.memory_space<semaphore_mem>>) src(%dma_wait3A_1389 : memref<128xf32, #tpu.memory_space<vmem>>) dst(%dma_wait3A_1394 : memref<256xf32, #tpu.memory_space<vmem_shared>>)
    %dma_wait3A_1395 = arith.constant 5 : i32
    %dma_wait3A_1396 = arith.constant 5 : i32
    %dma_wait3A_1397 = arith.constant 0 : i32
    %dma_wait3A_1398 = tpu.memref_slice %arg25[%dma_wait3A_1395, %dma_wait3A_1397] : memref<8x128xf32, #tpu.memory_space<vmem>> -> memref<1x128xf32, #tpu.memory_space<vmem>>
    %dma_wait3A_1399 = tpu.memref_squeeze %dma_wait3A_1398 : memref<1x128xf32, #tpu.memory_space<vmem>> -> memref<128xf32, #tpu.memory_space<vmem>>
    %dma_wait3A_1400 = arith.constant 0 : i32
    %dma_wait3A_1401 = tpu.memref_slice %arg22[%dma_wait3A_1396, %dma_wait3A_1400] : memref<8x128xi32, #tpu.memory_space<vmem>> -> memref<1x128xi32, #tpu.memory_space<vmem>>
    %dma_wait3A_1402 = tpu.memref_squeeze %dma_wait3A_1401 : memref<1x128xi32, #tpu.memory_space<vmem>> -> memref<128xi32, #tpu.memory_space<vmem>>
    %dma_wait3A_1403 = arith.constant 0 : i32
    %dma_wait3A_1404 = tpu.memref_slice %arg14[%dma_wait3A_1403] : memref<256xf32, #tpu.memory_space<vmem_shared>> -> memref<256xf32, #tpu.memory_space<vmem_shared>>
    tpu.wait_indirect_dma semaphore(%arg35 : memref<!tpu.dma_semaphore, #tpu.memory_space<semaphore_mem>>) src(%dma_wait3A_1399 : memref<128xf32, #tpu.memory_space<vmem>>) dst(%dma_wait3A_1404 : memref<256xf32, #tpu.memory_space<vmem_shared>>)
    %dma_wait3A_1405 = arith.constant 5 : i32
    %dma_wait3A_1406 = arith.constant 5 : i32
    %dma_wait3A_1407 = arith.constant 0 : i32
    %dma_wait3A_1408 = tpu.memref_slice %arg26[%dma_wait3A_1405, %dma_wait3A_1407] : memref<8x128xf32, #tpu.memory_space<vmem>> -> memref<1x128xf32, #tpu.memory_space<vmem>>
    %dma_wait3A_1409 = tpu.memref_squeeze %dma_wait3A_1408 : memref<1x128xf32, #tpu.memory_space<vmem>> -> memref<128xf32, #tpu.memory_space<vmem>>
    %dma_wait3A_1410 = arith.constant 0 : i32
    %dma_wait3A_1411 = tpu.memref_slice %arg22[%dma_wait3A_1406, %dma_wait3A_1410] : memref<8x128xi32, #tpu.memory_space<vmem>> -> memref<1x128xi32, #tpu.memory_space<vmem>>
    %dma_wait3A_1412 = tpu.memref_squeeze %dma_wait3A_1411 : memref<1x128xi32, #tpu.memory_space<vmem>> -> memref<128xi32, #tpu.memory_space<vmem>>
    %dma_wait3A_1413 = arith.constant 0 : i32
    %dma_wait3A_1414 = tpu.memref_slice %arg15[%dma_wait3A_1413] : memref<256xf32, #tpu.memory_space<vmem_shared>> -> memref<256xf32, #tpu.memory_space<vmem_shared>>
    tpu.wait_indirect_dma semaphore(%arg35 : memref<!tpu.dma_semaphore, #tpu.memory_space<semaphore_mem>>) src(%dma_wait3A_1409 : memref<128xf32, #tpu.memory_space<vmem>>) dst(%dma_wait3A_1414 : memref<256xf32, #tpu.memory_space<vmem_shared>>)
    %dma_wait3A_1415 = arith.constant 5 : i32
    %dma_wait3A_1416 = arith.constant 5 : i32
    %dma_wait3A_1417 = arith.constant 0 : i32
    %dma_wait3A_1418 = tpu.memref_slice %arg19[%dma_wait3A_1415, %dma_wait3A_1417] : memref<16x128xf32, #tpu.memory_space<vmem>> -> memref<1x128xf32, #tpu.memory_space<vmem>>
    %dma_wait3A_1419 = tpu.memref_squeeze %dma_wait3A_1418 : memref<1x128xf32, #tpu.memory_space<vmem>> -> memref<128xf32, #tpu.memory_space<vmem>>
    %dma_wait3A_1420 = arith.constant 0 : i32
    %dma_wait3A_1421 = tpu.memref_slice %arg22[%dma_wait3A_1416, %dma_wait3A_1420] : memref<8x128xi32, #tpu.memory_space<vmem>> -> memref<1x128xi32, #tpu.memory_space<vmem>>
    %dma_wait3A_1422 = tpu.memref_squeeze %dma_wait3A_1421 : memref<1x128xi32, #tpu.memory_space<vmem>> -> memref<128xi32, #tpu.memory_space<vmem>>
    %dma_wait3A_1423 = arith.constant 0 : i32
    %dma_wait3A_1424 = tpu.memref_slice %arg16[%dma_wait3A_1423] : memref<256xf32, #tpu.memory_space<vmem_shared>> -> memref<256xf32, #tpu.memory_space<vmem_shared>>
    tpu.wait_indirect_dma semaphore(%arg35 : memref<!tpu.dma_semaphore, #tpu.memory_space<semaphore_mem>>) src(%dma_wait3A_1419 : memref<128xf32, #tpu.memory_space<vmem>>) dst(%dma_wait3A_1424 : memref<256xf32, #tpu.memory_space<vmem_shared>>)
    %dma_wait3A_1425 = arith.constant 6 : i32
    %dma_wait3A_1426 = arith.constant 6 : i32
    %dma_wait3A_1427 = arith.constant 0 : i32
    %dma_wait3A_1428 = tpu.memref_slice %arg23[%dma_wait3A_1425, %dma_wait3A_1427] : memref<8x128xf32, #tpu.memory_space<vmem>> -> memref<1x128xf32, #tpu.memory_space<vmem>>
    %dma_wait3A_1429 = tpu.memref_squeeze %dma_wait3A_1428 : memref<1x128xf32, #tpu.memory_space<vmem>> -> memref<128xf32, #tpu.memory_space<vmem>>
    %dma_wait3A_1430 = arith.constant 0 : i32
    %dma_wait3A_1431 = tpu.memref_slice %arg22[%dma_wait3A_1426, %dma_wait3A_1430] : memref<8x128xi32, #tpu.memory_space<vmem>> -> memref<1x128xi32, #tpu.memory_space<vmem>>
    %dma_wait3A_1432 = tpu.memref_squeeze %dma_wait3A_1431 : memref<1x128xi32, #tpu.memory_space<vmem>> -> memref<128xi32, #tpu.memory_space<vmem>>
    %dma_wait3A_1433 = arith.constant 0 : i32
    %dma_wait3A_1434 = tpu.memref_slice %arg12[%dma_wait3A_1433] : memref<256xf32, #tpu.memory_space<vmem_shared>> -> memref<256xf32, #tpu.memory_space<vmem_shared>>
    tpu.wait_indirect_dma semaphore(%arg35 : memref<!tpu.dma_semaphore, #tpu.memory_space<semaphore_mem>>) src(%dma_wait3A_1429 : memref<128xf32, #tpu.memory_space<vmem>>) dst(%dma_wait3A_1434 : memref<256xf32, #tpu.memory_space<vmem_shared>>)
    %dma_wait3A_1435 = arith.constant 6 : i32
    %dma_wait3A_1436 = arith.constant 6 : i32
    %dma_wait3A_1437 = arith.constant 0 : i32
    %dma_wait3A_1438 = tpu.memref_slice %arg24[%dma_wait3A_1435, %dma_wait3A_1437] : memref<8x128xf32, #tpu.memory_space<vmem>> -> memref<1x128xf32, #tpu.memory_space<vmem>>
    %dma_wait3A_1439 = tpu.memref_squeeze %dma_wait3A_1438 : memref<1x128xf32, #tpu.memory_space<vmem>> -> memref<128xf32, #tpu.memory_space<vmem>>
    %dma_wait3A_1440 = arith.constant 0 : i32
    %dma_wait3A_1441 = tpu.memref_slice %arg22[%dma_wait3A_1436, %dma_wait3A_1440] : memref<8x128xi32, #tpu.memory_space<vmem>> -> memref<1x128xi32, #tpu.memory_space<vmem>>
    %dma_wait3A_1442 = tpu.memref_squeeze %dma_wait3A_1441 : memref<1x128xi32, #tpu.memory_space<vmem>> -> memref<128xi32, #tpu.memory_space<vmem>>
    %dma_wait3A_1443 = arith.constant 0 : i32
    %dma_wait3A_1444 = tpu.memref_slice %arg13[%dma_wait3A_1443] : memref<256xf32, #tpu.memory_space<vmem_shared>> -> memref<256xf32, #tpu.memory_space<vmem_shared>>
    tpu.wait_indirect_dma semaphore(%arg35 : memref<!tpu.dma_semaphore, #tpu.memory_space<semaphore_mem>>) src(%dma_wait3A_1439 : memref<128xf32, #tpu.memory_space<vmem>>) dst(%dma_wait3A_1444 : memref<256xf32, #tpu.memory_space<vmem_shared>>)
    %dma_wait3A_1445 = arith.constant 6 : i32
    %dma_wait3A_1446 = arith.constant 6 : i32
    %dma_wait3A_1447 = arith.constant 0 : i32
    %dma_wait3A_1448 = tpu.memref_slice %arg25[%dma_wait3A_1445, %dma_wait3A_1447] : memref<8x128xf32, #tpu.memory_space<vmem>> -> memref<1x128xf32, #tpu.memory_space<vmem>>
    %dma_wait3A_1449 = tpu.memref_squeeze %dma_wait3A_1448 : memref<1x128xf32, #tpu.memory_space<vmem>> -> memref<128xf32, #tpu.memory_space<vmem>>
    %dma_wait3A_1450 = arith.constant 0 : i32
    %dma_wait3A_1451 = tpu.memref_slice %arg22[%dma_wait3A_1446, %dma_wait3A_1450] : memref<8x128xi32, #tpu.memory_space<vmem>> -> memref<1x128xi32, #tpu.memory_space<vmem>>
    %dma_wait3A_1452 = tpu.memref_squeeze %dma_wait3A_1451 : memref<1x128xi32, #tpu.memory_space<vmem>> -> memref<128xi32, #tpu.memory_space<vmem>>
    %dma_wait3A_1453 = arith.constant 0 : i32
    %dma_wait3A_1454 = tpu.memref_slice %arg14[%dma_wait3A_1453] : memref<256xf32, #tpu.memory_space<vmem_shared>> -> memref<256xf32, #tpu.memory_space<vmem_shared>>
    tpu.wait_indirect_dma semaphore(%arg35 : memref<!tpu.dma_semaphore, #tpu.memory_space<semaphore_mem>>) src(%dma_wait3A_1449 : memref<128xf32, #tpu.memory_space<vmem>>) dst(%dma_wait3A_1454 : memref<256xf32, #tpu.memory_space<vmem_shared>>)
    %dma_wait3A_1455 = arith.constant 6 : i32
    %dma_wait3A_1456 = arith.constant 6 : i32
    %dma_wait3A_1457 = arith.constant 0 : i32
    %dma_wait3A_1458 = tpu.memref_slice %arg26[%dma_wait3A_1455, %dma_wait3A_1457] : memref<8x128xf32, #tpu.memory_space<vmem>> -> memref<1x128xf32, #tpu.memory_space<vmem>>
    %dma_wait3A_1459 = tpu.memref_squeeze %dma_wait3A_1458 : memref<1x128xf32, #tpu.memory_space<vmem>> -> memref<128xf32, #tpu.memory_space<vmem>>
    %dma_wait3A_1460 = arith.constant 0 : i32
    %dma_wait3A_1461 = tpu.memref_slice %arg22[%dma_wait3A_1456, %dma_wait3A_1460] : memref<8x128xi32, #tpu.memory_space<vmem>> -> memref<1x128xi32, #tpu.memory_space<vmem>>
    %dma_wait3A_1462 = tpu.memref_squeeze %dma_wait3A_1461 : memref<1x128xi32, #tpu.memory_space<vmem>> -> memref<128xi32, #tpu.memory_space<vmem>>
    %dma_wait3A_1463 = arith.constant 0 : i32
    %dma_wait3A_1464 = tpu.memref_slice %arg15[%dma_wait3A_1463] : memref<256xf32, #tpu.memory_space<vmem_shared>> -> memref<256xf32, #tpu.memory_space<vmem_shared>>
    tpu.wait_indirect_dma semaphore(%arg35 : memref<!tpu.dma_semaphore, #tpu.memory_space<semaphore_mem>>) src(%dma_wait3A_1459 : memref<128xf32, #tpu.memory_space<vmem>>) dst(%dma_wait3A_1464 : memref<256xf32, #tpu.memory_space<vmem_shared>>)
    %dma_wait3A_1465 = arith.constant 6 : i32
    %dma_wait3A_1466 = arith.constant 6 : i32
    %dma_wait3A_1467 = arith.constant 0 : i32
    %dma_wait3A_1468 = tpu.memref_slice %arg19[%dma_wait3A_1465, %dma_wait3A_1467] : memref<16x128xf32, #tpu.memory_space<vmem>> -> memref<1x128xf32, #tpu.memory_space<vmem>>
    %dma_wait3A_1469 = tpu.memref_squeeze %dma_wait3A_1468 : memref<1x128xf32, #tpu.memory_space<vmem>> -> memref<128xf32, #tpu.memory_space<vmem>>
    %dma_wait3A_1470 = arith.constant 0 : i32
    %dma_wait3A_1471 = tpu.memref_slice %arg22[%dma_wait3A_1466, %dma_wait3A_1470] : memref<8x128xi32, #tpu.memory_space<vmem>> -> memref<1x128xi32, #tpu.memory_space<vmem>>
    %dma_wait3A_1472 = tpu.memref_squeeze %dma_wait3A_1471 : memref<1x128xi32, #tpu.memory_space<vmem>> -> memref<128xi32, #tpu.memory_space<vmem>>
    %dma_wait3A_1473 = arith.constant 0 : i32
    %dma_wait3A_1474 = tpu.memref_slice %arg16[%dma_wait3A_1473] : memref<256xf32, #tpu.memory_space<vmem_shared>> -> memref<256xf32, #tpu.memory_space<vmem_shared>>
    tpu.wait_indirect_dma semaphore(%arg35 : memref<!tpu.dma_semaphore, #tpu.memory_space<semaphore_mem>>) src(%dma_wait3A_1469 : memref<128xf32, #tpu.memory_space<vmem>>) dst(%dma_wait3A_1474 : memref<256xf32, #tpu.memory_space<vmem_shared>>)
    %dma_wait3A_1475 = arith.constant 7 : i32
    %dma_wait3A_1476 = arith.constant 7 : i32
    %dma_wait3A_1477 = arith.constant 0 : i32
    %dma_wait3A_1478 = tpu.memref_slice %arg23[%dma_wait3A_1475, %dma_wait3A_1477] : memref<8x128xf32, #tpu.memory_space<vmem>> -> memref<1x128xf32, #tpu.memory_space<vmem>>
    %dma_wait3A_1479 = tpu.memref_squeeze %dma_wait3A_1478 : memref<1x128xf32, #tpu.memory_space<vmem>> -> memref<128xf32, #tpu.memory_space<vmem>>
    %dma_wait3A_1480 = arith.constant 0 : i32
    %dma_wait3A_1481 = tpu.memref_slice %arg22[%dma_wait3A_1476, %dma_wait3A_1480] : memref<8x128xi32, #tpu.memory_space<vmem>> -> memref<1x128xi32, #tpu.memory_space<vmem>>
    %dma_wait3A_1482 = tpu.memref_squeeze %dma_wait3A_1481 : memref<1x128xi32, #tpu.memory_space<vmem>> -> memref<128xi32, #tpu.memory_space<vmem>>
    %dma_wait3A_1483 = arith.constant 0 : i32
    %dma_wait3A_1484 = tpu.memref_slice %arg12[%dma_wait3A_1483] : memref<256xf32, #tpu.memory_space<vmem_shared>> -> memref<256xf32, #tpu.memory_space<vmem_shared>>
    tpu.wait_indirect_dma semaphore(%arg35 : memref<!tpu.dma_semaphore, #tpu.memory_space<semaphore_mem>>) src(%dma_wait3A_1479 : memref<128xf32, #tpu.memory_space<vmem>>) dst(%dma_wait3A_1484 : memref<256xf32, #tpu.memory_space<vmem_shared>>)
    %dma_wait3A_1485 = arith.constant 7 : i32
    %dma_wait3A_1486 = arith.constant 7 : i32
    %dma_wait3A_1487 = arith.constant 0 : i32
    %dma_wait3A_1488 = tpu.memref_slice %arg24[%dma_wait3A_1485, %dma_wait3A_1487] : memref<8x128xf32, #tpu.memory_space<vmem>> -> memref<1x128xf32, #tpu.memory_space<vmem>>
    %dma_wait3A_1489 = tpu.memref_squeeze %dma_wait3A_1488 : memref<1x128xf32, #tpu.memory_space<vmem>> -> memref<128xf32, #tpu.memory_space<vmem>>
    %dma_wait3A_1490 = arith.constant 0 : i32
    %dma_wait3A_1491 = tpu.memref_slice %arg22[%dma_wait3A_1486, %dma_wait3A_1490] : memref<8x128xi32, #tpu.memory_space<vmem>> -> memref<1x128xi32, #tpu.memory_space<vmem>>
    %dma_wait3A_1492 = tpu.memref_squeeze %dma_wait3A_1491 : memref<1x128xi32, #tpu.memory_space<vmem>> -> memref<128xi32, #tpu.memory_space<vmem>>
    %dma_wait3A_1493 = arith.constant 0 : i32
    %dma_wait3A_1494 = tpu.memref_slice %arg13[%dma_wait3A_1493] : memref<256xf32, #tpu.memory_space<vmem_shared>> -> memref<256xf32, #tpu.memory_space<vmem_shared>>
    tpu.wait_indirect_dma semaphore(%arg35 : memref<!tpu.dma_semaphore, #tpu.memory_space<semaphore_mem>>) src(%dma_wait3A_1489 : memref<128xf32, #tpu.memory_space<vmem>>) dst(%dma_wait3A_1494 : memref<256xf32, #tpu.memory_space<vmem_shared>>)
    %dma_wait3A_1495 = arith.constant 7 : i32
    %dma_wait3A_1496 = arith.constant 7 : i32
    %dma_wait3A_1497 = arith.constant 0 : i32
    %dma_wait3A_1498 = tpu.memref_slice %arg25[%dma_wait3A_1495, %dma_wait3A_1497] : memref<8x128xf32, #tpu.memory_space<vmem>> -> memref<1x128xf32, #tpu.memory_space<vmem>>
    %dma_wait3A_1499 = tpu.memref_squeeze %dma_wait3A_1498 : memref<1x128xf32, #tpu.memory_space<vmem>> -> memref<128xf32, #tpu.memory_space<vmem>>
    %dma_wait3A_1500 = arith.constant 0 : i32
    %dma_wait3A_1501 = tpu.memref_slice %arg22[%dma_wait3A_1496, %dma_wait3A_1500] : memref<8x128xi32, #tpu.memory_space<vmem>> -> memref<1x128xi32, #tpu.memory_space<vmem>>
    %dma_wait3A_1502 = tpu.memref_squeeze %dma_wait3A_1501 : memref<1x128xi32, #tpu.memory_space<vmem>> -> memref<128xi32, #tpu.memory_space<vmem>>
    %dma_wait3A_1503 = arith.constant 0 : i32
    %dma_wait3A_1504 = tpu.memref_slice %arg14[%dma_wait3A_1503] : memref<256xf32, #tpu.memory_space<vmem_shared>> -> memref<256xf32, #tpu.memory_space<vmem_shared>>
    tpu.wait_indirect_dma semaphore(%arg35 : memref<!tpu.dma_semaphore, #tpu.memory_space<semaphore_mem>>) src(%dma_wait3A_1499 : memref<128xf32, #tpu.memory_space<vmem>>) dst(%dma_wait3A_1504 : memref<256xf32, #tpu.memory_space<vmem_shared>>)
    %dma_wait3A_1505 = arith.constant 7 : i32
    %dma_wait3A_1506 = arith.constant 7 : i32
    %dma_wait3A_1507 = arith.constant 0 : i32
    %dma_wait3A_1508 = tpu.memref_slice %arg26[%dma_wait3A_1505, %dma_wait3A_1507] : memref<8x128xf32, #tpu.memory_space<vmem>> -> memref<1x128xf32, #tpu.memory_space<vmem>>
    %dma_wait3A_1509 = tpu.memref_squeeze %dma_wait3A_1508 : memref<1x128xf32, #tpu.memory_space<vmem>> -> memref<128xf32, #tpu.memory_space<vmem>>
    %dma_wait3A_1510 = arith.constant 0 : i32
    %dma_wait3A_1511 = tpu.memref_slice %arg22[%dma_wait3A_1506, %dma_wait3A_1510] : memref<8x128xi32, #tpu.memory_space<vmem>> -> memref<1x128xi32, #tpu.memory_space<vmem>>
    %dma_wait3A_1512 = tpu.memref_squeeze %dma_wait3A_1511 : memref<1x128xi32, #tpu.memory_space<vmem>> -> memref<128xi32, #tpu.memory_space<vmem>>
    %dma_wait3A_1513 = arith.constant 0 : i32
    %dma_wait3A_1514 = tpu.memref_slice %arg15[%dma_wait3A_1513] : memref<256xf32, #tpu.memory_space<vmem_shared>> -> memref<256xf32, #tpu.memory_space<vmem_shared>>
    tpu.wait_indirect_dma semaphore(%arg35 : memref<!tpu.dma_semaphore, #tpu.memory_space<semaphore_mem>>) src(%dma_wait3A_1509 : memref<128xf32, #tpu.memory_space<vmem>>) dst(%dma_wait3A_1514 : memref<256xf32, #tpu.memory_space<vmem_shared>>)
    %dma_wait3A_1515 = arith.constant 7 : i32
    %dma_wait3A_1516 = arith.constant 7 : i32
    %dma_wait3A_1517 = arith.constant 0 : i32
    %dma_wait3A_1518 = tpu.memref_slice %arg19[%dma_wait3A_1515, %dma_wait3A_1517] : memref<16x128xf32, #tpu.memory_space<vmem>> -> memref<1x128xf32, #tpu.memory_space<vmem>>
    %dma_wait3A_1519 = tpu.memref_squeeze %dma_wait3A_1518 : memref<1x128xf32, #tpu.memory_space<vmem>> -> memref<128xf32, #tpu.memory_space<vmem>>
    %dma_wait3A_1520 = arith.constant 0 : i32
    %dma_wait3A_1521 = tpu.memref_slice %arg22[%dma_wait3A_1516, %dma_wait3A_1520] : memref<8x128xi32, #tpu.memory_space<vmem>> -> memref<1x128xi32, #tpu.memory_space<vmem>>
    %dma_wait3A_1522 = tpu.memref_squeeze %dma_wait3A_1521 : memref<1x128xi32, #tpu.memory_space<vmem>> -> memref<128xi32, #tpu.memory_space<vmem>>
    %dma_wait3A_1523 = arith.constant 0 : i32
    %dma_wait3A_1524 = tpu.memref_slice %arg16[%dma_wait3A_1523] : memref<256xf32, #tpu.memory_space<vmem_shared>> -> memref<256xf32, #tpu.memory_space<vmem_shared>>
    tpu.wait_indirect_dma semaphore(%arg35 : memref<!tpu.dma_semaphore, #tpu.memory_space<semaphore_mem>>) src(%dma_wait3A_1519 : memref<128xf32, #tpu.memory_space<vmem>>) dst(%dma_wait3A_1524 : memref<256xf32, #tpu.memory_space<vmem_shared>>)
    %barrier3A_1525 = arith.constant 0 : index
    tpu.barrier barrier_id(%barrier3A_1525)
    %eq3A_1526 = arith.constant 0 : i32
    %eq3A_1527 = arith.cmpi eq, %arg1, %eq3A_1526 : i32
    %convert_element_type3A_1528 = arith.extui %eq3A_1527 : i1 to i32
    %cond3A_1529 = arith.constant 0 : i32
    %cond3A_1530 = arith.cmpi ne, %convert_element_type3A_1528, %cond3A_1529 : i32
    scf.if %cond3A_1530 {
      "tpu.region"() ({
        %run_scoped3A = tpu.sem_alloc : memref<!tpu.dma_semaphore, #tpu.memory_space<semaphore_mem>>
        tpu.enqueue_dma source(%arg8 : memref<256xf32, #tpu.memory_space<hbm>>) target(%arg30 : memref<256xf32, #tpu.memory_space<vmem>>) target_semaphore(%run_scoped3A : memref<!tpu.dma_semaphore, #tpu.memory_space<semaphore_mem>>)
        tpu.wait_dma2 semaphore(%run_scoped3A : memref<!tpu.dma_semaphore, #tpu.memory_space<semaphore_mem>>) src(%arg8 : memref<256xf32, #tpu.memory_space<hbm>>) dst(%arg30 : memref<256xf32, #tpu.memory_space<vmem>>)
        tpu.yield
      }) : () -> ()
      "tpu.region"() ({
        %run_scoped3A = tpu.sem_alloc : memref<!tpu.dma_semaphore, #tpu.memory_space<semaphore_mem>>
        %dma_start3A_1602 = arith.constant 0 : i32
        %dma_start3A_1603 = tpu.memref_slice %arg29[%dma_start3A_1602] : memref<1280xf32, #tpu.memory_space<vmem>> -> memref<256xf32, #tpu.memory_space<vmem>>
        %dma_start3A_1604 = arith.constant 0 : i32
        %dma_start3A_1605 = tpu.memref_slice %arg29[%dma_start3A_1604] : memref<1280xf32, #tpu.memory_space<vmem>> -> memref<256xf32, #tpu.memory_space<vmem>>
        tpu.enqueue_dma source(%arg12 : memref<256xf32, #tpu.memory_space<vmem_shared>>) target(%dma_start3A_1605 : memref<256xf32, #tpu.memory_space<vmem>>) target_semaphore(%run_scoped3A : memref<!tpu.dma_semaphore, #tpu.memory_space<semaphore_mem>>)
        %dma_wait3A_1606 = arith.constant 0 : i32
        %dma_wait3A_1607 = tpu.memref_slice %arg29[%dma_wait3A_1606] : memref<1280xf32, #tpu.memory_space<vmem>> -> memref<256xf32, #tpu.memory_space<vmem>>
        %dma_wait3A_1608 = arith.constant 0 : i32
        %dma_wait3A_1609 = tpu.memref_slice %arg29[%dma_wait3A_1608] : memref<1280xf32, #tpu.memory_space<vmem>> -> memref<256xf32, #tpu.memory_space<vmem>>
        tpu.wait_dma2 semaphore(%run_scoped3A : memref<!tpu.dma_semaphore, #tpu.memory_space<semaphore_mem>>) src(%arg12 : memref<256xf32, #tpu.memory_space<vmem_shared>>) dst(%dma_wait3A_1609 : memref<256xf32, #tpu.memory_space<vmem>>)
        tpu.yield
      }) : () -> ()
      "tpu.region"() ({
        %run_scoped3A = tpu.sem_alloc : memref<!tpu.dma_semaphore, #tpu.memory_space<semaphore_mem>>
        %dma_start3A_1602 = arith.constant 256 : i32
        %dma_start3A_1603 = tpu.memref_slice %arg29[%dma_start3A_1602] : memref<1280xf32, #tpu.memory_space<vmem>> -> memref<256xf32, #tpu.memory_space<vmem>>
        %dma_start3A_1604 = arith.constant 256 : i32
        %dma_start3A_1605 = tpu.memref_slice %arg29[%dma_start3A_1604] : memref<1280xf32, #tpu.memory_space<vmem>> -> memref<256xf32, #tpu.memory_space<vmem>>
        tpu.enqueue_dma source(%arg13 : memref<256xf32, #tpu.memory_space<vmem_shared>>) target(%dma_start3A_1605 : memref<256xf32, #tpu.memory_space<vmem>>) target_semaphore(%run_scoped3A : memref<!tpu.dma_semaphore, #tpu.memory_space<semaphore_mem>>)
        %dma_wait3A_1606 = arith.constant 256 : i32
        %dma_wait3A_1607 = tpu.memref_slice %arg29[%dma_wait3A_1606] : memref<1280xf32, #tpu.memory_space<vmem>> -> memref<256xf32, #tpu.memory_space<vmem>>
        %dma_wait3A_1608 = arith.constant 256 : i32
        %dma_wait3A_1609 = tpu.memref_slice %arg29[%dma_wait3A_1608] : memref<1280xf32, #tpu.memory_space<vmem>> -> memref<256xf32, #tpu.memory_space<vmem>>
        tpu.wait_dma2 semaphore(%run_scoped3A : memref<!tpu.dma_semaphore, #tpu.memory_space<semaphore_mem>>) src(%arg13 : memref<256xf32, #tpu.memory_space<vmem_shared>>) dst(%dma_wait3A_1609 : memref<256xf32, #tpu.memory_space<vmem>>)
        tpu.yield
      }) : () -> ()
      "tpu.region"() ({
        %run_scoped3A = tpu.sem_alloc : memref<!tpu.dma_semaphore, #tpu.memory_space<semaphore_mem>>
        %dma_start3A_1602 = arith.constant 512 : i32
        %dma_start3A_1603 = tpu.memref_slice %arg29[%dma_start3A_1602] : memref<1280xf32, #tpu.memory_space<vmem>> -> memref<256xf32, #tpu.memory_space<vmem>>
        %dma_start3A_1604 = arith.constant 512 : i32
        %dma_start3A_1605 = tpu.memref_slice %arg29[%dma_start3A_1604] : memref<1280xf32, #tpu.memory_space<vmem>> -> memref<256xf32, #tpu.memory_space<vmem>>
        tpu.enqueue_dma source(%arg14 : memref<256xf32, #tpu.memory_space<vmem_shared>>) target(%dma_start3A_1605 : memref<256xf32, #tpu.memory_space<vmem>>) target_semaphore(%run_scoped3A : memref<!tpu.dma_semaphore, #tpu.memory_space<semaphore_mem>>)
        %dma_wait3A_1606 = arith.constant 512 : i32
        %dma_wait3A_1607 = tpu.memref_slice %arg29[%dma_wait3A_1606] : memref<1280xf32, #tpu.memory_space<vmem>> -> memref<256xf32, #tpu.memory_space<vmem>>
        %dma_wait3A_1608 = arith.constant 512 : i32
        %dma_wait3A_1609 = tpu.memref_slice %arg29[%dma_wait3A_1608] : memref<1280xf32, #tpu.memory_space<vmem>> -> memref<256xf32, #tpu.memory_space<vmem>>
        tpu.wait_dma2 semaphore(%run_scoped3A : memref<!tpu.dma_semaphore, #tpu.memory_space<semaphore_mem>>) src(%arg14 : memref<256xf32, #tpu.memory_space<vmem_shared>>) dst(%dma_wait3A_1609 : memref<256xf32, #tpu.memory_space<vmem>>)
        tpu.yield
      }) : () -> ()
      "tpu.region"() ({
        %run_scoped3A = tpu.sem_alloc : memref<!tpu.dma_semaphore, #tpu.memory_space<semaphore_mem>>
        %dma_start3A_1602 = arith.constant 768 : i32
        %dma_start3A_1603 = tpu.memref_slice %arg29[%dma_start3A_1602] : memref<1280xf32, #tpu.memory_space<vmem>> -> memref<256xf32, #tpu.memory_space<vmem>>
        %dma_start3A_1604 = arith.constant 768 : i32
        %dma_start3A_1605 = tpu.memref_slice %arg29[%dma_start3A_1604] : memref<1280xf32, #tpu.memory_space<vmem>> -> memref<256xf32, #tpu.memory_space<vmem>>
        tpu.enqueue_dma source(%arg15 : memref<256xf32, #tpu.memory_space<vmem_shared>>) target(%dma_start3A_1605 : memref<256xf32, #tpu.memory_space<vmem>>) target_semaphore(%run_scoped3A : memref<!tpu.dma_semaphore, #tpu.memory_space<semaphore_mem>>)
        %dma_wait3A_1606 = arith.constant 768 : i32
        %dma_wait3A_1607 = tpu.memref_slice %arg29[%dma_wait3A_1606] : memref<1280xf32, #tpu.memory_space<vmem>> -> memref<256xf32, #tpu.memory_space<vmem>>
        %dma_wait3A_1608 = arith.constant 768 : i32
        %dma_wait3A_1609 = tpu.memref_slice %arg29[%dma_wait3A_1608] : memref<1280xf32, #tpu.memory_space<vmem>> -> memref<256xf32, #tpu.memory_space<vmem>>
        tpu.wait_dma2 semaphore(%run_scoped3A : memref<!tpu.dma_semaphore, #tpu.memory_space<semaphore_mem>>) src(%arg15 : memref<256xf32, #tpu.memory_space<vmem_shared>>) dst(%dma_wait3A_1609 : memref<256xf32, #tpu.memory_space<vmem>>)
        tpu.yield
      }) : () -> ()
      "tpu.region"() ({
        %run_scoped3A = tpu.sem_alloc : memref<!tpu.dma_semaphore, #tpu.memory_space<semaphore_mem>>
        %dma_start3A_1602 = arith.constant 1024 : i32
        %dma_start3A_1603 = tpu.memref_slice %arg29[%dma_start3A_1602] : memref<1280xf32, #tpu.memory_space<vmem>> -> memref<256xf32, #tpu.memory_space<vmem>>
        %dma_start3A_1604 = arith.constant 1024 : i32
        %dma_start3A_1605 = tpu.memref_slice %arg29[%dma_start3A_1604] : memref<1280xf32, #tpu.memory_space<vmem>> -> memref<256xf32, #tpu.memory_space<vmem>>
        tpu.enqueue_dma source(%arg16 : memref<256xf32, #tpu.memory_space<vmem_shared>>) target(%dma_start3A_1605 : memref<256xf32, #tpu.memory_space<vmem>>) target_semaphore(%run_scoped3A : memref<!tpu.dma_semaphore, #tpu.memory_space<semaphore_mem>>)
        %dma_wait3A_1606 = arith.constant 1024 : i32
        %dma_wait3A_1607 = tpu.memref_slice %arg29[%dma_wait3A_1606] : memref<1280xf32, #tpu.memory_space<vmem>> -> memref<256xf32, #tpu.memory_space<vmem>>
        %dma_wait3A_1608 = arith.constant 1024 : i32
        %dma_wait3A_1609 = tpu.memref_slice %arg29[%dma_wait3A_1608] : memref<1280xf32, #tpu.memory_space<vmem>> -> memref<256xf32, #tpu.memory_space<vmem>>
        tpu.wait_dma2 semaphore(%run_scoped3A : memref<!tpu.dma_semaphore, #tpu.memory_space<semaphore_mem>>) src(%arg16 : memref<256xf32, #tpu.memory_space<vmem_shared>>) dst(%dma_wait3A_1609 : memref<256xf32, #tpu.memory_space<vmem>>)
        tpu.yield
      }) : () -> ()
      %broadcast_in_dim3A_1531 = arith.constant 0.000000e+00 : f32
      %broadcast_in_dim3A_1532 = vector.broadcast %broadcast_in_dim3A_1531 : f32 to vector<16xf32>
      %scan3A_1533 = arith.constant 0 : i32
      %scan3A_1534 = arith.constant 16 : i32
      %scan3A_1535 = arith.addi %scan3A_1533, %scan3A_1534 : i32
      %scan3A_1536 = arith.constant 1 : i32
      %scan3A_1537 = scf.for %scan3A_1602 = %scan3A_1533 to %scan3A_1535 step %scan3A_1536 iter_args(%scan3A_1603 = %broadcast_in_dim3A_1532) -> (vector<16xf32>)  : i32 {
        %mul3A_1604 = arith.constant 16 : i32
        %mul3A_1605 = arith.muli %scan3A_1602, %mul3A_1604 : i32
        %add3A = arith.constant 0 : i32
        %add3A_1606 = arith.addi %add3A, %mul3A_1605 : i32
        %get3A = arith.index_cast %add3A_1606 : i32 to index
        %get3A_1607 = tpu.vector_load %arg29[%get3A] {strides = array<i32>} : memref<1280xf32, #tpu.memory_space<vmem>>, vector<16xf32>,
        %get3A_1608 = vector.shape_cast %get3A_1607 : vector<16xf32> to vector<16xf32>
        %mul3A_1609 = arith.constant 16 : i32
        %mul3A_1610 = arith.muli %scan3A_1602, %mul3A_1609 : i32
        %add3A_1611 = arith.constant 1024 : i32
        %add3A_1612 = arith.addi %add3A_1611, %mul3A_1610 : i32
        %get3A_1613 = arith.index_cast %add3A_1612 : i32 to index
        %get3A_1614 = tpu.vector_load %arg29[%get3A_1613] {strides = array<i32>} : memref<1280xf32, #tpu.memory_space<vmem>>, vector<16xf32>,
        %get3A_1615 = vector.shape_cast %get3A_1614 : vector<16xf32> to vector<16xf32>
        %mul3A_1616 = arith.constant 16 : i32
        %mul3A_1617 = arith.muli %scan3A_1602, %mul3A_1616 : i32
        %get3A_1618 = arith.index_cast %mul3A_1617 : i32 to index
        %get3A_1619 = tpu.vector_load %arg30[%get3A_1618] {strides = array<i32>} : memref<256xf32, #tpu.memory_space<vmem>>, vector<16xf32>,
        %get3A_1620 = vector.shape_cast %get3A_1619 : vector<16xf32> to vector<16xf32>
        %gt3A = arith.constant 0.000000e+00 : f32
        %gt3A_1621 = vector.broadcast %gt3A : f32 to vector<16xf32>
        %gt3A_1622 = arith.cmpf ogt, %get3A_1615, %gt3A_1621 : vector<16xf32>
        %max3A = arith.constant 1.000000e+00 : f32
        %max3A_1623 = vector.broadcast %max3A : f32 to vector<16xf32>
        %max3A_1624 = arith.maximumf %get3A_1615, %max3A_1623 : vector<16xf32>
        %div3A = arith.divf %get3A_1608, %max3A_1624 : vector<16xf32>
        %jit3A = arith.constant 0.000000e+00 : f32
        %broadcast_in_dim3A_1625 = vector.broadcast %jit3A : f32 to vector<16xf32>
        %select_n3A = arith.select %gt3A_1622, %div3A, %broadcast_in_dim3A_1625 : vector<16xi1>, vector<16xf32>
        %mul3A_1626 = arith.mulf %select_n3A, %get3A_1620 : vector<16xf32>
        %add3A_1627 = arith.addf %scan3A_1603, %mul3A_1626 : vector<16xf32>
        scf.yield %add3A_1627 : vector<16xf32>
      }
      %scan3A_1538 = arith.constant 16 : i32
      %swap3A = arith.constant 0 : index
      %swap3A_1539 = tpu.vector_load %arg31[%swap3A] {strides = array<i32>} : memref<64xf32, #tpu.memory_space<vmem>>, vector<16xf32>,
      %swap3A_1540 = vector.shape_cast %swap3A_1539 : vector<16xf32> to vector<16xf32>
      %swap3A_1541 = vector.shape_cast %scan3A_1537 : vector<16xf32> to vector<16xf32>
      tpu.vector_store %arg31[%swap3A], %swap3A_1541 {strides = array<i32>} : memref<64xf32, #tpu.memory_space<vmem>>, vector<16xf32>,
      %broadcast_in_dim3A_1542 = arith.constant 0 : i32
      %broadcast_in_dim3A_1543 = vector.broadcast %broadcast_in_dim3A_1542 : i32 to vector<16xi32>
      %swap3A_1544 = arith.constant 0 : index
      %swap3A_1545 = tpu.vector_load %arg32[%swap3A_1544] {strides = array<i32>} : memref<64xi32, #tpu.memory_space<vmem>>, vector<16xi32>,
      %swap3A_1546 = vector.shape_cast %swap3A_1545 : vector<16xi32> to vector<16xi32>
      %swap3A_1547 = vector.shape_cast %broadcast_in_dim3A_1543 : vector<16xi32> to vector<16xi32>
      tpu.vector_store %arg32[%swap3A_1544], %swap3A_1547 {strides = array<i32>} : memref<64xi32, #tpu.memory_space<vmem>>, vector<16xi32>,
      %broadcast_in_dim3A_1548 = arith.constant 0.000000e+00 : f32
      %broadcast_in_dim3A_1549 = vector.broadcast %broadcast_in_dim3A_1548 : f32 to vector<16xf32>
      %scan3A_1550 = arith.constant 0 : i32
      %scan3A_1551 = arith.constant 16 : i32
      %scan3A_1552 = arith.addi %scan3A_1550, %scan3A_1551 : i32
      %scan3A_1553 = arith.constant 1 : i32
      %scan3A_1554 = scf.for %scan3A_1602 = %scan3A_1550 to %scan3A_1552 step %scan3A_1553 iter_args(%scan3A_1603 = %broadcast_in_dim3A_1549) -> (vector<16xf32>)  : i32 {
        %mul3A_1604 = arith.constant 16 : i32
        %mul3A_1605 = arith.muli %scan3A_1602, %mul3A_1604 : i32
        %add3A = arith.constant 256 : i32
        %add3A_1606 = arith.addi %add3A, %mul3A_1605 : i32
        %get3A = arith.index_cast %add3A_1606 : i32 to index
        %get3A_1607 = tpu.vector_load %arg29[%get3A] {strides = array<i32>} : memref<1280xf32, #tpu.memory_space<vmem>>, vector<16xf32>,
        %get3A_1608 = vector.shape_cast %get3A_1607 : vector<16xf32> to vector<16xf32>
        %mul3A_1609 = arith.constant 16 : i32
        %mul3A_1610 = arith.muli %scan3A_1602, %mul3A_1609 : i32
        %add3A_1611 = arith.constant 1024 : i32
        %add3A_1612 = arith.addi %add3A_1611, %mul3A_1610 : i32
        %get3A_1613 = arith.index_cast %add3A_1612 : i32 to index
        %get3A_1614 = tpu.vector_load %arg29[%get3A_1613] {strides = array<i32>} : memref<1280xf32, #tpu.memory_space<vmem>>, vector<16xf32>,
        %get3A_1615 = vector.shape_cast %get3A_1614 : vector<16xf32> to vector<16xf32>
        %mul3A_1616 = arith.constant 16 : i32
        %mul3A_1617 = arith.muli %scan3A_1602, %mul3A_1616 : i32
        %get3A_1618 = arith.index_cast %mul3A_1617 : i32 to index
        %get3A_1619 = tpu.vector_load %arg30[%get3A_1618] {strides = array<i32>} : memref<256xf32, #tpu.memory_space<vmem>>, vector<16xf32>,
        %get3A_1620 = vector.shape_cast %get3A_1619 : vector<16xf32> to vector<16xf32>
        %gt3A = arith.constant 0.000000e+00 : f32
        %gt3A_1621 = vector.broadcast %gt3A : f32 to vector<16xf32>
        %gt3A_1622 = arith.cmpf ogt, %get3A_1615, %gt3A_1621 : vector<16xf32>
        %max3A = arith.constant 1.000000e+00 : f32
        %max3A_1623 = vector.broadcast %max3A : f32 to vector<16xf32>
        %max3A_1624 = arith.maximumf %get3A_1615, %max3A_1623 : vector<16xf32>
        %div3A = arith.divf %get3A_1608, %max3A_1624 : vector<16xf32>
        %jit3A = arith.constant 0.000000e+00 : f32
        %broadcast_in_dim3A_1625 = vector.broadcast %jit3A : f32 to vector<16xf32>
        %select_n3A = arith.select %gt3A_1622, %div3A, %broadcast_in_dim3A_1625 : vector<16xi1>, vector<16xf32>
        %mul3A_1626 = arith.mulf %select_n3A, %get3A_1620 : vector<16xf32>
        %add3A_1627 = arith.addf %scan3A_1603, %mul3A_1626 : vector<16xf32>
        scf.yield %add3A_1627 : vector<16xf32>
      }
      %scan3A_1555 = arith.constant 16 : i32
      %swap3A_1556 = arith.constant 16 : index
      %swap3A_1557 = tpu.vector_load %arg31[%swap3A_1556] {strides = array<i32>} : memref<64xf32, #tpu.memory_space<vmem>>, vector<16xf32>,
      %swap3A_1558 = vector.shape_cast %swap3A_1557 : vector<16xf32> to vector<16xf32>
      %swap3A_1559 = vector.shape_cast %scan3A_1554 : vector<16xf32> to vector<16xf32>
      tpu.vector_store %arg31[%swap3A_1556], %swap3A_1559 {strides = array<i32>} : memref<64xf32, #tpu.memory_space<vmem>>, vector<16xf32>,
      %broadcast_in_dim3A_1560 = arith.constant 1 : i32
      %broadcast_in_dim3A_1561 = vector.broadcast %broadcast_in_dim3A_1560 : i32 to vector<16xi32>
      %swap3A_1562 = arith.constant 16 : index
      %swap3A_1563 = tpu.vector_load %arg32[%swap3A_1562] {strides = array<i32>} : memref<64xi32, #tpu.memory_space<vmem>>, vector<16xi32>,
      %swap3A_1564 = vector.shape_cast %swap3A_1563 : vector<16xi32> to vector<16xi32>
      %swap3A_1565 = vector.shape_cast %broadcast_in_dim3A_1561 : vector<16xi32> to vector<16xi32>
      tpu.vector_store %arg32[%swap3A_1562], %swap3A_1565 {strides = array<i32>} : memref<64xi32, #tpu.memory_space<vmem>>, vector<16xi32>,
      %broadcast_in_dim3A_1566 = arith.constant 0.000000e+00 : f32
      %broadcast_in_dim3A_1567 = vector.broadcast %broadcast_in_dim3A_1566 : f32 to vector<16xf32>
      %scan3A_1568 = arith.constant 0 : i32
      %scan3A_1569 = arith.constant 16 : i32
      %scan3A_1570 = arith.addi %scan3A_1568, %scan3A_1569 : i32
      %scan3A_1571 = arith.constant 1 : i32
      %scan3A_1572 = scf.for %scan3A_1602 = %scan3A_1568 to %scan3A_1570 step %scan3A_1571 iter_args(%scan3A_1603 = %broadcast_in_dim3A_1567) -> (vector<16xf32>)  : i32 {
        %mul3A_1604 = arith.constant 16 : i32
        %mul3A_1605 = arith.muli %scan3A_1602, %mul3A_1604 : i32
        %add3A = arith.constant 512 : i32
        %add3A_1606 = arith.addi %add3A, %mul3A_1605 : i32
        %get3A = arith.index_cast %add3A_1606 : i32 to index
        %get3A_1607 = tpu.vector_load %arg29[%get3A] {strides = array<i32>} : memref<1280xf32, #tpu.memory_space<vmem>>, vector<16xf32>,
        %get3A_1608 = vector.shape_cast %get3A_1607 : vector<16xf32> to vector<16xf32>
        %mul3A_1609 = arith.constant 16 : i32
        %mul3A_1610 = arith.muli %scan3A_1602, %mul3A_1609 : i32
        %add3A_1611 = arith.constant 1024 : i32
        %add3A_1612 = arith.addi %add3A_1611, %mul3A_1610 : i32
        %get3A_1613 = arith.index_cast %add3A_1612 : i32 to index
        %get3A_1614 = tpu.vector_load %arg29[%get3A_1613] {strides = array<i32>} : memref<1280xf32, #tpu.memory_space<vmem>>, vector<16xf32>,
        %get3A_1615 = vector.shape_cast %get3A_1614 : vector<16xf32> to vector<16xf32>
        %mul3A_1616 = arith.constant 16 : i32
        %mul3A_1617 = arith.muli %scan3A_1602, %mul3A_1616 : i32
        %get3A_1618 = arith.index_cast %mul3A_1617 : i32 to index
        %get3A_1619 = tpu.vector_load %arg30[%get3A_1618] {strides = array<i32>} : memref<256xf32, #tpu.memory_space<vmem>>, vector<16xf32>,
        %get3A_1620 = vector.shape_cast %get3A_1619 : vector<16xf32> to vector<16xf32>
        %gt3A = arith.constant 0.000000e+00 : f32
        %gt3A_1621 = vector.broadcast %gt3A : f32 to vector<16xf32>
        %gt3A_1622 = arith.cmpf ogt, %get3A_1615, %gt3A_1621 : vector<16xf32>
        %max3A = arith.constant 1.000000e+00 : f32
        %max3A_1623 = vector.broadcast %max3A : f32 to vector<16xf32>
        %max3A_1624 = arith.maximumf %get3A_1615, %max3A_1623 : vector<16xf32>
        %div3A = arith.divf %get3A_1608, %max3A_1624 : vector<16xf32>
        %jit3A = arith.constant 0.000000e+00 : f32
        %broadcast_in_dim3A_1625 = vector.broadcast %jit3A : f32 to vector<16xf32>
        %select_n3A = arith.select %gt3A_1622, %div3A, %broadcast_in_dim3A_1625 : vector<16xi1>, vector<16xf32>
        %mul3A_1626 = arith.mulf %select_n3A, %get3A_1620 : vector<16xf32>
        %add3A_1627 = arith.addf %scan3A_1603, %mul3A_1626 : vector<16xf32>
        scf.yield %add3A_1627 : vector<16xf32>
      }
      %scan3A_1573 = arith.constant 16 : i32
      %swap3A_1574 = arith.constant 32 : index
      %swap3A_1575 = tpu.vector_load %arg31[%swap3A_1574] {strides = array<i32>} : memref<64xf32, #tpu.memory_space<vmem>>, vector<16xf32>,
      %swap3A_1576 = vector.shape_cast %swap3A_1575 : vector<16xf32> to vector<16xf32>
      %swap3A_1577 = vector.shape_cast %scan3A_1572 : vector<16xf32> to vector<16xf32>
      tpu.vector_store %arg31[%swap3A_1574], %swap3A_1577 {strides = array<i32>} : memref<64xf32, #tpu.memory_space<vmem>>, vector<16xf32>,
      %broadcast_in_dim3A_1578 = arith.constant 2 : i32
      %broadcast_in_dim3A_1579 = vector.broadcast %broadcast_in_dim3A_1578 : i32 to vector<16xi32>
      %swap3A_1580 = arith.constant 32 : index
      %swap3A_1581 = tpu.vector_load %arg32[%swap3A_1580] {strides = array<i32>} : memref<64xi32, #tpu.memory_space<vmem>>, vector<16xi32>,
      %swap3A_1582 = vector.shape_cast %swap3A_1581 : vector<16xi32> to vector<16xi32>
      %swap3A_1583 = vector.shape_cast %broadcast_in_dim3A_1579 : vector<16xi32> to vector<16xi32>
      tpu.vector_store %arg32[%swap3A_1580], %swap3A_1583 {strides = array<i32>} : memref<64xi32, #tpu.memory_space<vmem>>, vector<16xi32>,
      %broadcast_in_dim3A_1584 = arith.constant 0.000000e+00 : f32
      %broadcast_in_dim3A_1585 = vector.broadcast %broadcast_in_dim3A_1584 : f32 to vector<16xf32>
      %scan3A_1586 = arith.constant 0 : i32
      %scan3A_1587 = arith.constant 16 : i32
      %scan3A_1588 = arith.addi %scan3A_1586, %scan3A_1587 : i32
      %scan3A_1589 = arith.constant 1 : i32
      %scan3A_1590 = scf.for %scan3A_1602 = %scan3A_1586 to %scan3A_1588 step %scan3A_1589 iter_args(%scan3A_1603 = %broadcast_in_dim3A_1585) -> (vector<16xf32>)  : i32 {
        %mul3A_1604 = arith.constant 16 : i32
        %mul3A_1605 = arith.muli %scan3A_1602, %mul3A_1604 : i32
        %add3A = arith.constant 768 : i32
        %add3A_1606 = arith.addi %add3A, %mul3A_1605 : i32
        %get3A = arith.index_cast %add3A_1606 : i32 to index
        %get3A_1607 = tpu.vector_load %arg29[%get3A] {strides = array<i32>} : memref<1280xf32, #tpu.memory_space<vmem>>, vector<16xf32>,
        %get3A_1608 = vector.shape_cast %get3A_1607 : vector<16xf32> to vector<16xf32>
        %mul3A_1609 = arith.constant 16 : i32
        %mul3A_1610 = arith.muli %scan3A_1602, %mul3A_1609 : i32
        %add3A_1611 = arith.constant 1024 : i32
        %add3A_1612 = arith.addi %add3A_1611, %mul3A_1610 : i32
        %get3A_1613 = arith.index_cast %add3A_1612 : i32 to index
        %get3A_1614 = tpu.vector_load %arg29[%get3A_1613] {strides = array<i32>} : memref<1280xf32, #tpu.memory_space<vmem>>, vector<16xf32>,
        %get3A_1615 = vector.shape_cast %get3A_1614 : vector<16xf32> to vector<16xf32>
        %mul3A_1616 = arith.constant 16 : i32
        %mul3A_1617 = arith.muli %scan3A_1602, %mul3A_1616 : i32
        %get3A_1618 = arith.index_cast %mul3A_1617 : i32 to index
        %get3A_1619 = tpu.vector_load %arg30[%get3A_1618] {strides = array<i32>} : memref<256xf32, #tpu.memory_space<vmem>>, vector<16xf32>,
        %get3A_1620 = vector.shape_cast %get3A_1619 : vector<16xf32> to vector<16xf32>
        %gt3A = arith.constant 0.000000e+00 : f32
        %gt3A_1621 = vector.broadcast %gt3A : f32 to vector<16xf32>
        %gt3A_1622 = arith.cmpf ogt, %get3A_1615, %gt3A_1621 : vector<16xf32>
        %max3A = arith.constant 1.000000e+00 : f32
        %max3A_1623 = vector.broadcast %max3A : f32 to vector<16xf32>
        %max3A_1624 = arith.maximumf %get3A_1615, %max3A_1623 : vector<16xf32>
        %div3A = arith.divf %get3A_1608, %max3A_1624 : vector<16xf32>
        %jit3A = arith.constant 0.000000e+00 : f32
        %broadcast_in_dim3A_1625 = vector.broadcast %jit3A : f32 to vector<16xf32>
        %select_n3A = arith.select %gt3A_1622, %div3A, %broadcast_in_dim3A_1625 : vector<16xi1>, vector<16xf32>
        %mul3A_1626 = arith.mulf %select_n3A, %get3A_1620 : vector<16xf32>
        %add3A_1627 = arith.addf %scan3A_1603, %mul3A_1626 : vector<16xf32>
        scf.yield %add3A_1627 : vector<16xf32>
      }
      %scan3A_1591 = arith.constant 16 : i32
      %swap3A_1592 = arith.constant 48 : index
      %swap3A_1593 = tpu.vector_load %arg31[%swap3A_1592] {strides = array<i32>} : memref<64xf32, #tpu.memory_space<vmem>>, vector<16xf32>,
      %swap3A_1594 = vector.shape_cast %swap3A_1593 : vector<16xf32> to vector<16xf32>
      %swap3A_1595 = vector.shape_cast %scan3A_1590 : vector<16xf32> to vector<16xf32>
      tpu.vector_store %arg31[%swap3A_1592], %swap3A_1595 {strides = array<i32>} : memref<64xf32, #tpu.memory_space<vmem>>, vector<16xf32>,
      %broadcast_in_dim3A_1596 = arith.constant 3 : i32
      %broadcast_in_dim3A_1597 = vector.broadcast %broadcast_in_dim3A_1596 : i32 to vector<16xi32>
      %swap3A_1598 = arith.constant 48 : index
      %swap3A_1599 = tpu.vector_load %arg32[%swap3A_1598] {strides = array<i32>} : memref<64xi32, #tpu.memory_space<vmem>>, vector<16xi32>,
      %swap3A_1600 = vector.shape_cast %swap3A_1599 : vector<16xi32> to vector<16xi32>
      %swap3A_1601 = vector.shape_cast %broadcast_in_dim3A_1597 : vector<16xi32> to vector<16xi32>
      tpu.vector_store %arg32[%swap3A_1598], %swap3A_1601 {strides = array<i32>} : memref<64xi32, #tpu.memory_space<vmem>>, vector<16xi32>,
      "tpu.region"() ({
        %run_scoped3A = tpu.sem_alloc : memref<!tpu.dma_semaphore, #tpu.memory_space<semaphore_mem>>
        %dma_start3A_1602 = arith.constant 0 : i32
        %dma_start3A_1603 = tpu.memref_slice %arg17[%dma_start3A_1602] : memref<16xf32, #tpu.memory_space<vmem_shared>> -> memref<16xf32, #tpu.memory_space<vmem_shared>>
        tpu.enqueue_indirect_dma source(%arg31 : memref<64xf32, #tpu.memory_space<vmem>>) target(%dma_start3A_1603 : memref<16xf32, #tpu.memory_space<vmem_shared>>) offsets(%arg32 : memref<64xi32, #tpu.memory_space<vmem>>) semaphore(%run_scoped3A : memref<!tpu.dma_semaphore, #tpu.memory_space<semaphore_mem>>) {add = true}
        %dma_wait3A_1604 = arith.constant 0 : i32
        %dma_wait3A_1605 = tpu.memref_slice %arg17[%dma_wait3A_1604] : memref<16xf32, #tpu.memory_space<vmem_shared>> -> memref<16xf32, #tpu.memory_space<vmem_shared>>
        tpu.wait_indirect_dma semaphore(%run_scoped3A : memref<!tpu.dma_semaphore, #tpu.memory_space<semaphore_mem>>) src(%arg31 : memref<64xf32, #tpu.memory_space<vmem>>) dst(%dma_wait3A_1605 : memref<16xf32, #tpu.memory_space<vmem_shared>>)
        tpu.yield
      }) : () -> ()
      "tpu.region"() ({
        %run_scoped3A = tpu.sem_alloc : memref<!tpu.dma_semaphore, #tpu.memory_space<semaphore_mem>>
        tpu.enqueue_dma source(%arg17 : memref<16xf32, #tpu.memory_space<vmem_shared>>) target(%arg9 : memref<16xf32, #tpu.memory_space<hbm>>) target_semaphore(%run_scoped3A : memref<!tpu.dma_semaphore, #tpu.memory_space<semaphore_mem>>)
        tpu.wait_dma2 semaphore(%run_scoped3A : memref<!tpu.dma_semaphore, #tpu.memory_space<semaphore_mem>>) src(%arg17 : memref<16xf32, #tpu.memory_space<vmem_shared>>) dst(%arg9 : memref<16xf32, #tpu.memory_space<hbm>>)
        tpu.yield
      }) : () -> ()
    } else {
    }
    return
  }
}

</mosaic_0001>

<sc_bundles>
// kernel: _sc_scatter.3.cloned.1.call-start
scs
__scs_entry_jumppad:
0x0: {  	(pc) =	sbr.rel $0x88, $3  }
0x1: {  	(tag) =	ssettag $0x0;
	lr =	simm.s32 $0x1  }
0x2: {  	[smem:$0x3F9A] =	sst lr;
	_ =	strace $0xD0000000  }
0x3: {  	_ = 	snop  }
0x4: {  	_ = 	snop  }
0x5: {  	_ = 	snop  }
0x6: {  	_ = 	snop  }
0x7: {  	_ = 	snop  }
__scs_overlays_trampoline_lowered:
0x8: {  	[smem:$0x3FA9] =	sst s0  }
0x9: {  	[smem:$0x3FAA] =	sst s1  }
0xa: {  	[smem:$0x3FAB] =	sst s2  }
0xb: {  	[smem:$0x3FAC] =	sst s3  }
0xc: {  	[smem:$0x3FAD] =	sst s4  }
0xd: {  	[smem:$0x3FAE] =	sst s5  }
0xe: {  	[smem:$0x3FAF] =	sst s6  }
0xf: {  	[smem:$0x3FB0] =	sst s7  }
0x10: {  	[smem:$0x3FB1] =	sst s8  }
0x11: {  	[smem:$0x3FB2] =	sst s9;
	s0 =	simm.s32 @!p0 $0x0  }
0x12: {  	s1 =	sld [smem:$0x3F98];
	s0 =	simm.s32 @p0 $0x1  }
0x13: {  	[smem:$0x3FB3] =	sst s0;
	s0 =	simm.s32 @!p1 $0x0  }
0x14: {  	s2 =	sld [smem:$0x3F97];
	s0 =	simm.s32 @p1 $0x1  }
0x15: {  	[smem:$0x3FB4] =	sst s0;
	s0 =	simm.s32 @!p2 $0x0  }
0x16: {  	s3 =	sld [smem:$0x3FDB];
	s0 =	simm.s32 @p2 $0x1  }
0x17: {  	s4 =	simm.s32 $0x1BF5;
	[smem:$0x3FB6] =	sst s0  }
0x18: {  	s0 =	sld [smem:$0x3F99];
	_ =	swait.ge [sflag:s4], $0x0  }
0x19: {  	s7 =	sld [smem:$0x3F9A]  }
0x1a: {  	s8 =	sadd.s32 $0xFFFFE003, lr  }
0x1b: {  	s9 =	sadd.s32 $0xFFFFFEF7, lr;
	s5 =	simm.s32 $0xFFFFFFFF;
	p2 =	slt.u32 s8, $0xFFFFF086  }
0x1c: {  	p1 =	slt.u32 s9, $0xF7A;
	s5 =	simm.s32 @!p2 $0x0  }
0x1d: {  	s5 =	simm.s32 @p1 $0x1;
	p0 =	seq.s32 s7, s2  }
0x1e: {  	s7 =	smul.u32 @!p0 $0xF7A, s2;
	p2 =	seq.s32 @!p0 s5, $0x0  }
0x1f: {  	s9 =	smul.u32 $0xF7A, s1;
	s8 =	simm.s32 @!p0 $0x1BF5;
	p2 =	por !p2, p0  }
0x20: {  	[sflag:s8] =	ssyncset.s32 @!p0 $0xFFFFF086;
	s6 =	sadd.s32 @!p0 s3, s7;
	s7 =	simm.s32 @!p0 $0x108  }
0x21: {  	s3 =	sadd.s32 s3, s9;
	s6 =	sadd.s32 @!p0 $0x88, s6;
	s7 =	simm.s32 @p2 $0x1082  }
0x22: {  	[simem:s7], [sflag:s8] =	dma.local @!p0 [hbm:s6], $0xF7A  }
0x23: {  	s9 =	sor.u32 $0xD0000000, s2;
	s6 =	simm.s32 $0x108;
	_ =	swait.ge @!p0 [sflag:s8], $0x0  }
0x24: {  	s3 =	sadd.s32 $0x88, s3;
	s6 =	simm.s32 @!p1 $0x1082;
	[sflag:s4] =	ssyncset.s32 $0xFFFFF086  }
0x25: {  	[simem:s6], [sflag:s4] =	dma.local [hbm:s3], $0xF7A  }
0x26: {  	[smem:$0x3F9A] =	sst s1;
	(tag) =	ssettag s2;
	_ =	strace s9  }
0x27: {  	s1 =	sld [smem:$0x3FAA]  }
0x28: {  	s2 =	sld [smem:$0x3FAB]  }
0x29: {  	s4 =	sld [smem:$0x3FAD]  }
0x2a: {  	p0 =	seq.s32 s5, $0x0;
	s5 =	sld [smem:$0x3FAE]  }
0x2b: {  	s6 =	sld [smem:$0x3FAF]  }
0x2c: {  	s7 =	sld [smem:$0x3FB0]  }
0x2d: {  	s3 =	simm.s32 $0x108;
	s8 =	sld [smem:$0x3FB1]  }
0x2e: {  	s3 =	simm.s32 @!p0 $0x1082;
	s9 =	sld [smem:$0x3FB2]  }
0x2f: {  	lr =	sadd.s32 s0, s3;
	s0 =	sld [smem:$0x3FA9]  }
0x30: {  	s3 =	sld [smem:$0x3FAC]  }
0x31: {  	[smem:$0x3FB5] =	sst s10  }
0x32: {  	s10 =	sld [smem:$0x3FB3];
	_ =	sdelay $0x3  }
0x33: {  	p0 =	seq.s32 s10, $0x1;
	s10 =	sld [smem:$0x3FB5];
	_ =	sdelay $0x3  }
0x34: {  	[smem:$0x3FB5] =	sst s10  }
0x35: {  	s10 =	sld [smem:$0x3FB4];
	_ =	sdelay $0x3  }
0x36: {  	p1 =	seq.s32 s10, $0x1;
	s10 =	sld [smem:$0x3FB5];
	_ =	sdelay $0x3  }
0x37: {  	[smem:$0x3FB5] =	sst s10  }
0x38: {  	s10 =	sld [smem:$0x3FB6]  }
0x39: {  	_ = 	snop;
	(pc) =	sbr.ind lr, $3  }
0x3a: {  	_ = 	snop  }
0x3b: {  	_ = 	snop  }
0x3c: {  	p2 =	seq.s32 s10, $0x1;
	s10 =	sld [smem:$0x3FB5]  }
0x3d: {  	_ =	shalt  }
0x3e: {  	_ =	shalt  }
0x3f: {  	_ =	shalt  }
0x40: {  	_ =	shalt  }
0x41: {  	_ =	shalt  }
0x42: {  	_ =	shalt  }
0x43: {  	_ =	shalt  }
0x44: {  	_ =	shalt  }
0x45: {  	_ =	shalt  }
0x46: {  	_ =	shalt  }
0x47: {  	_ =	shalt  }
0x48: {  	_ =	shalt  }
0x49: {  	_ =	shalt  }
0x4a: {  	_ =	shalt  }
0x4b: {  	_ =	shalt  }
0x4c: {  	_ =	shalt  }
0x4d: {  	_ =	shalt  }
0x4e: {  	_ =	shalt  }
0x4f: {  	_ =	shalt  }
0x50: {  	_ =	shalt  }
0x51: {  	_ =	shalt  }
0x52: {  	_ =	shalt  }
0x53: {  	_ =	shalt  }
0x54: {  	_ =	shalt  }
0x55: {  	_ =	shalt  }
0x56: {  	_ =	shalt  }
0x57: {  	_ =	shalt  }
0x58: {  	_ =	shalt  }
0x59: {  	_ =	shalt  }
0x5a: {  	_ =	shalt  }
0x5b: {  	_ =	shalt  }
0x5c: {  	_ =	shalt  }
0x5d: {  	_ =	shalt  }
0x5e: {  	_ =	shalt  }
0x5f: {  	_ =	shalt  }
0x60: {  	_ =	shalt  }
0x61: {  	_ =	shalt  }
0x62: {  	_ =	shalt  }
0x63: {  	_ =	shalt  }
0x64: {  	_ =	shalt  }
0x65: {  	_ =	shalt  }
0x66: {  	_ =	shalt  }
0x67: {  	_ =	shalt  }
0x68: {  	_ =	shalt  }
0x69: {  	_ =	shalt  }
0x6a: {  	_ =	shalt  }
0x6b: {  	_ =	shalt  }
0x6c: {  	_ =	shalt  }
0x6d: {  	_ =	shalt  }
0x6e: {  	_ =	shalt  }
0x6f: {  	_ =	shalt  }
0x70: {  	_ =	shalt  }
0x71: {  	_ =	shalt  }
0x72: {  	_ =	shalt  }
0x73: {  	_ =	shalt  }
0x74: {  	_ =	shalt  }
0x75: {  	_ =	shalt  }
0x76: {  	_ =	shalt  }
0x77: {  	_ =	shalt  }
0x78: {  	_ =	shalt  }
0x79: {  	_ =	shalt  }
0x7a: {  	_ =	shalt  }
0x7b: {  	_ =	shalt  }
0x7c: {  	_ =	shalt  }
0x7d: {  	_ =	shalt  }
0x7e: {  	_ =	shalt  }
0x7f: {  	_ =	shalt  }
0x80: {  	_ =	shalt  }
0x81: {  	_ =	shalt  }
0x82: {  	_ =	shalt  }
0x83: {  	_ =	shalt  }
0x84: {  	_ =	shalt  }
0x85: {  	_ =	shalt  }
0x86: {  	_ =	shalt  }
0x87: {  	_ =	shalt  }
.Lfunc_end0:
.L_simem_size_0:
called_computation_lowered:
.L_overlay_start_0:
0x88: {  	s0 =	sld [smem:$0x3FD9]  }
0x89: {  	s1 =	sld [smem:$0x3FFE];
	_ =	sdelay $0x3  }
0x8a: {  	s0 =	sadd.s32 s1, s0  }
0x8b: {  	[smem:$0x3FC1] =	sst s0  }
0x8c: {  	_ = 	snop  }
0x8d: {  	s31 =	sld [smem:$0x3FC9]  }
0x8e: {  	s2 =	sld [smem:$0x3FC8]  }
0x8f: {  	s3 =	sld [smem:$0x3FC7]  }
0x90: {  	s4 =	sld [smem:$0x3FC6]  }
0x91: {  	s5 =	sld [smem:$0x3FC5]  }
0x92: {  	s6 =	sld [smem:$0x3FC4]  }
0x93: {  	s7 =	sld [smem:$0x3FC3]  }
0x94: {  	s8 =	sld [smem:$0x3FD0];
	(tm) =	ssettm $0x1  }
0x95: {  	s12 =	sld [smem:$0x3FFB];
	_ =	sdelay $0x3  }
0x96: {  	_ =	strace s12  }
0x97: {  	s0 =	sld [smem:$0x3FFC];
	_ =	sdelay $0x3  }
0x98: {  	_ =	strace s0  }
0x99: {  	s0 =	sld [smem:$0x3FFD];
	_ =	sdelay $0x3  }
0x9a: {  	_ =	strace s0  }
0x9b: {  	_ =	strace $0x8FFFFFFF  }
0x9c: {  	s13 =	sld [smem:$0x3FDB];
	_ =	sdelay $0x1  }
0x9d: {  	s9 =	simm.s32 $_scs_section_size  }
0x9e: {  	s10 =	simm.s32 $_size__tile_task_arg_handler_lowered;
	s11 =	simm.s32 $_tile_task_arg_handler_lowered  }
0x9f: {  	s16 =	simm.s32 $0x1BFF;
	s15 =	sshll.u32 s11, $0x1;
	s9 =	sadd.s32 s9, s13  }
0xa0: {  	s14 =	sshll.u32 s10, $0x1;
	s12 =	simm.s32 $0x60;
	s10 =	sadd.s32 s15, s9  }
0xa1: {  	[timem:s12], [sflag:s16] =	dma.local [hbm:s10], s14  }
0xa2: {  	_ =	swait.ge [sflag:s16], s14  }
0xa3: {  	s17 =	simm.s32 $_tile_overlayer_lowered;
	s0 =	ssub.s32 $0x0, s14;
	[sflag:s16] =	ssyncset.done $0x0  }
0xa4: {  	s18 =	simm.s32 $_size__tile_overlayer_lowered;
	s10 =	sshll.u32 s17, $0x1;
	[sflag:s16] =	ssyncadd.s32 s0  }
0xa5: {  	s20 =	simm.s32 $0x0;
	s19 =	sshll.u32 s18, $0x1;
	s10 =	sadd.s32 s10, s9  }
0xa6: {  	[timem:s20], [sflag:s16] =	dma.local [hbm:s10], s19  }
0xa7: {  	_ =	swait.ge [sflag:s16], s19  }
0xa8: {  	s21 =	ssub.s32 $0x0, s19;
	[sflag:s16] =	ssyncset.done $0x0  }
0xa9: {  	[sflag:s16] =	ssyncadd.s32 s21;
	_ =	sdelay $0x1  }
0xaa: {  	s22 =	simm.s32 $0x1B8B  }
0xab: {  	_ =	swait.ge [sflag:s22], $0x1  }
0xac: {  	[sflag:s22] =	ssyncset.done $0x0  }
0xad: {  	s23 =	simm.s32 $0x1B8E;
	[sflag:s22] =	ssyncadd.s32 $0xFFFFFFFF  }
0xae: {  	s24 =	simm.s32 $execute0_lowered;
	[smem:$0x3FD2] =	sst s23  }
0xaf: {  	s10 =	sshll.u32 s24, $0x1;
	_ =	strace $0x80000046;
	[dreg:$0x1] =	wrdreg $0xFFFFFFFF  }
0xb0: {  	s25 =	simm.s32 $_size_execute0_lowered;
	s9 =	sadd.s32 s9, s10;
	[dreg:$0x0] =	wrdreg $0x0  }
0xb1: {  	s10 =	sshll.u32 s25, $0x1;
	[dreg:$0x2] =	wrdreg s9  }
0xb2: {  	[dreg:$0x3] =	wrdreg s10  }
0xb3: {  	[dreg:$0x4] =	wrdreg $0xC0  }
0xb4: {  	_ =	task [dreg:s20], $0x5FFFF  }
0xb5: {  	[dreg:$0x1] =	wrdreg $0xFFFFFFFF  }
0xb6: {  	[dreg:$0x0] =	wrdreg $0x30  }
0xb7: {  	[dreg:$0x2] =	wrdreg $0x0  }
0xb8: {  	[dreg:$0x3] =	wrdreg $0x8400  }
0xb9: {  	[dreg:$0x4] =	wrdreg $0x8500  }
0xba: {  	[dreg:$0x5] =	wrdreg $0x9  }
0xbb: {  	_ =	task [dreg:s20], $0x6FFFF  }
0xbc: {  	[dreg:$0x1] =	wrdreg $0xFFFFFFFF  }
0xbd: {  	[dreg:$0x0] =	wrdreg $0x60  }
0xbe: {  	[dreg:$0x2] =	wrdreg s31  }
0xbf: {  	[dreg:$0x3] =	wrdreg s2  }
0xc0: {  	[dreg:$0x4] =	wrdreg s3  }
0xc1: {  	[dreg:$0x5] =	wrdreg s4  }
0xc2: {  	[dreg:$0x6] =	wrdreg s5  }
0xc3: {  	[dreg:$0x7] =	wrdreg s6  }
0xc4: {  	[dreg:$0x8] =	wrdreg s7  }
0xc5: {  	[dreg:$0x9] =	wrdreg s8  }
0xc6: {  	[dreg:$0xa] =	wrdreg $0x0  }
0xc7: {  	[dreg:$0xb] =	wrdreg $0x4000  }
0xc8: {  	[dreg:$0xc] =	wrdreg $0x8000  }
0xc9: {  	[dreg:$0xd] =	wrdreg $0x8100  }
0xca: {  	[dreg:$0xe] =	wrdreg $0x8200  }
0xcb: {  	[dreg:$0xf] =	wrdreg $0x8300  }
0xcc: {  	_ =	task.clear_ibuf [dreg:s20], $0x10FFFF;
	_ =	strace $0x90000046  }
0xcd: {  	s26 =	simm.s32 $0x9;
	_ =	strace $0x80000048  }
0xce: {  	_ =	swait.ge [sflag:s26], $0x1  }
0xcf: {  	[sflag:s26] =	ssyncadd.s32 $0xFFFFFFFF  }
0xd0: {  	_ =	strace $0x90000048  }
0xd1: {  	_ =	sfence  }
0xd2: {  	s28 =	sld [smem:$0x0];
	_ =	sdelay $0x1  }
0xd3: {  	s29 =	srdreg.scid  }
0xd4: {  	s30 =	sshll.u32 s29, $0xD;
	s31 =	sshrl.u32 s29, $0x2  }
0xd5: {  	s2 =	sand.u32 $0x1, s29;
	s3 =	sand.u32 $0x4000, s30;
	s1 =	sadd.s32 s31, s28  }
0xd6: {  	s2 =	sor.u32 s3, s2;
	s1 =	sshll.u32 s1, $0x11  }
0xd7: {  	s1 =	sor.u32 s1, s2  }
0xd8: {  	s1 =	sadd.s32 $0x8F2B, s1  }
0xd9: {  	[sflag:s1] =	ssyncadd.remote.s32 $0x1  }
0xda: {  	_ =	sfence.sel $0xFFFF  }
0xdb: {  	[dreg:$0x0] =	wrdreg $0xFFFFFFFF;
	(pc) =	sbr.abs _section_cstart, $3  }
0xdc: {  	[dreg:$0x1] =	wrdreg $0xFFFFFFFF  }
0xdd: {  	_ =	task.clear_ibuf [dreg:s20], $0x2FFFF;
	_ =	strace $0x9FFFFFFF  }
0xde: {  	(tm) =	ssettm $0x7FFFFFFF  }
0xdf: {  	_ =	shalt  }
tec
_tile_task_arg_handler_lowered:
.L_overlay_start_1:
0x0: {  	(tag) =	ssettag $0x1  }
0x1: {  	s0 =	rddreg [dreg:$0x0]  }
0x2: {  	s1 =	rddreg [dreg:$0x1]  }
0x3: {  	s2 =	rddreg [dreg:$0x2]  }
0x4: {  	s3 =	rddreg [dreg:$0x3]  }
0x5: {  	s4 =	rddreg [dreg:$0x4]  }
0x6: {  	s5 =	rddreg [dreg:$0x5]  }
0x7: {  	s6 =	rddreg [dreg:$0x6]  }
0x8: {  	s7 =	rddreg [dreg:$0x7]  }
0x9: {  	s8 =	rddreg [dreg:$0x8]  }
0xa: {  	s9 =	rddreg [dreg:$0x9]  }
0xb: {  	s10 =	rddreg [dreg:$0xa]  }
0xc: {  	s11 =	rddreg [dreg:$0xb]  }
0xd: {  	s12 =	rddreg [dreg:$0xc]  }
0xe: {  	s13 =	rddreg [dreg:$0xd]  }
0xf: {  	[smem:s0] =	sst s1  }
0x10: {  	[smem:s0+$0x1] =	sst s2  }
0x11: {  	[smem:s0+$0x2] =	sst s3  }
0x12: {  	[smem:s0+$0x3] =	sst s4  }
0x13: {  	[smem:s0+$0x4] =	sst s5  }
0x14: {  	[smem:s0+$0x5] =	sst s6  }
0x15: {  	[smem:s0+$0x6] =	sst s7  }
0x16: {  	[smem:s0+$0x7] =	sst s8  }
0x17: {  	[smem:s0+$0x8] =	sst s9  }
0x18: {  	[smem:s0+$0x9] =	sst s10  }
0x19: {  	[smem:s0+$0xA] =	sst s11  }
0x1a: {  	[smem:s0+$0xB] =	sst s12  }
0x1b: {  	[smem:s0+$0xC] =	sst s13;
	_ =	shalt  }
.Lfunc_end2:
execute0_lowered:
.L_overlay_start_2:
0x1c: {  	(tag) =	ssettag $0x2  }
0x1d: {  	s18 =	rddreg [dreg:$0x0]  }
0x1e: {  	s17 =	rddreg [dreg:$0x1]  }
0x1f: {  	s15 =	rddreg [dreg:$0x2]  }
0x20: {  	s9 =	rddreg [dreg:$0x3]  }
0x21: {  	s19 =	rddreg [dreg:$0x4]  }
0x22: {  	s16 =	rddreg [dreg:$0x5]  }
0x23: {  	s8 =	rddreg [dreg:$0x6]  }
0x24: {  	s0 =	rddreg [dreg:$0x7]  }
0x25: {  	s14 =	rddreg [dreg:$0x8]  }
0x26: {  	s13 =	rddreg [dreg:$0x9]  }
0x27: {  	s7 =	rddreg [dreg:$0xa]  }
0x28: {  	s6 =	rddreg [dreg:$0xb]  }
0x29: {  	s5 =	rddreg [dreg:$0xc]  }
0x2a: {  	s4 =	rddreg [dreg:$0xd];
	s10 =	simm.s32 $0x0  }
0x2b: {  	[smem:$0x7FF] =	sst s10  }
0x2c: {  	s3 =	sld [smem:$0x0]  }
0x2d: {  	s20 =	stileid.u32;
	s2 =	sld [smem:$0x1]  }
0x2e: {  	v0 =	vimm.f32 $0.0e+00;
	s11 =	simm.s32 $0x0;
	s1 =	sld [smem:$0x2];
	_ =	strace $0x80000047  }
.LBB3_1:
0x2f: {  	p0 =	sne.s32 s11, $0xFC0  }
.Ltmp0:
0x30: {  	_ = 	snop;
	(pc) =	sbr.rel @p0 .LBB3_1-.Ltmp0, $3  }
0x31: {  	_ =	sdelay $0x1  }
0x32: {  	s12 =	sshra.s32 s11, $0x2  }
0x33: {  	s11 =	sadd.s32 $0x40, s11;
	[tilespmem:s12+$0x858] =	vst v0  }
0x34: {  	s11 =	sand.u32 $0x1E00, s10  }
0x35: {  	s12 =	sand.u32 $0x70, s10;
	s21 =	sshrl.u32 s11, $0x2  }
0x36: {  	v0 =	vimm.f32 $1.000000000e+00;
	s11 =	simm.s32 $0x40;
	s12 =	sor.u32 s12, s21  }
.LBB3_3:
0x37: {  	p0 =	sne.s32 s11, $0x1FC0  }
0x38: {  	[tilespmem:s12+$0xC58] =	vst v0;
	s10 =	sadd.s32 $0x10, s10;
	s12 =	smov.u32 s11;
	s11 =	sadd.s32 $0x40, s11  }
.Ltmp1:
0x39: {  	(pc) =	sbr.rel @p0 .LBB3_3-.Ltmp1, $4  }
0x3a: {  	_ = 	snop  }
0x3b: {  	s12 =	sand.u32 $0x1E00, s12  }
0x3c: {  	s21 =	sand.u32 $0x70, s10;
	s12 =	sshrl.u32 s12, $0x2  }
0x3d: {  	s12 =	sor.u32 s21, s12  }
0x3e: {  	s21 =	sshll.u32 s20, $0xA  }
0x3f: {  	[tilespmem:s12+$0xC58] =	vst v0;
	s22 =	simm.s32 $0x858;
	s10 =	simm.s32 $0x4;
	s11 =	sadd.s32 s21, s14  }
0x40: {  	[spmem:s11] =	stream.linear.scatter [tilespmem:s22], [sflag:$0x4], $0x400, $0x38;
	[tilespmem:$0x4758] =	vst v63  }
0x41: {  	_ =	swait.ge [sflag:s10], $0x400  }
0x42: {  	[sflag:s10] =	ssyncset.done $0x0  }
0x43: {  	s12 =	sadd.s32 s21, s13;
	[sflag:s10] =	ssyncadd.s32 $0xFFFFFC00  }
0x44: {  	[spmem:s12] =	stream.linear.scatter [tilespmem:s22], [sflag:$0x4], $0x400, $0x38;
	[tilespmem:$0x4758] =	vst v63  }
0x45: {  	_ =	swait.ge [sflag:s10], $0x400  }
0x46: {  	p0 =	sne.s32 s20, $0x0;
	[sflag:s10] =	ssyncset.done $0x0  }
0x47: {  	s21 =	simm.s32 @!p0 $0x858;
	s22 =	simm.s32 @!p0 $0x4;
	[sflag:s10] =	ssyncadd.s32 $0xFFFFFC00  }
0x48: {  	[spmem:s7] =	stream.linear.scatter @!p0 [tilespmem:s21], [sflag:$0x4], $0x100, $0x38;
	[tilespmem:$0x4758] =	vst v63  }
0x49: {  	_ =	swait.ge @!p0 [sflag:s22], $0x100  }
0x4a: {  	[sflag:s22] =	ssyncset.done @!p0 $0x0  }
0x4b: {  	[sflag:s22] =	ssyncadd.s32 @!p0 $0xFFFFFF00  }
0x4c: {  	[spmem:s6] =	stream.linear.scatter @!p0 [tilespmem:s21], [sflag:$0x4], $0x100, $0x38;
	[tilespmem:$0x4758] =	vst v63  }
0x4d: {  	_ =	swait.ge @!p0 [sflag:s22], $0x100  }
0x4e: {  	[sflag:s22] =	ssyncset.done @!p0 $0x0  }
0x4f: {  	[sflag:s22] =	ssyncadd.s32 @!p0 $0xFFFFFF00  }
0x50: {  	[spmem:s5] =	stream.linear.scatter @!p0 [tilespmem:s21], [sflag:$0x4], $0x100, $0x38;
	[tilespmem:$0x4758] =	vst v63  }
0x51: {  	_ =	swait.ge @!p0 [sflag:s22], $0x100  }
0x52: {  	[sflag:s22] =	ssyncset.done @!p0 $0x0  }
0x53: {  	[sflag:s22] =	ssyncadd.s32 @!p0 $0xFFFFFF00  }
0x54: {  	[spmem:s4] =	stream.linear.scatter @!p0 [tilespmem:s21], [sflag:$0x4], $0x100, $0x38;
	[tilespmem:$0x4758] =	vst v63  }
0x55: {  	_ =	swait.ge @!p0 [sflag:s22], $0x100  }
0x56: {  	[sflag:s22] =	ssyncset.done @!p0 $0x0  }
0x57: {  	[sflag:s22] =	ssyncadd.s32 @!p0 $0xFFFFFF00  }
0x58: {  	[spmem:s3] =	stream.linear.scatter @!p0 [tilespmem:s21], [sflag:$0x4], $0x100, $0x38;
	[tilespmem:$0x4758] =	vst v63  }
0x59: {  	_ =	swait.ge @!p0 [sflag:s22], $0x100  }
0x5a: {  	[sflag:s22] =	ssyncset.done @!p0 $0x0  }
0x5b: {  	[sflag:s22] =	ssyncadd.s32 @!p0 $0xFFFFFF00  }
0x5c: {  	[spmem:s2] =	stream.linear.scatter @!p0 [tilespmem:s21], [sflag:$0x4], $0x10, $0x38;
	[tilespmem:$0x4758] =	vst v63  }
0x5d: {  	_ =	swait.ge @!p0 [sflag:s22], $0x10  }
0x5e: {  	s31 =	sshll.u32 s20, $0x8;
	[sflag:s22] =	ssyncset.done @!p0 $0x0  }
0x5f: {  	s23 =	sadd.s32 s9, s31;
	[sflag:s22] =	ssyncadd.s32 @!p0 $0xFFFFFFF0  }
0x60: {  	s9 =	simm.s32 $0x0;
	s22 =	simm.s32 $0x1458;
	[bflag:$0x0] =	sbarrier.arrive $0xFFFF  }
0x61: {  	[tilespmem:s22], [sflag:$0x1] =	stream.linear.gather [hbm4b:s23+s9], $0x800, $0x38;
	[tilespmem:$0x4758] =	vst v63  }
0x62: {  	s24 =	sshll.u32 s20, $0x7;
	s25 =	simm.s32 $0x1C58;
	s19 =	sadd.s32 s19, s31  }
0x63: {  	[tilespmem:s25], [sflag:$0x1] =	stream.linear.gather [hbm4b:s19+s9], $0x800, $0x38;
	[tilespmem:$0x4758] =	vst v63  }
0x64: {  	s26 =	simm.s32 $0x2858;
	s18 =	sadd.s32 s18, s24  }
0x65: {  	[tilespmem:s26], [sflag:$0x2] =	stream.linear.gather [hbm4b:s18+s9], $0x400, $0x38;
	[tilespmem:$0x4758] =	vst v63  }
0x66: {  	s28 =	simm.s32 $0x2C58;
	s17 =	sadd.s32 s17, s24  }
0x67: {  	[tilespmem:s28], [sflag:$0x2] =	stream.linear.gather [hbm4b:s17+s9], $0x400, $0x38;
	[tilespmem:$0x4758] =	vst v63  }
0x68: {  	s29 =	simm.s32 $0x3058;
	s15 =	sadd.s32 s15, s24  }
0x69: {  	[tilespmem:s29], [sflag:$0x2] =	stream.linear.gather [hbm4b:s15+s9], $0x400, $0x38;
	[tilespmem:$0x4758] =	vst v63  }
0x6a: {  	s30 =	sadd.s32 s16, s24;
	s31 =	simm.s32 $0x2458;
	s16 =	simm.s32 $0x1  }
0x6b: {  	[tilespmem:s31], [sflag:$0x2] =	stream.linear.gather [hbm4b:s30+s9], $0x400, $0x38;
	[tilespmem:$0x4758] =	vst v63  }
0x6c: {  	_ =	swait.ge [sflag:s16], $0x800  }
0x6d: {  	[sflag:s16] =	ssyncset.done $0x0  }
0x6e: {  	[sflag:s16] =	ssyncadd.s32 $0xFFFFF800  }
0x6f: {  	_ =	swait.ge [sflag:s16], $0x800  }
0x70: {  	[sflag:s16] =	ssyncset.done $0x0  }
0x71: {  	s15 =	simm.s32 $0x80;
	[sflag:s16] =	ssyncadd.s32 $0xFFFFF800  }
0x72: {  	[spmem:s14] =	stream.indirect.scatter.add.f32 [tilespmem:s22], [sflag:$0x3], $0x1, s25, s15, $0xb8;
	[tilespmem:$0x4758] =	vst v63  }
0x73: {  	s17 =	simm.s32 $0xC58  }
0x74: {  	[spmem:s13] =	stream.indirect.scatter.add.f32 [tilespmem:s17], [sflag:$0x3], $0x1, s25, s15, $0xb8;
	[tilespmem:$0x4758] =	vst v63  }
0x75: {  	s19 =	simm.s32 $0x14D8;
	s18 =	simm.s32 $0x1CD8  }
0x76: {  	[spmem:s14] =	stream.indirect.scatter.add.f32 [tilespmem:s19], [sflag:$0x3], $0x1, s18, s15, $0xb8;
	[tilespmem:$0x4758] =	vst v63  }
0x77: {  	s20 =	simm.s32 $0xCD8  }
0x78: {  	[spmem:s13] =	stream.indirect.scatter.add.f32 [tilespmem:s20], [sflag:$0x3], $0x1, s18, s15, $0xb8;
	[tilespmem:$0x4758] =	vst v63  }
0x79: {  	s21 =	simm.s32 $0x1D58;
	s22 =	simm.s32 $0x1558  }
0x7a: {  	[spmem:s14] =	stream.indirect.scatter.add.f32 [tilespmem:s22], [sflag:$0x3], $0x1, s21, s15, $0xb8;
	[tilespmem:$0x4758] =	vst v63  }
0x7b: {  	s23 =	simm.s32 $0xD58  }
0x7c: {  	[spmem:s13] =	stream.indirect.scatter.add.f32 [tilespmem:s23], [sflag:$0x3], $0x1, s21, s15, $0xb8;
	[tilespmem:$0x4758] =	vst v63  }
0x7d: {  	s24 =	simm.s32 $0x1DD8;
	s25 =	simm.s32 $0x15D8  }
0x7e: {  	[spmem:s14] =	stream.indirect.scatter.add.f32 [tilespmem:s25], [sflag:$0x3], $0x1, s24, s15, $0xb8;
	[tilespmem:$0x4758] =	vst v63  }
0x7f: {  	s26 =	simm.s32 $0xDD8  }
0x80: {  	[spmem:s13] =	stream.indirect.scatter.add.f32 [tilespmem:s26], [sflag:$0x3], $0x1, s24, s15, $0xb8;
	[tilespmem:$0x4758] =	vst v63  }
0x81: {  	s28 =	simm.s32 $0x1E58;
	s29 =	simm.s32 $0x1658  }
0x82: {  	[spmem:s14] =	stream.indirect.scatter.add.f32 [tilespmem:s29], [sflag:$0x3], $0x1, s28, s15, $0xb8;
	[tilespmem:$0x4758] =	vst v63  }
0x83: {  	s30 =	simm.s32 $0xE58  }
0x84: {  	[spmem:s13] =	stream.indirect.scatter.add.f32 [tilespmem:s30], [sflag:$0x3], $0x1, s28, s15, $0xb8;
	[tilespmem:$0x4758] =	vst v63  }
0x85: {  	s31 =	simm.s32 $0x1ED8;
	s18 =	simm.s32 $0x16D8  }
0x86: {  	[spmem:s14] =	stream.indirect.scatter.add.f32 [tilespmem:s18], [sflag:$0x3], $0x1, s31, s15, $0xb8;
	[tilespmem:$0x4758] =	vst v63  }
0x87: {  	s19 =	simm.s32 $0xED8  }
0x88: {  	[spmem:s13] =	stream.indirect.scatter.add.f32 [tilespmem:s19], [sflag:$0x3], $0x1, s31, s15, $0xb8;
	[tilespmem:$0x4758] =	vst v63  }
0x89: {  	s20 =	simm.s32 $0x1F58;
	s21 =	simm.s32 $0x1758  }
0x8a: {  	[spmem:s14] =	stream.indirect.scatter.add.f32 [tilespmem:s21], [sflag:$0x3], $0x1, s20, s15, $0xb8;
	[tilespmem:$0x4758] =	vst v63  }
0x8b: {  	s22 =	simm.s32 $0xF58  }
0x8c: {  	[spmem:s13] =	stream.indirect.scatter.add.f32 [tilespmem:s22], [sflag:$0x3], $0x1, s20, s15, $0xb8;
	[tilespmem:$0x4758] =	vst v63  }
0x8d: {  	s23 =	simm.s32 $0x1FD8;
	s24 =	simm.s32 $0x17D8  }
0x8e: {  	[spmem:s14] =	stream.indirect.scatter.add.f32 [tilespmem:s24], [sflag:$0x3], $0x1, s23, s15, $0xb8;
	[tilespmem:$0x4758] =	vst v63  }
0x8f: {  	s25 =	simm.s32 $0xFD8  }
0x90: {  	[spmem:s13] =	stream.indirect.scatter.add.f32 [tilespmem:s25], [sflag:$0x3], $0x1, s23, s15, $0xb8;
	[tilespmem:$0x4758] =	vst v63  }
0x91: {  	s26 =	simm.s32 $0x2058;
	s28 =	simm.s32 $0x1858  }
0x92: {  	[spmem:s14] =	stream.indirect.scatter.add.f32 [tilespmem:s28], [sflag:$0x3], $0x1, s26, s15, $0xb8;
	[tilespmem:$0x4758] =	vst v63  }
0x93: {  	s29 =	simm.s32 $0x1058  }
0x94: {  	[spmem:s13] =	stream.indirect.scatter.add.f32 [tilespmem:s29], [sflag:$0x3], $0x1, s26, s15, $0xb8;
	[tilespmem:$0x4758] =	vst v63  }
0x95: {  	s30 =	simm.s32 $0x20D8;
	s31 =	simm.s32 $0x18D8  }
0x96: {  	[spmem:s14] =	stream.indirect.scatter.add.f32 [tilespmem:s31], [sflag:$0x3], $0x1, s30, s15, $0xb8;
	[tilespmem:$0x4758] =	vst v63  }
0x97: {  	s18 =	simm.s32 $0x10D8  }
0x98: {  	[spmem:s13] =	stream.indirect.scatter.add.f32 [tilespmem:s18], [sflag:$0x3], $0x1, s30, s15, $0xb8;
	[tilespmem:$0x4758] =	vst v63  }
0x99: {  	s19 =	simm.s32 $0x2158;
	s20 =	simm.s32 $0x1958  }
0x9a: {  	[spmem:s14] =	stream.indirect.scatter.add.f32 [tilespmem:s20], [sflag:$0x3], $0x1, s19, s15, $0xb8;
	[tilespmem:$0x4758] =	vst v63  }
0x9b: {  	s21 =	simm.s32 $0x1158  }
0x9c: {  	[spmem:s13] =	stream.indirect.scatter.add.f32 [tilespmem:s21], [sflag:$0x3], $0x1, s19, s15, $0xb8;
	[tilespmem:$0x4758] =	vst v63  }
0x9d: {  	s22 =	simm.s32 $0x21D8;
	s23 =	simm.s32 $0x19D8  }
0x9e: {  	[spmem:s14] =	stream.indirect.scatter.add.f32 [tilespmem:s23], [sflag:$0x3], $0x1, s22, s15, $0xb8;
	[tilespmem:$0x4758] =	vst v63  }
0x9f: {  	s24 =	simm.s32 $0x11D8  }
0xa0: {  	[spmem:s13] =	stream.indirect.scatter.add.f32 [tilespmem:s24], [sflag:$0x3], $0x1, s22, s15, $0xb8;
	[tilespmem:$0x4758] =	vst v63  }
0xa1: {  	s25 =	simm.s32 $0x2258;
	s26 =	simm.s32 $0x1A58  }
0xa2: {  	[spmem:s14] =	stream.indirect.scatter.add.f32 [tilespmem:s26], [sflag:$0x3], $0x1, s25, s15, $0xb8;
	[tilespmem:$0x4758] =	vst v63  }
0xa3: {  	s28 =	simm.s32 $0x1258  }
0xa4: {  	[spmem:s13] =	stream.indirect.scatter.add.f32 [tilespmem:s28], [sflag:$0x3], $0x1, s25, s15, $0xb8;
	[tilespmem:$0x4758] =	vst v63  }
0xa5: {  	s29 =	simm.s32 $0x22D8;
	s30 =	simm.s32 $0x1AD8  }
0xa6: {  	[spmem:s14] =	stream.indirect.scatter.add.f32 [tilespmem:s30], [sflag:$0x3], $0x1, s29, s15, $0xb8;
	[tilespmem:$0x4758] =	vst v63  }
0xa7: {  	s31 =	simm.s32 $0x12D8  }
0xa8: {  	[spmem:s13] =	stream.indirect.scatter.add.f32 [tilespmem:s31], [sflag:$0x3], $0x1, s29, s15, $0xb8;
	[tilespmem:$0x4758] =	vst v63  }
0xa9: {  	s18 =	simm.s32 $0x2358;
	s19 =	simm.s32 $0x1B58  }
0xaa: {  	[spmem:s14] =	stream.indirect.scatter.add.f32 [tilespmem:s19], [sflag:$0x3], $0x1, s18, s15, $0xb8;
	[tilespmem:$0x4758] =	vst v63  }
0xab: {  	s20 =	simm.s32 $0x1358  }
0xac: {  	[spmem:s13] =	stream.indirect.scatter.add.f32 [tilespmem:s20], [sflag:$0x3], $0x1, s18, s15, $0xb8;
	[tilespmem:$0x4758] =	vst v63  }
0xad: {  	s21 =	simm.s32 $0x23D8;
	s22 =	simm.s32 $0x1BD8  }
0xae: {  	[spmem:s14] =	stream.indirect.scatter.add.f32 [tilespmem:s22], [sflag:$0x3], $0x1, s21, s15, $0xb8;
	[tilespmem:$0x4758] =	vst v63  }
0xaf: {  	s23 =	simm.s32 $0x13D8;
	s24 =	simm.s32 $0x3  }
0xb0: {  	[spmem:s13] =	stream.indirect.scatter.add.f32 [tilespmem:s23], [sflag:$0x3], $0x1, s21, s15, $0xb8;
	[tilespmem:$0x4758] =	vst v63  }
0xb1: {  	_ =	swait.ge [sflag:s24], $0x80  }
0xb2: {  	[sflag:s24] =	ssyncset.done $0x0  }
0xb3: {  	[sflag:s24] =	ssyncadd.s32 $0xFFFFFF80  }
0xb4: {  	_ =	swait.ge [sflag:s24], $0x80  }
0xb5: {  	[sflag:s24] =	ssyncset.done $0x0  }
0xb6: {  	[sflag:s24] =	ssyncadd.s32 $0xFFFFFF80  }
0xb7: {  	_ =	swait.ge [sflag:s24], $0x80  }
0xb8: {  	[sflag:s24] =	ssyncset.done $0x0  }
0xb9: {  	[sflag:s24] =	ssyncadd.s32 $0xFFFFFF80  }
0xba: {  	_ =	swait.ge [sflag:s24], $0x80  }
0xbb: {  	[sflag:s24] =	ssyncset.done $0x0  }
0xbc: {  	[sflag:s24] =	ssyncadd.s32 $0xFFFFFF80  }
0xbd: {  	_ =	swait.ge [sflag:s24], $0x80  }
0xbe: {  	[sflag:s24] =	ssyncset.done $0x0  }
0xbf: {  	[sflag:s24] =	ssyncadd.s32 $0xFFFFFF80  }
0xc0: {  	_ =	swait.ge [sflag:s24], $0x80  }
0xc1: {  	[sflag:s24] =	ssyncset.done $0x0  }
0xc2: {  	[sflag:s24] =	ssyncadd.s32 $0xFFFFFF80  }
0xc3: {  	_ =	swait.ge [sflag:s24], $0x80  }
0xc4: {  	[sflag:s24] =	ssyncset.done $0x0  }
0xc5: {  	[sflag:s24] =	ssyncadd.s32 $0xFFFFFF80  }
0xc6: {  	_ =	swait.ge [sflag:s24], $0x80  }
0xc7: {  	[sflag:s24] =	ssyncset.done $0x0  }
0xc8: {  	[sflag:s24] =	ssyncadd.s32 $0xFFFFFF80  }
0xc9: {  	_ =	swait.ge [sflag:s24], $0x80  }
0xca: {  	[sflag:s24] =	ssyncset.done $0x0  }
0xcb: {  	[sflag:s24] =	ssyncadd.s32 $0xFFFFFF80  }
0xcc: {  	_ =	swait.ge [sflag:s24], $0x80  }
0xcd: {  	[sflag:s24] =	ssyncset.done $0x0  }
0xce: {  	[sflag:s24] =	ssyncadd.s32 $0xFFFFFF80  }
0xcf: {  	_ =	swait.ge [sflag:s24], $0x80  }
0xd0: {  	[sflag:s24] =	ssyncset.done $0x0  }
0xd1: {  	[sflag:s24] =	ssyncadd.s32 $0xFFFFFF80  }
0xd2: {  	_ =	swait.ge [sflag:s24], $0x80  }
0xd3: {  	[sflag:s24] =	ssyncset.done $0x0  }
0xd4: {  	[sflag:s24] =	ssyncadd.s32 $0xFFFFFF80  }
0xd5: {  	_ =	swait.ge [sflag:s24], $0x80  }
0xd6: {  	[sflag:s24] =	ssyncset.done $0x0  }
0xd7: {  	[sflag:s24] =	ssyncadd.s32 $0xFFFFFF80  }
0xd8: {  	_ =	swait.ge [sflag:s24], $0x80  }
0xd9: {  	[sflag:s24] =	ssyncset.done $0x0  }
0xda: {  	[sflag:s24] =	ssyncadd.s32 $0xFFFFFF80  }
0xdb: {  	_ =	swait.ge [sflag:s24], $0x80  }
0xdc: {  	[sflag:s24] =	ssyncset.done $0x0  }
0xdd: {  	[sflag:s24] =	ssyncadd.s32 $0xFFFFFF80  }
0xde: {  	_ =	swait.ge [sflag:s24], $0x80  }
0xdf: {  	[sflag:s24] =	ssyncset.done $0x0  }
0xe0: {  	[sflag:s24] =	ssyncadd.s32 $0xFFFFFF80  }
0xe1: {  	_ =	swait.ge [sflag:s24], $0x80  }
0xe2: {  	[sflag:s24] =	ssyncset.done $0x0  }
0xe3: {  	[sflag:s24] =	ssyncadd.s32 $0xFFFFFF80  }
0xe4: {  	_ =	swait.ge [sflag:s24], $0x80  }
0xe5: {  	[sflag:s24] =	ssyncset.done $0x0  }
0xe6: {  	[sflag:s24] =	ssyncadd.s32 $0xFFFFFF80  }
0xe7: {  	_ =	swait.ge [sflag:s24], $0x80  }
0xe8: {  	[sflag:s24] =	ssyncset.done $0x0  }
0xe9: {  	[sflag:s24] =	ssyncadd.s32 $0xFFFFFF80  }
0xea: {  	_ =	swait.ge [sflag:s24], $0x80  }
0xeb: {  	[sflag:s24] =	ssyncset.done $0x0  }
0xec: {  	[sflag:s24] =	ssyncadd.s32 $0xFFFFFF80  }
0xed: {  	_ =	swait.ge [sflag:s24], $0x80  }
0xee: {  	[sflag:s24] =	ssyncset.done $0x0  }
0xef: {  	[sflag:s24] =	ssyncadd.s32 $0xFFFFFF80  }
0xf0: {  	_ =	swait.ge [sflag:s24], $0x80  }
0xf1: {  	[sflag:s24] =	ssyncset.done $0x0  }
0xf2: {  	[sflag:s24] =	ssyncadd.s32 $0xFFFFFF80  }
0xf3: {  	_ =	swait.ge [sflag:s24], $0x80  }
0xf4: {  	[sflag:s24] =	ssyncset.done $0x0  }
0xf5: {  	[sflag:s24] =	ssyncadd.s32 $0xFFFFFF80  }
0xf6: {  	_ =	swait.ge [sflag:s24], $0x80  }
0xf7: {  	[sflag:s24] =	ssyncset.done $0x0  }
0xf8: {  	[sflag:s24] =	ssyncadd.s32 $0xFFFFFF80  }
0xf9: {  	_ =	swait.ge [sflag:s24], $0x80  }
0xfa: {  	[sflag:s24] =	ssyncset.done $0x0  }
0xfb: {  	[sflag:s24] =	ssyncadd.s32 $0xFFFFFF80  }
0xfc: {  	_ =	swait.ge [sflag:s24], $0x80  }
0xfd: {  	[sflag:s24] =	ssyncset.done $0x0  }
0xfe: {  	[sflag:s24] =	ssyncadd.s32 $0xFFFFFF80  }
0xff: {  	_ =	swait.ge [sflag:s24], $0x80  }
0x100: {  	[sflag:s24] =	ssyncset.done $0x0  }
0x101: {  	[sflag:s24] =	ssyncadd.s32 $0xFFFFFF80  }
0x102: {  	_ =	swait.ge [sflag:s24], $0x80  }
0x103: {  	[sflag:s24] =	ssyncset.done $0x0  }
0x104: {  	[sflag:s24] =	ssyncadd.s32 $0xFFFFFF80  }
0x105: {  	_ =	swait.ge [sflag:s24], $0x80  }
0x106: {  	[sflag:s24] =	ssyncset.done $0x0  }
0x107: {  	[sflag:s24] =	ssyncadd.s32 $0xFFFFFF80  }
0x108: {  	_ =	swait.ge [sflag:s24], $0x80  }
0x109: {  	[sflag:s24] =	ssyncset.done $0x0  }
0x10a: {  	[sflag:s24] =	ssyncadd.s32 $0xFFFFFF80  }
0x10b: {  	_ =	swait.ge [sflag:s24], $0x80  }
0x10c: {  	[sflag:s24] =	ssyncset.done $0x0  }
0x10d: {  	[sflag:s24] =	ssyncadd.s32 $0xFFFFFF80  }
0x10e: {  	_ =	swait.ge [sflag:s24], $0x80  }
0x10f: {  	[sflag:s24] =	ssyncset.done $0x0  }
0x110: {  	[sflag:s24] =	ssyncadd.s32 $0xFFFFFF80  }
0x111: {  	s25 =	simm.s32 $0x3858;
	[bflag:$0x0] =	sbarrier.arrive $0xFFFF  }
0x112: {  	[tilespmem:s25], [sflag:$0x4] =	stream.linear.gather [spmem:s11], $0x400, $0x38;
	[tilespmem:$0x4758] =	vst v63  }
0x113: {  	_ =	swait.ge [sflag:s10], $0x400  }
0x114: {  	[sflag:s10] =	ssyncset.done $0x0  }
0x115: {  	s26 =	simm.s32 $0x3C58;
	[sflag:s10] =	ssyncadd.s32 $0xFFFFFC00  }
0x116: {  	[tilespmem:s26], [sflag:$0x4] =	stream.linear.gather [spmem:s12], $0x400, $0x38;
	[tilespmem:$0x4758] =	vst v63  }
0x117: {  	_ =	swait.ge [sflag:s10], $0x400  }
0x118: {  	[sflag:s10] =	ssyncset.done $0x0  }
0x119: {  	s28 =	simm.s32 $0x0;
	[sflag:s10] =	ssyncadd.s32 $0xFFFFFC00  }
0x11a: {  	v62 =	vld [tilespmem:s28+$0x3C58];
	_ =	sdelay $0x4  }
0x11b: {  	v1 =	vmax.f32 v62, $1.000000000e+00  }
0x11c: {  	(erf) = vrcp.f32 v1;
	_ =	sdelay $0x2  }
0x11d: {  	v63 =	vld [tilespmem:s28+$0x3858];
	_ =	sdelay $0x4  }
0x11e: {  	v1 =	vmul.f32 $5.000000000e-01, v63  }
0x11f: {  	v2 =	vpop (erf)  }
0x120: {  	s29 =	sand.u32 $0xE00, s9;
	v1 =	vmul.f32 v2, v1  }
0x121: {  	s30 =	sand.u32 $0x70, s9;
	s10 =	sshrl.u32 s29, $0x2;
	vm0 =	vgt.f32 v62, $0.0e+00  }
0x122: {  	s31 =	sor.u32 s30, s10;
	v0 =	vnsel vm0, $0x0, v1  }
0x123: {  	s11 =	simm.s32 $0x80;
	s12 =	simm.s32 $0x10;
	s10 =	simm.s32 $0x40;
	[tilespmem:s31+$0x3458] =	vst v0  }
.LBB3_5:
0x124: {  	p1 =	sne.s32 s11, $0xFC0;
	v0 =	vld [tilespmem:s12+$0x3C58];
	_ =	sdelay $0x4  }
0x125: {  	v1 =	vmax.f32 v0, $1.000000000e+00  }
0x126: {  	(erf) = vrcp.f32 v1;
	_ =	sdelay $0x2  }
0x127: {  	v1 =	vld [tilespmem:s12+$0x3858];
	_ =	sdelay $0x4  }
0x128: {  	v1 =	vmul.f32 $5.000000000e-01, v1  }
.Ltmp2:
0x129: {  	v2 =	vpop (erf);
	(pc) =	sbr.rel @p1 .LBB3_5-.Ltmp2, $4  }
0x12a: {  	s9 =	sadd.s32 $0x10, s9;
	s12 =	sand.u32 $0xE00, s10;
	s10 =	smov.u32 s11;
	v1 =	vmul.f32 v2, v1  }
0x12b: {  	s13 =	sand.u32 $0x70, s9;
	vm0 =	vgt.f32 v0, $0.0e+00;
	s12 =	sshrl.u32 s12, $0x2  }
0x12c: {  	s13 =	sor.u32 s13, s12;
	v0 =	vnsel vm0, $0x0, v1  }
0x12d: {  	s11 =	sadd.s32 $0x40, s11;
	s12 =	sshra.s32 s10, $0x2;
	[tilespmem:s13+$0x3458] =	vst v0  }
0x12e: {  	v0 =	vld [tilespmem:s12+$0x3C58];
	_ =	sdelay $0x4  }
0x12f: {  	v1 =	vmax.f32 v0, $1.000000000e+00  }
0x130: {  	(erf) = vrcp.f32 v1;
	_ =	sdelay $0x2  }
0x131: {  	v63 =	vld [tilespmem:s12+$0x3858];
	_ =	sdelay $0x4  }
0x132: {  	v1 =	vmul.f32 $5.000000000e-01, v63  }
0x133: {  	v2 =	vpop (erf)  }
0x134: {  	s10 =	sand.u32 $0xE00, s10;
	s9 =	sadd.s32 $0x10, s9;
	v1 =	vmul.f32 v2, v1  }
0x135: {  	s9 =	sand.u32 $0x70, s9;
	s10 =	sshrl.u32 s10, $0x2;
	vm0 =	vgt.f32 v0, $0.0e+00  }
0x136: {  	s9 =	sor.u32 s9, s10;
	v0 =	vnsel vm0, $0x0, v1  }
0x137: {  	s20 =	simm.s32 $0x2;
	[tilespmem:s9+$0x3458] =	vst v0  }
0x138: {  	_ =	swait.ge [sflag:s20], $0x400  }
0x139: {  	[sflag:s20] =	ssyncset.done $0x0  }
0x13a: {  	[sflag:s20] =	ssyncadd.s32 $0xFFFFFC00  }
0x13b: {  	_ =	swait.ge [sflag:s20], $0x400  }
0x13c: {  	[sflag:s20] =	ssyncset.done $0x0  }
0x13d: {  	[sflag:s20] =	ssyncadd.s32 $0xFFFFFC00  }
0x13e: {  	_ =	swait.ge [sflag:s20], $0x400  }
0x13f: {  	[sflag:s20] =	ssyncset.done $0x0  }
0x140: {  	[sflag:s20] =	ssyncadd.s32 $0xFFFFFC00  }
0x141: {  	_ =	swait.ge [sflag:s20], $0x400  }
0x142: {  	s21 =	simm.s32 $0x2458;
	[sflag:s20] =	ssyncset.done $0x0  }
0x143: {  	s11 =	simm.s32 $0x2858;
	s9 =	simm.s32 $0x80;
	[sflag:s20] =	ssyncadd.s32 $0xFFFFFC00  }
0x144: {  	[spmem:s7] =	stream.indirect.scatter.add.f32 [tilespmem:s11], [sflag:$0x3], $0x1, s21, s9, $0xb8;
	[tilespmem:$0x4758] =	vst v63  }
0x145: {  	s22 =	simm.s32 $0x2C58  }
0x146: {  	[spmem:s6] =	stream.indirect.scatter.add.f32 [tilespmem:s22], [sflag:$0x3], $0x1, s21, s9, $0xb8;
	[tilespmem:$0x4758] =	vst v63  }
0x147: {  	s23 =	simm.s32 $0x3058  }
0x148: {  	[spmem:s5] =	stream.indirect.scatter.add.f32 [tilespmem:s23], [sflag:$0x3], $0x1, s21, s9, $0xb8;
	[tilespmem:$0x4758] =	vst v63  }
0x149: {  	s24 =	simm.s32 $0x3458  }
0x14a: {  	[spmem:s4] =	stream.indirect.scatter.add.f32 [tilespmem:s24], [sflag:$0x3], $0x1, s21, s9, $0xb8;
	[tilespmem:$0x4758] =	vst v63  }
0x14b: {  	s25 =	simm.s32 $0xC58  }
0x14c: {  	[spmem:s3] =	stream.indirect.scatter.add.f32 [tilespmem:s25], [sflag:$0x3], $0x1, s21, s9, $0xb8;
	[tilespmem:$0x4758] =	vst v63  }
0x14d: {  	s26 =	simm.s32 $0x24D8;
	s28 =	simm.s32 $0x28D8  }
0x14e: {  	[spmem:s7] =	stream.indirect.scatter.add.f32 [tilespmem:s28], [sflag:$0x3], $0x1, s26, s9, $0xb8;
	[tilespmem:$0x4758] =	vst v63  }
0x14f: {  	s29 =	simm.s32 $0x2CD8  }
0x150: {  	[spmem:s6] =	stream.indirect.scatter.add.f32 [tilespmem:s29], [sflag:$0x3], $0x1, s26, s9, $0xb8;
	[tilespmem:$0x4758] =	vst v63  }
0x151: {  	s30 =	simm.s32 $0x30D8  }
0x152: {  	[spmem:s5] =	stream.indirect.scatter.add.f32 [tilespmem:s30], [sflag:$0x3], $0x1, s26, s9, $0xb8;
	[tilespmem:$0x4758] =	vst v63  }
0x153: {  	s31 =	simm.s32 $0x34D8  }
0x154: {  	[spmem:s4] =	stream.indirect.scatter.add.f32 [tilespmem:s31], [sflag:$0x3], $0x1, s26, s9, $0xb8;
	[tilespmem:$0x4758] =	vst v63  }
0x155: {  	s12 =	simm.s32 $0xCD8  }
0x156: {  	[spmem:s3] =	stream.indirect.scatter.add.f32 [tilespmem:s12], [sflag:$0x3], $0x1, s26, s9, $0xb8;
	[tilespmem:$0x4758] =	vst v63  }
0x157: {  	s13 =	simm.s32 $0x2558;
	s14 =	simm.s32 $0x2958  }
0x158: {  	[spmem:s7] =	stream.indirect.scatter.add.f32 [tilespmem:s14], [sflag:$0x3], $0x1, s13, s9, $0xb8;
	[tilespmem:$0x4758] =	vst v63  }
0x159: {  	s15 =	simm.s32 $0x2D58  }
0x15a: {  	[spmem:s6] =	stream.indirect.scatter.add.f32 [tilespmem:s15], [sflag:$0x3], $0x1, s13, s9, $0xb8;
	[tilespmem:$0x4758] =	vst v63  }
0x15b: {  	s16 =	simm.s32 $0x3158  }
0x15c: {  	[spmem:s5] =	stream.indirect.scatter.add.f32 [tilespmem:s16], [sflag:$0x3], $0x1, s13, s9, $0xb8;
	[tilespmem:$0x4758] =	vst v63  }
0x15d: {  	s17 =	simm.s32 $0x3558  }
0x15e: {  	[spmem:s4] =	stream.indirect.scatter.add.f32 [tilespmem:s17], [sflag:$0x3], $0x1, s13, s9, $0xb8;
	[tilespmem:$0x4758] =	vst v63  }
0x15f: {  	s18 =	simm.s32 $0xD58  }
0x160: {  	[spmem:s3] =	stream.indirect.scatter.add.f32 [tilespmem:s18], [sflag:$0x3], $0x1, s13, s9, $0xb8;
	[tilespmem:$0x4758] =	vst v63  }
0x161: {  	s19 =	simm.s32 $0x25D8;
	s20 =	simm.s32 $0x29D8  }
0x162: {  	[spmem:s7] =	stream.indirect.scatter.add.f32 [tilespmem:s20], [sflag:$0x3], $0x1, s19, s9, $0xb8;
	[tilespmem:$0x4758] =	vst v63  }
0x163: {  	s21 =	simm.s32 $0x2DD8  }
0x164: {  	[spmem:s6] =	stream.indirect.scatter.add.f32 [tilespmem:s21], [sflag:$0x3], $0x1, s19, s9, $0xb8;
	[tilespmem:$0x4758] =	vst v63  }
0x165: {  	s22 =	simm.s32 $0x31D8  }
0x166: {  	[spmem:s5] =	stream.indirect.scatter.add.f32 [tilespmem:s22], [sflag:$0x3], $0x1, s19, s9, $0xb8;
	[tilespmem:$0x4758] =	vst v63  }
0x167: {  	s23 =	simm.s32 $0x35D8  }
0x168: {  	[spmem:s4] =	stream.indirect.scatter.add.f32 [tilespmem:s23], [sflag:$0x3], $0x1, s19, s9, $0xb8;
	[tilespmem:$0x4758] =	vst v63  }
0x169: {  	s24 =	simm.s32 $0xDD8  }
0x16a: {  	[spmem:s3] =	stream.indirect.scatter.add.f32 [tilespmem:s24], [sflag:$0x3], $0x1, s19, s9, $0xb8;
	[tilespmem:$0x4758] =	vst v63  }
0x16b: {  	s25 =	simm.s32 $0x2658;
	s26 =	simm.s32 $0x2A58  }
0x16c: {  	[spmem:s7] =	stream.indirect.scatter.add.f32 [tilespmem:s26], [sflag:$0x3], $0x1, s25, s9, $0xb8;
	[tilespmem:$0x4758] =	vst v63  }
0x16d: {  	s28 =	simm.s32 $0x2E58  }
0x16e: {  	[spmem:s6] =	stream.indirect.scatter.add.f32 [tilespmem:s28], [sflag:$0x3], $0x1, s25, s9, $0xb8;
	[tilespmem:$0x4758] =	vst v63  }
0x16f: {  	s29 =	simm.s32 $0x3258  }
0x170: {  	[spmem:s5] =	stream.indirect.scatter.add.f32 [tilespmem:s29], [sflag:$0x3], $0x1, s25, s9, $0xb8;
	[tilespmem:$0x4758] =	vst v63  }
0x171: {  	s30 =	simm.s32 $0x3658  }
0x172: {  	[spmem:s4] =	stream.indirect.scatter.add.f32 [tilespmem:s30], [sflag:$0x3], $0x1, s25, s9, $0xb8;
	[tilespmem:$0x4758] =	vst v63  }
0x173: {  	s31 =	simm.s32 $0xE58  }
0x174: {  	[spmem:s3] =	stream.indirect.scatter.add.f32 [tilespmem:s31], [sflag:$0x3], $0x1, s25, s9, $0xb8;
	[tilespmem:$0x4758] =	vst v63  }
0x175: {  	s12 =	simm.s32 $0x26D8;
	s13 =	simm.s32 $0x2AD8  }
0x176: {  	[spmem:s7] =	stream.indirect.scatter.add.f32 [tilespmem:s13], [sflag:$0x3], $0x1, s12, s9, $0xb8;
	[tilespmem:$0x4758] =	vst v63  }
0x177: {  	s14 =	simm.s32 $0x2ED8  }
0x178: {  	[spmem:s6] =	stream.indirect.scatter.add.f32 [tilespmem:s14], [sflag:$0x3], $0x1, s12, s9, $0xb8;
	[tilespmem:$0x4758] =	vst v63  }
0x179: {  	s15 =	simm.s32 $0x32D8  }
0x17a: {  	[spmem:s5] =	stream.indirect.scatter.add.f32 [tilespmem:s15], [sflag:$0x3], $0x1, s12, s9, $0xb8;
	[tilespmem:$0x4758] =	vst v63  }
0x17b: {  	s16 =	simm.s32 $0x36D8  }
0x17c: {  	[spmem:s4] =	stream.indirect.scatter.add.f32 [tilespmem:s16], [sflag:$0x3], $0x1, s12, s9, $0xb8;
	[tilespmem:$0x4758] =	vst v63  }
0x17d: {  	s17 =	simm.s32 $0xED8  }
0x17e: {  	[spmem:s3] =	stream.indirect.scatter.add.f32 [tilespmem:s17], [sflag:$0x3], $0x1, s12, s9, $0xb8;
	[tilespmem:$0x4758] =	vst v63  }
0x17f: {  	s18 =	simm.s32 $0x2758;
	s19 =	simm.s32 $0x2B58  }
0x180: {  	[spmem:s7] =	stream.indirect.scatter.add.f32 [tilespmem:s19], [sflag:$0x3], $0x1, s18, s9, $0xb8;
	[tilespmem:$0x4758] =	vst v63  }
0x181: {  	s20 =	simm.s32 $0x2F58  }
0x182: {  	[spmem:s6] =	stream.indirect.scatter.add.f32 [tilespmem:s20], [sflag:$0x3], $0x1, s18, s9, $0xb8;
	[tilespmem:$0x4758] =	vst v63  }
0x183: {  	s21 =	simm.s32 $0x3358  }
0x184: {  	[spmem:s5] =	stream.indirect.scatter.add.f32 [tilespmem:s21], [sflag:$0x3], $0x1, s18, s9, $0xb8;
	[tilespmem:$0x4758] =	vst v63  }
0x185: {  	s22 =	simm.s32 $0x3758  }
0x186: {  	[spmem:s4] =	stream.indirect.scatter.add.f32 [tilespmem:s22], [sflag:$0x3], $0x1, s18, s9, $0xb8;
	[tilespmem:$0x4758] =	vst v63  }
0x187: {  	s23 =	simm.s32 $0xF58  }
0x188: {  	[spmem:s3] =	stream.indirect.scatter.add.f32 [tilespmem:s23], [sflag:$0x3], $0x1, s18, s9, $0xb8;
	[tilespmem:$0x4758] =	vst v63  }
0x189: {  	s24 =	simm.s32 $0x27D8;
	s25 =	simm.s32 $0x2BD8  }
0x18a: {  	[spmem:s7] =	stream.indirect.scatter.add.f32 [tilespmem:s25], [sflag:$0x3], $0x1, s24, s9, $0xb8;
	[tilespmem:$0x4758] =	vst v63  }
0x18b: {  	s26 =	simm.s32 $0x2FD8  }
0x18c: {  	[spmem:s6] =	stream.indirect.scatter.add.f32 [tilespmem:s26], [sflag:$0x3], $0x1, s24, s9, $0xb8;
	[tilespmem:$0x4758] =	vst v63  }
0x18d: {  	s28 =	simm.s32 $0x33D8  }
0x18e: {  	[spmem:s5] =	stream.indirect.scatter.add.f32 [tilespmem:s28], [sflag:$0x3], $0x1, s24, s9, $0xb8;
	[tilespmem:$0x4758] =	vst v63  }
0x18f: {  	s29 =	simm.s32 $0x37D8  }
0x190: {  	[spmem:s4] =	stream.indirect.scatter.add.f32 [tilespmem:s29], [sflag:$0x3], $0x1, s24, s9, $0xb8;
	[tilespmem:$0x4758] =	vst v63  }
0x191: {  	s30 =	simm.s32 $0xFD8;
	s31 =	simm.s32 $0x3  }
0x192: {  	[spmem:s3] =	stream.indirect.scatter.add.f32 [tilespmem:s30], [sflag:$0x3], $0x1, s24, s9, $0xb8;
	[tilespmem:$0x4758] =	vst v63  }
0x193: {  	_ =	swait.ge [sflag:s31], $0x80  }
0x194: {  	[sflag:s31] =	ssyncset.done $0x0  }
0x195: {  	[sflag:s31] =	ssyncadd.s32 $0xFFFFFF80  }
0x196: {  	_ =	swait.ge [sflag:s31], $0x80  }
0x197: {  	[sflag:s31] =	ssyncset.done $0x0  }
0x198: {  	[sflag:s31] =	ssyncadd.s32 $0xFFFFFF80  }
0x199: {  	_ =	swait.ge [sflag:s31], $0x80  }
0x19a: {  	[sflag:s31] =	ssyncset.done $0x0  }
0x19b: {  	[sflag:s31] =	ssyncadd.s32 $0xFFFFFF80  }
0x19c: {  	_ =	swait.ge [sflag:s31], $0x80  }
0x19d: {  	[sflag:s31] =	ssyncset.done $0x0  }
0x19e: {  	[sflag:s31] =	ssyncadd.s32 $0xFFFFFF80  }
0x19f: {  	_ =	swait.ge [sflag:s31], $0x80  }
0x1a0: {  	[sflag:s31] =	ssyncset.done $0x0  }
0x1a1: {  	[sflag:s31] =	ssyncadd.s32 $0xFFFFFF80  }
0x1a2: {  	_ =	swait.ge [sflag:s31], $0x80  }
0x1a3: {  	[sflag:s31] =	ssyncset.done $0x0  }
0x1a4: {  	[sflag:s31] =	ssyncadd.s32 $0xFFFFFF80  }
0x1a5: {  	_ =	swait.ge [sflag:s31], $0x80  }
0x1a6: {  	[sflag:s31] =	ssyncset.done $0x0  }
0x1a7: {  	[sflag:s31] =	ssyncadd.s32 $0xFFFFFF80  }
0x1a8: {  	_ =	swait.ge [sflag:s31], $0x80  }
0x1a9: {  	[sflag:s31] =	ssyncset.done $0x0  }
0x1aa: {  	[sflag:s31] =	ssyncadd.s32 $0xFFFFFF80  }
0x1ab: {  	_ =	swait.ge [sflag:s31], $0x80  }
0x1ac: {  	[sflag:s31] =	ssyncset.done $0x0  }
0x1ad: {  	[sflag:s31] =	ssyncadd.s32 $0xFFFFFF80  }
0x1ae: {  	_ =	swait.ge [sflag:s31], $0x80  }
0x1af: {  	[sflag:s31] =	ssyncset.done $0x0  }
0x1b0: {  	[sflag:s31] =	ssyncadd.s32 $0xFFFFFF80  }
0x1b1: {  	_ =	swait.ge [sflag:s31], $0x80  }
0x1b2: {  	[sflag:s31] =	ssyncset.done $0x0  }
0x1b3: {  	[sflag:s31] =	ssyncadd.s32 $0xFFFFFF80  }
0x1b4: {  	_ =	swait.ge [sflag:s31], $0x80  }
0x1b5: {  	[sflag:s31] =	ssyncset.done $0x0  }
0x1b6: {  	[sflag:s31] =	ssyncadd.s32 $0xFFFFFF80  }
0x1b7: {  	_ =	swait.ge [sflag:s31], $0x80  }
0x1b8: {  	[sflag:s31] =	ssyncset.done $0x0  }
0x1b9: {  	[sflag:s31] =	ssyncadd.s32 $0xFFFFFF80  }
0x1ba: {  	_ =	swait.ge [sflag:s31], $0x80  }
0x1bb: {  	[sflag:s31] =	ssyncset.done $0x0  }
0x1bc: {  	[sflag:s31] =	ssyncadd.s32 $0xFFFFFF80  }
0x1bd: {  	_ =	swait.ge [sflag:s31], $0x80  }
0x1be: {  	[sflag:s31] =	ssyncset.done $0x0  }
0x1bf: {  	[sflag:s31] =	ssyncadd.s32 $0xFFFFFF80  }
0x1c0: {  	_ =	swait.ge [sflag:s31], $0x80  }
0x1c1: {  	[sflag:s31] =	ssyncset.done $0x0  }
0x1c2: {  	[sflag:s31] =	ssyncadd.s32 $0xFFFFFF80  }
0x1c3: {  	_ =	swait.ge [sflag:s31], $0x80  }
0x1c4: {  	[sflag:s31] =	ssyncset.done $0x0  }
0x1c5: {  	[sflag:s31] =	ssyncadd.s32 $0xFFFFFF80  }
0x1c6: {  	_ =	swait.ge [sflag:s31], $0x80  }
0x1c7: {  	[sflag:s31] =	ssyncset.done $0x0  }
0x1c8: {  	[sflag:s31] =	ssyncadd.s32 $0xFFFFFF80  }
0x1c9: {  	_ =	swait.ge [sflag:s31], $0x80  }
0x1ca: {  	[sflag:s31] =	ssyncset.done $0x0  }
0x1cb: {  	[sflag:s31] =	ssyncadd.s32 $0xFFFFFF80  }
0x1cc: {  	_ =	swait.ge [sflag:s31], $0x80  }
0x1cd: {  	[sflag:s31] =	ssyncset.done $0x0  }
0x1ce: {  	[sflag:s31] =	ssyncadd.s32 $0xFFFFFF80  }
0x1cf: {  	_ =	swait.ge [sflag:s31], $0x80  }
0x1d0: {  	[sflag:s31] =	ssyncset.done $0x0  }
0x1d1: {  	[sflag:s31] =	ssyncadd.s32 $0xFFFFFF80  }
0x1d2: {  	_ =	swait.ge [sflag:s31], $0x80  }
0x1d3: {  	[sflag:s31] =	ssyncset.done $0x0  }
0x1d4: {  	[sflag:s31] =	ssyncadd.s32 $0xFFFFFF80  }
0x1d5: {  	_ =	swait.ge [sflag:s31], $0x80  }
0x1d6: {  	[sflag:s31] =	ssyncset.done $0x0  }
0x1d7: {  	[sflag:s31] =	ssyncadd.s32 $0xFFFFFF80  }
0x1d8: {  	_ =	swait.ge [sflag:s31], $0x80  }
0x1d9: {  	[sflag:s31] =	ssyncset.done $0x0  }
0x1da: {  	[sflag:s31] =	ssyncadd.s32 $0xFFFFFF80  }
0x1db: {  	_ =	swait.ge [sflag:s31], $0x80  }
0x1dc: {  	[sflag:s31] =	ssyncset.done $0x0  }
0x1dd: {  	[sflag:s31] =	ssyncadd.s32 $0xFFFFFF80  }
0x1de: {  	_ =	swait.ge [sflag:s31], $0x80  }
0x1df: {  	[sflag:s31] =	ssyncset.done $0x0  }
0x1e0: {  	[sflag:s31] =	ssyncadd.s32 $0xFFFFFF80  }
0x1e1: {  	_ =	swait.ge [sflag:s31], $0x80  }
0x1e2: {  	[sflag:s31] =	ssyncset.done $0x0  }
0x1e3: {  	[sflag:s31] =	ssyncadd.s32 $0xFFFFFF80  }
0x1e4: {  	_ =	swait.ge [sflag:s31], $0x80  }
0x1e5: {  	[sflag:s31] =	ssyncset.done $0x0  }
0x1e6: {  	[sflag:s31] =	ssyncadd.s32 $0xFFFFFF80  }
0x1e7: {  	_ =	swait.ge [sflag:s31], $0x80  }
0x1e8: {  	[sflag:s31] =	ssyncset.done $0x0  }
0x1e9: {  	[sflag:s31] =	ssyncadd.s32 $0xFFFFFF80  }
0x1ea: {  	_ =	swait.ge [sflag:s31], $0x80  }
0x1eb: {  	[sflag:s31] =	ssyncset.done $0x0  }
0x1ec: {  	[sflag:s31] =	ssyncadd.s32 $0xFFFFFF80  }
0x1ed: {  	_ =	swait.ge [sflag:s31], $0x80  }
0x1ee: {  	[sflag:s31] =	ssyncset.done $0x0  }
0x1ef: {  	[sflag:s31] =	ssyncadd.s32 $0xFFFFFF80  }
0x1f0: {  	_ =	swait.ge [sflag:s31], $0x80  }
0x1f1: {  	[sflag:s31] =	ssyncset.done $0x0  }
0x1f2: {  	[sflag:s31] =	ssyncadd.s32 $0xFFFFFF80  }
0x1f3: {  	_ =	swait.ge [sflag:s31], $0x80  }
0x1f4: {  	[sflag:s31] =	ssyncset.done $0x0  }
0x1f5: {  	[sflag:s31] =	ssyncadd.s32 $0xFFFFFF80  }
0x1f6: {  	_ =	swait.ge [sflag:s31], $0x80  }
0x1f7: {  	[sflag:s31] =	ssyncset.done $0x0  }
0x1f8: {  	[sflag:s31] =	ssyncadd.s32 $0xFFFFFF80  }
0x1f9: {  	_ =	swait.ge [sflag:s31], $0x80  }
0x1fa: {  	[sflag:s31] =	ssyncset.done $0x0  }
0x1fb: {  	[sflag:s31] =	ssyncadd.s32 $0xFFFFFF80  }
0x1fc: {  	_ =	swait.ge [sflag:s31], $0x80  }
0x1fd: {  	[sflag:s31] =	ssyncset.done $0x0  }
0x1fe: {  	[sflag:s31] =	ssyncadd.s32 $0xFFFFFF80  }
0x1ff: {  	_ =	swait.ge [sflag:s31], $0x80  }
0x200: {  	[sflag:s31] =	ssyncset.done $0x0  }
0x201: {  	[sflag:s31] =	ssyncadd.s32 $0xFFFFFF80  }
0x202: {  	_ =	swait.ge [sflag:s31], $0x80  }
0x203: {  	[sflag:s31] =	ssyncset.done $0x0  }
0x204: {  	[sflag:s31] =	ssyncadd.s32 $0xFFFFFF80  }
0x205: {  	_ =	swait.ge [sflag:s31], $0x80  }
0x206: {  	[sflag:s31] =	ssyncset.done $0x0  }
0x207: {  	[sflag:s31] =	ssyncadd.s32 $0xFFFFFF80  }
0x208: {  	_ =	swait.ge [sflag:s31], $0x80  }
0x209: {  	[sflag:s31] =	ssyncset.done $0x0  }
0x20a: {  	[sflag:s31] =	ssyncadd.s32 $0xFFFFFF80  }
0x20b: {  	[bflag:$0x0] =	sbarrier.arrive $0xFFFF  }
0x20c: {  	_ =	sfence.sel @p0 $0x180000  }
0x20d: {  	[bflag:$0x0] =	sbarrier.arrive @p0 $0xFFFF  }
0x20e: {  	_ =	strace @p0 $0x90000047  }
0x20f: {  	[bflag:$0x2] =	sbarrier.arrive @p0 $0xFFFF  }
0x210: {  	_ =	shalt @p0  }
.LBB3_7:
0x211: {  	s10 =	simm.s32 $0x0;
	s9 =	simm.s32 $0x4558;
	s23 =	simm.s32 $0x4  }
0x212: {  	[tilespmem:s9], [sflag:$0x4] =	stream.linear.gather [hbm4b:s8+s10], $0x100, $0x38;
	[tilespmem:$0x4758] =	vst v63  }
0x213: {  	_ =	swait.ge [sflag:s23], $0x100  }
0x214: {  	[sflag:s23] =	ssyncset.done $0x0  }
0x215: {  	s11 =	simm.s32 $0x4058;
	[sflag:s23] =	ssyncadd.s32 $0xFFFFFF00  }
0x216: {  	[tilespmem:s11], [sflag:$0x4] =	stream.linear.gather [spmem:s7], $0x100, $0x38;
	[tilespmem:$0x4758] =	vst v63  }
0x217: {  	_ =	swait.ge [sflag:s23], $0x100  }
0x218: {  	[sflag:s23] =	ssyncset.done $0x0  }
0x219: {  	s24 =	simm.s32 $0x4158;
	[sflag:s23] =	ssyncadd.s32 $0xFFFFFF00  }
0x21a: {  	[tilespmem:s24], [sflag:$0x4] =	stream.linear.gather [spmem:s6], $0x100, $0x38;
	[tilespmem:$0x4758] =	vst v63  }
0x21b: {  	_ =	swait.ge [sflag:s23], $0x100  }
0x21c: {  	[sflag:s23] =	ssyncset.done $0x0  }
0x21d: {  	s25 =	simm.s32 $0x4258;
	[sflag:s23] =	ssyncadd.s32 $0xFFFFFF00  }
0x21e: {  	[tilespmem:s25], [sflag:$0x4] =	stream.linear.gather [spmem:s5], $0x100, $0x38;
	[tilespmem:$0x4758] =	vst v63  }
0x21f: {  	_ =	swait.ge [sflag:s23], $0x100  }
0x220: {  	[sflag:s23] =	ssyncset.done $0x0  }
0x221: {  	s26 =	simm.s32 $0x4358;
	[sflag:s23] =	ssyncadd.s32 $0xFFFFFF00  }
0x222: {  	[tilespmem:s26], [sflag:$0x4] =	stream.linear.gather [spmem:s4], $0x100, $0x38;
	[tilespmem:$0x4758] =	vst v63  }
0x223: {  	_ =	swait.ge [sflag:s23], $0x100  }
0x224: {  	[sflag:s23] =	ssyncset.done $0x0  }
0x225: {  	s28 =	simm.s32 $0x4458;
	[sflag:s23] =	ssyncadd.s32 $0xFFFFFF00  }
0x226: {  	[tilespmem:s28], [sflag:$0x4] =	stream.linear.gather [spmem:s3], $0x100, $0x38;
	[tilespmem:$0x4758] =	vst v63  }
0x227: {  	_ =	swait.ge [sflag:s23], $0x100  }
0x228: {  	[sflag:s23] =	ssyncset.done $0x0  }
0x229: {  	s29 =	sand.u32 $0xF0, s10;
	[sflag:s23] =	ssyncadd.s32 $0xFFFFFF00  }
0x22a: {  	v2 =	vld [tilespmem:s29+$0x4458];
	_ =	sdelay $0x4  }
0x22b: {  	v0 =	vmax.f32 v2, $1.000000000e+00  }
0x22c: {  	(erf) = vrcp.f32 v0  }
0x22d: {  	s30 =	simm.s32 $0x10  }
0x22e: {  	s3 =	sand.u32 $0xF0, s30  }
0x22f: {  	v0 =	vld [tilespmem:s3+$0x4458];
	_ =	sdelay $0x3  }
0x230: {  	s31 =	simm.s32 $0x20  }
0x231: {  	v5 =	vld [tilespmem:s11+$0x0];
	s3 =	sand.u32 $0xF0, s31;
	v4 =	vmax.f32 v0, $1.000000000e+00  }
0x232: {  	v1 =	vld [tilespmem:s3+$0x4458];
	v6 =	vpop (erf);
	(erf) = vrcp.f32 v4;
	_ =	sdelay $0x1  }
0x233: {  	v4 =	vld [tilespmem:s9+$0x0];
	_ =	sdelay $0x1  }
0x234: {  	v3 =	vimm.f32 $0.0e+00;
	s4 =	simm.s32 $0x30;
	s3 =	simm.s32 $0x4068;
	v5 =	vmul.f32 v6, v5  }
.LBB3_8:
0x235: {  	s5 =	sand.u32 $0xF0, s4;
	p0 =	sne.s32 s4, $0xF0;
	s4 =	sadd.s32 $0x10, s4;
	v6 =	vmax.f32 v1, $1.000000000e+00;
	v7 =	vld [tilespmem:s3+$0x0];
	vm0 =	vgt.f32 v2, $0.0e+00;
	v2 =	vmovc v0;
	v0 =	vmov v1  }
.Ltmp3:
0x236: {  	v1 =	vld [tilespmem:s5+$0x4458];
	(erf) = vrcp.f32 v6;
	v5 =	vnsel vm0, $0x0, v5;
	(pc) =	sbr.rel @p0 .LBB3_8-.Ltmp3, $4  }
0x237: {  	s9 =	sadd.s32 $0x10, s9;
	v5 =	vmul.f32 v5, v4  }
0x238: {  	v4 =	vld [tilespmem:s9+$0x0]  }
0x239: {  	v6 =	vpop (erf);
	v3 =	vadd.f32 v5, v3  }
0x23a: {  	s3 =	sadd.s32 $0x10, s3;
	v5 =	vmul.f32 v6, v7  }
0x23b: {  	v6 =	vmax.f32 v1, $1.000000000e+00  }
0x23c: {  	(erf) = vrcp.f32 v6;
	_ =	sdelay $0x2  }
0x23d: {  	v6 =	vld [tilespmem:s3+$0x0]  }
0x23e: {  	s26 =	sadd.s32 $0x10, s3  }
0x23f: {  	s4 =	sadd.s32 $0x10, s9;
	v7 =	vld [tilespmem:s26+$0x0]  }
0x240: {  	v8 =	vld [tilespmem:s4+$0x0]  }
0x241: {  	vm0 =	vgt.f32 v2, $0.0e+00;
	s28 =	sadd.s32 $0x10, s4;
	v2 =	vpop (erf)  }
0x242: {  	v5 =	vnsel vm0, $0x0, v5;
	v2 =	vmul.f32 v2, v6;
	v6 =	vld [tilespmem:s28+$0x0]  }
0x243: {  	vm14 =	vgt.f32 v0, $0.0e+00;
	v4 =	vmul.f32 v5, v4;
	v0 =	vpop (erf)  }
0x244: {  	v2 =	vnsel vm14, $0x0, v2;
	v0 =	vmul.f32 v0, v7  }
0x245: {  	vm15 =	vgt.f32 v1, $0.0e+00;
	v3 =	vadd.f32 v4, v3;
	v2 =	vmul.f32 v2, v8  }
0x246: {  	v0 =	vnsel vm15, $0x0, v0  }
0x247: {  	v1 =	vadd.f32 v2, v3;
	v0 =	vmul.f32 v0, v6;
	_ =	sdelay $0x1  }
0x248: {  	v0 =	vadd.f32 v0, v1;
	_ =	sdelay $0x1  }
0x249: {  	s29 =	simm.s32 $0x0;
	[tilespmem:$0x4658] =	vst v0;
	v0 =	vimm.s32 $0x0  }
0x24a: {  	s3 =	sand.u32 $0xF0, s29;
	[tilespmem:$0x46D8] =	vst v0  }
0x24b: {  	v2 =	vld [tilespmem:s3+$0x4458];
	_ =	sdelay $0x4  }
0x24c: {  	v0 =	vmax.f32 v2, $1.000000000e+00  }
0x24d: {  	(erf) = vrcp.f32 v0  }
0x24e: {  	s30 =	simm.s32 $0x10  }
0x24f: {  	s5 =	sand.u32 $0xF0, s30  }
0x250: {  	v0 =	vld [tilespmem:s5+$0x4458];
	_ =	sdelay $0x3  }
0x251: {  	s31 =	simm.s32 $0x20  }
0x252: {  	v5 =	vld [tilespmem:s3+$0x4158];
	s3 =	sand.u32 $0xF0, s31;
	v4 =	vmax.f32 v0, $1.000000000e+00  }
0x253: {  	v1 =	vld [tilespmem:s3+$0x4458];
	v6 =	vpop (erf);
	(erf) = vrcp.f32 v4  }
0x254: {  	s4 =	simm.s32 $0x4558  }
0x255: {  	v4 =	vld [tilespmem:s4+$0x0];
	_ =	sdelay $0x1  }
0x256: {  	s6 =	simm.s32 $0x30;
	v3 =	vimm.f32 $0.0e+00;
	v5 =	vmul.f32 v6, v5  }
.LBB3_10:
0x257: {  	s7 =	sand.u32 $0xF0, s6;
	p0 =	sne.s32 s6, $0xF0;
	s6 =	sadd.s32 $0x10, s6;
	v6 =	vmax.f32 v1, $1.000000000e+00;
	v7 =	vld [tilespmem:s5+$0x4158];
	vm0 =	vgt.f32 v2, $0.0e+00;
	v2 =	vmovc v0;
	v0 =	vmov v1  }
.Ltmp4:
0x258: {  	s5 =	smov.u32 s3;
	v1 =	vld [tilespmem:s7+$0x4458];
	(erf) = vrcp.f32 v6;
	v5 =	vnsel vm0, $0x0, v5;
	s3 =	smov.u32 s7;
	(pc) =	sbr.rel @p0 .LBB3_10-.Ltmp4, $4  }
0x259: {  	s4 =	sadd.s32 $0x10, s4;
	v5 =	vmul.f32 v5, v4  }
0x25a: {  	v4 =	vld [tilespmem:s4+$0x0]  }
0x25b: {  	v6 =	vpop (erf);
	v3 =	vadd.f32 v5, v3  }
0x25c: {  	v5 =	vmul.f32 v6, v7  }
0x25d: {  	v6 =	vmax.f32 v1, $1.000000000e+00  }
0x25e: {  	(erf) = vrcp.f32 v6;
	_ =	sdelay $0x2  }
0x25f: {  	v6 =	vld [tilespmem:s5+$0x4158];
	_ =	sdelay $0x1  }
0x260: {  	s4 =	sadd.s32 $0x10, s4;
	v7 =	vld [tilespmem:s3+$0x4158]  }
0x261: {  	v8 =	vld [tilespmem:s4+$0x0]  }
0x262: {  	vm0 =	vgt.f32 v2, $0.0e+00;
	s28 =	sadd.s32 $0x10, s4;
	v2 =	vpop (erf)  }
0x263: {  	v5 =	vnsel vm0, $0x0, v5;
	v2 =	vmul.f32 v2, v6;
	v6 =	vld [tilespmem:s28+$0x0]  }
0x264: {  	vm14 =	vgt.f32 v0, $0.0e+00;
	v4 =	vmul.f32 v5, v4;
	v0 =	vpop (erf)  }
0x265: {  	v2 =	vnsel vm14, $0x0, v2;
	v0 =	vmul.f32 v0, v7  }
0x266: {  	vm15 =	vgt.f32 v1, $0.0e+00;
	v3 =	vadd.f32 v4, v3;
	v2 =	vmul.f32 v2, v8  }
0x267: {  	v0 =	vnsel vm15, $0x0, v0  }
0x268: {  	v1 =	vadd.f32 v2, v3;
	v0 =	vmul.f32 v0, v6;
	_ =	sdelay $0x1  }
0x269: {  	v0 =	vadd.f32 v0, v1;
	_ =	sdelay $0x1  }
0x26a: {  	s29 =	simm.s32 $0x0;
	[tilespmem:$0x4668] =	vst v0;
	v0 =	vimm.s32 $0x1  }
0x26b: {  	s3 =	sand.u32 $0xF0, s29;
	[tilespmem:$0x46E8] =	vst v0  }
0x26c: {  	v2 =	vld [tilespmem:s3+$0x4458];
	_ =	sdelay $0x4  }
0x26d: {  	v0 =	vmax.f32 v2, $1.000000000e+00  }
0x26e: {  	(erf) = vrcp.f32 v0  }
0x26f: {  	s30 =	simm.s32 $0x10  }
0x270: {  	s5 =	sand.u32 $0xF0, s30  }
0x271: {  	v0 =	vld [tilespmem:s5+$0x4458];
	_ =	sdelay $0x3  }
0x272: {  	s31 =	simm.s32 $0x20  }
0x273: {  	v5 =	vld [tilespmem:s3+$0x4258];
	s3 =	sand.u32 $0xF0, s31;
	v4 =	vmax.f32 v0, $1.000000000e+00  }
0x274: {  	v1 =	vld [tilespmem:s3+$0x4458];
	v6 =	vpop (erf);
	(erf) = vrcp.f32 v4  }
0x275: {  	s4 =	simm.s32 $0x4558  }
0x276: {  	v4 =	vld [tilespmem:s4+$0x0];
	_ =	sdelay $0x1  }
0x277: {  	s6 =	simm.s32 $0x30;
	v3 =	vimm.f32 $0.0e+00;
	v5 =	vmul.f32 v6, v5  }
.LBB3_12:
0x278: {  	s7 =	sand.u32 $0xF0, s6;
	p0 =	sne.s32 s6, $0xF0;
	s6 =	sadd.s32 $0x10, s6;
	v6 =	vmax.f32 v1, $1.000000000e+00;
	v7 =	vld [tilespmem:s5+$0x4258];
	vm0 =	vgt.f32 v2, $0.0e+00;
	v2 =	vmovc v0;
	v0 =	vmov v1  }
.Ltmp5:
0x279: {  	s5 =	smov.u32 s3;
	v1 =	vld [tilespmem:s7+$0x4458];
	(erf) = vrcp.f32 v6;
	v5 =	vnsel vm0, $0x0, v5;
	s3 =	smov.u32 s7;
	(pc) =	sbr.rel @p0 .LBB3_12-.Ltmp5, $4  }
0x27a: {  	s4 =	sadd.s32 $0x10, s4;
	v5 =	vmul.f32 v5, v4  }
0x27b: {  	v4 =	vld [tilespmem:s4+$0x0]  }
0x27c: {  	v6 =	vpop (erf);
	v3 =	vadd.f32 v5, v3  }
0x27d: {  	v5 =	vmul.f32 v6, v7  }
0x27e: {  	v6 =	vmax.f32 v1, $1.000000000e+00  }
0x27f: {  	(erf) = vrcp.f32 v6;
	_ =	sdelay $0x2  }
0x280: {  	v6 =	vld [tilespmem:s5+$0x4258];
	_ =	sdelay $0x1  }
0x281: {  	s4 =	sadd.s32 $0x10, s4;
	v7 =	vld [tilespmem:s3+$0x4258]  }
0x282: {  	v8 =	vld [tilespmem:s4+$0x0]  }
0x283: {  	vm0 =	vgt.f32 v2, $0.0e+00;
	s28 =	sadd.s32 $0x10, s4;
	v2 =	vpop (erf)  }
0x284: {  	v5 =	vnsel vm0, $0x0, v5;
	v2 =	vmul.f32 v2, v6;
	v6 =	vld [tilespmem:s28+$0x0]  }
0x285: {  	vm14 =	vgt.f32 v0, $0.0e+00;
	v4 =	vmul.f32 v5, v4;
	v0 =	vpop (erf)  }
0x286: {  	v2 =	vnsel vm14, $0x0, v2;
	v0 =	vmul.f32 v0, v7  }
0x287: {  	vm15 =	vgt.f32 v1, $0.0e+00;
	v3 =	vadd.f32 v4, v3;
	v2 =	vmul.f32 v2, v8  }
0x288: {  	v0 =	vnsel vm15, $0x0, v0  }
0x289: {  	v1 =	vadd.f32 v2, v3;
	v0 =	vmul.f32 v0, v6;
	_ =	sdelay $0x1  }
0x28a: {  	v0 =	vadd.f32 v0, v1;
	_ =	sdelay $0x1  }
0x28b: {  	s29 =	simm.s32 $0x0;
	[tilespmem:$0x4678] =	vst v0;
	v0 =	vimm.s32 $0x2  }
0x28c: {  	s3 =	sand.u32 $0xF0, s29;
	[tilespmem:$0x46F8] =	vst v0  }
0x28d: {  	v2 =	vld [tilespmem:s3+$0x4458];
	_ =	sdelay $0x4  }
0x28e: {  	v0 =	vmax.f32 v2, $1.000000000e+00  }
0x28f: {  	(erf) = vrcp.f32 v0  }
0x290: {  	s30 =	simm.s32 $0x10  }
0x291: {  	s5 =	sand.u32 $0xF0, s30  }
0x292: {  	v0 =	vld [tilespmem:s5+$0x4458];
	_ =	sdelay $0x3  }
0x293: {  	s31 =	simm.s32 $0x20  }
0x294: {  	v5 =	vld [tilespmem:s3+$0x4358];
	s3 =	sand.u32 $0xF0, s31;
	v4 =	vmax.f32 v0, $1.000000000e+00  }
0x295: {  	v1 =	vld [tilespmem:s3+$0x4458];
	v6 =	vpop (erf);
	(erf) = vrcp.f32 v4  }
0x296: {  	s4 =	simm.s32 $0x4558  }
0x297: {  	v4 =	vld [tilespmem:s4+$0x0];
	_ =	sdelay $0x1  }
0x298: {  	s6 =	simm.s32 $0x30;
	v3 =	vimm.f32 $0.0e+00;
	v5 =	vmul.f32 v6, v5  }
.LBB3_14:
0x299: {  	s7 =	sand.u32 $0xF0, s6;
	p0 =	sne.s32 s6, $0xF0;
	s6 =	sadd.s32 $0x10, s6;
	v6 =	vmax.f32 v1, $1.000000000e+00;
	v7 =	vld [tilespmem:s5+$0x4358];
	vm0 =	vgt.f32 v2, $0.0e+00;
	v2 =	vmovc v0;
	v0 =	vmov v1  }
.Ltmp6:
0x29a: {  	s5 =	smov.u32 s3;
	v1 =	vld [tilespmem:s7+$0x4458];
	(erf) = vrcp.f32 v6;
	v5 =	vnsel vm0, $0x0, v5;
	s3 =	smov.u32 s7;
	(pc) =	sbr.rel @p0 .LBB3_14-.Ltmp6, $4  }
0x29b: {  	s4 =	sadd.s32 $0x10, s4;
	v5 =	vmul.f32 v5, v4  }
0x29c: {  	v4 =	vld [tilespmem:s4+$0x0]  }
0x29d: {  	v6 =	vpop (erf);
	v3 =	vadd.f32 v5, v3  }
0x29e: {  	v5 =	vmul.f32 v6, v7  }
0x29f: {  	v6 =	vmax.f32 v1, $1.000000000e+00  }
0x2a0: {  	(erf) = vrcp.f32 v6;
	_ =	sdelay $0x2  }
0x2a1: {  	v58 =	vld [tilespmem:s5+$0x4358];
	_ =	sdelay $0x1  }
0x2a2: {  	s4 =	sadd.s32 $0x10, s4;
	v7 =	vld [tilespmem:s3+$0x4358]  }
0x2a3: {  	v8 =	vld [tilespmem:s4+$0x0]  }
0x2a4: {  	vm0 =	vgt.f32 v2, $0.0e+00;
	s23 =	sadd.s32 $0x10, s4;
	v59 =	vpop (erf)  }
0x2a5: {  	v5 =	vnsel vm0, $0x0, v5;
	v60 =	vld [tilespmem:s23+$0x0];
	v2 =	vmul.f32 v59, v58  }
0x2a6: {  	vm14 =	vgt.f32 v0, $0.0e+00;
	v4 =	vmul.f32 v5, v4;
	v61 =	vpop (erf)  }
0x2a7: {  	v2 =	vnsel vm14, $0x0, v2;
	v0 =	vmul.f32 v61, v7  }
0x2a8: {  	vm15 =	vgt.f32 v1, $0.0e+00;
	v3 =	vadd.f32 v4, v3;
	v2 =	vmul.f32 v2, v8  }
0x2a9: {  	v0 =	vnsel vm15, $0x0, v0  }
0x2aa: {  	v62 =	vadd.f32 v2, v3;
	v0 =	vmul.f32 v0, v60;
	_ =	sdelay $0x1  }
0x2ab: {  	v63 =	vimm.s32 $0x3;
	v0 =	vadd.f32 v0, v62  }
0x2ac: {  	s24 =	simm.s32 $0x40;
	[tilespmem:$0x4708] =	vst v63  }
0x2ad: {  	s25 =	simm.s32 $0x46D8;
	s26 =	simm.s32 $0x4658;
	s28 =	simm.s32 $0x4;
	[tilespmem:$0x4688] =	vst v0  }
0x2ae: {  	[spmem:s2] =	stream.indirect.scatter.add.f32 [tilespmem:s26], [sflag:$0x4], $0x1, s25, s24, $0xb8;
	[tilespmem:$0x4758] =	vst v63  }
0x2af: {  	_ =	swait.ge [sflag:s28], $0x40  }
0x2b0: {  	[sflag:s28] =	ssyncset.done $0x0  }
0x2b1: {  	s29 =	sshrl.u32 s2, $0x3;
	s30 =	simm.s32 $0x1C04;
	[sflag:s28] =	ssyncadd.s32 $0xFFFFFFC0  }
0x2b2: {  	[hbm:s0], [sflag:s30] =	dma.local [spmem:s29], $0x10  }
0x2b3: {  	_ =	swait.ge [sflag:s28], $0x10  }
0x2b4: {  	[sflag:s28] =	ssyncset.done $0x0  }
0x2b5: {  	[sflag:s28] =	ssyncadd.s32 $0xFFFFFFF0  }
0x2b6: {  	_ =	sfence.sel $0x180000  }
0x2b7: {  	[bflag:$0x0] =	sbarrier.arrive $0xFFFF  }
0x2b8: {  	_ =	strace $0x90000047  }
0x2b9: {  	s31 =	sadd.s32 $0x100000, s1;
	[bflag:$0x2] =	sbarrier.arrive $0xFFFF  }
0x2ba: {  	[sflag:s31] =	ssyncadd.tile.s32 $0x1;
	_ =	shalt  }
.Lfunc_end3:
_tile_overlayer_lowered:
.L_overlay_start_3:
0x2bb: {  	(tag) =	ssettag $0x3  }
0x2bc: {  	s0 =	rddreg [dreg:$0x0];
	s2 =	stileid.u32  }
0x2bd: {  	s1 =	rddreg [dreg:$0x1];
	p0 =	sne.s32 s2, $0x0  }
0x2be: {  	s3 =	rddreg [dreg:$0x2];
	[bflag:$0x3] =	sbarrier.arrive $0xFFFF;
	s2 =	simm.s32 @!p0 $0x1C04  }
0x2bf: {  	[timem:s3], [sflag:s2] =	dma.local @!p0 [hbm:s0], s1  }
0x2c0: {  	s0 =	simm.s32 @!p0 $0x4  }
0x2c1: {  	_ =	swait.ge @!p0 [sflag:s0], s1  }
0x2c2: {  	s1 =	ssub.s32 @!p0 $0x0, s1;
	[sflag:s0] =	ssyncset.done @!p0 $0x0  }
0x2c3: {  	[sflag:s0] =	ssyncadd.s32 @!p0 s1  }
0x2c4: {  	[bflag:$0x3] =	sbarrier.arrive $0xFFFF  }
0x2c5: {  	_ =	shalt  }

</sc_bundles>
